<compile_context>
chip_gen: v7x
topology: tpu7x:2x2x1
jax: 0.10.2.dev20260603
libtpu: 0.0.44.dev20260713+nightly
codegen_flags: <defaults>
</compile_context>

<pallas_src>
import dataclasses
import functools

import numpy as np

import jax
import jax.numpy as jnp
from jax import lax
from jax.experimental import pallas as pl
from jax.experimental.pallas import tpu as pltpu
from jax.experimental.pallas import tpu_sc as plsc

_NC = 2
_NS = 16
_LANES = 16


def _gelu(x):
    return 0.5 * x * (1.0 + lax.erf(x * 0.7071067811865476))


def _prepare_body(x_ref, w1_ref, b1_ref, w2_ref, b2_ref, o_ref):
    h = _gelu(
        jnp.dot(x_ref[...], w1_ref[...], preferred_element_type=jnp.float32)
        + b1_ref[...])
    o_ref[...] = _gelu(
        jnp.dot(h, w2_ref[...], preferred_element_type=jnp.float32) + b2_ref[...])


def _prepare_ffn(x, w1, b1, w2, b2, block_n, n_pad):
    n, d = x.shape
    h = w1.shape[1]
    grid = n // block_n
    return pl.pallas_call(
        _prepare_body,
        grid=(grid,),
        in_specs=[
            pl.BlockSpec((block_n, d), lambda i: (i, 0)),
            pl.BlockSpec((d, h), lambda i: (0, 0)),
            pl.BlockSpec((1, h), lambda i: (0, 0)),
            pl.BlockSpec((h, h), lambda i: (0, 0)),
            pl.BlockSpec((1, h), lambda i: (0, 0)),
        ],
        out_specs=pl.BlockSpec((block_n, h), lambda i: (i, 0)),
        out_shape=jax.ShapeDtypeStruct((n_pad, h), jnp.float32),
    )(x, w1, b1, w2, b2)


def _update_body(x_ref, p0_ref, p1_ref, w1x_ref, w1a_ref, b1_ref, w2_ref,
                 b2_ref, o_ref):
    agg = p0_ref[0] + p1_ref[0]
    h = _gelu(
        jnp.dot(x_ref[...], w1x_ref[...], preferred_element_type=jnp.float32)
        + jnp.dot(agg, w1a_ref[...], preferred_element_type=jnp.float32)
        + b1_ref[...])
    o = _gelu(
        jnp.dot(h, w2_ref[...], preferred_element_type=jnp.float32) + b2_ref[...])
    sq = jnp.sum(o * o, axis=-1, keepdims=True)
    o_ref[...] = o * lax.rsqrt(jnp.maximum(sq, 1e-12))


def _update_ffn(x, partials, w1x, w1a, b1, w2, b2, block_n):
    n, d = x.shape
    h = w2.shape[0]
    grid = n // block_n
    return pl.pallas_call(
        _update_body,
        grid=(grid,),
        in_specs=[
            pl.BlockSpec((block_n, d), lambda i: (i, 0)),
            pl.BlockSpec((1, block_n, h), lambda i: (0, i, 0)),
            pl.BlockSpec((1, block_n, h), lambda i: (1, i, 0)),
            pl.BlockSpec((d, h), lambda i: (0, 0)),
            pl.BlockSpec((h, h), lambda i: (0, 0)),
            pl.BlockSpec((1, h), lambda i: (0, 0)),
            pl.BlockSpec((h, h), lambda i: (0, 0)),
            pl.BlockSpec((1, h), lambda i: (0, 0)),
        ],
        out_specs=pl.BlockSpec((block_n, h), lambda i: (i, 0)),
        out_shape=jax.ShapeDtypeStruct((n, h), jnp.float32),
    )(x, partials, partials, w1x, w1a, b1, w2, b2)


def _row_pad(n_nodes):
    rps = -(-n_nodes // _NS)
    rps = -(-rps // 8) * 8
    return rps, rps * _NS


def _sc_spmm(h2p, edges, w, window):
    e = edges.shape[1]
    hdim = h2p.shape[1]
    nw = _NC * _NS
    ept = e // nw
    nwin = ept // window
    n_pad = h2p.shape[0]
    rps = n_pad // _NS

    src3 = edges[1].reshape(nw, nwin, window)
    dst3 = edges[0].reshape(nw, nwin, window)
    w2d = w.reshape(nw, ept)

    mesh = plsc.VectorSubcoreMesh(core_axis_name="c", subcore_axis_name="s")
    cp = pltpu.CompilerParams()
    for fld, val in (("needs_layout_passes", False),
                     ("use_tc_tiling_on_sc", False)):
        if fld in pltpu.CompilerParams.__dataclass_fields__:
            cp = dataclasses.replace(cp, **{fld: val})

    @functools.partial(
        pl.kernel,
        mesh=mesh,
        compiler_params=cp,
        out_type=jax.ShapeDtypeStruct((_NC, n_pad, hdim), jnp.float32),
        scratch_types=[
            pltpu.VMEM((nwin, window), jnp.int32),
            pltpu.VMEM((nwin, window), jnp.int32),
            pltpu.VMEM((ept,), jnp.float32),
            pltpu.VMEM((window, hdim), jnp.float32),
            pltpu.VMEM((window, hdim), jnp.float32),
            pltpu.VMEM_SHARED((n_pad, hdim), jnp.float32),
            pltpu.VMEM_SHARED((n_pad, hdim), jnp.float32),
            pltpu.SemaphoreType.DMA,
            pltpu.SemaphoreType.DMA,
            pltpu.SemaphoreType.DMA,
            pltpu.SemaphoreType.DMA,
        ],
    )
    def k(h2_hbm, src_hbm, dst_hbm, w_hbm, out_hbm,
          src_v, dst_v, w_v, rows_a, rows_b, acc, h2_s, gsa, gsb, ssa, ssb):
        cid = lax.axis_index("c")
        sid = lax.axis_index("s")
        wid = sid * _NC + cid

        pltpu.sync_copy(src_hbm.at[wid], src_v)
        pltpu.sync_copy(dst_hbm.at[wid], dst_v)
        pltpu.sync_copy(w_hbm.at[wid], w_v)
        pltpu.sync_copy(h2_hbm.at[pl.ds(sid * rps, rps)],
                        h2_s.at[pl.ds(sid * rps, rps)])

        zv = jnp.zeros((_LANES,), jnp.float32)

        @pl.loop(0, window)
        def _zfill(i):
            for c in range(hdim // _LANES):
                rows_a[i, pl.ds(c * _LANES, _LANES)] = zv

        @pl.loop(0, rps // window)
        def _zcopy(j):
            pltpu.sync_copy(
                rows_a, acc.at[pl.ds(sid * rps + j * window, window)])

        def g_issue(g, buf, sem):
            pltpu.async_copy(h2_s.at[src_v.at[g]], buf, sem)

        def g_wait(g, buf, sem):
            pltpu.make_async_copy(h2_s.at[src_v.at[g]], buf, sem).wait()

        def s_issue(g, buf, sem):
            pltpu.async_copy(buf, acc.at[dst_v.at[g]], sem, add=True)

        def s_wait(g, buf, sem):
            pltpu.make_async_copy(buf, acc.at[dst_v.at[g]], sem).wait()

        def scale(g, buf):
            @pl.loop(0, window, step=_LANES)
            def _blk(j):
                rowbase = g * window + j
                for k in range(_LANES):
                    wv = plsc.load_gather(
                        w_v, [jnp.full((_LANES,), rowbase + k, jnp.int32)])
                    for c in range(hdim // _LANES):
                        sl = (j + k, pl.ds(c * _LANES, _LANES))
                        buf[sl] = buf[sl] * wv

        plsc.subcore_barrier()
        g_issue(0, rows_a, gsa)
        if nwin > 1:
            g_issue(1, rows_b, gsb)

        npair = (nwin // 2) * 2

        @pl.loop(0, npair, step=2)
        def _pair(g):
            g_wait(g, rows_a, gsa)
            scale(g, rows_a)
            s_issue(g, rows_a, ssa)
            g_wait(g + 1, rows_b, gsb)
            scale(g + 1, rows_b)
            s_issue(g + 1, rows_b, ssb)
            s_wait(g, rows_a, ssa)

            @pl.when(g + 2 < nwin)
            def _():
                g_issue(g + 2, rows_a, gsa)

            s_wait(g + 1, rows_b, ssb)

            @pl.when(g + 3 < nwin)
            def _():
                g_issue(g + 3, rows_b, gsb)

        if nwin % 2:
            g_tail = nwin - 1
            g_wait(g_tail, rows_a, gsa)
            scale(g_tail, rows_a)
            s_issue(g_tail, rows_a, ssa)
            s_wait(g_tail, rows_a, ssa)

        plsc.subcore_barrier()
        pltpu.sync_copy(acc.at[pl.ds(sid * rps, rps)],
                        out_hbm.at[cid, pl.ds(sid * rps, rps)])

    return k(h2p, src3, dst3, w2d)


def kernel(node_repesentations, edges, edge_weights,
           Wp1, bp1, Wp2, bp2, Wu1, bu1, Wu2, bu2):
    x = node_repesentations
    n, d = x.shape
    hdim = Wp1.shape[1]

    block_n = 1000 if n % 1000 == 0 else 8
    _, n_pad = _row_pad(n)
    h2p = _prepare_ffn(x, Wp1, bp1.reshape(1, hdim), Wp2,
                       bp2.reshape(1, hdim), block_n, n_pad)

    ept = edges.shape[1] // (_NC * _NS)
    window = 80 if ept % 80 == 0 else _LANES
    partials = _sc_spmm(h2p, edges, edge_weights, window)

    out = _update_ffn(x, partials,
                      Wu1[:d], Wu1[d:], bu1.reshape(1, hdim),
                      Wu2, bu2.reshape(1, hdim), block_n)
    return out

# --- scband reference (transcript-rebuilt; emitter-appended) ---
"""Pipeline reference for scband-graph-conv-layer-88038239634289 (READ-ONLY COPY).

The authoritative reference and input builder live on the scoring server;
editing this copy changes nothing except your own understanding.
"""

import jax, jax.numpy as jnp
import numpy as np

N = 10000
E = 320000
D = 128
H = 64


def _l2_normalize(x, eps=1e-12):
    sq = jnp.sum(jnp.square(x), axis=-1, keepdims=True)
    return x * jax.lax.rsqrt(jnp.maximum(sq, eps))


def setup_inputs(seed: int = 0) -> dict:
    key = jax.random.key(seed)
    ks = jax.random.split(key, 12)
    x = jax.random.normal(ks[0], (N, D), dtype=jnp.float32)
    edges = jax.random.randint(ks[1], (2, E), 0, N, dtype=jnp.int32)
    edge_weights = jax.random.uniform(ks[2], (E,), dtype=jnp.float32)
    # ffn_prepare: Dense(D->H, gelu) -> Dense(H->H, gelu)
    Wp1 = jax.random.normal(ks[3], (D, H), dtype=jnp.float32) * (1.0 / np.sqrt(D))
    bp1 = jnp.zeros((H,), dtype=jnp.float32)
    Wp2 = jax.random.normal(ks[4], (H, H), dtype=jnp.float32) * (1.0 / np.sqrt(H))
    bp2 = jnp.zeros((H,), dtype=jnp.float32)
    # update_fn: Dense(D+H->H, gelu) -> Dense(H->H, gelu)
    Wu1 = jax.random.normal(ks[5], (D + H, H), dtype=jnp.float32) * (1.0 / np.sqrt(D + H))
    bu1 = jnp.zeros((H,), dtype=jnp.float32)
    Wu2 = jax.random.normal(ks[6], (H, H), dtype=jnp.float32) * (1.0 / np.sqrt(H))
    bu2 = jnp.zeros((H,), dtype=jnp.float32)
    return {
        "node_repesentations": x,
        "edges": edges,
        "edge_weights": edge_weights,
        "Wp1": Wp1, "bp1": bp1, "Wp2": Wp2, "bp2": bp2,
        "Wu1": Wu1, "bu1": bu1, "Wu2": Wu2, "bu2": bu2,
    }


def reference(node_repesentations, edges, edge_weights,
              Wp1, bp1, Wp2, bp2, Wu1, bu1, Wu2, bu2):
    node_indices = edges[0]
    neighbour_indices = edges[1]
    # gather neighbour representations
    neighbour_rep = jnp.take(node_repesentations, neighbour_indices, axis=0)
    # prepare: ffn (dropout is identity at inference) then weight by edge_weights
    h = jax.nn.gelu(neighbour_rep @ Wp1 + bp1, approximate=False)
    h = jax.nn.gelu(h @ Wp2 + bp2, approximate=False)
    messages = h * edge_weights[:, None]
    # aggregate: unsorted segment sum over destination node indices
    aggregated = jax.ops.segment_sum(messages, node_indices,
                                     num_segments=node_repesentations.shape[0])
    # update
    hcat = jnp.concatenate([node_repesentations, aggregated], axis=1)
    out = jax.nn.gelu(hcat @ Wu1 + bu1, approximate=False)
    out = jax.nn.gelu(out @ Wu2 + bu2, approximate=False)
    out = _l2_normalize(out)
    return out

if __name__ == "__main__":
    import jax
    _d = setup_inputs()
    print(jax.jit(kernel)(*tuple(_d.values())))

</pallas_src>

<mosaic_0001>
#map = affine_map<(d0, d1) -> (0, 0)>
#map1 = affine_map<(d0, d1) -> (0, 0, 0)>
module attributes {stable_mosaic.version = 14 : i64} {
  func.func @k(%arg0: i32, %arg1: i32, %arg2: memref<10112x64xf32, #tpu.memory_space<hbm>>, %arg3: memref<32x125x80xi32, #tpu.memory_space<hbm>>, %arg4: memref<32x125x80xi32, #tpu.memory_space<hbm>>, %arg5: memref<32x10000xf32, #tpu.memory_space<hbm>>, %arg6: memref<2x10112x64xf32, #tpu.memory_space<hbm>>, %arg7: memref<125x80xi32, #tpu.memory_space<vmem>>, %arg8: memref<125x80xi32, #tpu.memory_space<vmem>>, %arg9: memref<10000xf32, #tpu.memory_space<vmem>>, %arg10: memref<80x64xf32, #tpu.memory_space<vmem>>, %arg11: memref<80x64xf32, #tpu.memory_space<vmem>>, %arg12: memref<10112x64xf32, #tpu.memory_space<vmem_shared>>, %arg13: memref<10112x64xf32, #tpu.memory_space<vmem_shared>>, %arg14: memref<!tpu.dma_semaphore, #tpu.memory_space<semaphore_mem>>, %arg15: memref<!tpu.dma_semaphore, #tpu.memory_space<semaphore_mem>>, %arg16: memref<!tpu.dma_semaphore, #tpu.memory_space<semaphore_mem>>, %arg17: memref<!tpu.dma_semaphore, #tpu.memory_space<semaphore_mem>>) attributes {dimension_semantics = [#tpu.dimension_semantics<core_parallel>, #tpu.dimension_semantics<subcore_parallel>], iteration_bounds = array<i64: 2, 16>, scalar_prefetch = 0 : i64, scratch_operands = 11 : i64, tpu.core_type = #tpu.core_type<sc_vector_subcore>, window_params = [{transform_indices = #map}, {transform_indices = #map1}, {transform_indices = #map1}, {transform_indices = #map}, {transform_indices = #map1}]} {
    %mul3A = arith.constant 2 : i32
    %mul3A_0 = arith.muli %arg1, %mul3A : i32
    %add3A = arith.addi %mul3A_0, %arg0 : i32
    "tpu.region"() ({
      %run_scoped3A = tpu.sem_alloc : memref<!tpu.dma_semaphore, #tpu.memory_space<semaphore_mem>>
      %dma_start3A_63 = arith.constant 0 : i32
      %dma_start3A_64 = arith.constant 0 : i32
      %dma_start3A_65 = tpu.memref_slice %arg3[%add3A, %dma_start3A_63, %dma_start3A_64] : memref<32x125x80xi32, #tpu.memory_space<hbm>> -> memref<1x125x80xi32, #tpu.memory_space<hbm>>
      %dma_start3A_66 = tpu.memref_squeeze %dma_start3A_65 : memref<1x125x80xi32, #tpu.memory_space<hbm>> -> memref<125x80xi32, #tpu.memory_space<hbm>>
      %dma_start3A_67 = arith.constant 0 : i32
      %dma_start3A_68 = arith.constant 0 : i32
      %dma_start3A_69 = tpu.memref_slice %arg3[%add3A, %dma_start3A_67, %dma_start3A_68] : memref<32x125x80xi32, #tpu.memory_space<hbm>> -> memref<1x125x80xi32, #tpu.memory_space<hbm>>
      %dma_start3A_70 = tpu.memref_squeeze %dma_start3A_69 : memref<1x125x80xi32, #tpu.memory_space<hbm>> -> memref<125x80xi32, #tpu.memory_space<hbm>>
      tpu.enqueue_dma source(%dma_start3A_70 : memref<125x80xi32, #tpu.memory_space<hbm>>) target(%arg7 : memref<125x80xi32, #tpu.memory_space<vmem>>) target_semaphore(%run_scoped3A : memref<!tpu.dma_semaphore, #tpu.memory_space<semaphore_mem>>)
      %dma_wait3A_71 = arith.constant 0 : i32
      %dma_wait3A_72 = arith.constant 0 : i32
      %dma_wait3A_73 = tpu.memref_slice %arg3[%add3A, %dma_wait3A_71, %dma_wait3A_72] : memref<32x125x80xi32, #tpu.memory_space<hbm>> -> memref<1x125x80xi32, #tpu.memory_space<hbm>>
      %dma_wait3A_74 = tpu.memref_squeeze %dma_wait3A_73 : memref<1x125x80xi32, #tpu.memory_space<hbm>> -> memref<125x80xi32, #tpu.memory_space<hbm>>
      %dma_wait3A_75 = arith.constant 0 : i32
      %dma_wait3A_76 = arith.constant 0 : i32
      %dma_wait3A_77 = tpu.memref_slice %arg3[%add3A, %dma_wait3A_75, %dma_wait3A_76] : memref<32x125x80xi32, #tpu.memory_space<hbm>> -> memref<1x125x80xi32, #tpu.memory_space<hbm>>
      %dma_wait3A_78 = tpu.memref_squeeze %dma_wait3A_77 : memref<1x125x80xi32, #tpu.memory_space<hbm>> -> memref<125x80xi32, #tpu.memory_space<hbm>>
      tpu.wait_dma2 semaphore(%run_scoped3A : memref<!tpu.dma_semaphore, #tpu.memory_space<semaphore_mem>>) src(%dma_wait3A_78 : memref<125x80xi32, #tpu.memory_space<hbm>>) dst(%arg7 : memref<125x80xi32, #tpu.memory_space<vmem>>)
      tpu.yield
    }) : () -> ()
    "tpu.region"() ({
      %run_scoped3A = tpu.sem_alloc : memref<!tpu.dma_semaphore, #tpu.memory_space<semaphore_mem>>
      %dma_start3A_63 = arith.constant 0 : i32
      %dma_start3A_64 = arith.constant 0 : i32
      %dma_start3A_65 = tpu.memref_slice %arg4[%add3A, %dma_start3A_63, %dma_start3A_64] : memref<32x125x80xi32, #tpu.memory_space<hbm>> -> memref<1x125x80xi32, #tpu.memory_space<hbm>>
      %dma_start3A_66 = tpu.memref_squeeze %dma_start3A_65 : memref<1x125x80xi32, #tpu.memory_space<hbm>> -> memref<125x80xi32, #tpu.memory_space<hbm>>
      %dma_start3A_67 = arith.constant 0 : i32
      %dma_start3A_68 = arith.constant 0 : i32
      %dma_start3A_69 = tpu.memref_slice %arg4[%add3A, %dma_start3A_67, %dma_start3A_68] : memref<32x125x80xi32, #tpu.memory_space<hbm>> -> memref<1x125x80xi32, #tpu.memory_space<hbm>>
      %dma_start3A_70 = tpu.memref_squeeze %dma_start3A_69 : memref<1x125x80xi32, #tpu.memory_space<hbm>> -> memref<125x80xi32, #tpu.memory_space<hbm>>
      tpu.enqueue_dma source(%dma_start3A_70 : memref<125x80xi32, #tpu.memory_space<hbm>>) target(%arg8 : memref<125x80xi32, #tpu.memory_space<vmem>>) target_semaphore(%run_scoped3A : memref<!tpu.dma_semaphore, #tpu.memory_space<semaphore_mem>>)
      %dma_wait3A_71 = arith.constant 0 : i32
      %dma_wait3A_72 = arith.constant 0 : i32
      %dma_wait3A_73 = tpu.memref_slice %arg4[%add3A, %dma_wait3A_71, %dma_wait3A_72] : memref<32x125x80xi32, #tpu.memory_space<hbm>> -> memref<1x125x80xi32, #tpu.memory_space<hbm>>
      %dma_wait3A_74 = tpu.memref_squeeze %dma_wait3A_73 : memref<1x125x80xi32, #tpu.memory_space<hbm>> -> memref<125x80xi32, #tpu.memory_space<hbm>>
      %dma_wait3A_75 = arith.constant 0 : i32
      %dma_wait3A_76 = arith.constant 0 : i32
      %dma_wait3A_77 = tpu.memref_slice %arg4[%add3A, %dma_wait3A_75, %dma_wait3A_76] : memref<32x125x80xi32, #tpu.memory_space<hbm>> -> memref<1x125x80xi32, #tpu.memory_space<hbm>>
      %dma_wait3A_78 = tpu.memref_squeeze %dma_wait3A_77 : memref<1x125x80xi32, #tpu.memory_space<hbm>> -> memref<125x80xi32, #tpu.memory_space<hbm>>
      tpu.wait_dma2 semaphore(%run_scoped3A : memref<!tpu.dma_semaphore, #tpu.memory_space<semaphore_mem>>) src(%dma_wait3A_78 : memref<125x80xi32, #tpu.memory_space<hbm>>) dst(%arg8 : memref<125x80xi32, #tpu.memory_space<vmem>>)
      tpu.yield
    }) : () -> ()
    "tpu.region"() ({
      %run_scoped3A = tpu.sem_alloc : memref<!tpu.dma_semaphore, #tpu.memory_space<semaphore_mem>>
      %dma_start3A_63 = arith.constant 0 : i32
      %dma_start3A_64 = tpu.memref_slice %arg5[%add3A, %dma_start3A_63] : memref<32x10000xf32, #tpu.memory_space<hbm>> -> memref<1x10000xf32, #tpu.memory_space<hbm>>
      %dma_start3A_65 = tpu.memref_squeeze %dma_start3A_64 : memref<1x10000xf32, #tpu.memory_space<hbm>> -> memref<10000xf32, #tpu.memory_space<hbm>>
      %dma_start3A_66 = arith.constant 0 : i32
      %dma_start3A_67 = tpu.memref_slice %arg5[%add3A, %dma_start3A_66] : memref<32x10000xf32, #tpu.memory_space<hbm>> -> memref<1x10000xf32, #tpu.memory_space<hbm>>
      %dma_start3A_68 = tpu.memref_squeeze %dma_start3A_67 : memref<1x10000xf32, #tpu.memory_space<hbm>> -> memref<10000xf32, #tpu.memory_space<hbm>>
      tpu.enqueue_dma source(%dma_start3A_68 : memref<10000xf32, #tpu.memory_space<hbm>>) target(%arg9 : memref<10000xf32, #tpu.memory_space<vmem>>) target_semaphore(%run_scoped3A : memref<!tpu.dma_semaphore, #tpu.memory_space<semaphore_mem>>)
      %dma_wait3A_69 = arith.constant 0 : i32
      %dma_wait3A_70 = tpu.memref_slice %arg5[%add3A, %dma_wait3A_69] : memref<32x10000xf32, #tpu.memory_space<hbm>> -> memref<1x10000xf32, #tpu.memory_space<hbm>>
      %dma_wait3A_71 = tpu.memref_squeeze %dma_wait3A_70 : memref<1x10000xf32, #tpu.memory_space<hbm>> -> memref<10000xf32, #tpu.memory_space<hbm>>
      %dma_wait3A_72 = arith.constant 0 : i32
      %dma_wait3A_73 = tpu.memref_slice %arg5[%add3A, %dma_wait3A_72] : memref<32x10000xf32, #tpu.memory_space<hbm>> -> memref<1x10000xf32, #tpu.memory_space<hbm>>
      %dma_wait3A_74 = tpu.memref_squeeze %dma_wait3A_73 : memref<1x10000xf32, #tpu.memory_space<hbm>> -> memref<10000xf32, #tpu.memory_space<hbm>>
      tpu.wait_dma2 semaphore(%run_scoped3A : memref<!tpu.dma_semaphore, #tpu.memory_space<semaphore_mem>>) src(%dma_wait3A_74 : memref<10000xf32, #tpu.memory_space<hbm>>) dst(%arg9 : memref<10000xf32, #tpu.memory_space<vmem>>)
      tpu.yield
    }) : () -> ()
    %mul3A_1 = arith.constant 632 : i32
    %mul3A_2 = arith.muli %arg1, %mul3A_1 : i32
    %mul3A_3 = arith.constant 632 : i32
    %mul3A_4 = arith.muli %arg1, %mul3A_3 : i32
    "tpu.region"() ({
      %run_scoped3A = tpu.sem_alloc : memref<!tpu.dma_semaphore, #tpu.memory_space<semaphore_mem>>
      %dma_start3A_63 = arith.constant 0 : i32
      %dma_start3A_64 = tpu.memref_slice %arg13[%mul3A_4, %dma_start3A_63] : memref<10112x64xf32, #tpu.memory_space<vmem_shared>> -> memref<632x64xf32, #tpu.memory_space<vmem_shared>>
      %dma_start3A_65 = arith.constant 0 : i32
      %dma_start3A_66 = tpu.memref_slice %arg2[%mul3A_2, %dma_start3A_65] : memref<10112x64xf32, #tpu.memory_space<hbm>> -> memref<632x64xf32, #tpu.memory_space<hbm>>
      tpu.enqueue_dma source(%dma_start3A_66 : memref<632x64xf32, #tpu.memory_space<hbm>>) target(%dma_start3A_64 : memref<632x64xf32, #tpu.memory_space<vmem_shared>>) target_semaphore(%run_scoped3A : memref<!tpu.dma_semaphore, #tpu.memory_space<semaphore_mem>>)
      %dma_wait3A_67 = arith.constant 0 : i32
      %dma_wait3A_68 = tpu.memref_slice %arg13[%mul3A_4, %dma_wait3A_67] : memref<10112x64xf32, #tpu.memory_space<vmem_shared>> -> memref<632x64xf32, #tpu.memory_space<vmem_shared>>
      %dma_wait3A_69 = arith.constant 0 : i32
      %dma_wait3A_70 = tpu.memref_slice %arg2[%mul3A_2, %dma_wait3A_69] : memref<10112x64xf32, #tpu.memory_space<hbm>> -> memref<632x64xf32, #tpu.memory_space<hbm>>
      tpu.wait_dma2 semaphore(%run_scoped3A : memref<!tpu.dma_semaphore, #tpu.memory_space<semaphore_mem>>) src(%dma_wait3A_70 : memref<632x64xf32, #tpu.memory_space<hbm>>) dst(%dma_wait3A_68 : memref<632x64xf32, #tpu.memory_space<vmem_shared>>)
      tpu.yield
    }) : () -> ()
    %broadcast_in_dim3A = arith.constant 0.000000e+00 : f32
    %broadcast_in_dim3A_5 = vector.broadcast %broadcast_in_dim3A : f32 to vector<16xf32>
    %scan3A = arith.constant 0 : i32
    %scan3A_6 = arith.constant 80 : i32
    %scan3A_7 = arith.addi %scan3A, %scan3A_6 : i32
    %scan3A_8 = arith.constant 1 : i32
    scf.for %scan3A_63 = %scan3A to %scan3A_7 step %scan3A_8  : i32 {
      %mul3A_64 = arith.constant 1 : i32
      %mul3A_65 = arith.muli %scan3A_63, %mul3A_64 : i32
      %add3A_66 = arith.constant 0 : i32
      %add3A_67 = arith.addi %add3A_66, %mul3A_65 : i32
      %swap3A = arith.index_cast %add3A_67 : i32 to index
      %swap3A_68 = arith.constant 0 : index
      %swap3A_69 = tpu.vector_load %arg10[%swap3A, %swap3A_68] {strides = array<i32>} : memref<80x64xf32, #tpu.memory_space<vmem>>, vector<16xf32>,
      tpu.vector_store %arg10[%swap3A, %swap3A_68], %broadcast_in_dim3A_5 {strides = array<i32>} : memref<80x64xf32, #tpu.memory_space<vmem>>, vector<16xf32>,
      %swap3A_70 = arith.index_cast %add3A_67 : i32 to index
      %swap3A_71 = arith.constant 16 : index
      %swap3A_72 = tpu.vector_load %arg10[%swap3A_70, %swap3A_71] {strides = array<i32>} : memref<80x64xf32, #tpu.memory_space<vmem>>, vector<16xf32>,
      tpu.vector_store %arg10[%swap3A_70, %swap3A_71], %broadcast_in_dim3A_5 {strides = array<i32>} : memref<80x64xf32, #tpu.memory_space<vmem>>, vector<16xf32>,
      %swap3A_73 = arith.index_cast %add3A_67 : i32 to index
      %swap3A_74 = arith.constant 32 : index
      %swap3A_75 = tpu.vector_load %arg10[%swap3A_73, %swap3A_74] {strides = array<i32>} : memref<80x64xf32, #tpu.memory_space<vmem>>, vector<16xf32>,
      tpu.vector_store %arg10[%swap3A_73, %swap3A_74], %broadcast_in_dim3A_5 {strides = array<i32>} : memref<80x64xf32, #tpu.memory_space<vmem>>, vector<16xf32>,
      %swap3A_76 = arith.index_cast %add3A_67 : i32 to index
      %swap3A_77 = arith.constant 48 : index
      %swap3A_78 = tpu.vector_load %arg10[%swap3A_76, %swap3A_77] {strides = array<i32>} : memref<80x64xf32, #tpu.memory_space<vmem>>, vector<16xf32>,
      tpu.vector_store %arg10[%swap3A_76, %swap3A_77], %broadcast_in_dim3A_5 {strides = array<i32>} : memref<80x64xf32, #tpu.memory_space<vmem>>, vector<16xf32>,
    }
    %scan3A_9 = arith.constant 80 : i32
    %scan3A_10 = arith.constant 0 : i32
    %scan3A_11 = arith.constant 7 : i32
    %scan3A_12 = arith.addi %scan3A_10, %scan3A_11 : i32
    %scan3A_13 = arith.constant 1 : i32
    scf.for %scan3A_63 = %scan3A_10 to %scan3A_12 step %scan3A_13  : i32 {
      %mul3A_64 = arith.constant 1 : i32
      %mul3A_65 = arith.muli %scan3A_63, %mul3A_64 : i32
      %add3A_66 = arith.constant 0 : i32
      %add3A_67 = arith.addi %add3A_66, %mul3A_65 : i32
      %mul3A_68 = arith.constant 632 : i32
      %mul3A_69 = arith.muli %arg1, %mul3A_68 : i32
      %mul3A_70 = arith.constant 80 : i32
      %mul3A_71 = arith.muli %add3A_67, %mul3A_70 : i32
      %add3A_72 = arith.addi %mul3A_69, %mul3A_71 : i32
      "tpu.region"() ({
        %run_scoped3A = tpu.sem_alloc : memref<!tpu.dma_semaphore, #tpu.memory_space<semaphore_mem>>
        %dma_start3A_73 = arith.constant 0 : i32
        %dma_start3A_74 = tpu.memref_slice %arg12[%add3A_72, %dma_start3A_73] : memref<10112x64xf32, #tpu.memory_space<vmem_shared>> -> memref<80x64xf32, #tpu.memory_space<vmem_shared>>
        %dma_start3A_75 = arith.constant 0 : i32
        %dma_start3A_76 = tpu.memref_slice %arg12[%add3A_72, %dma_start3A_75] : memref<10112x64xf32, #tpu.memory_space<vmem_shared>> -> memref<80x64xf32, #tpu.memory_space<vmem_shared>>
        tpu.enqueue_dma source(%arg10 : memref<80x64xf32, #tpu.memory_space<vmem>>) target(%dma_start3A_76 : memref<80x64xf32, #tpu.memory_space<vmem_shared>>) target_semaphore(%run_scoped3A : memref<!tpu.dma_semaphore, #tpu.memory_space<semaphore_mem>>)
        %dma_wait3A_77 = arith.constant 0 : i32
        %dma_wait3A_78 = tpu.memref_slice %arg12[%add3A_72, %dma_wait3A_77] : memref<10112x64xf32, #tpu.memory_space<vmem_shared>> -> memref<80x64xf32, #tpu.memory_space<vmem_shared>>
        %dma_wait3A_79 = arith.constant 0 : i32
        %dma_wait3A_80 = tpu.memref_slice %arg12[%add3A_72, %dma_wait3A_79] : memref<10112x64xf32, #tpu.memory_space<vmem_shared>> -> memref<80x64xf32, #tpu.memory_space<vmem_shared>>
        tpu.wait_dma2 semaphore(%run_scoped3A : memref<!tpu.dma_semaphore, #tpu.memory_space<semaphore_mem>>) src(%arg10 : memref<80x64xf32, #tpu.memory_space<vmem>>) dst(%dma_wait3A_80 : memref<80x64xf32, #tpu.memory_space<vmem_shared>>)
        tpu.yield
      }) : () -> ()
    }
    %scan3A_14 = arith.constant 7 : i32
    %barrier3A = arith.constant 0 : index
    tpu.barrier barrier_id(%barrier3A)
    %dma_start3A = arith.constant 0 : i32
    %dma_start3A_15 = arith.constant 0 : i32
    %dma_start3A_16 = tpu.memref_slice %arg7[%dma_start3A, %dma_start3A_15] : memref<125x80xi32, #tpu.memory_space<vmem>> -> memref<1x80xi32, #tpu.memory_space<vmem>>
    %dma_start3A_17 = tpu.memref_squeeze %dma_start3A_16 : memref<1x80xi32, #tpu.memory_space<vmem>> -> memref<80xi32, #tpu.memory_space<vmem>>
    %dma_start3A_18 = arith.constant 0 : i32
    %dma_start3A_19 = arith.constant 0 : i32
    %dma_start3A_20 = tpu.memref_slice %arg13[%dma_start3A_18, %dma_start3A_19] : memref<10112x64xf32, #tpu.memory_space<vmem_shared>> -> memref<10112x64xf32, #tpu.memory_space<vmem_shared>>
    tpu.enqueue_indirect_dma source(%dma_start3A_20 : memref<10112x64xf32, #tpu.memory_space<vmem_shared>>) target(%arg10 : memref<80x64xf32, #tpu.memory_space<vmem>>) offsets(%dma_start3A_17 : memref<80xi32, #tpu.memory_space<vmem>>) semaphore(%arg14 : memref<!tpu.dma_semaphore, #tpu.memory_space<semaphore_mem>>)
    %dma_start3A_21 = arith.constant 1 : i32
    %dma_start3A_22 = arith.constant 0 : i32
    %dma_start3A_23 = tpu.memref_slice %arg7[%dma_start3A_21, %dma_start3A_22] : memref<125x80xi32, #tpu.memory_space<vmem>> -> memref<1x80xi32, #tpu.memory_space<vmem>>
    %dma_start3A_24 = tpu.memref_squeeze %dma_start3A_23 : memref<1x80xi32, #tpu.memory_space<vmem>> -> memref<80xi32, #tpu.memory_space<vmem>>
    %dma_start3A_25 = arith.constant 0 : i32
    %dma_start3A_26 = arith.constant 0 : i32
    %dma_start3A_27 = tpu.memref_slice %arg13[%dma_start3A_25, %dma_start3A_26] : memref<10112x64xf32, #tpu.memory_space<vmem_shared>> -> memref<10112x64xf32, #tpu.memory_space<vmem_shared>>
    tpu.enqueue_indirect_dma source(%dma_start3A_27 : memref<10112x64xf32, #tpu.memory_space<vmem_shared>>) target(%arg11 : memref<80x64xf32, #tpu.memory_space<vmem>>) offsets(%dma_start3A_24 : memref<80xi32, #tpu.memory_space<vmem>>) semaphore(%arg15 : memref<!tpu.dma_semaphore, #tpu.memory_space<semaphore_mem>>)
    %scan3A_28 = arith.constant 0 : i32
    %scan3A_29 = arith.constant 62 : i32
    %scan3A_30 = arith.addi %scan3A_28, %scan3A_29 : i32
    %scan3A_31 = arith.constant 1 : i32
    scf.for %scan3A_63 = %scan3A_28 to %scan3A_30 step %scan3A_31  : i32 {
      %mul3A_64 = arith.constant 2 : i32
      %mul3A_65 = arith.muli %scan3A_63, %mul3A_64 : i32
      %add3A_66 = arith.constant 0 : i32
      %add3A_67 = arith.addi %add3A_66, %mul3A_65 : i32
      %dma_wait3A_68 = arith.constant 0 : i32
      %dma_wait3A_69 = tpu.memref_slice %arg7[%add3A_67, %dma_wait3A_68] : memref<125x80xi32, #tpu.memory_space<vmem>> -> memref<1x80xi32, #tpu.memory_space<vmem>>
      %dma_wait3A_70 = tpu.memref_squeeze %dma_wait3A_69 : memref<1x80xi32, #tpu.memory_space<vmem>> -> memref<80xi32, #tpu.memory_space<vmem>>
      %dma_wait3A_71 = arith.constant 0 : i32
      %dma_wait3A_72 = arith.constant 0 : i32
      %dma_wait3A_73 = tpu.memref_slice %arg13[%dma_wait3A_71, %dma_wait3A_72] : memref<10112x64xf32, #tpu.memory_space<vmem_shared>> -> memref<10112x64xf32, #tpu.memory_space<vmem_shared>>
      tpu.wait_indirect_dma semaphore(%arg14 : memref<!tpu.dma_semaphore, #tpu.memory_space<semaphore_mem>>) src(%dma_wait3A_73 : memref<10112x64xf32, #tpu.memory_space<vmem_shared>>) dst(%arg10 : memref<80x64xf32, #tpu.memory_space<vmem>>)
      %scan3A_74 = arith.constant 0 : i32
      %scan3A_75 = arith.constant 5 : i32
      %scan3A_76 = arith.addi %scan3A_74, %scan3A_75 : i32
      %scan3A_77 = arith.constant 1 : i32
      scf.for %scan3A_133 = %scan3A_74 to %scan3A_76 step %scan3A_77  : i32 {
        %mul3A_134 = arith.constant 16 : i32
        %mul3A_135 = arith.muli %scan3A_133, %mul3A_134 : i32
        %add3A_136 = arith.constant 0 : i32
        %add3A_137 = arith.addi %add3A_136, %mul3A_135 : i32
        %mul3A_138 = arith.constant 80 : i32
        %mul3A_139 = arith.muli %add3A_67, %mul3A_138 : i32
        %add3A_140 = arith.addi %mul3A_139, %add3A_137 : i32
        %add3A_141 = arith.constant 0 : i32
        %add3A_142 = arith.addi %add3A_140, %add3A_141 : i32
        %broadcast_in_dim3A_143 = vector.broadcast %add3A_142 : i32 to vector<16xi32>
        %gather3A = tpu.vector_load_idx %arg9[%broadcast_in_dim3A_143] : memref<10000xf32, #tpu.memory_space<vmem>>[vector<16xi32>], vector<16xf32>,
        %add3A_144 = arith.constant 0 : i32
        %add3A_145 = arith.addi %add3A_137, %add3A_144 : i32
        %get3A = arith.index_cast %add3A_145 : i32 to index
        %get3A_146 = arith.constant 0 : index
        %get3A_147 = tpu.vector_load %arg10[%get3A, %get3A_146] {strides = array<i32>} : memref<80x64xf32, #tpu.memory_space<vmem>>, vector<16xf32>,
        %mul3A_148 = arith.mulf %get3A_147, %gather3A : vector<16xf32>
        %swap3A = arith.index_cast %add3A_145 : i32 to index
        %swap3A_149 = arith.constant 0 : index
        %swap3A_150 = tpu.vector_load %arg10[%swap3A, %swap3A_149] {strides = array<i32>} : memref<80x64xf32, #tpu.memory_space<vmem>>, vector<16xf32>,
        tpu.vector_store %arg10[%swap3A, %swap3A_149], %mul3A_148 {strides = array<i32>} : memref<80x64xf32, #tpu.memory_space<vmem>>, vector<16xf32>,
        %add3A_151 = arith.constant 0 : i32
        %add3A_152 = arith.addi %add3A_137, %add3A_151 : i32
        %get3A_153 = arith.index_cast %add3A_152 : i32 to index
        %get3A_154 = arith.constant 16 : index
        %get3A_155 = tpu.vector_load %arg10[%get3A_153, %get3A_154] {strides = array<i32>} : memref<80x64xf32, #tpu.memory_space<vmem>>, vector<16xf32>,
        %mul3A_156 = arith.mulf %get3A_155, %gather3A : vector<16xf32>
        %swap3A_157 = arith.index_cast %add3A_152 : i32 to index
        %swap3A_158 = arith.constant 16 : index
        %swap3A_159 = tpu.vector_load %arg10[%swap3A_157, %swap3A_158] {strides = array<i32>} : memref<80x64xf32, #tpu.memory_space<vmem>>, vector<16xf32>,
        tpu.vector_store %arg10[%swap3A_157, %swap3A_158], %mul3A_156 {strides = array<i32>} : memref<80x64xf32, #tpu.memory_space<vmem>>, vector<16xf32>,
        %add3A_160 = arith.constant 0 : i32
        %add3A_161 = arith.addi %add3A_137, %add3A_160 : i32
        %get3A_162 = arith.index_cast %add3A_161 : i32 to index
        %get3A_163 = arith.constant 32 : index
        %get3A_164 = tpu.vector_load %arg10[%get3A_162, %get3A_163] {strides = array<i32>} : memref<80x64xf32, #tpu.memory_space<vmem>>, vector<16xf32>,
        %mul3A_165 = arith.mulf %get3A_164, %gather3A : vector<16xf32>
        %swap3A_166 = arith.index_cast %add3A_161 : i32 to index
        %swap3A_167 = arith.constant 32 : index
        %swap3A_168 = tpu.vector_load %arg10[%swap3A_166, %swap3A_167] {strides = array<i32>} : memref<80x64xf32, #tpu.memory_space<vmem>>, vector<16xf32>,
        tpu.vector_store %arg10[%swap3A_166, %swap3A_167], %mul3A_165 {strides = array<i32>} : memref<80x64xf32, #tpu.memory_space<vmem>>, vector<16xf32>,
        %add3A_169 = arith.constant 0 : i32
        %add3A_170 = arith.addi %add3A_137, %add3A_169 : i32
        %get3A_171 = arith.index_cast %add3A_170 : i32 to index
        %get3A_172 = arith.constant 48 : index
        %get3A_173 = tpu.vector_load %arg10[%get3A_171, %get3A_172] {strides = array<i32>} : memref<80x64xf32, #tpu.memory_space<vmem>>, vector<16xf32>,
        %mul3A_174 = arith.mulf %get3A_173, %gather3A : vector<16xf32>
        %swap3A_175 = arith.index_cast %add3A_170 : i32 to index
        %swap3A_176 = arith.constant 48 : index
        %swap3A_177 = tpu.vector_load %arg10[%swap3A_175, %swap3A_176] {strides = array<i32>} : memref<80x64xf32, #tpu.memory_space<vmem>>, vector<16xf32>,
        tpu.vector_store %arg10[%swap3A_175, %swap3A_176], %mul3A_174 {strides = array<i32>} : memref<80x64xf32, #tpu.memory_space<vmem>>, vector<16xf32>,
        %add3A_178 = arith.constant 1 : i32
        %add3A_179 = arith.addi %add3A_140, %add3A_178 : i32
        %broadcast_in_dim3A_180 = vector.broadcast %add3A_179 : i32 to vector<16xi32>
        %gather3A_181 = tpu.vector_load_idx %arg9[%broadcast_in_dim3A_180] : memref<10000xf32, #tpu.memory_space<vmem>>[vector<16xi32>], vector<16xf32>,
        %add3A_182 = arith.constant 1 : i32
        %add3A_183 = arith.addi %add3A_137, %add3A_182 : i32
        %get3A_184 = arith.index_cast %add3A_183 : i32 to index
        %get3A_185 = arith.constant 0 : index
        %get3A_186 = tpu.vector_load %arg10[%get3A_184, %get3A_185] {strides = array<i32>} : memref<80x64xf32, #tpu.memory_space<vmem>>, vector<16xf32>,
        %mul3A_187 = arith.mulf %get3A_186, %gather3A_181 : vector<16xf32>
        %swap3A_188 = arith.index_cast %add3A_183 : i32 to index
        %swap3A_189 = arith.constant 0 : index
        %swap3A_190 = tpu.vector_load %arg10[%swap3A_188, %swap3A_189] {strides = array<i32>} : memref<80x64xf32, #tpu.memory_space<vmem>>, vector<16xf32>,
        tpu.vector_store %arg10[%swap3A_188, %swap3A_189], %mul3A_187 {strides = array<i32>} : memref<80x64xf32, #tpu.memory_space<vmem>>, vector<16xf32>,
        %add3A_191 = arith.constant 1 : i32
        %add3A_192 = arith.addi %add3A_137, %add3A_191 : i32
        %get3A_193 = arith.index_cast %add3A_192 : i32 to index
        %get3A_194 = arith.constant 16 : index
        %get3A_195 = tpu.vector_load %arg10[%get3A_193, %get3A_194] {strides = array<i32>} : memref<80x64xf32, #tpu.memory_space<vmem>>, vector<16xf32>,
        %mul3A_196 = arith.mulf %get3A_195, %gather3A_181 : vector<16xf32>
        %swap3A_197 = arith.index_cast %add3A_192 : i32 to index
        %swap3A_198 = arith.constant 16 : index
        %swap3A_199 = tpu.vector_load %arg10[%swap3A_197, %swap3A_198] {strides = array<i32>} : memref<80x64xf32, #tpu.memory_space<vmem>>, vector<16xf32>,
        tpu.vector_store %arg10[%swap3A_197, %swap3A_198], %mul3A_196 {strides = array<i32>} : memref<80x64xf32, #tpu.memory_space<vmem>>, vector<16xf32>,
        %add3A_200 = arith.constant 1 : i32
        %add3A_201 = arith.addi %add3A_137, %add3A_200 : i32
        %get3A_202 = arith.index_cast %add3A_201 : i32 to index
        %get3A_203 = arith.constant 32 : index
        %get3A_204 = tpu.vector_load %arg10[%get3A_202, %get3A_203] {strides = array<i32>} : memref<80x64xf32, #tpu.memory_space<vmem>>, vector<16xf32>,
        %mul3A_205 = arith.mulf %get3A_204, %gather3A_181 : vector<16xf32>
        %swap3A_206 = arith.index_cast %add3A_201 : i32 to index
        %swap3A_207 = arith.constant 32 : index
        %swap3A_208 = tpu.vector_load %arg10[%swap3A_206, %swap3A_207] {strides = array<i32>} : memref<80x64xf32, #tpu.memory_space<vmem>>, vector<16xf32>,
        tpu.vector_store %arg10[%swap3A_206, %swap3A_207], %mul3A_205 {strides = array<i32>} : memref<80x64xf32, #tpu.memory_space<vmem>>, vector<16xf32>,
        %add3A_209 = arith.constant 1 : i32
        %add3A_210 = arith.addi %add3A_137, %add3A_209 : i32
        %get3A_211 = arith.index_cast %add3A_210 : i32 to index
        %get3A_212 = arith.constant 48 : index
        %get3A_213 = tpu.vector_load %arg10[%get3A_211, %get3A_212] {strides = array<i32>} : memref<80x64xf32, #tpu.memory_space<vmem>>, vector<16xf32>,
        %mul3A_214 = arith.mulf %get3A_213, %gather3A_181 : vector<16xf32>
        %swap3A_215 = arith.index_cast %add3A_210 : i32 to index
        %swap3A_216 = arith.constant 48 : index
        %swap3A_217 = tpu.vector_load %arg10[%swap3A_215, %swap3A_216] {strides = array<i32>} : memref<80x64xf32, #tpu.memory_space<vmem>>, vector<16xf32>,
        tpu.vector_store %arg10[%swap3A_215, %swap3A_216], %mul3A_214 {strides = array<i32>} : memref<80x64xf32, #tpu.memory_space<vmem>>, vector<16xf32>,
        %add3A_218 = arith.constant 2 : i32
        %add3A_219 = arith.addi %add3A_140, %add3A_218 : i32
        %broadcast_in_dim3A_220 = vector.broadcast %add3A_219 : i32 to vector<16xi32>
        %gather3A_221 = tpu.vector_load_idx %arg9[%broadcast_in_dim3A_220] : memref<10000xf32, #tpu.memory_space<vmem>>[vector<16xi32>], vector<16xf32>,
        %add3A_222 = arith.constant 2 : i32
        %add3A_223 = arith.addi %add3A_137, %add3A_222 : i32
        %get3A_224 = arith.index_cast %add3A_223 : i32 to index
        %get3A_225 = arith.constant 0 : index
        %get3A_226 = tpu.vector_load %arg10[%get3A_224, %get3A_225] {strides = array<i32>} : memref<80x64xf32, #tpu.memory_space<vmem>>, vector<16xf32>,
        %mul3A_227 = arith.mulf %get3A_226, %gather3A_221 : vector<16xf32>
        %swap3A_228 = arith.index_cast %add3A_223 : i32 to index
        %swap3A_229 = arith.constant 0 : index
        %swap3A_230 = tpu.vector_load %arg10[%swap3A_228, %swap3A_229] {strides = array<i32>} : memref<80x64xf32, #tpu.memory_space<vmem>>, vector<16xf32>,
        tpu.vector_store %arg10[%swap3A_228, %swap3A_229], %mul3A_227 {strides = array<i32>} : memref<80x64xf32, #tpu.memory_space<vmem>>, vector<16xf32>,
        %add3A_231 = arith.constant 2 : i32
        %add3A_232 = arith.addi %add3A_137, %add3A_231 : i32
        %get3A_233 = arith.index_cast %add3A_232 : i32 to index
        %get3A_234 = arith.constant 16 : index
        %get3A_235 = tpu.vector_load %arg10[%get3A_233, %get3A_234] {strides = array<i32>} : memref<80x64xf32, #tpu.memory_space<vmem>>, vector<16xf32>,
        %mul3A_236 = arith.mulf %get3A_235, %gather3A_221 : vector<16xf32>
        %swap3A_237 = arith.index_cast %add3A_232 : i32 to index
        %swap3A_238 = arith.constant 16 : index
        %swap3A_239 = tpu.vector_load %arg10[%swap3A_237, %swap3A_238] {strides = array<i32>} : memref<80x64xf32, #tpu.memory_space<vmem>>, vector<16xf32>,
        tpu.vector_store %arg10[%swap3A_237, %swap3A_238], %mul3A_236 {strides = array<i32>} : memref<80x64xf32, #tpu.memory_space<vmem>>, vector<16xf32>,
        %add3A_240 = arith.constant 2 : i32
        %add3A_241 = arith.addi %add3A_137, %add3A_240 : i32
        %get3A_242 = arith.index_cast %add3A_241 : i32 to index
        %get3A_243 = arith.constant 32 : index
        %get3A_244 = tpu.vector_load %arg10[%get3A_242, %get3A_243] {strides = array<i32>} : memref<80x64xf32, #tpu.memory_space<vmem>>, vector<16xf32>,
        %mul3A_245 = arith.mulf %get3A_244, %gather3A_221 : vector<16xf32>
        %swap3A_246 = arith.index_cast %add3A_241 : i32 to index
        %swap3A_247 = arith.constant 32 : index
        %swap3A_248 = tpu.vector_load %arg10[%swap3A_246, %swap3A_247] {strides = array<i32>} : memref<80x64xf32, #tpu.memory_space<vmem>>, vector<16xf32>,
        tpu.vector_store %arg10[%swap3A_246, %swap3A_247], %mul3A_245 {strides = array<i32>} : memref<80x64xf32, #tpu.memory_space<vmem>>, vector<16xf32>,
        %add3A_249 = arith.constant 2 : i32
        %add3A_250 = arith.addi %add3A_137, %add3A_249 : i32
        %get3A_251 = arith.index_cast %add3A_250 : i32 to index
        %get3A_252 = arith.constant 48 : index
        %get3A_253 = tpu.vector_load %arg10[%get3A_251, %get3A_252] {strides = array<i32>} : memref<80x64xf32, #tpu.memory_space<vmem>>, vector<16xf32>,
        %mul3A_254 = arith.mulf %get3A_253, %gather3A_221 : vector<16xf32>
        %swap3A_255 = arith.index_cast %add3A_250 : i32 to index
        %swap3A_256 = arith.constant 48 : index
        %swap3A_257 = tpu.vector_load %arg10[%swap3A_255, %swap3A_256] {strides = array<i32>} : memref<80x64xf32, #tpu.memory_space<vmem>>, vector<16xf32>,
        tpu.vector_store %arg10[%swap3A_255, %swap3A_256], %mul3A_254 {strides = array<i32>} : memref<80x64xf32, #tpu.memory_space<vmem>>, vector<16xf32>,
        %add3A_258 = arith.constant 3 : i32
        %add3A_259 = arith.addi %add3A_140, %add3A_258 : i32
        %broadcast_in_dim3A_260 = vector.broadcast %add3A_259 : i32 to vector<16xi32>
        %gather3A_261 = tpu.vector_load_idx %arg9[%broadcast_in_dim3A_260] : memref<10000xf32, #tpu.memory_space<vmem>>[vector<16xi32>], vector<16xf32>,
        %add3A_262 = arith.constant 3 : i32
        %add3A_263 = arith.addi %add3A_137, %add3A_262 : i32
        %get3A_264 = arith.index_cast %add3A_263 : i32 to index
        %get3A_265 = arith.constant 0 : index
        %get3A_266 = tpu.vector_load %arg10[%get3A_264, %get3A_265] {strides = array<i32>} : memref<80x64xf32, #tpu.memory_space<vmem>>, vector<16xf32>,
        %mul3A_267 = arith.mulf %get3A_266, %gather3A_261 : vector<16xf32>
        %swap3A_268 = arith.index_cast %add3A_263 : i32 to index
        %swap3A_269 = arith.constant 0 : index
        %swap3A_270 = tpu.vector_load %arg10[%swap3A_268, %swap3A_269] {strides = array<i32>} : memref<80x64xf32, #tpu.memory_space<vmem>>, vector<16xf32>,
        tpu.vector_store %arg10[%swap3A_268, %swap3A_269], %mul3A_267 {strides = array<i32>} : memref<80x64xf32, #tpu.memory_space<vmem>>, vector<16xf32>,
        %add3A_271 = arith.constant 3 : i32
        %add3A_272 = arith.addi %add3A_137, %add3A_271 : i32
        %get3A_273 = arith.index_cast %add3A_272 : i32 to index
        %get3A_274 = arith.constant 16 : index
        %get3A_275 = tpu.vector_load %arg10[%get3A_273, %get3A_274] {strides = array<i32>} : memref<80x64xf32, #tpu.memory_space<vmem>>, vector<16xf32>,
        %mul3A_276 = arith.mulf %get3A_275, %gather3A_261 : vector<16xf32>
        %swap3A_277 = arith.index_cast %add3A_272 : i32 to index
        %swap3A_278 = arith.constant 16 : index
        %swap3A_279 = tpu.vector_load %arg10[%swap3A_277, %swap3A_278] {strides = array<i32>} : memref<80x64xf32, #tpu.memory_space<vmem>>, vector<16xf32>,
        tpu.vector_store %arg10[%swap3A_277, %swap3A_278], %mul3A_276 {strides = array<i32>} : memref<80x64xf32, #tpu.memory_space<vmem>>, vector<16xf32>,
        %add3A_280 = arith.constant 3 : i32
        %add3A_281 = arith.addi %add3A_137, %add3A_280 : i32
        %get3A_282 = arith.index_cast %add3A_281 : i32 to index
        %get3A_283 = arith.constant 32 : index
        %get3A_284 = tpu.vector_load %arg10[%get3A_282, %get3A_283] {strides = array<i32>} : memref<80x64xf32, #tpu.memory_space<vmem>>, vector<16xf32>,
        %mul3A_285 = arith.mulf %get3A_284, %gather3A_261 : vector<16xf32>
        %swap3A_286 = arith.index_cast %add3A_281 : i32 to index
        %swap3A_287 = arith.constant 32 : index
        %swap3A_288 = tpu.vector_load %arg10[%swap3A_286, %swap3A_287] {strides = array<i32>} : memref<80x64xf32, #tpu.memory_space<vmem>>, vector<16xf32>,
        tpu.vector_store %arg10[%swap3A_286, %swap3A_287], %mul3A_285 {strides = array<i32>} : memref<80x64xf32, #tpu.memory_space<vmem>>, vector<16xf32>,
        %add3A_289 = arith.constant 3 : i32
        %add3A_290 = arith.addi %add3A_137, %add3A_289 : i32
        %get3A_291 = arith.index_cast %add3A_290 : i32 to index
        %get3A_292 = arith.constant 48 : index
        %get3A_293 = tpu.vector_load %arg10[%get3A_291, %get3A_292] {strides = array<i32>} : memref<80x64xf32, #tpu.memory_space<vmem>>, vector<16xf32>,
        %mul3A_294 = arith.mulf %get3A_293, %gather3A_261 : vector<16xf32>
        %swap3A_295 = arith.index_cast %add3A_290 : i32 to index
        %swap3A_296 = arith.constant 48 : index
        %swap3A_297 = tpu.vector_load %arg10[%swap3A_295, %swap3A_296] {strides = array<i32>} : memref<80x64xf32, #tpu.memory_space<vmem>>, vector<16xf32>,
        tpu.vector_store %arg10[%swap3A_295, %swap3A_296], %mul3A_294 {strides = array<i32>} : memref<80x64xf32, #tpu.memory_space<vmem>>, vector<16xf32>,
        %add3A_298 = arith.constant 4 : i32
        %add3A_299 = arith.addi %add3A_140, %add3A_298 : i32
        %broadcast_in_dim3A_300 = vector.broadcast %add3A_299 : i32 to vector<16xi32>
        %gather3A_301 = tpu.vector_load_idx %arg9[%broadcast_in_dim3A_300] : memref<10000xf32, #tpu.memory_space<vmem>>[vector<16xi32>], vector<16xf32>,
        %add3A_302 = arith.constant 4 : i32
        %add3A_303 = arith.addi %add3A_137, %add3A_302 : i32
        %get3A_304 = arith.index_cast %add3A_303 : i32 to index
        %get3A_305 = arith.constant 0 : index
        %get3A_306 = tpu.vector_load %arg10[%get3A_304, %get3A_305] {strides = array<i32>} : memref<80x64xf32, #tpu.memory_space<vmem>>, vector<16xf32>,
        %mul3A_307 = arith.mulf %get3A_306, %gather3A_301 : vector<16xf32>
        %swap3A_308 = arith.index_cast %add3A_303 : i32 to index
        %swap3A_309 = arith.constant 0 : index
        %swap3A_310 = tpu.vector_load %arg10[%swap3A_308, %swap3A_309] {strides = array<i32>} : memref<80x64xf32, #tpu.memory_space<vmem>>, vector<16xf32>,
        tpu.vector_store %arg10[%swap3A_308, %swap3A_309], %mul3A_307 {strides = array<i32>} : memref<80x64xf32, #tpu.memory_space<vmem>>, vector<16xf32>,
        %add3A_311 = arith.constant 4 : i32
        %add3A_312 = arith.addi %add3A_137, %add3A_311 : i32
        %get3A_313 = arith.index_cast %add3A_312 : i32 to index
        %get3A_314 = arith.constant 16 : index
        %get3A_315 = tpu.vector_load %arg10[%get3A_313, %get3A_314] {strides = array<i32>} : memref<80x64xf32, #tpu.memory_space<vmem>>, vector<16xf32>,
        %mul3A_316 = arith.mulf %get3A_315, %gather3A_301 : vector<16xf32>
        %swap3A_317 = arith.index_cast %add3A_312 : i32 to index
        %swap3A_318 = arith.constant 16 : index
        %swap3A_319 = tpu.vector_load %arg10[%swap3A_317, %swap3A_318] {strides = array<i32>} : memref<80x64xf32, #tpu.memory_space<vmem>>, vector<16xf32>,
        tpu.vector_store %arg10[%swap3A_317, %swap3A_318], %mul3A_316 {strides = array<i32>} : memref<80x64xf32, #tpu.memory_space<vmem>>, vector<16xf32>,
        %add3A_320 = arith.constant 4 : i32
        %add3A_321 = arith.addi %add3A_137, %add3A_320 : i32
        %get3A_322 = arith.index_cast %add3A_321 : i32 to index
        %get3A_323 = arith.constant 32 : index
        %get3A_324 = tpu.vector_load %arg10[%get3A_322, %get3A_323] {strides = array<i32>} : memref<80x64xf32, #tpu.memory_space<vmem>>, vector<16xf32>,
        %mul3A_325 = arith.mulf %get3A_324, %gather3A_301 : vector<16xf32>
        %swap3A_326 = arith.index_cast %add3A_321 : i32 to index
        %swap3A_327 = arith.constant 32 : index
        %swap3A_328 = tpu.vector_load %arg10[%swap3A_326, %swap3A_327] {strides = array<i32>} : memref<80x64xf32, #tpu.memory_space<vmem>>, vector<16xf32>,
        tpu.vector_store %arg10[%swap3A_326, %swap3A_327], %mul3A_325 {strides = array<i32>} : memref<80x64xf32, #tpu.memory_space<vmem>>, vector<16xf32>,
        %add3A_329 = arith.constant 4 : i32
        %add3A_330 = arith.addi %add3A_137, %add3A_329 : i32
        %get3A_331 = arith.index_cast %add3A_330 : i32 to index
        %get3A_332 = arith.constant 48 : index
        %get3A_333 = tpu.vector_load %arg10[%get3A_331, %get3A_332] {strides = array<i32>} : memref<80x64xf32, #tpu.memory_space<vmem>>, vector<16xf32>,
        %mul3A_334 = arith.mulf %get3A_333, %gather3A_301 : vector<16xf32>
        %swap3A_335 = arith.index_cast %add3A_330 : i32 to index
        %swap3A_336 = arith.constant 48 : index
        %swap3A_337 = tpu.vector_load %arg10[%swap3A_335, %swap3A_336] {strides = array<i32>} : memref<80x64xf32, #tpu.memory_space<vmem>>, vector<16xf32>,
        tpu.vector_store %arg10[%swap3A_335, %swap3A_336], %mul3A_334 {strides = array<i32>} : memref<80x64xf32, #tpu.memory_space<vmem>>, vector<16xf32>,
        %add3A_338 = arith.constant 5 : i32
        %add3A_339 = arith.addi %add3A_140, %add3A_338 : i32
        %broadcast_in_dim3A_340 = vector.broadcast %add3A_339 : i32 to vector<16xi32>
        %gather3A_341 = tpu.vector_load_idx %arg9[%broadcast_in_dim3A_340] : memref<10000xf32, #tpu.memory_space<vmem>>[vector<16xi32>], vector<16xf32>,
        %add3A_342 = arith.constant 5 : i32
        %add3A_343 = arith.addi %add3A_137, %add3A_342 : i32
        %get3A_344 = arith.index_cast %add3A_343 : i32 to index
        %get3A_345 = arith.constant 0 : index
        %get3A_346 = tpu.vector_load %arg10[%get3A_344, %get3A_345] {strides = array<i32>} : memref<80x64xf32, #tpu.memory_space<vmem>>, vector<16xf32>,
        %mul3A_347 = arith.mulf %get3A_346, %gather3A_341 : vector<16xf32>
        %swap3A_348 = arith.index_cast %add3A_343 : i32 to index
        %swap3A_349 = arith.constant 0 : index
        %swap3A_350 = tpu.vector_load %arg10[%swap3A_348, %swap3A_349] {strides = array<i32>} : memref<80x64xf32, #tpu.memory_space<vmem>>, vector<16xf32>,
        tpu.vector_store %arg10[%swap3A_348, %swap3A_349], %mul3A_347 {strides = array<i32>} : memref<80x64xf32, #tpu.memory_space<vmem>>, vector<16xf32>,
        %add3A_351 = arith.constant 5 : i32
        %add3A_352 = arith.addi %add3A_137, %add3A_351 : i32
        %get3A_353 = arith.index_cast %add3A_352 : i32 to index
        %get3A_354 = arith.constant 16 : index
        %get3A_355 = tpu.vector_load %arg10[%get3A_353, %get3A_354] {strides = array<i32>} : memref<80x64xf32, #tpu.memory_space<vmem>>, vector<16xf32>,
        %mul3A_356 = arith.mulf %get3A_355, %gather3A_341 : vector<16xf32>
        %swap3A_357 = arith.index_cast %add3A_352 : i32 to index
        %swap3A_358 = arith.constant 16 : index
        %swap3A_359 = tpu.vector_load %arg10[%swap3A_357, %swap3A_358] {strides = array<i32>} : memref<80x64xf32, #tpu.memory_space<vmem>>, vector<16xf32>,
        tpu.vector_store %arg10[%swap3A_357, %swap3A_358], %mul3A_356 {strides = array<i32>} : memref<80x64xf32, #tpu.memory_space<vmem>>, vector<16xf32>,
        %add3A_360 = arith.constant 5 : i32
        %add3A_361 = arith.addi %add3A_137, %add3A_360 : i32
        %get3A_362 = arith.index_cast %add3A_361 : i32 to index
        %get3A_363 = arith.constant 32 : index
        %get3A_364 = tpu.vector_load %arg10[%get3A_362, %get3A_363] {strides = array<i32>} : memref<80x64xf32, #tpu.memory_space<vmem>>, vector<16xf32>,
        %mul3A_365 = arith.mulf %get3A_364, %gather3A_341 : vector<16xf32>
        %swap3A_366 = arith.index_cast %add3A_361 : i32 to index
        %swap3A_367 = arith.constant 32 : index
        %swap3A_368 = tpu.vector_load %arg10[%swap3A_366, %swap3A_367] {strides = array<i32>} : memref<80x64xf32, #tpu.memory_space<vmem>>, vector<16xf32>,
        tpu.vector_store %arg10[%swap3A_366, %swap3A_367], %mul3A_365 {strides = array<i32>} : memref<80x64xf32, #tpu.memory_space<vmem>>, vector<16xf32>,
        %add3A_369 = arith.constant 5 : i32
        %add3A_370 = arith.addi %add3A_137, %add3A_369 : i32
        %get3A_371 = arith.index_cast %add3A_370 : i32 to index
        %get3A_372 = arith.constant 48 : index
        %get3A_373 = tpu.vector_load %arg10[%get3A_371, %get3A_372] {strides = array<i32>} : memref<80x64xf32, #tpu.memory_space<vmem>>, vector<16xf32>,
        %mul3A_374 = arith.mulf %get3A_373, %gather3A_341 : vector<16xf32>
        %swap3A_375 = arith.index_cast %add3A_370 : i32 to index
        %swap3A_376 = arith.constant 48 : index
        %swap3A_377 = tpu.vector_load %arg10[%swap3A_375, %swap3A_376] {strides = array<i32>} : memref<80x64xf32, #tpu.memory_space<vmem>>, vector<16xf32>,
        tpu.vector_store %arg10[%swap3A_375, %swap3A_376], %mul3A_374 {strides = array<i32>} : memref<80x64xf32, #tpu.memory_space<vmem>>, vector<16xf32>,
        %add3A_378 = arith.constant 6 : i32
        %add3A_379 = arith.addi %add3A_140, %add3A_378 : i32
        %broadcast_in_dim3A_380 = vector.broadcast %add3A_379 : i32 to vector<16xi32>
        %gather3A_381 = tpu.vector_load_idx %arg9[%broadcast_in_dim3A_380] : memref<10000xf32, #tpu.memory_space<vmem>>[vector<16xi32>], vector<16xf32>,
        %add3A_382 = arith.constant 6 : i32
        %add3A_383 = arith.addi %add3A_137, %add3A_382 : i32
        %get3A_384 = arith.index_cast %add3A_383 : i32 to index
        %get3A_385 = arith.constant 0 : index
        %get3A_386 = tpu.vector_load %arg10[%get3A_384, %get3A_385] {strides = array<i32>} : memref<80x64xf32, #tpu.memory_space<vmem>>, vector<16xf32>,
        %mul3A_387 = arith.mulf %get3A_386, %gather3A_381 : vector<16xf32>
        %swap3A_388 = arith.index_cast %add3A_383 : i32 to index
        %swap3A_389 = arith.constant 0 : index
        %swap3A_390 = tpu.vector_load %arg10[%swap3A_388, %swap3A_389] {strides = array<i32>} : memref<80x64xf32, #tpu.memory_space<vmem>>, vector<16xf32>,
        tpu.vector_store %arg10[%swap3A_388, %swap3A_389], %mul3A_387 {strides = array<i32>} : memref<80x64xf32, #tpu.memory_space<vmem>>, vector<16xf32>,
        %add3A_391 = arith.constant 6 : i32
        %add3A_392 = arith.addi %add3A_137, %add3A_391 : i32
        %get3A_393 = arith.index_cast %add3A_392 : i32 to index
        %get3A_394 = arith.constant 16 : index
        %get3A_395 = tpu.vector_load %arg10[%get3A_393, %get3A_394] {strides = array<i32>} : memref<80x64xf32, #tpu.memory_space<vmem>>, vector<16xf32>,
        %mul3A_396 = arith.mulf %get3A_395, %gather3A_381 : vector<16xf32>
        %swap3A_397 = arith.index_cast %add3A_392 : i32 to index
        %swap3A_398 = arith.constant 16 : index
        %swap3A_399 = tpu.vector_load %arg10[%swap3A_397, %swap3A_398] {strides = array<i32>} : memref<80x64xf32, #tpu.memory_space<vmem>>, vector<16xf32>,
        tpu.vector_store %arg10[%swap3A_397, %swap3A_398], %mul3A_396 {strides = array<i32>} : memref<80x64xf32, #tpu.memory_space<vmem>>, vector<16xf32>,
        %add3A_400 = arith.constant 6 : i32
        %add3A_401 = arith.addi %add3A_137, %add3A_400 : i32
        %get3A_402 = arith.index_cast %add3A_401 : i32 to index
        %get3A_403 = arith.constant 32 : index
        %get3A_404 = tpu.vector_load %arg10[%get3A_402, %get3A_403] {strides = array<i32>} : memref<80x64xf32, #tpu.memory_space<vmem>>, vector<16xf32>,
        %mul3A_405 = arith.mulf %get3A_404, %gather3A_381 : vector<16xf32>
        %swap3A_406 = arith.index_cast %add3A_401 : i32 to index
        %swap3A_407 = arith.constant 32 : index
        %swap3A_408 = tpu.vector_load %arg10[%swap3A_406, %swap3A_407] {strides = array<i32>} : memref<80x64xf32, #tpu.memory_space<vmem>>, vector<16xf32>,
        tpu.vector_store %arg10[%swap3A_406, %swap3A_407], %mul3A_405 {strides = array<i32>} : memref<80x64xf32, #tpu.memory_space<vmem>>, vector<16xf32>,
        %add3A_409 = arith.constant 6 : i32
        %add3A_410 = arith.addi %add3A_137, %add3A_409 : i32
        %get3A_411 = arith.index_cast %add3A_410 : i32 to index
        %get3A_412 = arith.constant 48 : index
        %get3A_413 = tpu.vector_load %arg10[%get3A_411, %get3A_412] {strides = array<i32>} : memref<80x64xf32, #tpu.memory_space<vmem>>, vector<16xf32>,
        %mul3A_414 = arith.mulf %get3A_413, %gather3A_381 : vector<16xf32>
        %swap3A_415 = arith.index_cast %add3A_410 : i32 to index
        %swap3A_416 = arith.constant 48 : index
        %swap3A_417 = tpu.vector_load %arg10[%swap3A_415, %swap3A_416] {strides = array<i32>} : memref<80x64xf32, #tpu.memory_space<vmem>>, vector<16xf32>,
        tpu.vector_store %arg10[%swap3A_415, %swap3A_416], %mul3A_414 {strides = array<i32>} : memref<80x64xf32, #tpu.memory_space<vmem>>, vector<16xf32>,
        %add3A_418 = arith.constant 7 : i32
        %add3A_419 = arith.addi %add3A_140, %add3A_418 : i32
        %broadcast_in_dim3A_420 = vector.broadcast %add3A_419 : i32 to vector<16xi32>
        %gather3A_421 = tpu.vector_load_idx %arg9[%broadcast_in_dim3A_420] : memref<10000xf32, #tpu.memory_space<vmem>>[vector<16xi32>], vector<16xf32>,
        %add3A_422 = arith.constant 7 : i32
        %add3A_423 = arith.addi %add3A_137, %add3A_422 : i32
        %get3A_424 = arith.index_cast %add3A_423 : i32 to index
        %get3A_425 = arith.constant 0 : index
        %get3A_426 = tpu.vector_load %arg10[%get3A_424, %get3A_425] {strides = array<i32>} : memref<80x64xf32, #tpu.memory_space<vmem>>, vector<16xf32>,
        %mul3A_427 = arith.mulf %get3A_426, %gather3A_421 : vector<16xf32>
        %swap3A_428 = arith.index_cast %add3A_423 : i32 to index
        %swap3A_429 = arith.constant 0 : index
        %swap3A_430 = tpu.vector_load %arg10[%swap3A_428, %swap3A_429] {strides = array<i32>} : memref<80x64xf32, #tpu.memory_space<vmem>>, vector<16xf32>,
        tpu.vector_store %arg10[%swap3A_428, %swap3A_429], %mul3A_427 {strides = array<i32>} : memref<80x64xf32, #tpu.memory_space<vmem>>, vector<16xf32>,
        %add3A_431 = arith.constant 7 : i32
        %add3A_432 = arith.addi %add3A_137, %add3A_431 : i32
        %get3A_433 = arith.index_cast %add3A_432 : i32 to index
        %get3A_434 = arith.constant 16 : index
        %get3A_435 = tpu.vector_load %arg10[%get3A_433, %get3A_434] {strides = array<i32>} : memref<80x64xf32, #tpu.memory_space<vmem>>, vector<16xf32>,
        %mul3A_436 = arith.mulf %get3A_435, %gather3A_421 : vector<16xf32>
        %swap3A_437 = arith.index_cast %add3A_432 : i32 to index
        %swap3A_438 = arith.constant 16 : index
        %swap3A_439 = tpu.vector_load %arg10[%swap3A_437, %swap3A_438] {strides = array<i32>} : memref<80x64xf32, #tpu.memory_space<vmem>>, vector<16xf32>,
        tpu.vector_store %arg10[%swap3A_437, %swap3A_438], %mul3A_436 {strides = array<i32>} : memref<80x64xf32, #tpu.memory_space<vmem>>, vector<16xf32>,
        %add3A_440 = arith.constant 7 : i32
        %add3A_441 = arith.addi %add3A_137, %add3A_440 : i32
        %get3A_442 = arith.index_cast %add3A_441 : i32 to index
        %get3A_443 = arith.constant 32 : index
        %get3A_444 = tpu.vector_load %arg10[%get3A_442, %get3A_443] {strides = array<i32>} : memref<80x64xf32, #tpu.memory_space<vmem>>, vector<16xf32>,
        %mul3A_445 = arith.mulf %get3A_444, %gather3A_421 : vector<16xf32>
        %swap3A_446 = arith.index_cast %add3A_441 : i32 to index
        %swap3A_447 = arith.constant 32 : index
        %swap3A_448 = tpu.vector_load %arg10[%swap3A_446, %swap3A_447] {strides = array<i32>} : memref<80x64xf32, #tpu.memory_space<vmem>>, vector<16xf32>,
        tpu.vector_store %arg10[%swap3A_446, %swap3A_447], %mul3A_445 {strides = array<i32>} : memref<80x64xf32, #tpu.memory_space<vmem>>, vector<16xf32>,
        %add3A_449 = arith.constant 7 : i32
        %add3A_450 = arith.addi %add3A_137, %add3A_449 : i32
        %get3A_451 = arith.index_cast %add3A_450 : i32 to index
        %get3A_452 = arith.constant 48 : index
        %get3A_453 = tpu.vector_load %arg10[%get3A_451, %get3A_452] {strides = array<i32>} : memref<80x64xf32, #tpu.memory_space<vmem>>, vector<16xf32>,
        %mul3A_454 = arith.mulf %get3A_453, %gather3A_421 : vector<16xf32>
        %swap3A_455 = arith.index_cast %add3A_450 : i32 to index
        %swap3A_456 = arith.constant 48 : index
        %swap3A_457 = tpu.vector_load %arg10[%swap3A_455, %swap3A_456] {strides = array<i32>} : memref<80x64xf32, #tpu.memory_space<vmem>>, vector<16xf32>,
        tpu.vector_store %arg10[%swap3A_455, %swap3A_456], %mul3A_454 {strides = array<i32>} : memref<80x64xf32, #tpu.memory_space<vmem>>, vector<16xf32>,
        %add3A_458 = arith.constant 8 : i32
        %add3A_459 = arith.addi %add3A_140, %add3A_458 : i32
        %broadcast_in_dim3A_460 = vector.broadcast %add3A_459 : i32 to vector<16xi32>
        %gather3A_461 = tpu.vector_load_idx %arg9[%broadcast_in_dim3A_460] : memref<10000xf32, #tpu.memory_space<vmem>>[vector<16xi32>], vector<16xf32>,
        %add3A_462 = arith.constant 8 : i32
        %add3A_463 = arith.addi %add3A_137, %add3A_462 : i32
        %get3A_464 = arith.index_cast %add3A_463 : i32 to index
        %get3A_465 = arith.constant 0 : index
        %get3A_466 = tpu.vector_load %arg10[%get3A_464, %get3A_465] {strides = array<i32>} : memref<80x64xf32, #tpu.memory_space<vmem>>, vector<16xf32>,
        %mul3A_467 = arith.mulf %get3A_466, %gather3A_461 : vector<16xf32>
        %swap3A_468 = arith.index_cast %add3A_463 : i32 to index
        %swap3A_469 = arith.constant 0 : index
        %swap3A_470 = tpu.vector_load %arg10[%swap3A_468, %swap3A_469] {strides = array<i32>} : memref<80x64xf32, #tpu.memory_space<vmem>>, vector<16xf32>,
        tpu.vector_store %arg10[%swap3A_468, %swap3A_469], %mul3A_467 {strides = array<i32>} : memref<80x64xf32, #tpu.memory_space<vmem>>, vector<16xf32>,
        %add3A_471 = arith.constant 8 : i32
        %add3A_472 = arith.addi %add3A_137, %add3A_471 : i32
        %get3A_473 = arith.index_cast %add3A_472 : i32 to index
        %get3A_474 = arith.constant 16 : index
        %get3A_475 = tpu.vector_load %arg10[%get3A_473, %get3A_474] {strides = array<i32>} : memref<80x64xf32, #tpu.memory_space<vmem>>, vector<16xf32>,
        %mul3A_476 = arith.mulf %get3A_475, %gather3A_461 : vector<16xf32>
        %swap3A_477 = arith.index_cast %add3A_472 : i32 to index
        %swap3A_478 = arith.constant 16 : index
        %swap3A_479 = tpu.vector_load %arg10[%swap3A_477, %swap3A_478] {strides = array<i32>} : memref<80x64xf32, #tpu.memory_space<vmem>>, vector<16xf32>,
        tpu.vector_store %arg10[%swap3A_477, %swap3A_478], %mul3A_476 {strides = array<i32>} : memref<80x64xf32, #tpu.memory_space<vmem>>, vector<16xf32>,
        %add3A_480 = arith.constant 8 : i32
        %add3A_481 = arith.addi %add3A_137, %add3A_480 : i32
        %get3A_482 = arith.index_cast %add3A_481 : i32 to index
        %get3A_483 = arith.constant 32 : index
        %get3A_484 = tpu.vector_load %arg10[%get3A_482, %get3A_483] {strides = array<i32>} : memref<80x64xf32, #tpu.memory_space<vmem>>, vector<16xf32>,
        %mul3A_485 = arith.mulf %get3A_484, %gather3A_461 : vector<16xf32>
        %swap3A_486 = arith.index_cast %add3A_481 : i32 to index
        %swap3A_487 = arith.constant 32 : index
        %swap3A_488 = tpu.vector_load %arg10[%swap3A_486, %swap3A_487] {strides = array<i32>} : memref<80x64xf32, #tpu.memory_space<vmem>>, vector<16xf32>,
        tpu.vector_store %arg10[%swap3A_486, %swap3A_487], %mul3A_485 {strides = array<i32>} : memref<80x64xf32, #tpu.memory_space<vmem>>, vector<16xf32>,
        %add3A_489 = arith.constant 8 : i32
        %add3A_490 = arith.addi %add3A_137, %add3A_489 : i32
        %get3A_491 = arith.index_cast %add3A_490 : i32 to index
        %get3A_492 = arith.constant 48 : index
        %get3A_493 = tpu.vector_load %arg10[%get3A_491, %get3A_492] {strides = array<i32>} : memref<80x64xf32, #tpu.memory_space<vmem>>, vector<16xf32>,
        %mul3A_494 = arith.mulf %get3A_493, %gather3A_461 : vector<16xf32>
        %swap3A_495 = arith.index_cast %add3A_490 : i32 to index
        %swap3A_496 = arith.constant 48 : index
        %swap3A_497 = tpu.vector_load %arg10[%swap3A_495, %swap3A_496] {strides = array<i32>} : memref<80x64xf32, #tpu.memory_space<vmem>>, vector<16xf32>,
        tpu.vector_store %arg10[%swap3A_495, %swap3A_496], %mul3A_494 {strides = array<i32>} : memref<80x64xf32, #tpu.memory_space<vmem>>, vector<16xf32>,
        %add3A_498 = arith.constant 9 : i32
        %add3A_499 = arith.addi %add3A_140, %add3A_498 : i32
        %broadcast_in_dim3A_500 = vector.broadcast %add3A_499 : i32 to vector<16xi32>
        %gather3A_501 = tpu.vector_load_idx %arg9[%broadcast_in_dim3A_500] : memref<10000xf32, #tpu.memory_space<vmem>>[vector<16xi32>], vector<16xf32>,
        %add3A_502 = arith.constant 9 : i32
        %add3A_503 = arith.addi %add3A_137, %add3A_502 : i32
        %get3A_504 = arith.index_cast %add3A_503 : i32 to index
        %get3A_505 = arith.constant 0 : index
        %get3A_506 = tpu.vector_load %arg10[%get3A_504, %get3A_505] {strides = array<i32>} : memref<80x64xf32, #tpu.memory_space<vmem>>, vector<16xf32>,
        %mul3A_507 = arith.mulf %get3A_506, %gather3A_501 : vector<16xf32>
        %swap3A_508 = arith.index_cast %add3A_503 : i32 to index
        %swap3A_509 = arith.constant 0 : index
        %swap3A_510 = tpu.vector_load %arg10[%swap3A_508, %swap3A_509] {strides = array<i32>} : memref<80x64xf32, #tpu.memory_space<vmem>>, vector<16xf32>,
        tpu.vector_store %arg10[%swap3A_508, %swap3A_509], %mul3A_507 {strides = array<i32>} : memref<80x64xf32, #tpu.memory_space<vmem>>, vector<16xf32>,
        %add3A_511 = arith.constant 9 : i32
        %add3A_512 = arith.addi %add3A_137, %add3A_511 : i32
        %get3A_513 = arith.index_cast %add3A_512 : i32 to index
        %get3A_514 = arith.constant 16 : index
        %get3A_515 = tpu.vector_load %arg10[%get3A_513, %get3A_514] {strides = array<i32>} : memref<80x64xf32, #tpu.memory_space<vmem>>, vector<16xf32>,
        %mul3A_516 = arith.mulf %get3A_515, %gather3A_501 : vector<16xf32>
        %swap3A_517 = arith.index_cast %add3A_512 : i32 to index
        %swap3A_518 = arith.constant 16 : index
        %swap3A_519 = tpu.vector_load %arg10[%swap3A_517, %swap3A_518] {strides = array<i32>} : memref<80x64xf32, #tpu.memory_space<vmem>>, vector<16xf32>,
        tpu.vector_store %arg10[%swap3A_517, %swap3A_518], %mul3A_516 {strides = array<i32>} : memref<80x64xf32, #tpu.memory_space<vmem>>, vector<16xf32>,
        %add3A_520 = arith.constant 9 : i32
        %add3A_521 = arith.addi %add3A_137, %add3A_520 : i32
        %get3A_522 = arith.index_cast %add3A_521 : i32 to index
        %get3A_523 = arith.constant 32 : index
        %get3A_524 = tpu.vector_load %arg10[%get3A_522, %get3A_523] {strides = array<i32>} : memref<80x64xf32, #tpu.memory_space<vmem>>, vector<16xf32>,
        %mul3A_525 = arith.mulf %get3A_524, %gather3A_501 : vector<16xf32>
        %swap3A_526 = arith.index_cast %add3A_521 : i32 to index
        %swap3A_527 = arith.constant 32 : index
        %swap3A_528 = tpu.vector_load %arg10[%swap3A_526, %swap3A_527] {strides = array<i32>} : memref<80x64xf32, #tpu.memory_space<vmem>>, vector<16xf32>,
        tpu.vector_store %arg10[%swap3A_526, %swap3A_527], %mul3A_525 {strides = array<i32>} : memref<80x64xf32, #tpu.memory_space<vmem>>, vector<16xf32>,
        %add3A_529 = arith.constant 9 : i32
        %add3A_530 = arith.addi %add3A_137, %add3A_529 : i32
        %get3A_531 = arith.index_cast %add3A_530 : i32 to index
        %get3A_532 = arith.constant 48 : index
        %get3A_533 = tpu.vector_load %arg10[%get3A_531, %get3A_532] {strides = array<i32>} : memref<80x64xf32, #tpu.memory_space<vmem>>, vector<16xf32>,
        %mul3A_534 = arith.mulf %get3A_533, %gather3A_501 : vector<16xf32>
        %swap3A_535 = arith.index_cast %add3A_530 : i32 to index
        %swap3A_536 = arith.constant 48 : index
        %swap3A_537 = tpu.vector_load %arg10[%swap3A_535, %swap3A_536] {strides = array<i32>} : memref<80x64xf32, #tpu.memory_space<vmem>>, vector<16xf32>,
        tpu.vector_store %arg10[%swap3A_535, %swap3A_536], %mul3A_534 {strides = array<i32>} : memref<80x64xf32, #tpu.memory_space<vmem>>, vector<16xf32>,
        %add3A_538 = arith.constant 10 : i32
        %add3A_539 = arith.addi %add3A_140, %add3A_538 : i32
        %broadcast_in_dim3A_540 = vector.broadcast %add3A_539 : i32 to vector<16xi32>
        %gather3A_541 = tpu.vector_load_idx %arg9[%broadcast_in_dim3A_540] : memref<10000xf32, #tpu.memory_space<vmem>>[vector<16xi32>], vector<16xf32>,
        %add3A_542 = arith.constant 10 : i32
        %add3A_543 = arith.addi %add3A_137, %add3A_542 : i32
        %get3A_544 = arith.index_cast %add3A_543 : i32 to index
        %get3A_545 = arith.constant 0 : index
        %get3A_546 = tpu.vector_load %arg10[%get3A_544, %get3A_545] {strides = array<i32>} : memref<80x64xf32, #tpu.memory_space<vmem>>, vector<16xf32>,
        %mul3A_547 = arith.mulf %get3A_546, %gather3A_541 : vector<16xf32>
        %swap3A_548 = arith.index_cast %add3A_543 : i32 to index
        %swap3A_549 = arith.constant 0 : index
        %swap3A_550 = tpu.vector_load %arg10[%swap3A_548, %swap3A_549] {strides = array<i32>} : memref<80x64xf32, #tpu.memory_space<vmem>>, vector<16xf32>,
        tpu.vector_store %arg10[%swap3A_548, %swap3A_549], %mul3A_547 {strides = array<i32>} : memref<80x64xf32, #tpu.memory_space<vmem>>, vector<16xf32>,
        %add3A_551 = arith.constant 10 : i32
        %add3A_552 = arith.addi %add3A_137, %add3A_551 : i32
        %get3A_553 = arith.index_cast %add3A_552 : i32 to index
        %get3A_554 = arith.constant 16 : index
        %get3A_555 = tpu.vector_load %arg10[%get3A_553, %get3A_554] {strides = array<i32>} : memref<80x64xf32, #tpu.memory_space<vmem>>, vector<16xf32>,
        %mul3A_556 = arith.mulf %get3A_555, %gather3A_541 : vector<16xf32>
        %swap3A_557 = arith.index_cast %add3A_552 : i32 to index
        %swap3A_558 = arith.constant 16 : index
        %swap3A_559 = tpu.vector_load %arg10[%swap3A_557, %swap3A_558] {strides = array<i32>} : memref<80x64xf32, #tpu.memory_space<vmem>>, vector<16xf32>,
        tpu.vector_store %arg10[%swap3A_557, %swap3A_558], %mul3A_556 {strides = array<i32>} : memref<80x64xf32, #tpu.memory_space<vmem>>, vector<16xf32>,
        %add3A_560 = arith.constant 10 : i32
        %add3A_561 = arith.addi %add3A_137, %add3A_560 : i32
        %get3A_562 = arith.index_cast %add3A_561 : i32 to index
        %get3A_563 = arith.constant 32 : index
        %get3A_564 = tpu.vector_load %arg10[%get3A_562, %get3A_563] {strides = array<i32>} : memref<80x64xf32, #tpu.memory_space<vmem>>, vector<16xf32>,
        %mul3A_565 = arith.mulf %get3A_564, %gather3A_541 : vector<16xf32>
        %swap3A_566 = arith.index_cast %add3A_561 : i32 to index
        %swap3A_567 = arith.constant 32 : index
        %swap3A_568 = tpu.vector_load %arg10[%swap3A_566, %swap3A_567] {strides = array<i32>} : memref<80x64xf32, #tpu.memory_space<vmem>>, vector<16xf32>,
        tpu.vector_store %arg10[%swap3A_566, %swap3A_567], %mul3A_565 {strides = array<i32>} : memref<80x64xf32, #tpu.memory_space<vmem>>, vector<16xf32>,
        %add3A_569 = arith.constant 10 : i32
        %add3A_570 = arith.addi %add3A_137, %add3A_569 : i32
        %get3A_571 = arith.index_cast %add3A_570 : i32 to index
        %get3A_572 = arith.constant 48 : index
        %get3A_573 = tpu.vector_load %arg10[%get3A_571, %get3A_572] {strides = array<i32>} : memref<80x64xf32, #tpu.memory_space<vmem>>, vector<16xf32>,
        %mul3A_574 = arith.mulf %get3A_573, %gather3A_541 : vector<16xf32>
        %swap3A_575 = arith.index_cast %add3A_570 : i32 to index
        %swap3A_576 = arith.constant 48 : index
        %swap3A_577 = tpu.vector_load %arg10[%swap3A_575, %swap3A_576] {strides = array<i32>} : memref<80x64xf32, #tpu.memory_space<vmem>>, vector<16xf32>,
        tpu.vector_store %arg10[%swap3A_575, %swap3A_576], %mul3A_574 {strides = array<i32>} : memref<80x64xf32, #tpu.memory_space<vmem>>, vector<16xf32>,
        %add3A_578 = arith.constant 11 : i32
        %add3A_579 = arith.addi %add3A_140, %add3A_578 : i32
        %broadcast_in_dim3A_580 = vector.broadcast %add3A_579 : i32 to vector<16xi32>
        %gather3A_581 = tpu.vector_load_idx %arg9[%broadcast_in_dim3A_580] : memref<10000xf32, #tpu.memory_space<vmem>>[vector<16xi32>], vector<16xf32>,
        %add3A_582 = arith.constant 11 : i32
        %add3A_583 = arith.addi %add3A_137, %add3A_582 : i32
        %get3A_584 = arith.index_cast %add3A_583 : i32 to index
        %get3A_585 = arith.constant 0 : index
        %get3A_586 = tpu.vector_load %arg10[%get3A_584, %get3A_585] {strides = array<i32>} : memref<80x64xf32, #tpu.memory_space<vmem>>, vector<16xf32>,
        %mul3A_587 = arith.mulf %get3A_586, %gather3A_581 : vector<16xf32>
        %swap3A_588 = arith.index_cast %add3A_583 : i32 to index
        %swap3A_589 = arith.constant 0 : index
        %swap3A_590 = tpu.vector_load %arg10[%swap3A_588, %swap3A_589] {strides = array<i32>} : memref<80x64xf32, #tpu.memory_space<vmem>>, vector<16xf32>,
        tpu.vector_store %arg10[%swap3A_588, %swap3A_589], %mul3A_587 {strides = array<i32>} : memref<80x64xf32, #tpu.memory_space<vmem>>, vector<16xf32>,
        %add3A_591 = arith.constant 11 : i32
        %add3A_592 = arith.addi %add3A_137, %add3A_591 : i32
        %get3A_593 = arith.index_cast %add3A_592 : i32 to index
        %get3A_594 = arith.constant 16 : index
        %get3A_595 = tpu.vector_load %arg10[%get3A_593, %get3A_594] {strides = array<i32>} : memref<80x64xf32, #tpu.memory_space<vmem>>, vector<16xf32>,
        %mul3A_596 = arith.mulf %get3A_595, %gather3A_581 : vector<16xf32>
        %swap3A_597 = arith.index_cast %add3A_592 : i32 to index
        %swap3A_598 = arith.constant 16 : index
        %swap3A_599 = tpu.vector_load %arg10[%swap3A_597, %swap3A_598] {strides = array<i32>} : memref<80x64xf32, #tpu.memory_space<vmem>>, vector<16xf32>,
        tpu.vector_store %arg10[%swap3A_597, %swap3A_598], %mul3A_596 {strides = array<i32>} : memref<80x64xf32, #tpu.memory_space<vmem>>, vector<16xf32>,
        %add3A_600 = arith.constant 11 : i32
        %add3A_601 = arith.addi %add3A_137, %add3A_600 : i32
        %get3A_602 = arith.index_cast %add3A_601 : i32 to index
        %get3A_603 = arith.constant 32 : index
        %get3A_604 = tpu.vector_load %arg10[%get3A_602, %get3A_603] {strides = array<i32>} : memref<80x64xf32, #tpu.memory_space<vmem>>, vector<16xf32>,
        %mul3A_605 = arith.mulf %get3A_604, %gather3A_581 : vector<16xf32>
        %swap3A_606 = arith.index_cast %add3A_601 : i32 to index
        %swap3A_607 = arith.constant 32 : index
        %swap3A_608 = tpu.vector_load %arg10[%swap3A_606, %swap3A_607] {strides = array<i32>} : memref<80x64xf32, #tpu.memory_space<vmem>>, vector<16xf32>,
        tpu.vector_store %arg10[%swap3A_606, %swap3A_607], %mul3A_605 {strides = array<i32>} : memref<80x64xf32, #tpu.memory_space<vmem>>, vector<16xf32>,
        %add3A_609 = arith.constant 11 : i32
        %add3A_610 = arith.addi %add3A_137, %add3A_609 : i32
        %get3A_611 = arith.index_cast %add3A_610 : i32 to index
        %get3A_612 = arith.constant 48 : index
        %get3A_613 = tpu.vector_load %arg10[%get3A_611, %get3A_612] {strides = array<i32>} : memref<80x64xf32, #tpu.memory_space<vmem>>, vector<16xf32>,
        %mul3A_614 = arith.mulf %get3A_613, %gather3A_581 : vector<16xf32>
        %swap3A_615 = arith.index_cast %add3A_610 : i32 to index
        %swap3A_616 = arith.constant 48 : index
        %swap3A_617 = tpu.vector_load %arg10[%swap3A_615, %swap3A_616] {strides = array<i32>} : memref<80x64xf32, #tpu.memory_space<vmem>>, vector<16xf32>,
        tpu.vector_store %arg10[%swap3A_615, %swap3A_616], %mul3A_614 {strides = array<i32>} : memref<80x64xf32, #tpu.memory_space<vmem>>, vector<16xf32>,
        %add3A_618 = arith.constant 12 : i32
        %add3A_619 = arith.addi %add3A_140, %add3A_618 : i32
        %broadcast_in_dim3A_620 = vector.broadcast %add3A_619 : i32 to vector<16xi32>
        %gather3A_621 = tpu.vector_load_idx %arg9[%broadcast_in_dim3A_620] : memref<10000xf32, #tpu.memory_space<vmem>>[vector<16xi32>], vector<16xf32>,
        %add3A_622 = arith.constant 12 : i32
        %add3A_623 = arith.addi %add3A_137, %add3A_622 : i32
        %get3A_624 = arith.index_cast %add3A_623 : i32 to index
        %get3A_625 = arith.constant 0 : index
        %get3A_626 = tpu.vector_load %arg10[%get3A_624, %get3A_625] {strides = array<i32>} : memref<80x64xf32, #tpu.memory_space<vmem>>, vector<16xf32>,
        %mul3A_627 = arith.mulf %get3A_626, %gather3A_621 : vector<16xf32>
        %swap3A_628 = arith.index_cast %add3A_623 : i32 to index
        %swap3A_629 = arith.constant 0 : index
        %swap3A_630 = tpu.vector_load %arg10[%swap3A_628, %swap3A_629] {strides = array<i32>} : memref<80x64xf32, #tpu.memory_space<vmem>>, vector<16xf32>,
        tpu.vector_store %arg10[%swap3A_628, %swap3A_629], %mul3A_627 {strides = array<i32>} : memref<80x64xf32, #tpu.memory_space<vmem>>, vector<16xf32>,
        %add3A_631 = arith.constant 12 : i32
        %add3A_632 = arith.addi %add3A_137, %add3A_631 : i32
        %get3A_633 = arith.index_cast %add3A_632 : i32 to index
        %get3A_634 = arith.constant 16 : index
        %get3A_635 = tpu.vector_load %arg10[%get3A_633, %get3A_634] {strides = array<i32>} : memref<80x64xf32, #tpu.memory_space<vmem>>, vector<16xf32>,
        %mul3A_636 = arith.mulf %get3A_635, %gather3A_621 : vector<16xf32>
        %swap3A_637 = arith.index_cast %add3A_632 : i32 to index
        %swap3A_638 = arith.constant 16 : index
        %swap3A_639 = tpu.vector_load %arg10[%swap3A_637, %swap3A_638] {strides = array<i32>} : memref<80x64xf32, #tpu.memory_space<vmem>>, vector<16xf32>,
        tpu.vector_store %arg10[%swap3A_637, %swap3A_638], %mul3A_636 {strides = array<i32>} : memref<80x64xf32, #tpu.memory_space<vmem>>, vector<16xf32>,
        %add3A_640 = arith.constant 12 : i32
        %add3A_641 = arith.addi %add3A_137, %add3A_640 : i32
        %get3A_642 = arith.index_cast %add3A_641 : i32 to index
        %get3A_643 = arith.constant 32 : index
        %get3A_644 = tpu.vector_load %arg10[%get3A_642, %get3A_643] {strides = array<i32>} : memref<80x64xf32, #tpu.memory_space<vmem>>, vector<16xf32>,
        %mul3A_645 = arith.mulf %get3A_644, %gather3A_621 : vector<16xf32>
        %swap3A_646 = arith.index_cast %add3A_641 : i32 to index
        %swap3A_647 = arith.constant 32 : index
        %swap3A_648 = tpu.vector_load %arg10[%swap3A_646, %swap3A_647] {strides = array<i32>} : memref<80x64xf32, #tpu.memory_space<vmem>>, vector<16xf32>,
        tpu.vector_store %arg10[%swap3A_646, %swap3A_647], %mul3A_645 {strides = array<i32>} : memref<80x64xf32, #tpu.memory_space<vmem>>, vector<16xf32>,
        %add3A_649 = arith.constant 12 : i32
        %add3A_650 = arith.addi %add3A_137, %add3A_649 : i32
        %get3A_651 = arith.index_cast %add3A_650 : i32 to index
        %get3A_652 = arith.constant 48 : index
        %get3A_653 = tpu.vector_load %arg10[%get3A_651, %get3A_652] {strides = array<i32>} : memref<80x64xf32, #tpu.memory_space<vmem>>, vector<16xf32>,
        %mul3A_654 = arith.mulf %get3A_653, %gather3A_621 : vector<16xf32>
        %swap3A_655 = arith.index_cast %add3A_650 : i32 to index
        %swap3A_656 = arith.constant 48 : index
        %swap3A_657 = tpu.vector_load %arg10[%swap3A_655, %swap3A_656] {strides = array<i32>} : memref<80x64xf32, #tpu.memory_space<vmem>>, vector<16xf32>,
        tpu.vector_store %arg10[%swap3A_655, %swap3A_656], %mul3A_654 {strides = array<i32>} : memref<80x64xf32, #tpu.memory_space<vmem>>, vector<16xf32>,
        %add3A_658 = arith.constant 13 : i32
        %add3A_659 = arith.addi %add3A_140, %add3A_658 : i32
        %broadcast_in_dim3A_660 = vector.broadcast %add3A_659 : i32 to vector<16xi32>
        %gather3A_661 = tpu.vector_load_idx %arg9[%broadcast_in_dim3A_660] : memref<10000xf32, #tpu.memory_space<vmem>>[vector<16xi32>], vector<16xf32>,
        %add3A_662 = arith.constant 13 : i32
        %add3A_663 = arith.addi %add3A_137, %add3A_662 : i32
        %get3A_664 = arith.index_cast %add3A_663 : i32 to index
        %get3A_665 = arith.constant 0 : index
        %get3A_666 = tpu.vector_load %arg10[%get3A_664, %get3A_665] {strides = array<i32>} : memref<80x64xf32, #tpu.memory_space<vmem>>, vector<16xf32>,
        %mul3A_667 = arith.mulf %get3A_666, %gather3A_661 : vector<16xf32>
        %swap3A_668 = arith.index_cast %add3A_663 : i32 to index
        %swap3A_669 = arith.constant 0 : index
        %swap3A_670 = tpu.vector_load %arg10[%swap3A_668, %swap3A_669] {strides = array<i32>} : memref<80x64xf32, #tpu.memory_space<vmem>>, vector<16xf32>,
        tpu.vector_store %arg10[%swap3A_668, %swap3A_669], %mul3A_667 {strides = array<i32>} : memref<80x64xf32, #tpu.memory_space<vmem>>, vector<16xf32>,
        %add3A_671 = arith.constant 13 : i32
        %add3A_672 = arith.addi %add3A_137, %add3A_671 : i32
        %get3A_673 = arith.index_cast %add3A_672 : i32 to index
        %get3A_674 = arith.constant 16 : index
        %get3A_675 = tpu.vector_load %arg10[%get3A_673, %get3A_674] {strides = array<i32>} : memref<80x64xf32, #tpu.memory_space<vmem>>, vector<16xf32>,
        %mul3A_676 = arith.mulf %get3A_675, %gather3A_661 : vector<16xf32>
        %swap3A_677 = arith.index_cast %add3A_672 : i32 to index
        %swap3A_678 = arith.constant 16 : index
        %swap3A_679 = tpu.vector_load %arg10[%swap3A_677, %swap3A_678] {strides = array<i32>} : memref<80x64xf32, #tpu.memory_space<vmem>>, vector<16xf32>,
        tpu.vector_store %arg10[%swap3A_677, %swap3A_678], %mul3A_676 {strides = array<i32>} : memref<80x64xf32, #tpu.memory_space<vmem>>, vector<16xf32>,
        %add3A_680 = arith.constant 13 : i32
        %add3A_681 = arith.addi %add3A_137, %add3A_680 : i32
        %get3A_682 = arith.index_cast %add3A_681 : i32 to index
        %get3A_683 = arith.constant 32 : index
        %get3A_684 = tpu.vector_load %arg10[%get3A_682, %get3A_683] {strides = array<i32>} : memref<80x64xf32, #tpu.memory_space<vmem>>, vector<16xf32>,
        %mul3A_685 = arith.mulf %get3A_684, %gather3A_661 : vector<16xf32>
        %swap3A_686 = arith.index_cast %add3A_681 : i32 to index
        %swap3A_687 = arith.constant 32 : index
        %swap3A_688 = tpu.vector_load %arg10[%swap3A_686, %swap3A_687] {strides = array<i32>} : memref<80x64xf32, #tpu.memory_space<vmem>>, vector<16xf32>,
        tpu.vector_store %arg10[%swap3A_686, %swap3A_687], %mul3A_685 {strides = array<i32>} : memref<80x64xf32, #tpu.memory_space<vmem>>, vector<16xf32>,
        %add3A_689 = arith.constant 13 : i32
        %add3A_690 = arith.addi %add3A_137, %add3A_689 : i32
        %get3A_691 = arith.index_cast %add3A_690 : i32 to index
        %get3A_692 = arith.constant 48 : index
        %get3A_693 = tpu.vector_load %arg10[%get3A_691, %get3A_692] {strides = array<i32>} : memref<80x64xf32, #tpu.memory_space<vmem>>, vector<16xf32>,
        %mul3A_694 = arith.mulf %get3A_693, %gather3A_661 : vector<16xf32>
        %swap3A_695 = arith.index_cast %add3A_690 : i32 to index
        %swap3A_696 = arith.constant 48 : index
        %swap3A_697 = tpu.vector_load %arg10[%swap3A_695, %swap3A_696] {strides = array<i32>} : memref<80x64xf32, #tpu.memory_space<vmem>>, vector<16xf32>,
        tpu.vector_store %arg10[%swap3A_695, %swap3A_696], %mul3A_694 {strides = array<i32>} : memref<80x64xf32, #tpu.memory_space<vmem>>, vector<16xf32>,
        %add3A_698 = arith.constant 14 : i32
        %add3A_699 = arith.addi %add3A_140, %add3A_698 : i32
        %broadcast_in_dim3A_700 = vector.broadcast %add3A_699 : i32 to vector<16xi32>
        %gather3A_701 = tpu.vector_load_idx %arg9[%broadcast_in_dim3A_700] : memref<10000xf32, #tpu.memory_space<vmem>>[vector<16xi32>], vector<16xf32>,
        %add3A_702 = arith.constant 14 : i32
        %add3A_703 = arith.addi %add3A_137, %add3A_702 : i32
        %get3A_704 = arith.index_cast %add3A_703 : i32 to index
        %get3A_705 = arith.constant 0 : index
        %get3A_706 = tpu.vector_load %arg10[%get3A_704, %get3A_705] {strides = array<i32>} : memref<80x64xf32, #tpu.memory_space<vmem>>, vector<16xf32>,
        %mul3A_707 = arith.mulf %get3A_706, %gather3A_701 : vector<16xf32>
        %swap3A_708 = arith.index_cast %add3A_703 : i32 to index
        %swap3A_709 = arith.constant 0 : index
        %swap3A_710 = tpu.vector_load %arg10[%swap3A_708, %swap3A_709] {strides = array<i32>} : memref<80x64xf32, #tpu.memory_space<vmem>>, vector<16xf32>,
        tpu.vector_store %arg10[%swap3A_708, %swap3A_709], %mul3A_707 {strides = array<i32>} : memref<80x64xf32, #tpu.memory_space<vmem>>, vector<16xf32>,
        %add3A_711 = arith.constant 14 : i32
        %add3A_712 = arith.addi %add3A_137, %add3A_711 : i32
        %get3A_713 = arith.index_cast %add3A_712 : i32 to index
        %get3A_714 = arith.constant 16 : index
        %get3A_715 = tpu.vector_load %arg10[%get3A_713, %get3A_714] {strides = array<i32>} : memref<80x64xf32, #tpu.memory_space<vmem>>, vector<16xf32>,
        %mul3A_716 = arith.mulf %get3A_715, %gather3A_701 : vector<16xf32>
        %swap3A_717 = arith.index_cast %add3A_712 : i32 to index
        %swap3A_718 = arith.constant 16 : index
        %swap3A_719 = tpu.vector_load %arg10[%swap3A_717, %swap3A_718] {strides = array<i32>} : memref<80x64xf32, #tpu.memory_space<vmem>>, vector<16xf32>,
        tpu.vector_store %arg10[%swap3A_717, %swap3A_718], %mul3A_716 {strides = array<i32>} : memref<80x64xf32, #tpu.memory_space<vmem>>, vector<16xf32>,
        %add3A_720 = arith.constant 14 : i32
        %add3A_721 = arith.addi %add3A_137, %add3A_720 : i32
        %get3A_722 = arith.index_cast %add3A_721 : i32 to index
        %get3A_723 = arith.constant 32 : index
        %get3A_724 = tpu.vector_load %arg10[%get3A_722, %get3A_723] {strides = array<i32>} : memref<80x64xf32, #tpu.memory_space<vmem>>, vector<16xf32>,
        %mul3A_725 = arith.mulf %get3A_724, %gather3A_701 : vector<16xf32>
        %swap3A_726 = arith.index_cast %add3A_721 : i32 to index
        %swap3A_727 = arith.constant 32 : index
        %swap3A_728 = tpu.vector_load %arg10[%swap3A_726, %swap3A_727] {strides = array<i32>} : memref<80x64xf32, #tpu.memory_space<vmem>>, vector<16xf32>,
        tpu.vector_store %arg10[%swap3A_726, %swap3A_727], %mul3A_725 {strides = array<i32>} : memref<80x64xf32, #tpu.memory_space<vmem>>, vector<16xf32>,
        %add3A_729 = arith.constant 14 : i32
        %add3A_730 = arith.addi %add3A_137, %add3A_729 : i32
        %get3A_731 = arith.index_cast %add3A_730 : i32 to index
        %get3A_732 = arith.constant 48 : index
        %get3A_733 = tpu.vector_load %arg10[%get3A_731, %get3A_732] {strides = array<i32>} : memref<80x64xf32, #tpu.memory_space<vmem>>, vector<16xf32>,
        %mul3A_734 = arith.mulf %get3A_733, %gather3A_701 : vector<16xf32>
        %swap3A_735 = arith.index_cast %add3A_730 : i32 to index
        %swap3A_736 = arith.constant 48 : index
        %swap3A_737 = tpu.vector_load %arg10[%swap3A_735, %swap3A_736] {strides = array<i32>} : memref<80x64xf32, #tpu.memory_space<vmem>>, vector<16xf32>,
        tpu.vector_store %arg10[%swap3A_735, %swap3A_736], %mul3A_734 {strides = array<i32>} : memref<80x64xf32, #tpu.memory_space<vmem>>, vector<16xf32>,
        %add3A_738 = arith.constant 15 : i32
        %add3A_739 = arith.addi %add3A_140, %add3A_738 : i32
        %broadcast_in_dim3A_740 = vector.broadcast %add3A_739 : i32 to vector<16xi32>
        %gather3A_741 = tpu.vector_load_idx %arg9[%broadcast_in_dim3A_740] : memref<10000xf32, #tpu.memory_space<vmem>>[vector<16xi32>], vector<16xf32>,
        %add3A_742 = arith.constant 15 : i32
        %add3A_743 = arith.addi %add3A_137, %add3A_742 : i32
        %get3A_744 = arith.index_cast %add3A_743 : i32 to index
        %get3A_745 = arith.constant 0 : index
        %get3A_746 = tpu.vector_load %arg10[%get3A_744, %get3A_745] {strides = array<i32>} : memref<80x64xf32, #tpu.memory_space<vmem>>, vector<16xf32>,
        %mul3A_747 = arith.mulf %get3A_746, %gather3A_741 : vector<16xf32>
        %swap3A_748 = arith.index_cast %add3A_743 : i32 to index
        %swap3A_749 = arith.constant 0 : index
        %swap3A_750 = tpu.vector_load %arg10[%swap3A_748, %swap3A_749] {strides = array<i32>} : memref<80x64xf32, #tpu.memory_space<vmem>>, vector<16xf32>,
        tpu.vector_store %arg10[%swap3A_748, %swap3A_749], %mul3A_747 {strides = array<i32>} : memref<80x64xf32, #tpu.memory_space<vmem>>, vector<16xf32>,
        %add3A_751 = arith.constant 15 : i32
        %add3A_752 = arith.addi %add3A_137, %add3A_751 : i32
        %get3A_753 = arith.index_cast %add3A_752 : i32 to index
        %get3A_754 = arith.constant 16 : index
        %get3A_755 = tpu.vector_load %arg10[%get3A_753, %get3A_754] {strides = array<i32>} : memref<80x64xf32, #tpu.memory_space<vmem>>, vector<16xf32>,
        %mul3A_756 = arith.mulf %get3A_755, %gather3A_741 : vector<16xf32>
        %swap3A_757 = arith.index_cast %add3A_752 : i32 to index
        %swap3A_758 = arith.constant 16 : index
        %swap3A_759 = tpu.vector_load %arg10[%swap3A_757, %swap3A_758] {strides = array<i32>} : memref<80x64xf32, #tpu.memory_space<vmem>>, vector<16xf32>,
        tpu.vector_store %arg10[%swap3A_757, %swap3A_758], %mul3A_756 {strides = array<i32>} : memref<80x64xf32, #tpu.memory_space<vmem>>, vector<16xf32>,
        %add3A_760 = arith.constant 15 : i32
        %add3A_761 = arith.addi %add3A_137, %add3A_760 : i32
        %get3A_762 = arith.index_cast %add3A_761 : i32 to index
        %get3A_763 = arith.constant 32 : index
        %get3A_764 = tpu.vector_load %arg10[%get3A_762, %get3A_763] {strides = array<i32>} : memref<80x64xf32, #tpu.memory_space<vmem>>, vector<16xf32>,
        %mul3A_765 = arith.mulf %get3A_764, %gather3A_741 : vector<16xf32>
        %swap3A_766 = arith.index_cast %add3A_761 : i32 to index
        %swap3A_767 = arith.constant 32 : index
        %swap3A_768 = tpu.vector_load %arg10[%swap3A_766, %swap3A_767] {strides = array<i32>} : memref<80x64xf32, #tpu.memory_space<vmem>>, vector<16xf32>,
        tpu.vector_store %arg10[%swap3A_766, %swap3A_767], %mul3A_765 {strides = array<i32>} : memref<80x64xf32, #tpu.memory_space<vmem>>, vector<16xf32>,
        %add3A_769 = arith.constant 15 : i32
        %add3A_770 = arith.addi %add3A_137, %add3A_769 : i32
        %get3A_771 = arith.index_cast %add3A_770 : i32 to index
        %get3A_772 = arith.constant 48 : index
        %get3A_773 = tpu.vector_load %arg10[%get3A_771, %get3A_772] {strides = array<i32>} : memref<80x64xf32, #tpu.memory_space<vmem>>, vector<16xf32>,
        %mul3A_774 = arith.mulf %get3A_773, %gather3A_741 : vector<16xf32>
        %swap3A_775 = arith.index_cast %add3A_770 : i32 to index
        %swap3A_776 = arith.constant 48 : index
        %swap3A_777 = tpu.vector_load %arg10[%swap3A_775, %swap3A_776] {strides = array<i32>} : memref<80x64xf32, #tpu.memory_space<vmem>>, vector<16xf32>,
        tpu.vector_store %arg10[%swap3A_775, %swap3A_776], %mul3A_774 {strides = array<i32>} : memref<80x64xf32, #tpu.memory_space<vmem>>, vector<16xf32>,
      }
      %scan3A_78 = arith.constant 5 : i32
      %dma_start3A_79 = arith.constant 0 : i32
      %dma_start3A_80 = tpu.memref_slice %arg8[%add3A_67, %dma_start3A_79] : memref<125x80xi32, #tpu.memory_space<vmem>> -> memref<1x80xi32, #tpu.memory_space<vmem>>
      %dma_start3A_81 = tpu.memref_squeeze %dma_start3A_80 : memref<1x80xi32, #tpu.memory_space<vmem>> -> memref<80xi32, #tpu.memory_space<vmem>>
      %dma_start3A_82 = arith.constant 0 : i32
      %dma_start3A_83 = arith.constant 0 : i32
      %dma_start3A_84 = tpu.memref_slice %arg12[%dma_start3A_82, %dma_start3A_83] : memref<10112x64xf32, #tpu.memory_space<vmem_shared>> -> memref<10112x64xf32, #tpu.memory_space<vmem_shared>>
      tpu.enqueue_indirect_dma source(%arg10 : memref<80x64xf32, #tpu.memory_space<vmem>>) target(%dma_start3A_84 : memref<10112x64xf32, #tpu.memory_space<vmem_shared>>) offsets(%dma_start3A_81 : memref<80xi32, #tpu.memory_space<vmem>>) semaphore(%arg16 : memref<!tpu.dma_semaphore, #tpu.memory_space<semaphore_mem>>) {add = true}
      %add3A_85 = arith.constant 1 : i32
      %add3A_86 = arith.addi %add3A_67, %add3A_85 : i32
      %dma_wait3A_87 = arith.constant 0 : i32
      %dma_wait3A_88 = tpu.memref_slice %arg7[%add3A_86, %dma_wait3A_87] : memref<125x80xi32, #tpu.memory_space<vmem>> -> memref<1x80xi32, #tpu.memory_space<vmem>>
      %dma_wait3A_89 = tpu.memref_squeeze %dma_wait3A_88 : memref<1x80xi32, #tpu.memory_space<vmem>> -> memref<80xi32, #tpu.memory_space<vmem>>
      %dma_wait3A_90 = arith.constant 0 : i32
      %dma_wait3A_91 = arith.constant 0 : i32
      %dma_wait3A_92 = tpu.memref_slice %arg13[%dma_wait3A_90, %dma_wait3A_91] : memref<10112x64xf32, #tpu.memory_space<vmem_shared>> -> memref<10112x64xf32, #tpu.memory_space<vmem_shared>>
      tpu.wait_indirect_dma semaphore(%arg15 : memref<!tpu.dma_semaphore, #tpu.memory_space<semaphore_mem>>) src(%dma_wait3A_92 : memref<10112x64xf32, #tpu.memory_space<vmem_shared>>) dst(%arg11 : memref<80x64xf32, #tpu.memory_space<vmem>>)
      %add3A_93 = arith.constant 1 : i32
      %add3A_94 = arith.addi %add3A_67, %add3A_93 : i32
      %scan3A_95 = arith.constant 0 : i32
      %scan3A_96 = arith.constant 5 : i32
      %scan3A_97 = arith.addi %scan3A_95, %scan3A_96 : i32
      %scan3A_98 = arith.constant 1 : i32
      scf.for %scan3A_133 = %scan3A_95 to %scan3A_97 step %scan3A_98  : i32 {
        %mul3A_134 = arith.constant 16 : i32
        %mul3A_135 = arith.muli %scan3A_133, %mul3A_134 : i32
        %add3A_136 = arith.constant 0 : i32
        %add3A_137 = arith.addi %add3A_136, %mul3A_135 : i32
        %mul3A_138 = arith.constant 80 : i32
        %mul3A_139 = arith.muli %add3A_94, %mul3A_138 : i32
        %add3A_140 = arith.addi %mul3A_139, %add3A_137 : i32
        %add3A_141 = arith.constant 0 : i32
        %add3A_142 = arith.addi %add3A_140, %add3A_141 : i32
        %broadcast_in_dim3A_143 = vector.broadcast %add3A_142 : i32 to vector<16xi32>
        %gather3A = tpu.vector_load_idx %arg9[%broadcast_in_dim3A_143] : memref<10000xf32, #tpu.memory_space<vmem>>[vector<16xi32>], vector<16xf32>,
        %add3A_144 = arith.constant 0 : i32
        %add3A_145 = arith.addi %add3A_137, %add3A_144 : i32
        %get3A = arith.index_cast %add3A_145 : i32 to index
        %get3A_146 = arith.constant 0 : index
        %get3A_147 = tpu.vector_load %arg11[%get3A, %get3A_146] {strides = array<i32>} : memref<80x64xf32, #tpu.memory_space<vmem>>, vector<16xf32>,
        %mul3A_148 = arith.mulf %get3A_147, %gather3A : vector<16xf32>
        %swap3A = arith.index_cast %add3A_145 : i32 to index
        %swap3A_149 = arith.constant 0 : index
        %swap3A_150 = tpu.vector_load %arg11[%swap3A, %swap3A_149] {strides = array<i32>} : memref<80x64xf32, #tpu.memory_space<vmem>>, vector<16xf32>,
        tpu.vector_store %arg11[%swap3A, %swap3A_149], %mul3A_148 {strides = array<i32>} : memref<80x64xf32, #tpu.memory_space<vmem>>, vector<16xf32>,
        %add3A_151 = arith.constant 0 : i32
        %add3A_152 = arith.addi %add3A_137, %add3A_151 : i32
        %get3A_153 = arith.index_cast %add3A_152 : i32 to index
        %get3A_154 = arith.constant 16 : index
        %get3A_155 = tpu.vector_load %arg11[%get3A_153, %get3A_154] {strides = array<i32>} : memref<80x64xf32, #tpu.memory_space<vmem>>, vector<16xf32>,
        %mul3A_156 = arith.mulf %get3A_155, %gather3A : vector<16xf32>
        %swap3A_157 = arith.index_cast %add3A_152 : i32 to index
        %swap3A_158 = arith.constant 16 : index
        %swap3A_159 = tpu.vector_load %arg11[%swap3A_157, %swap3A_158] {strides = array<i32>} : memref<80x64xf32, #tpu.memory_space<vmem>>, vector<16xf32>,
        tpu.vector_store %arg11[%swap3A_157, %swap3A_158], %mul3A_156 {strides = array<i32>} : memref<80x64xf32, #tpu.memory_space<vmem>>, vector<16xf32>,
        %add3A_160 = arith.constant 0 : i32
        %add3A_161 = arith.addi %add3A_137, %add3A_160 : i32
        %get3A_162 = arith.index_cast %add3A_161 : i32 to index
        %get3A_163 = arith.constant 32 : index
        %get3A_164 = tpu.vector_load %arg11[%get3A_162, %get3A_163] {strides = array<i32>} : memref<80x64xf32, #tpu.memory_space<vmem>>, vector<16xf32>,
        %mul3A_165 = arith.mulf %get3A_164, %gather3A : vector<16xf32>
        %swap3A_166 = arith.index_cast %add3A_161 : i32 to index
        %swap3A_167 = arith.constant 32 : index
        %swap3A_168 = tpu.vector_load %arg11[%swap3A_166, %swap3A_167] {strides = array<i32>} : memref<80x64xf32, #tpu.memory_space<vmem>>, vector<16xf32>,
        tpu.vector_store %arg11[%swap3A_166, %swap3A_167], %mul3A_165 {strides = array<i32>} : memref<80x64xf32, #tpu.memory_space<vmem>>, vector<16xf32>,
        %add3A_169 = arith.constant 0 : i32
        %add3A_170 = arith.addi %add3A_137, %add3A_169 : i32
        %get3A_171 = arith.index_cast %add3A_170 : i32 to index
        %get3A_172 = arith.constant 48 : index
        %get3A_173 = tpu.vector_load %arg11[%get3A_171, %get3A_172] {strides = array<i32>} : memref<80x64xf32, #tpu.memory_space<vmem>>, vector<16xf32>,
        %mul3A_174 = arith.mulf %get3A_173, %gather3A : vector<16xf32>
        %swap3A_175 = arith.index_cast %add3A_170 : i32 to index
        %swap3A_176 = arith.constant 48 : index
        %swap3A_177 = tpu.vector_load %arg11[%swap3A_175, %swap3A_176] {strides = array<i32>} : memref<80x64xf32, #tpu.memory_space<vmem>>, vector<16xf32>,
        tpu.vector_store %arg11[%swap3A_175, %swap3A_176], %mul3A_174 {strides = array<i32>} : memref<80x64xf32, #tpu.memory_space<vmem>>, vector<16xf32>,
        %add3A_178 = arith.constant 1 : i32
        %add3A_179 = arith.addi %add3A_140, %add3A_178 : i32
        %broadcast_in_dim3A_180 = vector.broadcast %add3A_179 : i32 to vector<16xi32>
        %gather3A_181 = tpu.vector_load_idx %arg9[%broadcast_in_dim3A_180] : memref<10000xf32, #tpu.memory_space<vmem>>[vector<16xi32>], vector<16xf32>,
        %add3A_182 = arith.constant 1 : i32
        %add3A_183 = arith.addi %add3A_137, %add3A_182 : i32
        %get3A_184 = arith.index_cast %add3A_183 : i32 to index
        %get3A_185 = arith.constant 0 : index
        %get3A_186 = tpu.vector_load %arg11[%get3A_184, %get3A_185] {strides = array<i32>} : memref<80x64xf32, #tpu.memory_space<vmem>>, vector<16xf32>,
        %mul3A_187 = arith.mulf %get3A_186, %gather3A_181 : vector<16xf32>
        %swap3A_188 = arith.index_cast %add3A_183 : i32 to index
        %swap3A_189 = arith.constant 0 : index
        %swap3A_190 = tpu.vector_load %arg11[%swap3A_188, %swap3A_189] {strides = array<i32>} : memref<80x64xf32, #tpu.memory_space<vmem>>, vector<16xf32>,
        tpu.vector_store %arg11[%swap3A_188, %swap3A_189], %mul3A_187 {strides = array<i32>} : memref<80x64xf32, #tpu.memory_space<vmem>>, vector<16xf32>,
        %add3A_191 = arith.constant 1 : i32
        %add3A_192 = arith.addi %add3A_137, %add3A_191 : i32
        %get3A_193 = arith.index_cast %add3A_192 : i32 to index
        %get3A_194 = arith.constant 16 : index
        %get3A_195 = tpu.vector_load %arg11[%get3A_193, %get3A_194] {strides = array<i32>} : memref<80x64xf32, #tpu.memory_space<vmem>>, vector<16xf32>,
        %mul3A_196 = arith.mulf %get3A_195, %gather3A_181 : vector<16xf32>
        %swap3A_197 = arith.index_cast %add3A_192 : i32 to index
        %swap3A_198 = arith.constant 16 : index
        %swap3A_199 = tpu.vector_load %arg11[%swap3A_197, %swap3A_198] {strides = array<i32>} : memref<80x64xf32, #tpu.memory_space<vmem>>, vector<16xf32>,
        tpu.vector_store %arg11[%swap3A_197, %swap3A_198], %mul3A_196 {strides = array<i32>} : memref<80x64xf32, #tpu.memory_space<vmem>>, vector<16xf32>,
        %add3A_200 = arith.constant 1 : i32
        %add3A_201 = arith.addi %add3A_137, %add3A_200 : i32
        %get3A_202 = arith.index_cast %add3A_201 : i32 to index
        %get3A_203 = arith.constant 32 : index
        %get3A_204 = tpu.vector_load %arg11[%get3A_202, %get3A_203] {strides = array<i32>} : memref<80x64xf32, #tpu.memory_space<vmem>>, vector<16xf32>,
        %mul3A_205 = arith.mulf %get3A_204, %gather3A_181 : vector<16xf32>
        %swap3A_206 = arith.index_cast %add3A_201 : i32 to index
        %swap3A_207 = arith.constant 32 : index
        %swap3A_208 = tpu.vector_load %arg11[%swap3A_206, %swap3A_207] {strides = array<i32>} : memref<80x64xf32, #tpu.memory_space<vmem>>, vector<16xf32>,
        tpu.vector_store %arg11[%swap3A_206, %swap3A_207], %mul3A_205 {strides = array<i32>} : memref<80x64xf32, #tpu.memory_space<vmem>>, vector<16xf32>,
        %add3A_209 = arith.constant 1 : i32
        %add3A_210 = arith.addi %add3A_137, %add3A_209 : i32
        %get3A_211 = arith.index_cast %add3A_210 : i32 to index
        %get3A_212 = arith.constant 48 : index
        %get3A_213 = tpu.vector_load %arg11[%get3A_211, %get3A_212] {strides = array<i32>} : memref<80x64xf32, #tpu.memory_space<vmem>>, vector<16xf32>,
        %mul3A_214 = arith.mulf %get3A_213, %gather3A_181 : vector<16xf32>
        %swap3A_215 = arith.index_cast %add3A_210 : i32 to index
        %swap3A_216 = arith.constant 48 : index
        %swap3A_217 = tpu.vector_load %arg11[%swap3A_215, %swap3A_216] {strides = array<i32>} : memref<80x64xf32, #tpu.memory_space<vmem>>, vector<16xf32>,
        tpu.vector_store %arg11[%swap3A_215, %swap3A_216], %mul3A_214 {strides = array<i32>} : memref<80x64xf32, #tpu.memory_space<vmem>>, vector<16xf32>,
        %add3A_218 = arith.constant 2 : i32
        %add3A_219 = arith.addi %add3A_140, %add3A_218 : i32
        %broadcast_in_dim3A_220 = vector.broadcast %add3A_219 : i32 to vector<16xi32>
        %gather3A_221 = tpu.vector_load_idx %arg9[%broadcast_in_dim3A_220] : memref<10000xf32, #tpu.memory_space<vmem>>[vector<16xi32>], vector<16xf32>,
        %add3A_222 = arith.constant 2 : i32
        %add3A_223 = arith.addi %add3A_137, %add3A_222 : i32
        %get3A_224 = arith.index_cast %add3A_223 : i32 to index
        %get3A_225 = arith.constant 0 : index
        %get3A_226 = tpu.vector_load %arg11[%get3A_224, %get3A_225] {strides = array<i32>} : memref<80x64xf32, #tpu.memory_space<vmem>>, vector<16xf32>,
        %mul3A_227 = arith.mulf %get3A_226, %gather3A_221 : vector<16xf32>
        %swap3A_228 = arith.index_cast %add3A_223 : i32 to index
        %swap3A_229 = arith.constant 0 : index
        %swap3A_230 = tpu.vector_load %arg11[%swap3A_228, %swap3A_229] {strides = array<i32>} : memref<80x64xf32, #tpu.memory_space<vmem>>, vector<16xf32>,
        tpu.vector_store %arg11[%swap3A_228, %swap3A_229], %mul3A_227 {strides = array<i32>} : memref<80x64xf32, #tpu.memory_space<vmem>>, vector<16xf32>,
        %add3A_231 = arith.constant 2 : i32
        %add3A_232 = arith.addi %add3A_137, %add3A_231 : i32
        %get3A_233 = arith.index_cast %add3A_232 : i32 to index
        %get3A_234 = arith.constant 16 : index
        %get3A_235 = tpu.vector_load %arg11[%get3A_233, %get3A_234] {strides = array<i32>} : memref<80x64xf32, #tpu.memory_space<vmem>>, vector<16xf32>,
        %mul3A_236 = arith.mulf %get3A_235, %gather3A_221 : vector<16xf32>
        %swap3A_237 = arith.index_cast %add3A_232 : i32 to index
        %swap3A_238 = arith.constant 16 : index
        %swap3A_239 = tpu.vector_load %arg11[%swap3A_237, %swap3A_238] {strides = array<i32>} : memref<80x64xf32, #tpu.memory_space<vmem>>, vector<16xf32>,
        tpu.vector_store %arg11[%swap3A_237, %swap3A_238], %mul3A_236 {strides = array<i32>} : memref<80x64xf32, #tpu.memory_space<vmem>>, vector<16xf32>,
        %add3A_240 = arith.constant 2 : i32
        %add3A_241 = arith.addi %add3A_137, %add3A_240 : i32
        %get3A_242 = arith.index_cast %add3A_241 : i32 to index
        %get3A_243 = arith.constant 32 : index
        %get3A_244 = tpu.vector_load %arg11[%get3A_242, %get3A_243] {strides = array<i32>} : memref<80x64xf32, #tpu.memory_space<vmem>>, vector<16xf32>,
        %mul3A_245 = arith.mulf %get3A_244, %gather3A_221 : vector<16xf32>
        %swap3A_246 = arith.index_cast %add3A_241 : i32 to index
        %swap3A_247 = arith.constant 32 : index
        %swap3A_248 = tpu.vector_load %arg11[%swap3A_246, %swap3A_247] {strides = array<i32>} : memref<80x64xf32, #tpu.memory_space<vmem>>, vector<16xf32>,
        tpu.vector_store %arg11[%swap3A_246, %swap3A_247], %mul3A_245 {strides = array<i32>} : memref<80x64xf32, #tpu.memory_space<vmem>>, vector<16xf32>,
        %add3A_249 = arith.constant 2 : i32
        %add3A_250 = arith.addi %add3A_137, %add3A_249 : i32
        %get3A_251 = arith.index_cast %add3A_250 : i32 to index
        %get3A_252 = arith.constant 48 : index
        %get3A_253 = tpu.vector_load %arg11[%get3A_251, %get3A_252] {strides = array<i32>} : memref<80x64xf32, #tpu.memory_space<vmem>>, vector<16xf32>,
        %mul3A_254 = arith.mulf %get3A_253, %gather3A_221 : vector<16xf32>
        %swap3A_255 = arith.index_cast %add3A_250 : i32 to index
        %swap3A_256 = arith.constant 48 : index
        %swap3A_257 = tpu.vector_load %arg11[%swap3A_255, %swap3A_256] {strides = array<i32>} : memref<80x64xf32, #tpu.memory_space<vmem>>, vector<16xf32>,
        tpu.vector_store %arg11[%swap3A_255, %swap3A_256], %mul3A_254 {strides = array<i32>} : memref<80x64xf32, #tpu.memory_space<vmem>>, vector<16xf32>,
        %add3A_258 = arith.constant 3 : i32
        %add3A_259 = arith.addi %add3A_140, %add3A_258 : i32
        %broadcast_in_dim3A_260 = vector.broadcast %add3A_259 : i32 to vector<16xi32>
        %gather3A_261 = tpu.vector_load_idx %arg9[%broadcast_in_dim3A_260] : memref<10000xf32, #tpu.memory_space<vmem>>[vector<16xi32>], vector<16xf32>,
        %add3A_262 = arith.constant 3 : i32
        %add3A_263 = arith.addi %add3A_137, %add3A_262 : i32
        %get3A_264 = arith.index_cast %add3A_263 : i32 to index
        %get3A_265 = arith.constant 0 : index
        %get3A_266 = tpu.vector_load %arg11[%get3A_264, %get3A_265] {strides = array<i32>} : memref<80x64xf32, #tpu.memory_space<vmem>>, vector<16xf32>,
        %mul3A_267 = arith.mulf %get3A_266, %gather3A_261 : vector<16xf32>
        %swap3A_268 = arith.index_cast %add3A_263 : i32 to index
        %swap3A_269 = arith.constant 0 : index
        %swap3A_270 = tpu.vector_load %arg11[%swap3A_268, %swap3A_269] {strides = array<i32>} : memref<80x64xf32, #tpu.memory_space<vmem>>, vector<16xf32>,
        tpu.vector_store %arg11[%swap3A_268, %swap3A_269], %mul3A_267 {strides = array<i32>} : memref<80x64xf32, #tpu.memory_space<vmem>>, vector<16xf32>,
        %add3A_271 = arith.constant 3 : i32
        %add3A_272 = arith.addi %add3A_137, %add3A_271 : i32
        %get3A_273 = arith.index_cast %add3A_272 : i32 to index
        %get3A_274 = arith.constant 16 : index
        %get3A_275 = tpu.vector_load %arg11[%get3A_273, %get3A_274] {strides = array<i32>} : memref<80x64xf32, #tpu.memory_space<vmem>>, vector<16xf32>,
        %mul3A_276 = arith.mulf %get3A_275, %gather3A_261 : vector<16xf32>
        %swap3A_277 = arith.index_cast %add3A_272 : i32 to index
        %swap3A_278 = arith.constant 16 : index
        %swap3A_279 = tpu.vector_load %arg11[%swap3A_277, %swap3A_278] {strides = array<i32>} : memref<80x64xf32, #tpu.memory_space<vmem>>, vector<16xf32>,
        tpu.vector_store %arg11[%swap3A_277, %swap3A_278], %mul3A_276 {strides = array<i32>} : memref<80x64xf32, #tpu.memory_space<vmem>>, vector<16xf32>,
        %add3A_280 = arith.constant 3 : i32
        %add3A_281 = arith.addi %add3A_137, %add3A_280 : i32
        %get3A_282 = arith.index_cast %add3A_281 : i32 to index
        %get3A_283 = arith.constant 32 : index
        %get3A_284 = tpu.vector_load %arg11[%get3A_282, %get3A_283] {strides = array<i32>} : memref<80x64xf32, #tpu.memory_space<vmem>>, vector<16xf32>,
        %mul3A_285 = arith.mulf %get3A_284, %gather3A_261 : vector<16xf32>
        %swap3A_286 = arith.index_cast %add3A_281 : i32 to index
        %swap3A_287 = arith.constant 32 : index
        %swap3A_288 = tpu.vector_load %arg11[%swap3A_286, %swap3A_287] {strides = array<i32>} : memref<80x64xf32, #tpu.memory_space<vmem>>, vector<16xf32>,
        tpu.vector_store %arg11[%swap3A_286, %swap3A_287], %mul3A_285 {strides = array<i32>} : memref<80x64xf32, #tpu.memory_space<vmem>>, vector<16xf32>,
        %add3A_289 = arith.constant 3 : i32
        %add3A_290 = arith.addi %add3A_137, %add3A_289 : i32
        %get3A_291 = arith.index_cast %add3A_290 : i32 to index
        %get3A_292 = arith.constant 48 : index
        %get3A_293 = tpu.vector_load %arg11[%get3A_291, %get3A_292] {strides = array<i32>} : memref<80x64xf32, #tpu.memory_space<vmem>>, vector<16xf32>,
        %mul3A_294 = arith.mulf %get3A_293, %gather3A_261 : vector<16xf32>
        %swap3A_295 = arith.index_cast %add3A_290 : i32 to index
        %swap3A_296 = arith.constant 48 : index
        %swap3A_297 = tpu.vector_load %arg11[%swap3A_295, %swap3A_296] {strides = array<i32>} : memref<80x64xf32, #tpu.memory_space<vmem>>, vector<16xf32>,
        tpu.vector_store %arg11[%swap3A_295, %swap3A_296], %mul3A_294 {strides = array<i32>} : memref<80x64xf32, #tpu.memory_space<vmem>>, vector<16xf32>,
        %add3A_298 = arith.constant 4 : i32
        %add3A_299 = arith.addi %add3A_140, %add3A_298 : i32
        %broadcast_in_dim3A_300 = vector.broadcast %add3A_299 : i32 to vector<16xi32>
        %gather3A_301 = tpu.vector_load_idx %arg9[%broadcast_in_dim3A_300] : memref<10000xf32, #tpu.memory_space<vmem>>[vector<16xi32>], vector<16xf32>,
        %add3A_302 = arith.constant 4 : i32
        %add3A_303 = arith.addi %add3A_137, %add3A_302 : i32
        %get3A_304 = arith.index_cast %add3A_303 : i32 to index
        %get3A_305 = arith.constant 0 : index
        %get3A_306 = tpu.vector_load %arg11[%get3A_304, %get3A_305] {strides = array<i32>} : memref<80x64xf32, #tpu.memory_space<vmem>>, vector<16xf32>,
        %mul3A_307 = arith.mulf %get3A_306, %gather3A_301 : vector<16xf32>
        %swap3A_308 = arith.index_cast %add3A_303 : i32 to index
        %swap3A_309 = arith.constant 0 : index
        %swap3A_310 = tpu.vector_load %arg11[%swap3A_308, %swap3A_309] {strides = array<i32>} : memref<80x64xf32, #tpu.memory_space<vmem>>, vector<16xf32>,
        tpu.vector_store %arg11[%swap3A_308, %swap3A_309], %mul3A_307 {strides = array<i32>} : memref<80x64xf32, #tpu.memory_space<vmem>>, vector<16xf32>,
        %add3A_311 = arith.constant 4 : i32
        %add3A_312 = arith.addi %add3A_137, %add3A_311 : i32
        %get3A_313 = arith.index_cast %add3A_312 : i32 to index
        %get3A_314 = arith.constant 16 : index
        %get3A_315 = tpu.vector_load %arg11[%get3A_313, %get3A_314] {strides = array<i32>} : memref<80x64xf32, #tpu.memory_space<vmem>>, vector<16xf32>,
        %mul3A_316 = arith.mulf %get3A_315, %gather3A_301 : vector<16xf32>
        %swap3A_317 = arith.index_cast %add3A_312 : i32 to index
        %swap3A_318 = arith.constant 16 : index
        %swap3A_319 = tpu.vector_load %arg11[%swap3A_317, %swap3A_318] {strides = array<i32>} : memref<80x64xf32, #tpu.memory_space<vmem>>, vector<16xf32>,
        tpu.vector_store %arg11[%swap3A_317, %swap3A_318], %mul3A_316 {strides = array<i32>} : memref<80x64xf32, #tpu.memory_space<vmem>>, vector<16xf32>,
        %add3A_320 = arith.constant 4 : i32
        %add3A_321 = arith.addi %add3A_137, %add3A_320 : i32
        %get3A_322 = arith.index_cast %add3A_321 : i32 to index
        %get3A_323 = arith.constant 32 : index
        %get3A_324 = tpu.vector_load %arg11[%get3A_322, %get3A_323] {strides = array<i32>} : memref<80x64xf32, #tpu.memory_space<vmem>>, vector<16xf32>,
        %mul3A_325 = arith.mulf %get3A_324, %gather3A_301 : vector<16xf32>
        %swap3A_326 = arith.index_cast %add3A_321 : i32 to index
        %swap3A_327 = arith.constant 32 : index
        %swap3A_328 = tpu.vector_load %arg11[%swap3A_326, %swap3A_327] {strides = array<i32>} : memref<80x64xf32, #tpu.memory_space<vmem>>, vector<16xf32>,
        tpu.vector_store %arg11[%swap3A_326, %swap3A_327], %mul3A_325 {strides = array<i32>} : memref<80x64xf32, #tpu.memory_space<vmem>>, vector<16xf32>,
        %add3A_329 = arith.constant 4 : i32
        %add3A_330 = arith.addi %add3A_137, %add3A_329 : i32
        %get3A_331 = arith.index_cast %add3A_330 : i32 to index
        %get3A_332 = arith.constant 48 : index
        %get3A_333 = tpu.vector_load %arg11[%get3A_331, %get3A_332] {strides = array<i32>} : memref<80x64xf32, #tpu.memory_space<vmem>>, vector<16xf32>,
        %mul3A_334 = arith.mulf %get3A_333, %gather3A_301 : vector<16xf32>
        %swap3A_335 = arith.index_cast %add3A_330 : i32 to index
        %swap3A_336 = arith.constant 48 : index
        %swap3A_337 = tpu.vector_load %arg11[%swap3A_335, %swap3A_336] {strides = array<i32>} : memref<80x64xf32, #tpu.memory_space<vmem>>, vector<16xf32>,
        tpu.vector_store %arg11[%swap3A_335, %swap3A_336], %mul3A_334 {strides = array<i32>} : memref<80x64xf32, #tpu.memory_space<vmem>>, vector<16xf32>,
        %add3A_338 = arith.constant 5 : i32
        %add3A_339 = arith.addi %add3A_140, %add3A_338 : i32
        %broadcast_in_dim3A_340 = vector.broadcast %add3A_339 : i32 to vector<16xi32>
        %gather3A_341 = tpu.vector_load_idx %arg9[%broadcast_in_dim3A_340] : memref<10000xf32, #tpu.memory_space<vmem>>[vector<16xi32>], vector<16xf32>,
        %add3A_342 = arith.constant 5 : i32
        %add3A_343 = arith.addi %add3A_137, %add3A_342 : i32
        %get3A_344 = arith.index_cast %add3A_343 : i32 to index
        %get3A_345 = arith.constant 0 : index
        %get3A_346 = tpu.vector_load %arg11[%get3A_344, %get3A_345] {strides = array<i32>} : memref<80x64xf32, #tpu.memory_space<vmem>>, vector<16xf32>,
        %mul3A_347 = arith.mulf %get3A_346, %gather3A_341 : vector<16xf32>
        %swap3A_348 = arith.index_cast %add3A_343 : i32 to index
        %swap3A_349 = arith.constant 0 : index
        %swap3A_350 = tpu.vector_load %arg11[%swap3A_348, %swap3A_349] {strides = array<i32>} : memref<80x64xf32, #tpu.memory_space<vmem>>, vector<16xf32>,
        tpu.vector_store %arg11[%swap3A_348, %swap3A_349], %mul3A_347 {strides = array<i32>} : memref<80x64xf32, #tpu.memory_space<vmem>>, vector<16xf32>,
        %add3A_351 = arith.constant 5 : i32
        %add3A_352 = arith.addi %add3A_137, %add3A_351 : i32
        %get3A_353 = arith.index_cast %add3A_352 : i32 to index
        %get3A_354 = arith.constant 16 : index
        %get3A_355 = tpu.vector_load %arg11[%get3A_353, %get3A_354] {strides = array<i32>} : memref<80x64xf32, #tpu.memory_space<vmem>>, vector<16xf32>,
        %mul3A_356 = arith.mulf %get3A_355, %gather3A_341 : vector<16xf32>
        %swap3A_357 = arith.index_cast %add3A_352 : i32 to index
        %swap3A_358 = arith.constant 16 : index
        %swap3A_359 = tpu.vector_load %arg11[%swap3A_357, %swap3A_358] {strides = array<i32>} : memref<80x64xf32, #tpu.memory_space<vmem>>, vector<16xf32>,
        tpu.vector_store %arg11[%swap3A_357, %swap3A_358], %mul3A_356 {strides = array<i32>} : memref<80x64xf32, #tpu.memory_space<vmem>>, vector<16xf32>,
        %add3A_360 = arith.constant 5 : i32
        %add3A_361 = arith.addi %add3A_137, %add3A_360 : i32
        %get3A_362 = arith.index_cast %add3A_361 : i32 to index
        %get3A_363 = arith.constant 32 : index
        %get3A_364 = tpu.vector_load %arg11[%get3A_362, %get3A_363] {strides = array<i32>} : memref<80x64xf32, #tpu.memory_space<vmem>>, vector<16xf32>,
        %mul3A_365 = arith.mulf %get3A_364, %gather3A_341 : vector<16xf32>
        %swap3A_366 = arith.index_cast %add3A_361 : i32 to index
        %swap3A_367 = arith.constant 32 : index
        %swap3A_368 = tpu.vector_load %arg11[%swap3A_366, %swap3A_367] {strides = array<i32>} : memref<80x64xf32, #tpu.memory_space<vmem>>, vector<16xf32>,
        tpu.vector_store %arg11[%swap3A_366, %swap3A_367], %mul3A_365 {strides = array<i32>} : memref<80x64xf32, #tpu.memory_space<vmem>>, vector<16xf32>,
        %add3A_369 = arith.constant 5 : i32
        %add3A_370 = arith.addi %add3A_137, %add3A_369 : i32
        %get3A_371 = arith.index_cast %add3A_370 : i32 to index
        %get3A_372 = arith.constant 48 : index
        %get3A_373 = tpu.vector_load %arg11[%get3A_371, %get3A_372] {strides = array<i32>} : memref<80x64xf32, #tpu.memory_space<vmem>>, vector<16xf32>,
        %mul3A_374 = arith.mulf %get3A_373, %gather3A_341 : vector<16xf32>
        %swap3A_375 = arith.index_cast %add3A_370 : i32 to index
        %swap3A_376 = arith.constant 48 : index
        %swap3A_377 = tpu.vector_load %arg11[%swap3A_375, %swap3A_376] {strides = array<i32>} : memref<80x64xf32, #tpu.memory_space<vmem>>, vector<16xf32>,
        tpu.vector_store %arg11[%swap3A_375, %swap3A_376], %mul3A_374 {strides = array<i32>} : memref<80x64xf32, #tpu.memory_space<vmem>>, vector<16xf32>,
        %add3A_378 = arith.constant 6 : i32
        %add3A_379 = arith.addi %add3A_140, %add3A_378 : i32
        %broadcast_in_dim3A_380 = vector.broadcast %add3A_379 : i32 to vector<16xi32>
        %gather3A_381 = tpu.vector_load_idx %arg9[%broadcast_in_dim3A_380] : memref<10000xf32, #tpu.memory_space<vmem>>[vector<16xi32>], vector<16xf32>,
        %add3A_382 = arith.constant 6 : i32
        %add3A_383 = arith.addi %add3A_137, %add3A_382 : i32
        %get3A_384 = arith.index_cast %add3A_383 : i32 to index
        %get3A_385 = arith.constant 0 : index
        %get3A_386 = tpu.vector_load %arg11[%get3A_384, %get3A_385] {strides = array<i32>} : memref<80x64xf32, #tpu.memory_space<vmem>>, vector<16xf32>,
        %mul3A_387 = arith.mulf %get3A_386, %gather3A_381 : vector<16xf32>
        %swap3A_388 = arith.index_cast %add3A_383 : i32 to index
        %swap3A_389 = arith.constant 0 : index
        %swap3A_390 = tpu.vector_load %arg11[%swap3A_388, %swap3A_389] {strides = array<i32>} : memref<80x64xf32, #tpu.memory_space<vmem>>, vector<16xf32>,
        tpu.vector_store %arg11[%swap3A_388, %swap3A_389], %mul3A_387 {strides = array<i32>} : memref<80x64xf32, #tpu.memory_space<vmem>>, vector<16xf32>,
        %add3A_391 = arith.constant 6 : i32
        %add3A_392 = arith.addi %add3A_137, %add3A_391 : i32
        %get3A_393 = arith.index_cast %add3A_392 : i32 to index
        %get3A_394 = arith.constant 16 : index
        %get3A_395 = tpu.vector_load %arg11[%get3A_393, %get3A_394] {strides = array<i32>} : memref<80x64xf32, #tpu.memory_space<vmem>>, vector<16xf32>,
        %mul3A_396 = arith.mulf %get3A_395, %gather3A_381 : vector<16xf32>
        %swap3A_397 = arith.index_cast %add3A_392 : i32 to index
        %swap3A_398 = arith.constant 16 : index
        %swap3A_399 = tpu.vector_load %arg11[%swap3A_397, %swap3A_398] {strides = array<i32>} : memref<80x64xf32, #tpu.memory_space<vmem>>, vector<16xf32>,
        tpu.vector_store %arg11[%swap3A_397, %swap3A_398], %mul3A_396 {strides = array<i32>} : memref<80x64xf32, #tpu.memory_space<vmem>>, vector<16xf32>,
        %add3A_400 = arith.constant 6 : i32
        %add3A_401 = arith.addi %add3A_137, %add3A_400 : i32
        %get3A_402 = arith.index_cast %add3A_401 : i32 to index
        %get3A_403 = arith.constant 32 : index
        %get3A_404 = tpu.vector_load %arg11[%get3A_402, %get3A_403] {strides = array<i32>} : memref<80x64xf32, #tpu.memory_space<vmem>>, vector<16xf32>,
        %mul3A_405 = arith.mulf %get3A_404, %gather3A_381 : vector<16xf32>
        %swap3A_406 = arith.index_cast %add3A_401 : i32 to index
        %swap3A_407 = arith.constant 32 : index
        %swap3A_408 = tpu.vector_load %arg11[%swap3A_406, %swap3A_407] {strides = array<i32>} : memref<80x64xf32, #tpu.memory_space<vmem>>, vector<16xf32>,
        tpu.vector_store %arg11[%swap3A_406, %swap3A_407], %mul3A_405 {strides = array<i32>} : memref<80x64xf32, #tpu.memory_space<vmem>>, vector<16xf32>,
        %add3A_409 = arith.constant 6 : i32
        %add3A_410 = arith.addi %add3A_137, %add3A_409 : i32
        %get3A_411 = arith.index_cast %add3A_410 : i32 to index
        %get3A_412 = arith.constant 48 : index
        %get3A_413 = tpu.vector_load %arg11[%get3A_411, %get3A_412] {strides = array<i32>} : memref<80x64xf32, #tpu.memory_space<vmem>>, vector<16xf32>,
        %mul3A_414 = arith.mulf %get3A_413, %gather3A_381 : vector<16xf32>
        %swap3A_415 = arith.index_cast %add3A_410 : i32 to index
        %swap3A_416 = arith.constant 48 : index
        %swap3A_417 = tpu.vector_load %arg11[%swap3A_415, %swap3A_416] {strides = array<i32>} : memref<80x64xf32, #tpu.memory_space<vmem>>, vector<16xf32>,
        tpu.vector_store %arg11[%swap3A_415, %swap3A_416], %mul3A_414 {strides = array<i32>} : memref<80x64xf32, #tpu.memory_space<vmem>>, vector<16xf32>,
        %add3A_418 = arith.constant 7 : i32
        %add3A_419 = arith.addi %add3A_140, %add3A_418 : i32
        %broadcast_in_dim3A_420 = vector.broadcast %add3A_419 : i32 to vector<16xi32>
        %gather3A_421 = tpu.vector_load_idx %arg9[%broadcast_in_dim3A_420] : memref<10000xf32, #tpu.memory_space<vmem>>[vector<16xi32>], vector<16xf32>,
        %add3A_422 = arith.constant 7 : i32
        %add3A_423 = arith.addi %add3A_137, %add3A_422 : i32
        %get3A_424 = arith.index_cast %add3A_423 : i32 to index
        %get3A_425 = arith.constant 0 : index
        %get3A_426 = tpu.vector_load %arg11[%get3A_424, %get3A_425] {strides = array<i32>} : memref<80x64xf32, #tpu.memory_space<vmem>>, vector<16xf32>,
        %mul3A_427 = arith.mulf %get3A_426, %gather3A_421 : vector<16xf32>
        %swap3A_428 = arith.index_cast %add3A_423 : i32 to index
        %swap3A_429 = arith.constant 0 : index
        %swap3A_430 = tpu.vector_load %arg11[%swap3A_428, %swap3A_429] {strides = array<i32>} : memref<80x64xf32, #tpu.memory_space<vmem>>, vector<16xf32>,
        tpu.vector_store %arg11[%swap3A_428, %swap3A_429], %mul3A_427 {strides = array<i32>} : memref<80x64xf32, #tpu.memory_space<vmem>>, vector<16xf32>,
        %add3A_431 = arith.constant 7 : i32
        %add3A_432 = arith.addi %add3A_137, %add3A_431 : i32
        %get3A_433 = arith.index_cast %add3A_432 : i32 to index
        %get3A_434 = arith.constant 16 : index
        %get3A_435 = tpu.vector_load %arg11[%get3A_433, %get3A_434] {strides = array<i32>} : memref<80x64xf32, #tpu.memory_space<vmem>>, vector<16xf32>,
        %mul3A_436 = arith.mulf %get3A_435, %gather3A_421 : vector<16xf32>
        %swap3A_437 = arith.index_cast %add3A_432 : i32 to index
        %swap3A_438 = arith.constant 16 : index
        %swap3A_439 = tpu.vector_load %arg11[%swap3A_437, %swap3A_438] {strides = array<i32>} : memref<80x64xf32, #tpu.memory_space<vmem>>, vector<16xf32>,
        tpu.vector_store %arg11[%swap3A_437, %swap3A_438], %mul3A_436 {strides = array<i32>} : memref<80x64xf32, #tpu.memory_space<vmem>>, vector<16xf32>,
        %add3A_440 = arith.constant 7 : i32
        %add3A_441 = arith.addi %add3A_137, %add3A_440 : i32
        %get3A_442 = arith.index_cast %add3A_441 : i32 to index
        %get3A_443 = arith.constant 32 : index
        %get3A_444 = tpu.vector_load %arg11[%get3A_442, %get3A_443] {strides = array<i32>} : memref<80x64xf32, #tpu.memory_space<vmem>>, vector<16xf32>,
        %mul3A_445 = arith.mulf %get3A_444, %gather3A_421 : vector<16xf32>
        %swap3A_446 = arith.index_cast %add3A_441 : i32 to index
        %swap3A_447 = arith.constant 32 : index
        %swap3A_448 = tpu.vector_load %arg11[%swap3A_446, %swap3A_447] {strides = array<i32>} : memref<80x64xf32, #tpu.memory_space<vmem>>, vector<16xf32>,
        tpu.vector_store %arg11[%swap3A_446, %swap3A_447], %mul3A_445 {strides = array<i32>} : memref<80x64xf32, #tpu.memory_space<vmem>>, vector<16xf32>,
        %add3A_449 = arith.constant 7 : i32
        %add3A_450 = arith.addi %add3A_137, %add3A_449 : i32
        %get3A_451 = arith.index_cast %add3A_450 : i32 to index
        %get3A_452 = arith.constant 48 : index
        %get3A_453 = tpu.vector_load %arg11[%get3A_451, %get3A_452] {strides = array<i32>} : memref<80x64xf32, #tpu.memory_space<vmem>>, vector<16xf32>,
        %mul3A_454 = arith.mulf %get3A_453, %gather3A_421 : vector<16xf32>
        %swap3A_455 = arith.index_cast %add3A_450 : i32 to index
        %swap3A_456 = arith.constant 48 : index
        %swap3A_457 = tpu.vector_load %arg11[%swap3A_455, %swap3A_456] {strides = array<i32>} : memref<80x64xf32, #tpu.memory_space<vmem>>, vector<16xf32>,
        tpu.vector_store %arg11[%swap3A_455, %swap3A_456], %mul3A_454 {strides = array<i32>} : memref<80x64xf32, #tpu.memory_space<vmem>>, vector<16xf32>,
        %add3A_458 = arith.constant 8 : i32
        %add3A_459 = arith.addi %add3A_140, %add3A_458 : i32
        %broadcast_in_dim3A_460 = vector.broadcast %add3A_459 : i32 to vector<16xi32>
        %gather3A_461 = tpu.vector_load_idx %arg9[%broadcast_in_dim3A_460] : memref<10000xf32, #tpu.memory_space<vmem>>[vector<16xi32>], vector<16xf32>,
        %add3A_462 = arith.constant 8 : i32
        %add3A_463 = arith.addi %add3A_137, %add3A_462 : i32
        %get3A_464 = arith.index_cast %add3A_463 : i32 to index
        %get3A_465 = arith.constant 0 : index
        %get3A_466 = tpu.vector_load %arg11[%get3A_464, %get3A_465] {strides = array<i32>} : memref<80x64xf32, #tpu.memory_space<vmem>>, vector<16xf32>,
        %mul3A_467 = arith.mulf %get3A_466, %gather3A_461 : vector<16xf32>
        %swap3A_468 = arith.index_cast %add3A_463 : i32 to index
        %swap3A_469 = arith.constant 0 : index
        %swap3A_470 = tpu.vector_load %arg11[%swap3A_468, %swap3A_469] {strides = array<i32>} : memref<80x64xf32, #tpu.memory_space<vmem>>, vector<16xf32>,
        tpu.vector_store %arg11[%swap3A_468, %swap3A_469], %mul3A_467 {strides = array<i32>} : memref<80x64xf32, #tpu.memory_space<vmem>>, vector<16xf32>,
        %add3A_471 = arith.constant 8 : i32
        %add3A_472 = arith.addi %add3A_137, %add3A_471 : i32
        %get3A_473 = arith.index_cast %add3A_472 : i32 to index
        %get3A_474 = arith.constant 16 : index
        %get3A_475 = tpu.vector_load %arg11[%get3A_473, %get3A_474] {strides = array<i32>} : memref<80x64xf32, #tpu.memory_space<vmem>>, vector<16xf32>,
        %mul3A_476 = arith.mulf %get3A_475, %gather3A_461 : vector<16xf32>
        %swap3A_477 = arith.index_cast %add3A_472 : i32 to index
        %swap3A_478 = arith.constant 16 : index
        %swap3A_479 = tpu.vector_load %arg11[%swap3A_477, %swap3A_478] {strides = array<i32>} : memref<80x64xf32, #tpu.memory_space<vmem>>, vector<16xf32>,
        tpu.vector_store %arg11[%swap3A_477, %swap3A_478], %mul3A_476 {strides = array<i32>} : memref<80x64xf32, #tpu.memory_space<vmem>>, vector<16xf32>,
        %add3A_480 = arith.constant 8 : i32
        %add3A_481 = arith.addi %add3A_137, %add3A_480 : i32
        %get3A_482 = arith.index_cast %add3A_481 : i32 to index
        %get3A_483 = arith.constant 32 : index
        %get3A_484 = tpu.vector_load %arg11[%get3A_482, %get3A_483] {strides = array<i32>} : memref<80x64xf32, #tpu.memory_space<vmem>>, vector<16xf32>,
        %mul3A_485 = arith.mulf %get3A_484, %gather3A_461 : vector<16xf32>
        %swap3A_486 = arith.index_cast %add3A_481 : i32 to index
        %swap3A_487 = arith.constant 32 : index
        %swap3A_488 = tpu.vector_load %arg11[%swap3A_486, %swap3A_487] {strides = array<i32>} : memref<80x64xf32, #tpu.memory_space<vmem>>, vector<16xf32>,
        tpu.vector_store %arg11[%swap3A_486, %swap3A_487], %mul3A_485 {strides = array<i32>} : memref<80x64xf32, #tpu.memory_space<vmem>>, vector<16xf32>,
        %add3A_489 = arith.constant 8 : i32
        %add3A_490 = arith.addi %add3A_137, %add3A_489 : i32
        %get3A_491 = arith.index_cast %add3A_490 : i32 to index
        %get3A_492 = arith.constant 48 : index
        %get3A_493 = tpu.vector_load %arg11[%get3A_491, %get3A_492] {strides = array<i32>} : memref<80x64xf32, #tpu.memory_space<vmem>>, vector<16xf32>,
        %mul3A_494 = arith.mulf %get3A_493, %gather3A_461 : vector<16xf32>
        %swap3A_495 = arith.index_cast %add3A_490 : i32 to index
        %swap3A_496 = arith.constant 48 : index
        %swap3A_497 = tpu.vector_load %arg11[%swap3A_495, %swap3A_496] {strides = array<i32>} : memref<80x64xf32, #tpu.memory_space<vmem>>, vector<16xf32>,
        tpu.vector_store %arg11[%swap3A_495, %swap3A_496], %mul3A_494 {strides = array<i32>} : memref<80x64xf32, #tpu.memory_space<vmem>>, vector<16xf32>,
        %add3A_498 = arith.constant 9 : i32
        %add3A_499 = arith.addi %add3A_140, %add3A_498 : i32
        %broadcast_in_dim3A_500 = vector.broadcast %add3A_499 : i32 to vector<16xi32>
        %gather3A_501 = tpu.vector_load_idx %arg9[%broadcast_in_dim3A_500] : memref<10000xf32, #tpu.memory_space<vmem>>[vector<16xi32>], vector<16xf32>,
        %add3A_502 = arith.constant 9 : i32
        %add3A_503 = arith.addi %add3A_137, %add3A_502 : i32
        %get3A_504 = arith.index_cast %add3A_503 : i32 to index
        %get3A_505 = arith.constant 0 : index
        %get3A_506 = tpu.vector_load %arg11[%get3A_504, %get3A_505] {strides = array<i32>} : memref<80x64xf32, #tpu.memory_space<vmem>>, vector<16xf32>,
        %mul3A_507 = arith.mulf %get3A_506, %gather3A_501 : vector<16xf32>
        %swap3A_508 = arith.index_cast %add3A_503 : i32 to index
        %swap3A_509 = arith.constant 0 : index
        %swap3A_510 = tpu.vector_load %arg11[%swap3A_508, %swap3A_509] {strides = array<i32>} : memref<80x64xf32, #tpu.memory_space<vmem>>, vector<16xf32>,
        tpu.vector_store %arg11[%swap3A_508, %swap3A_509], %mul3A_507 {strides = array<i32>} : memref<80x64xf32, #tpu.memory_space<vmem>>, vector<16xf32>,
        %add3A_511 = arith.constant 9 : i32
        %add3A_512 = arith.addi %add3A_137, %add3A_511 : i32
        %get3A_513 = arith.index_cast %add3A_512 : i32 to index
        %get3A_514 = arith.constant 16 : index
        %get3A_515 = tpu.vector_load %arg11[%get3A_513, %get3A_514] {strides = array<i32>} : memref<80x64xf32, #tpu.memory_space<vmem>>, vector<16xf32>,
        %mul3A_516 = arith.mulf %get3A_515, %gather3A_501 : vector<16xf32>
        %swap3A_517 = arith.index_cast %add3A_512 : i32 to index
        %swap3A_518 = arith.constant 16 : index
        %swap3A_519 = tpu.vector_load %arg11[%swap3A_517, %swap3A_518] {strides = array<i32>} : memref<80x64xf32, #tpu.memory_space<vmem>>, vector<16xf32>,
        tpu.vector_store %arg11[%swap3A_517, %swap3A_518], %mul3A_516 {strides = array<i32>} : memref<80x64xf32, #tpu.memory_space<vmem>>, vector<16xf32>,
        %add3A_520 = arith.constant 9 : i32
        %add3A_521 = arith.addi %add3A_137, %add3A_520 : i32
        %get3A_522 = arith.index_cast %add3A_521 : i32 to index
        %get3A_523 = arith.constant 32 : index
        %get3A_524 = tpu.vector_load %arg11[%get3A_522, %get3A_523] {strides = array<i32>} : memref<80x64xf32, #tpu.memory_space<vmem>>, vector<16xf32>,
        %mul3A_525 = arith.mulf %get3A_524, %gather3A_501 : vector<16xf32>
        %swap3A_526 = arith.index_cast %add3A_521 : i32 to index
        %swap3A_527 = arith.constant 32 : index
        %swap3A_528 = tpu.vector_load %arg11[%swap3A_526, %swap3A_527] {strides = array<i32>} : memref<80x64xf32, #tpu.memory_space<vmem>>, vector<16xf32>,
        tpu.vector_store %arg11[%swap3A_526, %swap3A_527], %mul3A_525 {strides = array<i32>} : memref<80x64xf32, #tpu.memory_space<vmem>>, vector<16xf32>,
        %add3A_529 = arith.constant 9 : i32
        %add3A_530 = arith.addi %add3A_137, %add3A_529 : i32
        %get3A_531 = arith.index_cast %add3A_530 : i32 to index
        %get3A_532 = arith.constant 48 : index
        %get3A_533 = tpu.vector_load %arg11[%get3A_531, %get3A_532] {strides = array<i32>} : memref<80x64xf32, #tpu.memory_space<vmem>>, vector<16xf32>,
        %mul3A_534 = arith.mulf %get3A_533, %gather3A_501 : vector<16xf32>
        %swap3A_535 = arith.index_cast %add3A_530 : i32 to index
        %swap3A_536 = arith.constant 48 : index
        %swap3A_537 = tpu.vector_load %arg11[%swap3A_535, %swap3A_536] {strides = array<i32>} : memref<80x64xf32, #tpu.memory_space<vmem>>, vector<16xf32>,
        tpu.vector_store %arg11[%swap3A_535, %swap3A_536], %mul3A_534 {strides = array<i32>} : memref<80x64xf32, #tpu.memory_space<vmem>>, vector<16xf32>,
        %add3A_538 = arith.constant 10 : i32
        %add3A_539 = arith.addi %add3A_140, %add3A_538 : i32
        %broadcast_in_dim3A_540 = vector.broadcast %add3A_539 : i32 to vector<16xi32>
        %gather3A_541 = tpu.vector_load_idx %arg9[%broadcast_in_dim3A_540] : memref<10000xf32, #tpu.memory_space<vmem>>[vector<16xi32>], vector<16xf32>,
        %add3A_542 = arith.constant 10 : i32
        %add3A_543 = arith.addi %add3A_137, %add3A_542 : i32
        %get3A_544 = arith.index_cast %add3A_543 : i32 to index
        %get3A_545 = arith.constant 0 : index
        %get3A_546 = tpu.vector_load %arg11[%get3A_544, %get3A_545] {strides = array<i32>} : memref<80x64xf32, #tpu.memory_space<vmem>>, vector<16xf32>,
        %mul3A_547 = arith.mulf %get3A_546, %gather3A_541 : vector<16xf32>
        %swap3A_548 = arith.index_cast %add3A_543 : i32 to index
        %swap3A_549 = arith.constant 0 : index
        %swap3A_550 = tpu.vector_load %arg11[%swap3A_548, %swap3A_549] {strides = array<i32>} : memref<80x64xf32, #tpu.memory_space<vmem>>, vector<16xf32>,
        tpu.vector_store %arg11[%swap3A_548, %swap3A_549], %mul3A_547 {strides = array<i32>} : memref<80x64xf32, #tpu.memory_space<vmem>>, vector<16xf32>,
        %add3A_551 = arith.constant 10 : i32
        %add3A_552 = arith.addi %add3A_137, %add3A_551 : i32
        %get3A_553 = arith.index_cast %add3A_552 : i32 to index
        %get3A_554 = arith.constant 16 : index
        %get3A_555 = tpu.vector_load %arg11[%get3A_553, %get3A_554] {strides = array<i32>} : memref<80x64xf32, #tpu.memory_space<vmem>>, vector<16xf32>,
        %mul3A_556 = arith.mulf %get3A_555, %gather3A_541 : vector<16xf32>
        %swap3A_557 = arith.index_cast %add3A_552 : i32 to index
        %swap3A_558 = arith.constant 16 : index
        %swap3A_559 = tpu.vector_load %arg11[%swap3A_557, %swap3A_558] {strides = array<i32>} : memref<80x64xf32, #tpu.memory_space<vmem>>, vector<16xf32>,
        tpu.vector_store %arg11[%swap3A_557, %swap3A_558], %mul3A_556 {strides = array<i32>} : memref<80x64xf32, #tpu.memory_space<vmem>>, vector<16xf32>,
        %add3A_560 = arith.constant 10 : i32
        %add3A_561 = arith.addi %add3A_137, %add3A_560 : i32
        %get3A_562 = arith.index_cast %add3A_561 : i32 to index
        %get3A_563 = arith.constant 32 : index
        %get3A_564 = tpu.vector_load %arg11[%get3A_562, %get3A_563] {strides = array<i32>} : memref<80x64xf32, #tpu.memory_space<vmem>>, vector<16xf32>,
        %mul3A_565 = arith.mulf %get3A_564, %gather3A_541 : vector<16xf32>
        %swap3A_566 = arith.index_cast %add3A_561 : i32 to index
        %swap3A_567 = arith.constant 32 : index
        %swap3A_568 = tpu.vector_load %arg11[%swap3A_566, %swap3A_567] {strides = array<i32>} : memref<80x64xf32, #tpu.memory_space<vmem>>, vector<16xf32>,
        tpu.vector_store %arg11[%swap3A_566, %swap3A_567], %mul3A_565 {strides = array<i32>} : memref<80x64xf32, #tpu.memory_space<vmem>>, vector<16xf32>,
        %add3A_569 = arith.constant 10 : i32
        %add3A_570 = arith.addi %add3A_137, %add3A_569 : i32
        %get3A_571 = arith.index_cast %add3A_570 : i32 to index
        %get3A_572 = arith.constant 48 : index
        %get3A_573 = tpu.vector_load %arg11[%get3A_571, %get3A_572] {strides = array<i32>} : memref<80x64xf32, #tpu.memory_space<vmem>>, vector<16xf32>,
        %mul3A_574 = arith.mulf %get3A_573, %gather3A_541 : vector<16xf32>
        %swap3A_575 = arith.index_cast %add3A_570 : i32 to index
        %swap3A_576 = arith.constant 48 : index
        %swap3A_577 = tpu.vector_load %arg11[%swap3A_575, %swap3A_576] {strides = array<i32>} : memref<80x64xf32, #tpu.memory_space<vmem>>, vector<16xf32>,
        tpu.vector_store %arg11[%swap3A_575, %swap3A_576], %mul3A_574 {strides = array<i32>} : memref<80x64xf32, #tpu.memory_space<vmem>>, vector<16xf32>,
        %add3A_578 = arith.constant 11 : i32
        %add3A_579 = arith.addi %add3A_140, %add3A_578 : i32
        %broadcast_in_dim3A_580 = vector.broadcast %add3A_579 : i32 to vector<16xi32>
        %gather3A_581 = tpu.vector_load_idx %arg9[%broadcast_in_dim3A_580] : memref<10000xf32, #tpu.memory_space<vmem>>[vector<16xi32>], vector<16xf32>,
        %add3A_582 = arith.constant 11 : i32
        %add3A_583 = arith.addi %add3A_137, %add3A_582 : i32
        %get3A_584 = arith.index_cast %add3A_583 : i32 to index
        %get3A_585 = arith.constant 0 : index
        %get3A_586 = tpu.vector_load %arg11[%get3A_584, %get3A_585] {strides = array<i32>} : memref<80x64xf32, #tpu.memory_space<vmem>>, vector<16xf32>,
        %mul3A_587 = arith.mulf %get3A_586, %gather3A_581 : vector<16xf32>
        %swap3A_588 = arith.index_cast %add3A_583 : i32 to index
        %swap3A_589 = arith.constant 0 : index
        %swap3A_590 = tpu.vector_load %arg11[%swap3A_588, %swap3A_589] {strides = array<i32>} : memref<80x64xf32, #tpu.memory_space<vmem>>, vector<16xf32>,
        tpu.vector_store %arg11[%swap3A_588, %swap3A_589], %mul3A_587 {strides = array<i32>} : memref<80x64xf32, #tpu.memory_space<vmem>>, vector<16xf32>,
        %add3A_591 = arith.constant 11 : i32
        %add3A_592 = arith.addi %add3A_137, %add3A_591 : i32
        %get3A_593 = arith.index_cast %add3A_592 : i32 to index
        %get3A_594 = arith.constant 16 : index
        %get3A_595 = tpu.vector_load %arg11[%get3A_593, %get3A_594] {strides = array<i32>} : memref<80x64xf32, #tpu.memory_space<vmem>>, vector<16xf32>,
        %mul3A_596 = arith.mulf %get3A_595, %gather3A_581 : vector<16xf32>
        %swap3A_597 = arith.index_cast %add3A_592 : i32 to index
        %swap3A_598 = arith.constant 16 : index
        %swap3A_599 = tpu.vector_load %arg11[%swap3A_597, %swap3A_598] {strides = array<i32>} : memref<80x64xf32, #tpu.memory_space<vmem>>, vector<16xf32>,
        tpu.vector_store %arg11[%swap3A_597, %swap3A_598], %mul3A_596 {strides = array<i32>} : memref<80x64xf32, #tpu.memory_space<vmem>>, vector<16xf32>,
        %add3A_600 = arith.constant 11 : i32
        %add3A_601 = arith.addi %add3A_137, %add3A_600 : i32
        %get3A_602 = arith.index_cast %add3A_601 : i32 to index
        %get3A_603 = arith.constant 32 : index
        %get3A_604 = tpu.vector_load %arg11[%get3A_602, %get3A_603] {strides = array<i32>} : memref<80x64xf32, #tpu.memory_space<vmem>>, vector<16xf32>,
        %mul3A_605 = arith.mulf %get3A_604, %gather3A_581 : vector<16xf32>
        %swap3A_606 = arith.index_cast %add3A_601 : i32 to index
        %swap3A_607 = arith.constant 32 : index
        %swap3A_608 = tpu.vector_load %arg11[%swap3A_606, %swap3A_607] {strides = array<i32>} : memref<80x64xf32, #tpu.memory_space<vmem>>, vector<16xf32>,
        tpu.vector_store %arg11[%swap3A_606, %swap3A_607], %mul3A_605 {strides = array<i32>} : memref<80x64xf32, #tpu.memory_space<vmem>>, vector<16xf32>,
        %add3A_609 = arith.constant 11 : i32
        %add3A_610 = arith.addi %add3A_137, %add3A_609 : i32
        %get3A_611 = arith.index_cast %add3A_610 : i32 to index
        %get3A_612 = arith.constant 48 : index
        %get3A_613 = tpu.vector_load %arg11[%get3A_611, %get3A_612] {strides = array<i32>} : memref<80x64xf32, #tpu.memory_space<vmem>>, vector<16xf32>,
        %mul3A_614 = arith.mulf %get3A_613, %gather3A_581 : vector<16xf32>
        %swap3A_615 = arith.index_cast %add3A_610 : i32 to index
        %swap3A_616 = arith.constant 48 : index
        %swap3A_617 = tpu.vector_load %arg11[%swap3A_615, %swap3A_616] {strides = array<i32>} : memref<80x64xf32, #tpu.memory_space<vmem>>, vector<16xf32>,
        tpu.vector_store %arg11[%swap3A_615, %swap3A_616], %mul3A_614 {strides = array<i32>} : memref<80x64xf32, #tpu.memory_space<vmem>>, vector<16xf32>,
        %add3A_618 = arith.constant 12 : i32
        %add3A_619 = arith.addi %add3A_140, %add3A_618 : i32
        %broadcast_in_dim3A_620 = vector.broadcast %add3A_619 : i32 to vector<16xi32>
        %gather3A_621 = tpu.vector_load_idx %arg9[%broadcast_in_dim3A_620] : memref<10000xf32, #tpu.memory_space<vmem>>[vector<16xi32>], vector<16xf32>,
        %add3A_622 = arith.constant 12 : i32
        %add3A_623 = arith.addi %add3A_137, %add3A_622 : i32
        %get3A_624 = arith.index_cast %add3A_623 : i32 to index
        %get3A_625 = arith.constant 0 : index
        %get3A_626 = tpu.vector_load %arg11[%get3A_624, %get3A_625] {strides = array<i32>} : memref<80x64xf32, #tpu.memory_space<vmem>>, vector<16xf32>,
        %mul3A_627 = arith.mulf %get3A_626, %gather3A_621 : vector<16xf32>
        %swap3A_628 = arith.index_cast %add3A_623 : i32 to index
        %swap3A_629 = arith.constant 0 : index
        %swap3A_630 = tpu.vector_load %arg11[%swap3A_628, %swap3A_629] {strides = array<i32>} : memref<80x64xf32, #tpu.memory_space<vmem>>, vector<16xf32>,
        tpu.vector_store %arg11[%swap3A_628, %swap3A_629], %mul3A_627 {strides = array<i32>} : memref<80x64xf32, #tpu.memory_space<vmem>>, vector<16xf32>,
        %add3A_631 = arith.constant 12 : i32
        %add3A_632 = arith.addi %add3A_137, %add3A_631 : i32
        %get3A_633 = arith.index_cast %add3A_632 : i32 to index
        %get3A_634 = arith.constant 16 : index
        %get3A_635 = tpu.vector_load %arg11[%get3A_633, %get3A_634] {strides = array<i32>} : memref<80x64xf32, #tpu.memory_space<vmem>>, vector<16xf32>,
        %mul3A_636 = arith.mulf %get3A_635, %gather3A_621 : vector<16xf32>
        %swap3A_637 = arith.index_cast %add3A_632 : i32 to index
        %swap3A_638 = arith.constant 16 : index
        %swap3A_639 = tpu.vector_load %arg11[%swap3A_637, %swap3A_638] {strides = array<i32>} : memref<80x64xf32, #tpu.memory_space<vmem>>, vector<16xf32>,
        tpu.vector_store %arg11[%swap3A_637, %swap3A_638], %mul3A_636 {strides = array<i32>} : memref<80x64xf32, #tpu.memory_space<vmem>>, vector<16xf32>,
        %add3A_640 = arith.constant 12 : i32
        %add3A_641 = arith.addi %add3A_137, %add3A_640 : i32
        %get3A_642 = arith.index_cast %add3A_641 : i32 to index
        %get3A_643 = arith.constant 32 : index
        %get3A_644 = tpu.vector_load %arg11[%get3A_642, %get3A_643] {strides = array<i32>} : memref<80x64xf32, #tpu.memory_space<vmem>>, vector<16xf32>,
        %mul3A_645 = arith.mulf %get3A_644, %gather3A_621 : vector<16xf32>
        %swap3A_646 = arith.index_cast %add3A_641 : i32 to index
        %swap3A_647 = arith.constant 32 : index
        %swap3A_648 = tpu.vector_load %arg11[%swap3A_646, %swap3A_647] {strides = array<i32>} : memref<80x64xf32, #tpu.memory_space<vmem>>, vector<16xf32>,
        tpu.vector_store %arg11[%swap3A_646, %swap3A_647], %mul3A_645 {strides = array<i32>} : memref<80x64xf32, #tpu.memory_space<vmem>>, vector<16xf32>,
        %add3A_649 = arith.constant 12 : i32
        %add3A_650 = arith.addi %add3A_137, %add3A_649 : i32
        %get3A_651 = arith.index_cast %add3A_650 : i32 to index
        %get3A_652 = arith.constant 48 : index
        %get3A_653 = tpu.vector_load %arg11[%get3A_651, %get3A_652] {strides = array<i32>} : memref<80x64xf32, #tpu.memory_space<vmem>>, vector<16xf32>,
        %mul3A_654 = arith.mulf %get3A_653, %gather3A_621 : vector<16xf32>
        %swap3A_655 = arith.index_cast %add3A_650 : i32 to index
        %swap3A_656 = arith.constant 48 : index
        %swap3A_657 = tpu.vector_load %arg11[%swap3A_655, %swap3A_656] {strides = array<i32>} : memref<80x64xf32, #tpu.memory_space<vmem>>, vector<16xf32>,
        tpu.vector_store %arg11[%swap3A_655, %swap3A_656], %mul3A_654 {strides = array<i32>} : memref<80x64xf32, #tpu.memory_space<vmem>>, vector<16xf32>,
        %add3A_658 = arith.constant 13 : i32
        %add3A_659 = arith.addi %add3A_140, %add3A_658 : i32
        %broadcast_in_dim3A_660 = vector.broadcast %add3A_659 : i32 to vector<16xi32>
        %gather3A_661 = tpu.vector_load_idx %arg9[%broadcast_in_dim3A_660] : memref<10000xf32, #tpu.memory_space<vmem>>[vector<16xi32>], vector<16xf32>,
        %add3A_662 = arith.constant 13 : i32
        %add3A_663 = arith.addi %add3A_137, %add3A_662 : i32
        %get3A_664 = arith.index_cast %add3A_663 : i32 to index
        %get3A_665 = arith.constant 0 : index
        %get3A_666 = tpu.vector_load %arg11[%get3A_664, %get3A_665] {strides = array<i32>} : memref<80x64xf32, #tpu.memory_space<vmem>>, vector<16xf32>,
        %mul3A_667 = arith.mulf %get3A_666, %gather3A_661 : vector<16xf32>
        %swap3A_668 = arith.index_cast %add3A_663 : i32 to index
        %swap3A_669 = arith.constant 0 : index
        %swap3A_670 = tpu.vector_load %arg11[%swap3A_668, %swap3A_669] {strides = array<i32>} : memref<80x64xf32, #tpu.memory_space<vmem>>, vector<16xf32>,
        tpu.vector_store %arg11[%swap3A_668, %swap3A_669], %mul3A_667 {strides = array<i32>} : memref<80x64xf32, #tpu.memory_space<vmem>>, vector<16xf32>,
        %add3A_671 = arith.constant 13 : i32
        %add3A_672 = arith.addi %add3A_137, %add3A_671 : i32
        %get3A_673 = arith.index_cast %add3A_672 : i32 to index
        %get3A_674 = arith.constant 16 : index
        %get3A_675 = tpu.vector_load %arg11[%get3A_673, %get3A_674] {strides = array<i32>} : memref<80x64xf32, #tpu.memory_space<vmem>>, vector<16xf32>,
        %mul3A_676 = arith.mulf %get3A_675, %gather3A_661 : vector<16xf32>
        %swap3A_677 = arith.index_cast %add3A_672 : i32 to index
        %swap3A_678 = arith.constant 16 : index
        %swap3A_679 = tpu.vector_load %arg11[%swap3A_677, %swap3A_678] {strides = array<i32>} : memref<80x64xf32, #tpu.memory_space<vmem>>, vector<16xf32>,
        tpu.vector_store %arg11[%swap3A_677, %swap3A_678], %mul3A_676 {strides = array<i32>} : memref<80x64xf32, #tpu.memory_space<vmem>>, vector<16xf32>,
        %add3A_680 = arith.constant 13 : i32
        %add3A_681 = arith.addi %add3A_137, %add3A_680 : i32
        %get3A_682 = arith.index_cast %add3A_681 : i32 to index
        %get3A_683 = arith.constant 32 : index
        %get3A_684 = tpu.vector_load %arg11[%get3A_682, %get3A_683] {strides = array<i32>} : memref<80x64xf32, #tpu.memory_space<vmem>>, vector<16xf32>,
        %mul3A_685 = arith.mulf %get3A_684, %gather3A_661 : vector<16xf32>
        %swap3A_686 = arith.index_cast %add3A_681 : i32 to index
        %swap3A_687 = arith.constant 32 : index
        %swap3A_688 = tpu.vector_load %arg11[%swap3A_686, %swap3A_687] {strides = array<i32>} : memref<80x64xf32, #tpu.memory_space<vmem>>, vector<16xf32>,
        tpu.vector_store %arg11[%swap3A_686, %swap3A_687], %mul3A_685 {strides = array<i32>} : memref<80x64xf32, #tpu.memory_space<vmem>>, vector<16xf32>,
        %add3A_689 = arith.constant 13 : i32
        %add3A_690 = arith.addi %add3A_137, %add3A_689 : i32
        %get3A_691 = arith.index_cast %add3A_690 : i32 to index
        %get3A_692 = arith.constant 48 : index
        %get3A_693 = tpu.vector_load %arg11[%get3A_691, %get3A_692] {strides = array<i32>} : memref<80x64xf32, #tpu.memory_space<vmem>>, vector<16xf32>,
        %mul3A_694 = arith.mulf %get3A_693, %gather3A_661 : vector<16xf32>
        %swap3A_695 = arith.index_cast %add3A_690 : i32 to index
        %swap3A_696 = arith.constant 48 : index
        %swap3A_697 = tpu.vector_load %arg11[%swap3A_695, %swap3A_696] {strides = array<i32>} : memref<80x64xf32, #tpu.memory_space<vmem>>, vector<16xf32>,
        tpu.vector_store %arg11[%swap3A_695, %swap3A_696], %mul3A_694 {strides = array<i32>} : memref<80x64xf32, #tpu.memory_space<vmem>>, vector<16xf32>,
        %add3A_698 = arith.constant 14 : i32
        %add3A_699 = arith.addi %add3A_140, %add3A_698 : i32
        %broadcast_in_dim3A_700 = vector.broadcast %add3A_699 : i32 to vector<16xi32>
        %gather3A_701 = tpu.vector_load_idx %arg9[%broadcast_in_dim3A_700] : memref<10000xf32, #tpu.memory_space<vmem>>[vector<16xi32>], vector<16xf32>,
        %add3A_702 = arith.constant 14 : i32
        %add3A_703 = arith.addi %add3A_137, %add3A_702 : i32
        %get3A_704 = arith.index_cast %add3A_703 : i32 to index
        %get3A_705 = arith.constant 0 : index
        %get3A_706 = tpu.vector_load %arg11[%get3A_704, %get3A_705] {strides = array<i32>} : memref<80x64xf32, #tpu.memory_space<vmem>>, vector<16xf32>,
        %mul3A_707 = arith.mulf %get3A_706, %gather3A_701 : vector<16xf32>
        %swap3A_708 = arith.index_cast %add3A_703 : i32 to index
        %swap3A_709 = arith.constant 0 : index
        %swap3A_710 = tpu.vector_load %arg11[%swap3A_708, %swap3A_709] {strides = array<i32>} : memref<80x64xf32, #tpu.memory_space<vmem>>, vector<16xf32>,
        tpu.vector_store %arg11[%swap3A_708, %swap3A_709], %mul3A_707 {strides = array<i32>} : memref<80x64xf32, #tpu.memory_space<vmem>>, vector<16xf32>,
        %add3A_711 = arith.constant 14 : i32
        %add3A_712 = arith.addi %add3A_137, %add3A_711 : i32
        %get3A_713 = arith.index_cast %add3A_712 : i32 to index
        %get3A_714 = arith.constant 16 : index
        %get3A_715 = tpu.vector_load %arg11[%get3A_713, %get3A_714] {strides = array<i32>} : memref<80x64xf32, #tpu.memory_space<vmem>>, vector<16xf32>,
        %mul3A_716 = arith.mulf %get3A_715, %gather3A_701 : vector<16xf32>
        %swap3A_717 = arith.index_cast %add3A_712 : i32 to index
        %swap3A_718 = arith.constant 16 : index
        %swap3A_719 = tpu.vector_load %arg11[%swap3A_717, %swap3A_718] {strides = array<i32>} : memref<80x64xf32, #tpu.memory_space<vmem>>, vector<16xf32>,
        tpu.vector_store %arg11[%swap3A_717, %swap3A_718], %mul3A_716 {strides = array<i32>} : memref<80x64xf32, #tpu.memory_space<vmem>>, vector<16xf32>,
        %add3A_720 = arith.constant 14 : i32
        %add3A_721 = arith.addi %add3A_137, %add3A_720 : i32
        %get3A_722 = arith.index_cast %add3A_721 : i32 to index
        %get3A_723 = arith.constant 32 : index
        %get3A_724 = tpu.vector_load %arg11[%get3A_722, %get3A_723] {strides = array<i32>} : memref<80x64xf32, #tpu.memory_space<vmem>>, vector<16xf32>,
        %mul3A_725 = arith.mulf %get3A_724, %gather3A_701 : vector<16xf32>
        %swap3A_726 = arith.index_cast %add3A_721 : i32 to index
        %swap3A_727 = arith.constant 32 : index
        %swap3A_728 = tpu.vector_load %arg11[%swap3A_726, %swap3A_727] {strides = array<i32>} : memref<80x64xf32, #tpu.memory_space<vmem>>, vector<16xf32>,
        tpu.vector_store %arg11[%swap3A_726, %swap3A_727], %mul3A_725 {strides = array<i32>} : memref<80x64xf32, #tpu.memory_space<vmem>>, vector<16xf32>,
        %add3A_729 = arith.constant 14 : i32
        %add3A_730 = arith.addi %add3A_137, %add3A_729 : i32
        %get3A_731 = arith.index_cast %add3A_730 : i32 to index
        %get3A_732 = arith.constant 48 : index
        %get3A_733 = tpu.vector_load %arg11[%get3A_731, %get3A_732] {strides = array<i32>} : memref<80x64xf32, #tpu.memory_space<vmem>>, vector<16xf32>,
        %mul3A_734 = arith.mulf %get3A_733, %gather3A_701 : vector<16xf32>
        %swap3A_735 = arith.index_cast %add3A_730 : i32 to index
        %swap3A_736 = arith.constant 48 : index
        %swap3A_737 = tpu.vector_load %arg11[%swap3A_735, %swap3A_736] {strides = array<i32>} : memref<80x64xf32, #tpu.memory_space<vmem>>, vector<16xf32>,
        tpu.vector_store %arg11[%swap3A_735, %swap3A_736], %mul3A_734 {strides = array<i32>} : memref<80x64xf32, #tpu.memory_space<vmem>>, vector<16xf32>,
        %add3A_738 = arith.constant 15 : i32
        %add3A_739 = arith.addi %add3A_140, %add3A_738 : i32
        %broadcast_in_dim3A_740 = vector.broadcast %add3A_739 : i32 to vector<16xi32>
        %gather3A_741 = tpu.vector_load_idx %arg9[%broadcast_in_dim3A_740] : memref<10000xf32, #tpu.memory_space<vmem>>[vector<16xi32>], vector<16xf32>,
        %add3A_742 = arith.constant 15 : i32
        %add3A_743 = arith.addi %add3A_137, %add3A_742 : i32
        %get3A_744 = arith.index_cast %add3A_743 : i32 to index
        %get3A_745 = arith.constant 0 : index
        %get3A_746 = tpu.vector_load %arg11[%get3A_744, %get3A_745] {strides = array<i32>} : memref<80x64xf32, #tpu.memory_space<vmem>>, vector<16xf32>,
        %mul3A_747 = arith.mulf %get3A_746, %gather3A_741 : vector<16xf32>
        %swap3A_748 = arith.index_cast %add3A_743 : i32 to index
        %swap3A_749 = arith.constant 0 : index
        %swap3A_750 = tpu.vector_load %arg11[%swap3A_748, %swap3A_749] {strides = array<i32>} : memref<80x64xf32, #tpu.memory_space<vmem>>, vector<16xf32>,
        tpu.vector_store %arg11[%swap3A_748, %swap3A_749], %mul3A_747 {strides = array<i32>} : memref<80x64xf32, #tpu.memory_space<vmem>>, vector<16xf32>,
        %add3A_751 = arith.constant 15 : i32
        %add3A_752 = arith.addi %add3A_137, %add3A_751 : i32
        %get3A_753 = arith.index_cast %add3A_752 : i32 to index
        %get3A_754 = arith.constant 16 : index
        %get3A_755 = tpu.vector_load %arg11[%get3A_753, %get3A_754] {strides = array<i32>} : memref<80x64xf32, #tpu.memory_space<vmem>>, vector<16xf32>,
        %mul3A_756 = arith.mulf %get3A_755, %gather3A_741 : vector<16xf32>
        %swap3A_757 = arith.index_cast %add3A_752 : i32 to index
        %swap3A_758 = arith.constant 16 : index
        %swap3A_759 = tpu.vector_load %arg11[%swap3A_757, %swap3A_758] {strides = array<i32>} : memref<80x64xf32, #tpu.memory_space<vmem>>, vector<16xf32>,
        tpu.vector_store %arg11[%swap3A_757, %swap3A_758], %mul3A_756 {strides = array<i32>} : memref<80x64xf32, #tpu.memory_space<vmem>>, vector<16xf32>,
        %add3A_760 = arith.constant 15 : i32
        %add3A_761 = arith.addi %add3A_137, %add3A_760 : i32
        %get3A_762 = arith.index_cast %add3A_761 : i32 to index
        %get3A_763 = arith.constant 32 : index
        %get3A_764 = tpu.vector_load %arg11[%get3A_762, %get3A_763] {strides = array<i32>} : memref<80x64xf32, #tpu.memory_space<vmem>>, vector<16xf32>,
        %mul3A_765 = arith.mulf %get3A_764, %gather3A_741 : vector<16xf32>
        %swap3A_766 = arith.index_cast %add3A_761 : i32 to index
        %swap3A_767 = arith.constant 32 : index
        %swap3A_768 = tpu.vector_load %arg11[%swap3A_766, %swap3A_767] {strides = array<i32>} : memref<80x64xf32, #tpu.memory_space<vmem>>, vector<16xf32>,
        tpu.vector_store %arg11[%swap3A_766, %swap3A_767], %mul3A_765 {strides = array<i32>} : memref<80x64xf32, #tpu.memory_space<vmem>>, vector<16xf32>,
        %add3A_769 = arith.constant 15 : i32
        %add3A_770 = arith.addi %add3A_137, %add3A_769 : i32
        %get3A_771 = arith.index_cast %add3A_770 : i32 to index
        %get3A_772 = arith.constant 48 : index
        %get3A_773 = tpu.vector_load %arg11[%get3A_771, %get3A_772] {strides = array<i32>} : memref<80x64xf32, #tpu.memory_space<vmem>>, vector<16xf32>,
        %mul3A_774 = arith.mulf %get3A_773, %gather3A_741 : vector<16xf32>
        %swap3A_775 = arith.index_cast %add3A_770 : i32 to index
        %swap3A_776 = arith.constant 48 : index
        %swap3A_777 = tpu.vector_load %arg11[%swap3A_775, %swap3A_776] {strides = array<i32>} : memref<80x64xf32, #tpu.memory_space<vmem>>, vector<16xf32>,
        tpu.vector_store %arg11[%swap3A_775, %swap3A_776], %mul3A_774 {strides = array<i32>} : memref<80x64xf32, #tpu.memory_space<vmem>>, vector<16xf32>,
      }
      %scan3A_99 = arith.constant 5 : i32
      %add3A_100 = arith.constant 1 : i32
      %add3A_101 = arith.addi %add3A_67, %add3A_100 : i32
      %dma_start3A_102 = arith.constant 0 : i32
      %dma_start3A_103 = tpu.memref_slice %arg8[%add3A_101, %dma_start3A_102] : memref<125x80xi32, #tpu.memory_space<vmem>> -> memref<1x80xi32, #tpu.memory_space<vmem>>
      %dma_start3A_104 = tpu.memref_squeeze %dma_start3A_103 : memref<1x80xi32, #tpu.memory_space<vmem>> -> memref<80xi32, #tpu.memory_space<vmem>>
      %dma_start3A_105 = arith.constant 0 : i32
      %dma_start3A_106 = arith.constant 0 : i32
      %dma_start3A_107 = tpu.memref_slice %arg12[%dma_start3A_105, %dma_start3A_106] : memref<10112x64xf32, #tpu.memory_space<vmem_shared>> -> memref<10112x64xf32, #tpu.memory_space<vmem_shared>>
      tpu.enqueue_indirect_dma source(%arg11 : memref<80x64xf32, #tpu.memory_space<vmem>>) target(%dma_start3A_107 : memref<10112x64xf32, #tpu.memory_space<vmem_shared>>) offsets(%dma_start3A_104 : memref<80xi32, #tpu.memory_space<vmem>>) semaphore(%arg17 : memref<!tpu.dma_semaphore, #tpu.memory_space<semaphore_mem>>) {add = true}
      %dma_wait3A_108 = arith.constant 0 : i32
      %dma_wait3A_109 = tpu.memref_slice %arg8[%add3A_67, %dma_wait3A_108] : memref<125x80xi32, #tpu.memory_space<vmem>> -> memref<1x80xi32, #tpu.memory_space<vmem>>
      %dma_wait3A_110 = tpu.memref_squeeze %dma_wait3A_109 : memref<1x80xi32, #tpu.memory_space<vmem>> -> memref<80xi32, #tpu.memory_space<vmem>>
      %dma_wait3A_111 = arith.constant 0 : i32
      %dma_wait3A_112 = arith.constant 0 : i32
      %dma_wait3A_113 = tpu.memref_slice %arg12[%dma_wait3A_111, %dma_wait3A_112] : memref<10112x64xf32, #tpu.memory_space<vmem_shared>> -> memref<10112x64xf32, #tpu.memory_space<vmem_shared>>
      tpu.wait_indirect_dma semaphore(%arg16 : memref<!tpu.dma_semaphore, #tpu.memory_space<semaphore_mem>>) src(%arg10 : memref<80x64xf32, #tpu.memory_space<vmem>>) dst(%dma_wait3A_113 : memref<10112x64xf32, #tpu.memory_space<vmem_shared>>)
      %add3A_114 = arith.constant 2 : i32
      %add3A_115 = arith.addi %add3A_67, %add3A_114 : i32
      %lt3A = arith.constant 125 : i32
      %lt3A_116 = arith.cmpi slt, %add3A_115, %lt3A : i32
      %convert_element_type3A = arith.extui %lt3A_116 : i1 to i32
      %cond3A = arith.constant 0 : i32
      %cond3A_117 = arith.cmpi ne, %convert_element_type3A, %cond3A : i32
      scf.if %cond3A_117 {
        %add3A_133 = arith.constant 2 : i32
        %add3A_134 = arith.addi %add3A_67, %add3A_133 : i32
        %dma_start3A_135 = arith.constant 0 : i32
        %dma_start3A_136 = tpu.memref_slice %arg7[%add3A_134, %dma_start3A_135] : memref<125x80xi32, #tpu.memory_space<vmem>> -> memref<1x80xi32, #tpu.memory_space<vmem>>
        %dma_start3A_137 = tpu.memref_squeeze %dma_start3A_136 : memref<1x80xi32, #tpu.memory_space<vmem>> -> memref<80xi32, #tpu.memory_space<vmem>>
        %dma_start3A_138 = arith.constant 0 : i32
        %dma_start3A_139 = arith.constant 0 : i32
        %dma_start3A_140 = tpu.memref_slice %arg13[%dma_start3A_138, %dma_start3A_139] : memref<10112x64xf32, #tpu.memory_space<vmem_shared>> -> memref<10112x64xf32, #tpu.memory_space<vmem_shared>>
        tpu.enqueue_indirect_dma source(%dma_start3A_140 : memref<10112x64xf32, #tpu.memory_space<vmem_shared>>) target(%arg10 : memref<80x64xf32, #tpu.memory_space<vmem>>) offsets(%dma_start3A_137 : memref<80xi32, #tpu.memory_space<vmem>>) semaphore(%arg14 : memref<!tpu.dma_semaphore, #tpu.memory_space<semaphore_mem>>)
      } else {
      }
      %add3A_118 = arith.constant 1 : i32
      %add3A_119 = arith.addi %add3A_67, %add3A_118 : i32
      %dma_wait3A_120 = arith.constant 0 : i32
      %dma_wait3A_121 = tpu.memref_slice %arg8[%add3A_119, %dma_wait3A_120] : memref<125x80xi32, #tpu.memory_space<vmem>> -> memref<1x80xi32, #tpu.memory_space<vmem>>
      %dma_wait3A_122 = tpu.memref_squeeze %dma_wait3A_121 : memref<1x80xi32, #tpu.memory_space<vmem>> -> memref<80xi32, #tpu.memory_space<vmem>>
      %dma_wait3A_123 = arith.constant 0 : i32
      %dma_wait3A_124 = arith.constant 0 : i32
      %dma_wait3A_125 = tpu.memref_slice %arg12[%dma_wait3A_123, %dma_wait3A_124] : memref<10112x64xf32, #tpu.memory_space<vmem_shared>> -> memref<10112x64xf32, #tpu.memory_space<vmem_shared>>
      tpu.wait_indirect_dma semaphore(%arg17 : memref<!tpu.dma_semaphore, #tpu.memory_space<semaphore_mem>>) src(%arg11 : memref<80x64xf32, #tpu.memory_space<vmem>>) dst(%dma_wait3A_125 : memref<10112x64xf32, #tpu.memory_space<vmem_shared>>)
      %add3A_126 = arith.constant 3 : i32
      %add3A_127 = arith.addi %add3A_67, %add3A_126 : i32
      %lt3A_128 = arith.constant 125 : i32
      %lt3A_129 = arith.cmpi slt, %add3A_127, %lt3A_128 : i32
      %convert_element_type3A_130 = arith.extui %lt3A_129 : i1 to i32
      %cond3A_131 = arith.constant 0 : i32
      %cond3A_132 = arith.cmpi ne, %convert_element_type3A_130, %cond3A_131 : i32
      scf.if %cond3A_132 {
        %add3A_133 = arith.constant 3 : i32
        %add3A_134 = arith.addi %add3A_67, %add3A_133 : i32
        %dma_start3A_135 = arith.constant 0 : i32
        %dma_start3A_136 = tpu.memref_slice %arg7[%add3A_134, %dma_start3A_135] : memref<125x80xi32, #tpu.memory_space<vmem>> -> memref<1x80xi32, #tpu.memory_space<vmem>>
        %dma_start3A_137 = tpu.memref_squeeze %dma_start3A_136 : memref<1x80xi32, #tpu.memory_space<vmem>> -> memref<80xi32, #tpu.memory_space<vmem>>
        %dma_start3A_138 = arith.constant 0 : i32
        %dma_start3A_139 = arith.constant 0 : i32
        %dma_start3A_140 = tpu.memref_slice %arg13[%dma_start3A_138, %dma_start3A_139] : memref<10112x64xf32, #tpu.memory_space<vmem_shared>> -> memref<10112x64xf32, #tpu.memory_space<vmem_shared>>
        tpu.enqueue_indirect_dma source(%dma_start3A_140 : memref<10112x64xf32, #tpu.memory_space<vmem_shared>>) target(%arg11 : memref<80x64xf32, #tpu.memory_space<vmem>>) offsets(%dma_start3A_137 : memref<80xi32, #tpu.memory_space<vmem>>) semaphore(%arg15 : memref<!tpu.dma_semaphore, #tpu.memory_space<semaphore_mem>>)
      } else {
      }
    }
    %scan3A_32 = arith.constant 62 : i32
    %dma_wait3A = arith.constant 124 : i32
    %dma_wait3A_33 = arith.constant 0 : i32
    %dma_wait3A_34 = tpu.memref_slice %arg7[%dma_wait3A, %dma_wait3A_33] : memref<125x80xi32, #tpu.memory_space<vmem>> -> memref<1x80xi32, #tpu.memory_space<vmem>>
    %dma_wait3A_35 = tpu.memref_squeeze %dma_wait3A_34 : memref<1x80xi32, #tpu.memory_space<vmem>> -> memref<80xi32, #tpu.memory_space<vmem>>
    %dma_wait3A_36 = arith.constant 0 : i32
    %dma_wait3A_37 = arith.constant 0 : i32
    %dma_wait3A_38 = tpu.memref_slice %arg13[%dma_wait3A_36, %dma_wait3A_37] : memref<10112x64xf32, #tpu.memory_space<vmem_shared>> -> memref<10112x64xf32, #tpu.memory_space<vmem_shared>>
    tpu.wait_indirect_dma semaphore(%arg14 : memref<!tpu.dma_semaphore, #tpu.memory_space<semaphore_mem>>) src(%dma_wait3A_38 : memref<10112x64xf32, #tpu.memory_space<vmem_shared>>) dst(%arg10 : memref<80x64xf32, #tpu.memory_space<vmem>>)
    %scan3A_39 = arith.constant 0 : i32
    %scan3A_40 = arith.constant 5 : i32
    %scan3A_41 = arith.addi %scan3A_39, %scan3A_40 : i32
    %scan3A_42 = arith.constant 1 : i32
    scf.for %scan3A_63 = %scan3A_39 to %scan3A_41 step %scan3A_42  : i32 {
      %mul3A_64 = arith.constant 16 : i32
      %mul3A_65 = arith.muli %scan3A_63, %mul3A_64 : i32
      %add3A_66 = arith.constant 0 : i32
      %add3A_67 = arith.addi %add3A_66, %mul3A_65 : i32
      %add3A_68 = arith.constant 9920 : i32
      %add3A_69 = arith.addi %add3A_68, %add3A_67 : i32
      %add3A_70 = arith.constant 0 : i32
      %add3A_71 = arith.addi %add3A_69, %add3A_70 : i32
      %broadcast_in_dim3A_72 = vector.broadcast %add3A_71 : i32 to vector<16xi32>
      %gather3A = tpu.vector_load_idx %arg9[%broadcast_in_dim3A_72] : memref<10000xf32, #tpu.memory_space<vmem>>[vector<16xi32>], vector<16xf32>,
      %add3A_73 = arith.constant 0 : i32
      %add3A_74 = arith.addi %add3A_67, %add3A_73 : i32
      %get3A = arith.index_cast %add3A_74 : i32 to index
      %get3A_75 = arith.constant 0 : index
      %get3A_76 = tpu.vector_load %arg10[%get3A, %get3A_75] {strides = array<i32>} : memref<80x64xf32, #tpu.memory_space<vmem>>, vector<16xf32>,
      %mul3A_77 = arith.mulf %get3A_76, %gather3A : vector<16xf32>
      %swap3A = arith.index_cast %add3A_74 : i32 to index
      %swap3A_78 = arith.constant 0 : index
      %swap3A_79 = tpu.vector_load %arg10[%swap3A, %swap3A_78] {strides = array<i32>} : memref<80x64xf32, #tpu.memory_space<vmem>>, vector<16xf32>,
      tpu.vector_store %arg10[%swap3A, %swap3A_78], %mul3A_77 {strides = array<i32>} : memref<80x64xf32, #tpu.memory_space<vmem>>, vector<16xf32>,
      %add3A_80 = arith.constant 0 : i32
      %add3A_81 = arith.addi %add3A_67, %add3A_80 : i32
      %get3A_82 = arith.index_cast %add3A_81 : i32 to index
      %get3A_83 = arith.constant 16 : index
      %get3A_84 = tpu.vector_load %arg10[%get3A_82, %get3A_83] {strides = array<i32>} : memref<80x64xf32, #tpu.memory_space<vmem>>, vector<16xf32>,
      %mul3A_85 = arith.mulf %get3A_84, %gather3A : vector<16xf32>
      %swap3A_86 = arith.index_cast %add3A_81 : i32 to index
      %swap3A_87 = arith.constant 16 : index
      %swap3A_88 = tpu.vector_load %arg10[%swap3A_86, %swap3A_87] {strides = array<i32>} : memref<80x64xf32, #tpu.memory_space<vmem>>, vector<16xf32>,
      tpu.vector_store %arg10[%swap3A_86, %swap3A_87], %mul3A_85 {strides = array<i32>} : memref<80x64xf32, #tpu.memory_space<vmem>>, vector<16xf32>,
      %add3A_89 = arith.constant 0 : i32
      %add3A_90 = arith.addi %add3A_67, %add3A_89 : i32
      %get3A_91 = arith.index_cast %add3A_90 : i32 to index
      %get3A_92 = arith.constant 32 : index
      %get3A_93 = tpu.vector_load %arg10[%get3A_91, %get3A_92] {strides = array<i32>} : memref<80x64xf32, #tpu.memory_space<vmem>>, vector<16xf32>,
      %mul3A_94 = arith.mulf %get3A_93, %gather3A : vector<16xf32>
      %swap3A_95 = arith.index_cast %add3A_90 : i32 to index
      %swap3A_96 = arith.constant 32 : index
      %swap3A_97 = tpu.vector_load %arg10[%swap3A_95, %swap3A_96] {strides = array<i32>} : memref<80x64xf32, #tpu.memory_space<vmem>>, vector<16xf32>,
      tpu.vector_store %arg10[%swap3A_95, %swap3A_96], %mul3A_94 {strides = array<i32>} : memref<80x64xf32, #tpu.memory_space<vmem>>, vector<16xf32>,
      %add3A_98 = arith.constant 0 : i32
      %add3A_99 = arith.addi %add3A_67, %add3A_98 : i32
      %get3A_100 = arith.index_cast %add3A_99 : i32 to index
      %get3A_101 = arith.constant 48 : index
      %get3A_102 = tpu.vector_load %arg10[%get3A_100, %get3A_101] {strides = array<i32>} : memref<80x64xf32, #tpu.memory_space<vmem>>, vector<16xf32>,
      %mul3A_103 = arith.mulf %get3A_102, %gather3A : vector<16xf32>
      %swap3A_104 = arith.index_cast %add3A_99 : i32 to index
      %swap3A_105 = arith.constant 48 : index
      %swap3A_106 = tpu.vector_load %arg10[%swap3A_104, %swap3A_105] {strides = array<i32>} : memref<80x64xf32, #tpu.memory_space<vmem>>, vector<16xf32>,
      tpu.vector_store %arg10[%swap3A_104, %swap3A_105], %mul3A_103 {strides = array<i32>} : memref<80x64xf32, #tpu.memory_space<vmem>>, vector<16xf32>,
      %add3A_107 = arith.constant 1 : i32
      %add3A_108 = arith.addi %add3A_69, %add3A_107 : i32
      %broadcast_in_dim3A_109 = vector.broadcast %add3A_108 : i32 to vector<16xi32>
      %gather3A_110 = tpu.vector_load_idx %arg9[%broadcast_in_dim3A_109] : memref<10000xf32, #tpu.memory_space<vmem>>[vector<16xi32>], vector<16xf32>,
      %add3A_111 = arith.constant 1 : i32
      %add3A_112 = arith.addi %add3A_67, %add3A_111 : i32
      %get3A_113 = arith.index_cast %add3A_112 : i32 to index
      %get3A_114 = arith.constant 0 : index
      %get3A_115 = tpu.vector_load %arg10[%get3A_113, %get3A_114] {strides = array<i32>} : memref<80x64xf32, #tpu.memory_space<vmem>>, vector<16xf32>,
      %mul3A_116 = arith.mulf %get3A_115, %gather3A_110 : vector<16xf32>
      %swap3A_117 = arith.index_cast %add3A_112 : i32 to index
      %swap3A_118 = arith.constant 0 : index
      %swap3A_119 = tpu.vector_load %arg10[%swap3A_117, %swap3A_118] {strides = array<i32>} : memref<80x64xf32, #tpu.memory_space<vmem>>, vector<16xf32>,
      tpu.vector_store %arg10[%swap3A_117, %swap3A_118], %mul3A_116 {strides = array<i32>} : memref<80x64xf32, #tpu.memory_space<vmem>>, vector<16xf32>,
      %add3A_120 = arith.constant 1 : i32
      %add3A_121 = arith.addi %add3A_67, %add3A_120 : i32
      %get3A_122 = arith.index_cast %add3A_121 : i32 to index
      %get3A_123 = arith.constant 16 : index
      %get3A_124 = tpu.vector_load %arg10[%get3A_122, %get3A_123] {strides = array<i32>} : memref<80x64xf32, #tpu.memory_space<vmem>>, vector<16xf32>,
      %mul3A_125 = arith.mulf %get3A_124, %gather3A_110 : vector<16xf32>
      %swap3A_126 = arith.index_cast %add3A_121 : i32 to index
      %swap3A_127 = arith.constant 16 : index
      %swap3A_128 = tpu.vector_load %arg10[%swap3A_126, %swap3A_127] {strides = array<i32>} : memref<80x64xf32, #tpu.memory_space<vmem>>, vector<16xf32>,
      tpu.vector_store %arg10[%swap3A_126, %swap3A_127], %mul3A_125 {strides = array<i32>} : memref<80x64xf32, #tpu.memory_space<vmem>>, vector<16xf32>,
      %add3A_129 = arith.constant 1 : i32
      %add3A_130 = arith.addi %add3A_67, %add3A_129 : i32
      %get3A_131 = arith.index_cast %add3A_130 : i32 to index
      %get3A_132 = arith.constant 32 : index
      %get3A_133 = tpu.vector_load %arg10[%get3A_131, %get3A_132] {strides = array<i32>} : memref<80x64xf32, #tpu.memory_space<vmem>>, vector<16xf32>,
      %mul3A_134 = arith.mulf %get3A_133, %gather3A_110 : vector<16xf32>
      %swap3A_135 = arith.index_cast %add3A_130 : i32 to index
      %swap3A_136 = arith.constant 32 : index
      %swap3A_137 = tpu.vector_load %arg10[%swap3A_135, %swap3A_136] {strides = array<i32>} : memref<80x64xf32, #tpu.memory_space<vmem>>, vector<16xf32>,
      tpu.vector_store %arg10[%swap3A_135, %swap3A_136], %mul3A_134 {strides = array<i32>} : memref<80x64xf32, #tpu.memory_space<vmem>>, vector<16xf32>,
      %add3A_138 = arith.constant 1 : i32
      %add3A_139 = arith.addi %add3A_67, %add3A_138 : i32
      %get3A_140 = arith.index_cast %add3A_139 : i32 to index
      %get3A_141 = arith.constant 48 : index
      %get3A_142 = tpu.vector_load %arg10[%get3A_140, %get3A_141] {strides = array<i32>} : memref<80x64xf32, #tpu.memory_space<vmem>>, vector<16xf32>,
      %mul3A_143 = arith.mulf %get3A_142, %gather3A_110 : vector<16xf32>
      %swap3A_144 = arith.index_cast %add3A_139 : i32 to index
      %swap3A_145 = arith.constant 48 : index
      %swap3A_146 = tpu.vector_load %arg10[%swap3A_144, %swap3A_145] {strides = array<i32>} : memref<80x64xf32, #tpu.memory_space<vmem>>, vector<16xf32>,
      tpu.vector_store %arg10[%swap3A_144, %swap3A_145], %mul3A_143 {strides = array<i32>} : memref<80x64xf32, #tpu.memory_space<vmem>>, vector<16xf32>,
      %add3A_147 = arith.constant 2 : i32
      %add3A_148 = arith.addi %add3A_69, %add3A_147 : i32
      %broadcast_in_dim3A_149 = vector.broadcast %add3A_148 : i32 to vector<16xi32>
      %gather3A_150 = tpu.vector_load_idx %arg9[%broadcast_in_dim3A_149] : memref<10000xf32, #tpu.memory_space<vmem>>[vector<16xi32>], vector<16xf32>,
      %add3A_151 = arith.constant 2 : i32
      %add3A_152 = arith.addi %add3A_67, %add3A_151 : i32
      %get3A_153 = arith.index_cast %add3A_152 : i32 to index
      %get3A_154 = arith.constant 0 : index
      %get3A_155 = tpu.vector_load %arg10[%get3A_153, %get3A_154] {strides = array<i32>} : memref<80x64xf32, #tpu.memory_space<vmem>>, vector<16xf32>,
      %mul3A_156 = arith.mulf %get3A_155, %gather3A_150 : vector<16xf32>
      %swap3A_157 = arith.index_cast %add3A_152 : i32 to index
      %swap3A_158 = arith.constant 0 : index
      %swap3A_159 = tpu.vector_load %arg10[%swap3A_157, %swap3A_158] {strides = array<i32>} : memref<80x64xf32, #tpu.memory_space<vmem>>, vector<16xf32>,
      tpu.vector_store %arg10[%swap3A_157, %swap3A_158], %mul3A_156 {strides = array<i32>} : memref<80x64xf32, #tpu.memory_space<vmem>>, vector<16xf32>,
      %add3A_160 = arith.constant 2 : i32
      %add3A_161 = arith.addi %add3A_67, %add3A_160 : i32
      %get3A_162 = arith.index_cast %add3A_161 : i32 to index
      %get3A_163 = arith.constant 16 : index
      %get3A_164 = tpu.vector_load %arg10[%get3A_162, %get3A_163] {strides = array<i32>} : memref<80x64xf32, #tpu.memory_space<vmem>>, vector<16xf32>,
      %mul3A_165 = arith.mulf %get3A_164, %gather3A_150 : vector<16xf32>
      %swap3A_166 = arith.index_cast %add3A_161 : i32 to index
      %swap3A_167 = arith.constant 16 : index
      %swap3A_168 = tpu.vector_load %arg10[%swap3A_166, %swap3A_167] {strides = array<i32>} : memref<80x64xf32, #tpu.memory_space<vmem>>, vector<16xf32>,
      tpu.vector_store %arg10[%swap3A_166, %swap3A_167], %mul3A_165 {strides = array<i32>} : memref<80x64xf32, #tpu.memory_space<vmem>>, vector<16xf32>,
      %add3A_169 = arith.constant 2 : i32
      %add3A_170 = arith.addi %add3A_67, %add3A_169 : i32
      %get3A_171 = arith.index_cast %add3A_170 : i32 to index
      %get3A_172 = arith.constant 32 : index
      %get3A_173 = tpu.vector_load %arg10[%get3A_171, %get3A_172] {strides = array<i32>} : memref<80x64xf32, #tpu.memory_space<vmem>>, vector<16xf32>,
      %mul3A_174 = arith.mulf %get3A_173, %gather3A_150 : vector<16xf32>
      %swap3A_175 = arith.index_cast %add3A_170 : i32 to index
      %swap3A_176 = arith.constant 32 : index
      %swap3A_177 = tpu.vector_load %arg10[%swap3A_175, %swap3A_176] {strides = array<i32>} : memref<80x64xf32, #tpu.memory_space<vmem>>, vector<16xf32>,
      tpu.vector_store %arg10[%swap3A_175, %swap3A_176], %mul3A_174 {strides = array<i32>} : memref<80x64xf32, #tpu.memory_space<vmem>>, vector<16xf32>,
      %add3A_178 = arith.constant 2 : i32
      %add3A_179 = arith.addi %add3A_67, %add3A_178 : i32
      %get3A_180 = arith.index_cast %add3A_179 : i32 to index
      %get3A_181 = arith.constant 48 : index
      %get3A_182 = tpu.vector_load %arg10[%get3A_180, %get3A_181] {strides = array<i32>} : memref<80x64xf32, #tpu.memory_space<vmem>>, vector<16xf32>,
      %mul3A_183 = arith.mulf %get3A_182, %gather3A_150 : vector<16xf32>
      %swap3A_184 = arith.index_cast %add3A_179 : i32 to index
      %swap3A_185 = arith.constant 48 : index
      %swap3A_186 = tpu.vector_load %arg10[%swap3A_184, %swap3A_185] {strides = array<i32>} : memref<80x64xf32, #tpu.memory_space<vmem>>, vector<16xf32>,
      tpu.vector_store %arg10[%swap3A_184, %swap3A_185], %mul3A_183 {strides = array<i32>} : memref<80x64xf32, #tpu.memory_space<vmem>>, vector<16xf32>,
      %add3A_187 = arith.constant 3 : i32
      %add3A_188 = arith.addi %add3A_69, %add3A_187 : i32
      %broadcast_in_dim3A_189 = vector.broadcast %add3A_188 : i32 to vector<16xi32>
      %gather3A_190 = tpu.vector_load_idx %arg9[%broadcast_in_dim3A_189] : memref<10000xf32, #tpu.memory_space<vmem>>[vector<16xi32>], vector<16xf32>,
      %add3A_191 = arith.constant 3 : i32
      %add3A_192 = arith.addi %add3A_67, %add3A_191 : i32
      %get3A_193 = arith.index_cast %add3A_192 : i32 to index
      %get3A_194 = arith.constant 0 : index
      %get3A_195 = tpu.vector_load %arg10[%get3A_193, %get3A_194] {strides = array<i32>} : memref<80x64xf32, #tpu.memory_space<vmem>>, vector<16xf32>,
      %mul3A_196 = arith.mulf %get3A_195, %gather3A_190 : vector<16xf32>
      %swap3A_197 = arith.index_cast %add3A_192 : i32 to index
      %swap3A_198 = arith.constant 0 : index
      %swap3A_199 = tpu.vector_load %arg10[%swap3A_197, %swap3A_198] {strides = array<i32>} : memref<80x64xf32, #tpu.memory_space<vmem>>, vector<16xf32>,
      tpu.vector_store %arg10[%swap3A_197, %swap3A_198], %mul3A_196 {strides = array<i32>} : memref<80x64xf32, #tpu.memory_space<vmem>>, vector<16xf32>,
      %add3A_200 = arith.constant 3 : i32
      %add3A_201 = arith.addi %add3A_67, %add3A_200 : i32
      %get3A_202 = arith.index_cast %add3A_201 : i32 to index
      %get3A_203 = arith.constant 16 : index
      %get3A_204 = tpu.vector_load %arg10[%get3A_202, %get3A_203] {strides = array<i32>} : memref<80x64xf32, #tpu.memory_space<vmem>>, vector<16xf32>,
      %mul3A_205 = arith.mulf %get3A_204, %gather3A_190 : vector<16xf32>
      %swap3A_206 = arith.index_cast %add3A_201 : i32 to index
      %swap3A_207 = arith.constant 16 : index
      %swap3A_208 = tpu.vector_load %arg10[%swap3A_206, %swap3A_207] {strides = array<i32>} : memref<80x64xf32, #tpu.memory_space<vmem>>, vector<16xf32>,
      tpu.vector_store %arg10[%swap3A_206, %swap3A_207], %mul3A_205 {strides = array<i32>} : memref<80x64xf32, #tpu.memory_space<vmem>>, vector<16xf32>,
      %add3A_209 = arith.constant 3 : i32
      %add3A_210 = arith.addi %add3A_67, %add3A_209 : i32
      %get3A_211 = arith.index_cast %add3A_210 : i32 to index
      %get3A_212 = arith.constant 32 : index
      %get3A_213 = tpu.vector_load %arg10[%get3A_211, %get3A_212] {strides = array<i32>} : memref<80x64xf32, #tpu.memory_space<vmem>>, vector<16xf32>,
      %mul3A_214 = arith.mulf %get3A_213, %gather3A_190 : vector<16xf32>
      %swap3A_215 = arith.index_cast %add3A_210 : i32 to index
      %swap3A_216 = arith.constant 32 : index
      %swap3A_217 = tpu.vector_load %arg10[%swap3A_215, %swap3A_216] {strides = array<i32>} : memref<80x64xf32, #tpu.memory_space<vmem>>, vector<16xf32>,
      tpu.vector_store %arg10[%swap3A_215, %swap3A_216], %mul3A_214 {strides = array<i32>} : memref<80x64xf32, #tpu.memory_space<vmem>>, vector<16xf32>,
      %add3A_218 = arith.constant 3 : i32
      %add3A_219 = arith.addi %add3A_67, %add3A_218 : i32
      %get3A_220 = arith.index_cast %add3A_219 : i32 to index
      %get3A_221 = arith.constant 48 : index
      %get3A_222 = tpu.vector_load %arg10[%get3A_220, %get3A_221] {strides = array<i32>} : memref<80x64xf32, #tpu.memory_space<vmem>>, vector<16xf32>,
      %mul3A_223 = arith.mulf %get3A_222, %gather3A_190 : vector<16xf32>
      %swap3A_224 = arith.index_cast %add3A_219 : i32 to index
      %swap3A_225 = arith.constant 48 : index
      %swap3A_226 = tpu.vector_load %arg10[%swap3A_224, %swap3A_225] {strides = array<i32>} : memref<80x64xf32, #tpu.memory_space<vmem>>, vector<16xf32>,
      tpu.vector_store %arg10[%swap3A_224, %swap3A_225], %mul3A_223 {strides = array<i32>} : memref<80x64xf32, #tpu.memory_space<vmem>>, vector<16xf32>,
      %add3A_227 = arith.constant 4 : i32
      %add3A_228 = arith.addi %add3A_69, %add3A_227 : i32
      %broadcast_in_dim3A_229 = vector.broadcast %add3A_228 : i32 to vector<16xi32>
      %gather3A_230 = tpu.vector_load_idx %arg9[%broadcast_in_dim3A_229] : memref<10000xf32, #tpu.memory_space<vmem>>[vector<16xi32>], vector<16xf32>,
      %add3A_231 = arith.constant 4 : i32
      %add3A_232 = arith.addi %add3A_67, %add3A_231 : i32
      %get3A_233 = arith.index_cast %add3A_232 : i32 to index
      %get3A_234 = arith.constant 0 : index
      %get3A_235 = tpu.vector_load %arg10[%get3A_233, %get3A_234] {strides = array<i32>} : memref<80x64xf32, #tpu.memory_space<vmem>>, vector<16xf32>,
      %mul3A_236 = arith.mulf %get3A_235, %gather3A_230 : vector<16xf32>
      %swap3A_237 = arith.index_cast %add3A_232 : i32 to index
      %swap3A_238 = arith.constant 0 : index
      %swap3A_239 = tpu.vector_load %arg10[%swap3A_237, %swap3A_238] {strides = array<i32>} : memref<80x64xf32, #tpu.memory_space<vmem>>, vector<16xf32>,
      tpu.vector_store %arg10[%swap3A_237, %swap3A_238], %mul3A_236 {strides = array<i32>} : memref<80x64xf32, #tpu.memory_space<vmem>>, vector<16xf32>,
      %add3A_240 = arith.constant 4 : i32
      %add3A_241 = arith.addi %add3A_67, %add3A_240 : i32
      %get3A_242 = arith.index_cast %add3A_241 : i32 to index
      %get3A_243 = arith.constant 16 : index
      %get3A_244 = tpu.vector_load %arg10[%get3A_242, %get3A_243] {strides = array<i32>} : memref<80x64xf32, #tpu.memory_space<vmem>>, vector<16xf32>,
      %mul3A_245 = arith.mulf %get3A_244, %gather3A_230 : vector<16xf32>
      %swap3A_246 = arith.index_cast %add3A_241 : i32 to index
      %swap3A_247 = arith.constant 16 : index
      %swap3A_248 = tpu.vector_load %arg10[%swap3A_246, %swap3A_247] {strides = array<i32>} : memref<80x64xf32, #tpu.memory_space<vmem>>, vector<16xf32>,
      tpu.vector_store %arg10[%swap3A_246, %swap3A_247], %mul3A_245 {strides = array<i32>} : memref<80x64xf32, #tpu.memory_space<vmem>>, vector<16xf32>,
      %add3A_249 = arith.constant 4 : i32
      %add3A_250 = arith.addi %add3A_67, %add3A_249 : i32
      %get3A_251 = arith.index_cast %add3A_250 : i32 to index
      %get3A_252 = arith.constant 32 : index
      %get3A_253 = tpu.vector_load %arg10[%get3A_251, %get3A_252] {strides = array<i32>} : memref<80x64xf32, #tpu.memory_space<vmem>>, vector<16xf32>,
      %mul3A_254 = arith.mulf %get3A_253, %gather3A_230 : vector<16xf32>
      %swap3A_255 = arith.index_cast %add3A_250 : i32 to index
      %swap3A_256 = arith.constant 32 : index
      %swap3A_257 = tpu.vector_load %arg10[%swap3A_255, %swap3A_256] {strides = array<i32>} : memref<80x64xf32, #tpu.memory_space<vmem>>, vector<16xf32>,
      tpu.vector_store %arg10[%swap3A_255, %swap3A_256], %mul3A_254 {strides = array<i32>} : memref<80x64xf32, #tpu.memory_space<vmem>>, vector<16xf32>,
      %add3A_258 = arith.constant 4 : i32
      %add3A_259 = arith.addi %add3A_67, %add3A_258 : i32
      %get3A_260 = arith.index_cast %add3A_259 : i32 to index
      %get3A_261 = arith.constant 48 : index
      %get3A_262 = tpu.vector_load %arg10[%get3A_260, %get3A_261] {strides = array<i32>} : memref<80x64xf32, #tpu.memory_space<vmem>>, vector<16xf32>,
      %mul3A_263 = arith.mulf %get3A_262, %gather3A_230 : vector<16xf32>
      %swap3A_264 = arith.index_cast %add3A_259 : i32 to index
      %swap3A_265 = arith.constant 48 : index
      %swap3A_266 = tpu.vector_load %arg10[%swap3A_264, %swap3A_265] {strides = array<i32>} : memref<80x64xf32, #tpu.memory_space<vmem>>, vector<16xf32>,
      tpu.vector_store %arg10[%swap3A_264, %swap3A_265], %mul3A_263 {strides = array<i32>} : memref<80x64xf32, #tpu.memory_space<vmem>>, vector<16xf32>,
      %add3A_267 = arith.constant 5 : i32
      %add3A_268 = arith.addi %add3A_69, %add3A_267 : i32
      %broadcast_in_dim3A_269 = vector.broadcast %add3A_268 : i32 to vector<16xi32>
      %gather3A_270 = tpu.vector_load_idx %arg9[%broadcast_in_dim3A_269] : memref<10000xf32, #tpu.memory_space<vmem>>[vector<16xi32>], vector<16xf32>,
      %add3A_271 = arith.constant 5 : i32
      %add3A_272 = arith.addi %add3A_67, %add3A_271 : i32
      %get3A_273 = arith.index_cast %add3A_272 : i32 to index
      %get3A_274 = arith.constant 0 : index
      %get3A_275 = tpu.vector_load %arg10[%get3A_273, %get3A_274] {strides = array<i32>} : memref<80x64xf32, #tpu.memory_space<vmem>>, vector<16xf32>,
      %mul3A_276 = arith.mulf %get3A_275, %gather3A_270 : vector<16xf32>
      %swap3A_277 = arith.index_cast %add3A_272 : i32 to index
      %swap3A_278 = arith.constant 0 : index
      %swap3A_279 = tpu.vector_load %arg10[%swap3A_277, %swap3A_278] {strides = array<i32>} : memref<80x64xf32, #tpu.memory_space<vmem>>, vector<16xf32>,
      tpu.vector_store %arg10[%swap3A_277, %swap3A_278], %mul3A_276 {strides = array<i32>} : memref<80x64xf32, #tpu.memory_space<vmem>>, vector<16xf32>,
      %add3A_280 = arith.constant 5 : i32
      %add3A_281 = arith.addi %add3A_67, %add3A_280 : i32
      %get3A_282 = arith.index_cast %add3A_281 : i32 to index
      %get3A_283 = arith.constant 16 : index
      %get3A_284 = tpu.vector_load %arg10[%get3A_282, %get3A_283] {strides = array<i32>} : memref<80x64xf32, #tpu.memory_space<vmem>>, vector<16xf32>,
      %mul3A_285 = arith.mulf %get3A_284, %gather3A_270 : vector<16xf32>
      %swap3A_286 = arith.index_cast %add3A_281 : i32 to index
      %swap3A_287 = arith.constant 16 : index
      %swap3A_288 = tpu.vector_load %arg10[%swap3A_286, %swap3A_287] {strides = array<i32>} : memref<80x64xf32, #tpu.memory_space<vmem>>, vector<16xf32>,
      tpu.vector_store %arg10[%swap3A_286, %swap3A_287], %mul3A_285 {strides = array<i32>} : memref<80x64xf32, #tpu.memory_space<vmem>>, vector<16xf32>,
      %add3A_289 = arith.constant 5 : i32
      %add3A_290 = arith.addi %add3A_67, %add3A_289 : i32
      %get3A_291 = arith.index_cast %add3A_290 : i32 to index
      %get3A_292 = arith.constant 32 : index
      %get3A_293 = tpu.vector_load %arg10[%get3A_291, %get3A_292] {strides = array<i32>} : memref<80x64xf32, #tpu.memory_space<vmem>>, vector<16xf32>,
      %mul3A_294 = arith.mulf %get3A_293, %gather3A_270 : vector<16xf32>
      %swap3A_295 = arith.index_cast %add3A_290 : i32 to index
      %swap3A_296 = arith.constant 32 : index
      %swap3A_297 = tpu.vector_load %arg10[%swap3A_295, %swap3A_296] {strides = array<i32>} : memref<80x64xf32, #tpu.memory_space<vmem>>, vector<16xf32>,
      tpu.vector_store %arg10[%swap3A_295, %swap3A_296], %mul3A_294 {strides = array<i32>} : memref<80x64xf32, #tpu.memory_space<vmem>>, vector<16xf32>,
      %add3A_298 = arith.constant 5 : i32
      %add3A_299 = arith.addi %add3A_67, %add3A_298 : i32
      %get3A_300 = arith.index_cast %add3A_299 : i32 to index
      %get3A_301 = arith.constant 48 : index
      %get3A_302 = tpu.vector_load %arg10[%get3A_300, %get3A_301] {strides = array<i32>} : memref<80x64xf32, #tpu.memory_space<vmem>>, vector<16xf32>,
      %mul3A_303 = arith.mulf %get3A_302, %gather3A_270 : vector<16xf32>
      %swap3A_304 = arith.index_cast %add3A_299 : i32 to index
      %swap3A_305 = arith.constant 48 : index
      %swap3A_306 = tpu.vector_load %arg10[%swap3A_304, %swap3A_305] {strides = array<i32>} : memref<80x64xf32, #tpu.memory_space<vmem>>, vector<16xf32>,
      tpu.vector_store %arg10[%swap3A_304, %swap3A_305], %mul3A_303 {strides = array<i32>} : memref<80x64xf32, #tpu.memory_space<vmem>>, vector<16xf32>,
      %add3A_307 = arith.constant 6 : i32
      %add3A_308 = arith.addi %add3A_69, %add3A_307 : i32
      %broadcast_in_dim3A_309 = vector.broadcast %add3A_308 : i32 to vector<16xi32>
      %gather3A_310 = tpu.vector_load_idx %arg9[%broadcast_in_dim3A_309] : memref<10000xf32, #tpu.memory_space<vmem>>[vector<16xi32>], vector<16xf32>,
      %add3A_311 = arith.constant 6 : i32
      %add3A_312 = arith.addi %add3A_67, %add3A_311 : i32
      %get3A_313 = arith.index_cast %add3A_312 : i32 to index
      %get3A_314 = arith.constant 0 : index
      %get3A_315 = tpu.vector_load %arg10[%get3A_313, %get3A_314] {strides = array<i32>} : memref<80x64xf32, #tpu.memory_space<vmem>>, vector<16xf32>,
      %mul3A_316 = arith.mulf %get3A_315, %gather3A_310 : vector<16xf32>
      %swap3A_317 = arith.index_cast %add3A_312 : i32 to index
      %swap3A_318 = arith.constant 0 : index
      %swap3A_319 = tpu.vector_load %arg10[%swap3A_317, %swap3A_318] {strides = array<i32>} : memref<80x64xf32, #tpu.memory_space<vmem>>, vector<16xf32>,
      tpu.vector_store %arg10[%swap3A_317, %swap3A_318], %mul3A_316 {strides = array<i32>} : memref<80x64xf32, #tpu.memory_space<vmem>>, vector<16xf32>,
      %add3A_320 = arith.constant 6 : i32
      %add3A_321 = arith.addi %add3A_67, %add3A_320 : i32
      %get3A_322 = arith.index_cast %add3A_321 : i32 to index
      %get3A_323 = arith.constant 16 : index
      %get3A_324 = tpu.vector_load %arg10[%get3A_322, %get3A_323] {strides = array<i32>} : memref<80x64xf32, #tpu.memory_space<vmem>>, vector<16xf32>,
      %mul3A_325 = arith.mulf %get3A_324, %gather3A_310 : vector<16xf32>
      %swap3A_326 = arith.index_cast %add3A_321 : i32 to index
      %swap3A_327 = arith.constant 16 : index
      %swap3A_328 = tpu.vector_load %arg10[%swap3A_326, %swap3A_327] {strides = array<i32>} : memref<80x64xf32, #tpu.memory_space<vmem>>, vector<16xf32>,
      tpu.vector_store %arg10[%swap3A_326, %swap3A_327], %mul3A_325 {strides = array<i32>} : memref<80x64xf32, #tpu.memory_space<vmem>>, vector<16xf32>,
      %add3A_329 = arith.constant 6 : i32
      %add3A_330 = arith.addi %add3A_67, %add3A_329 : i32
      %get3A_331 = arith.index_cast %add3A_330 : i32 to index
      %get3A_332 = arith.constant 32 : index
      %get3A_333 = tpu.vector_load %arg10[%get3A_331, %get3A_332] {strides = array<i32>} : memref<80x64xf32, #tpu.memory_space<vmem>>, vector<16xf32>,
      %mul3A_334 = arith.mulf %get3A_333, %gather3A_310 : vector<16xf32>
      %swap3A_335 = arith.index_cast %add3A_330 : i32 to index
      %swap3A_336 = arith.constant 32 : index
      %swap3A_337 = tpu.vector_load %arg10[%swap3A_335, %swap3A_336] {strides = array<i32>} : memref<80x64xf32, #tpu.memory_space<vmem>>, vector<16xf32>,
      tpu.vector_store %arg10[%swap3A_335, %swap3A_336], %mul3A_334 {strides = array<i32>} : memref<80x64xf32, #tpu.memory_space<vmem>>, vector<16xf32>,
      %add3A_338 = arith.constant 6 : i32
      %add3A_339 = arith.addi %add3A_67, %add3A_338 : i32
      %get3A_340 = arith.index_cast %add3A_339 : i32 to index
      %get3A_341 = arith.constant 48 : index
      %get3A_342 = tpu.vector_load %arg10[%get3A_340, %get3A_341] {strides = array<i32>} : memref<80x64xf32, #tpu.memory_space<vmem>>, vector<16xf32>,
      %mul3A_343 = arith.mulf %get3A_342, %gather3A_310 : vector<16xf32>
      %swap3A_344 = arith.index_cast %add3A_339 : i32 to index
      %swap3A_345 = arith.constant 48 : index
      %swap3A_346 = tpu.vector_load %arg10[%swap3A_344, %swap3A_345] {strides = array<i32>} : memref<80x64xf32, #tpu.memory_space<vmem>>, vector<16xf32>,
      tpu.vector_store %arg10[%swap3A_344, %swap3A_345], %mul3A_343 {strides = array<i32>} : memref<80x64xf32, #tpu.memory_space<vmem>>, vector<16xf32>,
      %add3A_347 = arith.constant 7 : i32
      %add3A_348 = arith.addi %add3A_69, %add3A_347 : i32
      %broadcast_in_dim3A_349 = vector.broadcast %add3A_348 : i32 to vector<16xi32>
      %gather3A_350 = tpu.vector_load_idx %arg9[%broadcast_in_dim3A_349] : memref<10000xf32, #tpu.memory_space<vmem>>[vector<16xi32>], vector<16xf32>,
      %add3A_351 = arith.constant 7 : i32
      %add3A_352 = arith.addi %add3A_67, %add3A_351 : i32
      %get3A_353 = arith.index_cast %add3A_352 : i32 to index
      %get3A_354 = arith.constant 0 : index
      %get3A_355 = tpu.vector_load %arg10[%get3A_353, %get3A_354] {strides = array<i32>} : memref<80x64xf32, #tpu.memory_space<vmem>>, vector<16xf32>,
      %mul3A_356 = arith.mulf %get3A_355, %gather3A_350 : vector<16xf32>
      %swap3A_357 = arith.index_cast %add3A_352 : i32 to index
      %swap3A_358 = arith.constant 0 : index
      %swap3A_359 = tpu.vector_load %arg10[%swap3A_357, %swap3A_358] {strides = array<i32>} : memref<80x64xf32, #tpu.memory_space<vmem>>, vector<16xf32>,
      tpu.vector_store %arg10[%swap3A_357, %swap3A_358], %mul3A_356 {strides = array<i32>} : memref<80x64xf32, #tpu.memory_space<vmem>>, vector<16xf32>,
      %add3A_360 = arith.constant 7 : i32
      %add3A_361 = arith.addi %add3A_67, %add3A_360 : i32
      %get3A_362 = arith.index_cast %add3A_361 : i32 to index
      %get3A_363 = arith.constant 16 : index
      %get3A_364 = tpu.vector_load %arg10[%get3A_362, %get3A_363] {strides = array<i32>} : memref<80x64xf32, #tpu.memory_space<vmem>>, vector<16xf32>,
      %mul3A_365 = arith.mulf %get3A_364, %gather3A_350 : vector<16xf32>
      %swap3A_366 = arith.index_cast %add3A_361 : i32 to index
      %swap3A_367 = arith.constant 16 : index
      %swap3A_368 = tpu.vector_load %arg10[%swap3A_366, %swap3A_367] {strides = array<i32>} : memref<80x64xf32, #tpu.memory_space<vmem>>, vector<16xf32>,
      tpu.vector_store %arg10[%swap3A_366, %swap3A_367], %mul3A_365 {strides = array<i32>} : memref<80x64xf32, #tpu.memory_space<vmem>>, vector<16xf32>,
      %add3A_369 = arith.constant 7 : i32
      %add3A_370 = arith.addi %add3A_67, %add3A_369 : i32
      %get3A_371 = arith.index_cast %add3A_370 : i32 to index
      %get3A_372 = arith.constant 32 : index
      %get3A_373 = tpu.vector_load %arg10[%get3A_371, %get3A_372] {strides = array<i32>} : memref<80x64xf32, #tpu.memory_space<vmem>>, vector<16xf32>,
      %mul3A_374 = arith.mulf %get3A_373, %gather3A_350 : vector<16xf32>
      %swap3A_375 = arith.index_cast %add3A_370 : i32 to index
      %swap3A_376 = arith.constant 32 : index
      %swap3A_377 = tpu.vector_load %arg10[%swap3A_375, %swap3A_376] {strides = array<i32>} : memref<80x64xf32, #tpu.memory_space<vmem>>, vector<16xf32>,
      tpu.vector_store %arg10[%swap3A_375, %swap3A_376], %mul3A_374 {strides = array<i32>} : memref<80x64xf32, #tpu.memory_space<vmem>>, vector<16xf32>,
      %add3A_378 = arith.constant 7 : i32
      %add3A_379 = arith.addi %add3A_67, %add3A_378 : i32
      %get3A_380 = arith.index_cast %add3A_379 : i32 to index
      %get3A_381 = arith.constant 48 : index
      %get3A_382 = tpu.vector_load %arg10[%get3A_380, %get3A_381] {strides = array<i32>} : memref<80x64xf32, #tpu.memory_space<vmem>>, vector<16xf32>,
      %mul3A_383 = arith.mulf %get3A_382, %gather3A_350 : vector<16xf32>
      %swap3A_384 = arith.index_cast %add3A_379 : i32 to index
      %swap3A_385 = arith.constant 48 : index
      %swap3A_386 = tpu.vector_load %arg10[%swap3A_384, %swap3A_385] {strides = array<i32>} : memref<80x64xf32, #tpu.memory_space<vmem>>, vector<16xf32>,
      tpu.vector_store %arg10[%swap3A_384, %swap3A_385], %mul3A_383 {strides = array<i32>} : memref<80x64xf32, #tpu.memory_space<vmem>>, vector<16xf32>,
      %add3A_387 = arith.constant 8 : i32
      %add3A_388 = arith.addi %add3A_69, %add3A_387 : i32
      %broadcast_in_dim3A_389 = vector.broadcast %add3A_388 : i32 to vector<16xi32>
      %gather3A_390 = tpu.vector_load_idx %arg9[%broadcast_in_dim3A_389] : memref<10000xf32, #tpu.memory_space<vmem>>[vector<16xi32>], vector<16xf32>,
      %add3A_391 = arith.constant 8 : i32
      %add3A_392 = arith.addi %add3A_67, %add3A_391 : i32
      %get3A_393 = arith.index_cast %add3A_392 : i32 to index
      %get3A_394 = arith.constant 0 : index
      %get3A_395 = tpu.vector_load %arg10[%get3A_393, %get3A_394] {strides = array<i32>} : memref<80x64xf32, #tpu.memory_space<vmem>>, vector<16xf32>,
      %mul3A_396 = arith.mulf %get3A_395, %gather3A_390 : vector<16xf32>
      %swap3A_397 = arith.index_cast %add3A_392 : i32 to index
      %swap3A_398 = arith.constant 0 : index
      %swap3A_399 = tpu.vector_load %arg10[%swap3A_397, %swap3A_398] {strides = array<i32>} : memref<80x64xf32, #tpu.memory_space<vmem>>, vector<16xf32>,
      tpu.vector_store %arg10[%swap3A_397, %swap3A_398], %mul3A_396 {strides = array<i32>} : memref<80x64xf32, #tpu.memory_space<vmem>>, vector<16xf32>,
      %add3A_400 = arith.constant 8 : i32
      %add3A_401 = arith.addi %add3A_67, %add3A_400 : i32
      %get3A_402 = arith.index_cast %add3A_401 : i32 to index
      %get3A_403 = arith.constant 16 : index
      %get3A_404 = tpu.vector_load %arg10[%get3A_402, %get3A_403] {strides = array<i32>} : memref<80x64xf32, #tpu.memory_space<vmem>>, vector<16xf32>,
      %mul3A_405 = arith.mulf %get3A_404, %gather3A_390 : vector<16xf32>
      %swap3A_406 = arith.index_cast %add3A_401 : i32 to index
      %swap3A_407 = arith.constant 16 : index
      %swap3A_408 = tpu.vector_load %arg10[%swap3A_406, %swap3A_407] {strides = array<i32>} : memref<80x64xf32, #tpu.memory_space<vmem>>, vector<16xf32>,
      tpu.vector_store %arg10[%swap3A_406, %swap3A_407], %mul3A_405 {strides = array<i32>} : memref<80x64xf32, #tpu.memory_space<vmem>>, vector<16xf32>,
      %add3A_409 = arith.constant 8 : i32
      %add3A_410 = arith.addi %add3A_67, %add3A_409 : i32
      %get3A_411 = arith.index_cast %add3A_410 : i32 to index
      %get3A_412 = arith.constant 32 : index
      %get3A_413 = tpu.vector_load %arg10[%get3A_411, %get3A_412] {strides = array<i32>} : memref<80x64xf32, #tpu.memory_space<vmem>>, vector<16xf32>,
      %mul3A_414 = arith.mulf %get3A_413, %gather3A_390 : vector<16xf32>
      %swap3A_415 = arith.index_cast %add3A_410 : i32 to index
      %swap3A_416 = arith.constant 32 : index
      %swap3A_417 = tpu.vector_load %arg10[%swap3A_415, %swap3A_416] {strides = array<i32>} : memref<80x64xf32, #tpu.memory_space<vmem>>, vector<16xf32>,
      tpu.vector_store %arg10[%swap3A_415, %swap3A_416], %mul3A_414 {strides = array<i32>} : memref<80x64xf32, #tpu.memory_space<vmem>>, vector<16xf32>,
      %add3A_418 = arith.constant 8 : i32
      %add3A_419 = arith.addi %add3A_67, %add3A_418 : i32
      %get3A_420 = arith.index_cast %add3A_419 : i32 to index
      %get3A_421 = arith.constant 48 : index
      %get3A_422 = tpu.vector_load %arg10[%get3A_420, %get3A_421] {strides = array<i32>} : memref<80x64xf32, #tpu.memory_space<vmem>>, vector<16xf32>,
      %mul3A_423 = arith.mulf %get3A_422, %gather3A_390 : vector<16xf32>
      %swap3A_424 = arith.index_cast %add3A_419 : i32 to index
      %swap3A_425 = arith.constant 48 : index
      %swap3A_426 = tpu.vector_load %arg10[%swap3A_424, %swap3A_425] {strides = array<i32>} : memref<80x64xf32, #tpu.memory_space<vmem>>, vector<16xf32>,
      tpu.vector_store %arg10[%swap3A_424, %swap3A_425], %mul3A_423 {strides = array<i32>} : memref<80x64xf32, #tpu.memory_space<vmem>>, vector<16xf32>,
      %add3A_427 = arith.constant 9 : i32
      %add3A_428 = arith.addi %add3A_69, %add3A_427 : i32
      %broadcast_in_dim3A_429 = vector.broadcast %add3A_428 : i32 to vector<16xi32>
      %gather3A_430 = tpu.vector_load_idx %arg9[%broadcast_in_dim3A_429] : memref<10000xf32, #tpu.memory_space<vmem>>[vector<16xi32>], vector<16xf32>,
      %add3A_431 = arith.constant 9 : i32
      %add3A_432 = arith.addi %add3A_67, %add3A_431 : i32
      %get3A_433 = arith.index_cast %add3A_432 : i32 to index
      %get3A_434 = arith.constant 0 : index
      %get3A_435 = tpu.vector_load %arg10[%get3A_433, %get3A_434] {strides = array<i32>} : memref<80x64xf32, #tpu.memory_space<vmem>>, vector<16xf32>,
      %mul3A_436 = arith.mulf %get3A_435, %gather3A_430 : vector<16xf32>
      %swap3A_437 = arith.index_cast %add3A_432 : i32 to index
      %swap3A_438 = arith.constant 0 : index
      %swap3A_439 = tpu.vector_load %arg10[%swap3A_437, %swap3A_438] {strides = array<i32>} : memref<80x64xf32, #tpu.memory_space<vmem>>, vector<16xf32>,
      tpu.vector_store %arg10[%swap3A_437, %swap3A_438], %mul3A_436 {strides = array<i32>} : memref<80x64xf32, #tpu.memory_space<vmem>>, vector<16xf32>,
      %add3A_440 = arith.constant 9 : i32
      %add3A_441 = arith.addi %add3A_67, %add3A_440 : i32
      %get3A_442 = arith.index_cast %add3A_441 : i32 to index
      %get3A_443 = arith.constant 16 : index
      %get3A_444 = tpu.vector_load %arg10[%get3A_442, %get3A_443] {strides = array<i32>} : memref<80x64xf32, #tpu.memory_space<vmem>>, vector<16xf32>,
      %mul3A_445 = arith.mulf %get3A_444, %gather3A_430 : vector<16xf32>
      %swap3A_446 = arith.index_cast %add3A_441 : i32 to index
      %swap3A_447 = arith.constant 16 : index
      %swap3A_448 = tpu.vector_load %arg10[%swap3A_446, %swap3A_447] {strides = array<i32>} : memref<80x64xf32, #tpu.memory_space<vmem>>, vector<16xf32>,
      tpu.vector_store %arg10[%swap3A_446, %swap3A_447], %mul3A_445 {strides = array<i32>} : memref<80x64xf32, #tpu.memory_space<vmem>>, vector<16xf32>,
      %add3A_449 = arith.constant 9 : i32
      %add3A_450 = arith.addi %add3A_67, %add3A_449 : i32
      %get3A_451 = arith.index_cast %add3A_450 : i32 to index
      %get3A_452 = arith.constant 32 : index
      %get3A_453 = tpu.vector_load %arg10[%get3A_451, %get3A_452] {strides = array<i32>} : memref<80x64xf32, #tpu.memory_space<vmem>>, vector<16xf32>,
      %mul3A_454 = arith.mulf %get3A_453, %gather3A_430 : vector<16xf32>
      %swap3A_455 = arith.index_cast %add3A_450 : i32 to index
      %swap3A_456 = arith.constant 32 : index
      %swap3A_457 = tpu.vector_load %arg10[%swap3A_455, %swap3A_456] {strides = array<i32>} : memref<80x64xf32, #tpu.memory_space<vmem>>, vector<16xf32>,
      tpu.vector_store %arg10[%swap3A_455, %swap3A_456], %mul3A_454 {strides = array<i32>} : memref<80x64xf32, #tpu.memory_space<vmem>>, vector<16xf32>,
      %add3A_458 = arith.constant 9 : i32
      %add3A_459 = arith.addi %add3A_67, %add3A_458 : i32
      %get3A_460 = arith.index_cast %add3A_459 : i32 to index
      %get3A_461 = arith.constant 48 : index
      %get3A_462 = tpu.vector_load %arg10[%get3A_460, %get3A_461] {strides = array<i32>} : memref<80x64xf32, #tpu.memory_space<vmem>>, vector<16xf32>,
      %mul3A_463 = arith.mulf %get3A_462, %gather3A_430 : vector<16xf32>
      %swap3A_464 = arith.index_cast %add3A_459 : i32 to index
      %swap3A_465 = arith.constant 48 : index
      %swap3A_466 = tpu.vector_load %arg10[%swap3A_464, %swap3A_465] {strides = array<i32>} : memref<80x64xf32, #tpu.memory_space<vmem>>, vector<16xf32>,
      tpu.vector_store %arg10[%swap3A_464, %swap3A_465], %mul3A_463 {strides = array<i32>} : memref<80x64xf32, #tpu.memory_space<vmem>>, vector<16xf32>,
      %add3A_467 = arith.constant 10 : i32
      %add3A_468 = arith.addi %add3A_69, %add3A_467 : i32
      %broadcast_in_dim3A_469 = vector.broadcast %add3A_468 : i32 to vector<16xi32>
      %gather3A_470 = tpu.vector_load_idx %arg9[%broadcast_in_dim3A_469] : memref<10000xf32, #tpu.memory_space<vmem>>[vector<16xi32>], vector<16xf32>,
      %add3A_471 = arith.constant 10 : i32
      %add3A_472 = arith.addi %add3A_67, %add3A_471 : i32
      %get3A_473 = arith.index_cast %add3A_472 : i32 to index
      %get3A_474 = arith.constant 0 : index
      %get3A_475 = tpu.vector_load %arg10[%get3A_473, %get3A_474] {strides = array<i32>} : memref<80x64xf32, #tpu.memory_space<vmem>>, vector<16xf32>,
      %mul3A_476 = arith.mulf %get3A_475, %gather3A_470 : vector<16xf32>
      %swap3A_477 = arith.index_cast %add3A_472 : i32 to index
      %swap3A_478 = arith.constant 0 : index
      %swap3A_479 = tpu.vector_load %arg10[%swap3A_477, %swap3A_478] {strides = array<i32>} : memref<80x64xf32, #tpu.memory_space<vmem>>, vector<16xf32>,
      tpu.vector_store %arg10[%swap3A_477, %swap3A_478], %mul3A_476 {strides = array<i32>} : memref<80x64xf32, #tpu.memory_space<vmem>>, vector<16xf32>,
      %add3A_480 = arith.constant 10 : i32
      %add3A_481 = arith.addi %add3A_67, %add3A_480 : i32
      %get3A_482 = arith.index_cast %add3A_481 : i32 to index
      %get3A_483 = arith.constant 16 : index
      %get3A_484 = tpu.vector_load %arg10[%get3A_482, %get3A_483] {strides = array<i32>} : memref<80x64xf32, #tpu.memory_space<vmem>>, vector<16xf32>,
      %mul3A_485 = arith.mulf %get3A_484, %gather3A_470 : vector<16xf32>
      %swap3A_486 = arith.index_cast %add3A_481 : i32 to index
      %swap3A_487 = arith.constant 16 : index
      %swap3A_488 = tpu.vector_load %arg10[%swap3A_486, %swap3A_487] {strides = array<i32>} : memref<80x64xf32, #tpu.memory_space<vmem>>, vector<16xf32>,
      tpu.vector_store %arg10[%swap3A_486, %swap3A_487], %mul3A_485 {strides = array<i32>} : memref<80x64xf32, #tpu.memory_space<vmem>>, vector<16xf32>,
      %add3A_489 = arith.constant 10 : i32
      %add3A_490 = arith.addi %add3A_67, %add3A_489 : i32
      %get3A_491 = arith.index_cast %add3A_490 : i32 to index
      %get3A_492 = arith.constant 32 : index
      %get3A_493 = tpu.vector_load %arg10[%get3A_491, %get3A_492] {strides = array<i32>} : memref<80x64xf32, #tpu.memory_space<vmem>>, vector<16xf32>,
      %mul3A_494 = arith.mulf %get3A_493, %gather3A_470 : vector<16xf32>
      %swap3A_495 = arith.index_cast %add3A_490 : i32 to index
      %swap3A_496 = arith.constant 32 : index
      %swap3A_497 = tpu.vector_load %arg10[%swap3A_495, %swap3A_496] {strides = array<i32>} : memref<80x64xf32, #tpu.memory_space<vmem>>, vector<16xf32>,
      tpu.vector_store %arg10[%swap3A_495, %swap3A_496], %mul3A_494 {strides = array<i32>} : memref<80x64xf32, #tpu.memory_space<vmem>>, vector<16xf32>,
      %add3A_498 = arith.constant 10 : i32
      %add3A_499 = arith.addi %add3A_67, %add3A_498 : i32
      %get3A_500 = arith.index_cast %add3A_499 : i32 to index
      %get3A_501 = arith.constant 48 : index
      %get3A_502 = tpu.vector_load %arg10[%get3A_500, %get3A_501] {strides = array<i32>} : memref<80x64xf32, #tpu.memory_space<vmem>>, vector<16xf32>,
      %mul3A_503 = arith.mulf %get3A_502, %gather3A_470 : vector<16xf32>
      %swap3A_504 = arith.index_cast %add3A_499 : i32 to index
      %swap3A_505 = arith.constant 48 : index
      %swap3A_506 = tpu.vector_load %arg10[%swap3A_504, %swap3A_505] {strides = array<i32>} : memref<80x64xf32, #tpu.memory_space<vmem>>, vector<16xf32>,
      tpu.vector_store %arg10[%swap3A_504, %swap3A_505], %mul3A_503 {strides = array<i32>} : memref<80x64xf32, #tpu.memory_space<vmem>>, vector<16xf32>,
      %add3A_507 = arith.constant 11 : i32
      %add3A_508 = arith.addi %add3A_69, %add3A_507 : i32
      %broadcast_in_dim3A_509 = vector.broadcast %add3A_508 : i32 to vector<16xi32>
      %gather3A_510 = tpu.vector_load_idx %arg9[%broadcast_in_dim3A_509] : memref<10000xf32, #tpu.memory_space<vmem>>[vector<16xi32>], vector<16xf32>,
      %add3A_511 = arith.constant 11 : i32
      %add3A_512 = arith.addi %add3A_67, %add3A_511 : i32
      %get3A_513 = arith.index_cast %add3A_512 : i32 to index
      %get3A_514 = arith.constant 0 : index
      %get3A_515 = tpu.vector_load %arg10[%get3A_513, %get3A_514] {strides = array<i32>} : memref<80x64xf32, #tpu.memory_space<vmem>>, vector<16xf32>,
      %mul3A_516 = arith.mulf %get3A_515, %gather3A_510 : vector<16xf32>
      %swap3A_517 = arith.index_cast %add3A_512 : i32 to index
      %swap3A_518 = arith.constant 0 : index
      %swap3A_519 = tpu.vector_load %arg10[%swap3A_517, %swap3A_518] {strides = array<i32>} : memref<80x64xf32, #tpu.memory_space<vmem>>, vector<16xf32>,
      tpu.vector_store %arg10[%swap3A_517, %swap3A_518], %mul3A_516 {strides = array<i32>} : memref<80x64xf32, #tpu.memory_space<vmem>>, vector<16xf32>,
      %add3A_520 = arith.constant 11 : i32
      %add3A_521 = arith.addi %add3A_67, %add3A_520 : i32
      %get3A_522 = arith.index_cast %add3A_521 : i32 to index
      %get3A_523 = arith.constant 16 : index
      %get3A_524 = tpu.vector_load %arg10[%get3A_522, %get3A_523] {strides = array<i32>} : memref<80x64xf32, #tpu.memory_space<vmem>>, vector<16xf32>,
      %mul3A_525 = arith.mulf %get3A_524, %gather3A_510 : vector<16xf32>
      %swap3A_526 = arith.index_cast %add3A_521 : i32 to index
      %swap3A_527 = arith.constant 16 : index
      %swap3A_528 = tpu.vector_load %arg10[%swap3A_526, %swap3A_527] {strides = array<i32>} : memref<80x64xf32, #tpu.memory_space<vmem>>, vector<16xf32>,
      tpu.vector_store %arg10[%swap3A_526, %swap3A_527], %mul3A_525 {strides = array<i32>} : memref<80x64xf32, #tpu.memory_space<vmem>>, vector<16xf32>,
      %add3A_529 = arith.constant 11 : i32
      %add3A_530 = arith.addi %add3A_67, %add3A_529 : i32
      %get3A_531 = arith.index_cast %add3A_530 : i32 to index
      %get3A_532 = arith.constant 32 : index
      %get3A_533 = tpu.vector_load %arg10[%get3A_531, %get3A_532] {strides = array<i32>} : memref<80x64xf32, #tpu.memory_space<vmem>>, vector<16xf32>,
      %mul3A_534 = arith.mulf %get3A_533, %gather3A_510 : vector<16xf32>
      %swap3A_535 = arith.index_cast %add3A_530 : i32 to index
      %swap3A_536 = arith.constant 32 : index
      %swap3A_537 = tpu.vector_load %arg10[%swap3A_535, %swap3A_536] {strides = array<i32>} : memref<80x64xf32, #tpu.memory_space<vmem>>, vector<16xf32>,
      tpu.vector_store %arg10[%swap3A_535, %swap3A_536], %mul3A_534 {strides = array<i32>} : memref<80x64xf32, #tpu.memory_space<vmem>>, vector<16xf32>,
      %add3A_538 = arith.constant 11 : i32
      %add3A_539 = arith.addi %add3A_67, %add3A_538 : i32
      %get3A_540 = arith.index_cast %add3A_539 : i32 to index
      %get3A_541 = arith.constant 48 : index
      %get3A_542 = tpu.vector_load %arg10[%get3A_540, %get3A_541] {strides = array<i32>} : memref<80x64xf32, #tpu.memory_space<vmem>>, vector<16xf32>,
      %mul3A_543 = arith.mulf %get3A_542, %gather3A_510 : vector<16xf32>
      %swap3A_544 = arith.index_cast %add3A_539 : i32 to index
      %swap3A_545 = arith.constant 48 : index
      %swap3A_546 = tpu.vector_load %arg10[%swap3A_544, %swap3A_545] {strides = array<i32>} : memref<80x64xf32, #tpu.memory_space<vmem>>, vector<16xf32>,
      tpu.vector_store %arg10[%swap3A_544, %swap3A_545], %mul3A_543 {strides = array<i32>} : memref<80x64xf32, #tpu.memory_space<vmem>>, vector<16xf32>,
      %add3A_547 = arith.constant 12 : i32
      %add3A_548 = arith.addi %add3A_69, %add3A_547 : i32
      %broadcast_in_dim3A_549 = vector.broadcast %add3A_548 : i32 to vector<16xi32>
      %gather3A_550 = tpu.vector_load_idx %arg9[%broadcast_in_dim3A_549] : memref<10000xf32, #tpu.memory_space<vmem>>[vector<16xi32>], vector<16xf32>,
      %add3A_551 = arith.constant 12 : i32
      %add3A_552 = arith.addi %add3A_67, %add3A_551 : i32
      %get3A_553 = arith.index_cast %add3A_552 : i32 to index
      %get3A_554 = arith.constant 0 : index
      %get3A_555 = tpu.vector_load %arg10[%get3A_553, %get3A_554] {strides = array<i32>} : memref<80x64xf32, #tpu.memory_space<vmem>>, vector<16xf32>,
      %mul3A_556 = arith.mulf %get3A_555, %gather3A_550 : vector<16xf32>
      %swap3A_557 = arith.index_cast %add3A_552 : i32 to index
      %swap3A_558 = arith.constant 0 : index
      %swap3A_559 = tpu.vector_load %arg10[%swap3A_557, %swap3A_558] {strides = array<i32>} : memref<80x64xf32, #tpu.memory_space<vmem>>, vector<16xf32>,
      tpu.vector_store %arg10[%swap3A_557, %swap3A_558], %mul3A_556 {strides = array<i32>} : memref<80x64xf32, #tpu.memory_space<vmem>>, vector<16xf32>,
      %add3A_560 = arith.constant 12 : i32
      %add3A_561 = arith.addi %add3A_67, %add3A_560 : i32
      %get3A_562 = arith.index_cast %add3A_561 : i32 to index
      %get3A_563 = arith.constant 16 : index
      %get3A_564 = tpu.vector_load %arg10[%get3A_562, %get3A_563] {strides = array<i32>} : memref<80x64xf32, #tpu.memory_space<vmem>>, vector<16xf32>,
      %mul3A_565 = arith.mulf %get3A_564, %gather3A_550 : vector<16xf32>
      %swap3A_566 = arith.index_cast %add3A_561 : i32 to index
      %swap3A_567 = arith.constant 16 : index
      %swap3A_568 = tpu.vector_load %arg10[%swap3A_566, %swap3A_567] {strides = array<i32>} : memref<80x64xf32, #tpu.memory_space<vmem>>, vector<16xf32>,
      tpu.vector_store %arg10[%swap3A_566, %swap3A_567], %mul3A_565 {strides = array<i32>} : memref<80x64xf32, #tpu.memory_space<vmem>>, vector<16xf32>,
      %add3A_569 = arith.constant 12 : i32
      %add3A_570 = arith.addi %add3A_67, %add3A_569 : i32
      %get3A_571 = arith.index_cast %add3A_570 : i32 to index
      %get3A_572 = arith.constant 32 : index
      %get3A_573 = tpu.vector_load %arg10[%get3A_571, %get3A_572] {strides = array<i32>} : memref<80x64xf32, #tpu.memory_space<vmem>>, vector<16xf32>,
      %mul3A_574 = arith.mulf %get3A_573, %gather3A_550 : vector<16xf32>
      %swap3A_575 = arith.index_cast %add3A_570 : i32 to index
      %swap3A_576 = arith.constant 32 : index
      %swap3A_577 = tpu.vector_load %arg10[%swap3A_575, %swap3A_576] {strides = array<i32>} : memref<80x64xf32, #tpu.memory_space<vmem>>, vector<16xf32>,
      tpu.vector_store %arg10[%swap3A_575, %swap3A_576], %mul3A_574 {strides = array<i32>} : memref<80x64xf32, #tpu.memory_space<vmem>>, vector<16xf32>,
      %add3A_578 = arith.constant 12 : i32
      %add3A_579 = arith.addi %add3A_67, %add3A_578 : i32
      %get3A_580 = arith.index_cast %add3A_579 : i32 to index
      %get3A_581 = arith.constant 48 : index
      %get3A_582 = tpu.vector_load %arg10[%get3A_580, %get3A_581] {strides = array<i32>} : memref<80x64xf32, #tpu.memory_space<vmem>>, vector<16xf32>,
      %mul3A_583 = arith.mulf %get3A_582, %gather3A_550 : vector<16xf32>
      %swap3A_584 = arith.index_cast %add3A_579 : i32 to index
      %swap3A_585 = arith.constant 48 : index
      %swap3A_586 = tpu.vector_load %arg10[%swap3A_584, %swap3A_585] {strides = array<i32>} : memref<80x64xf32, #tpu.memory_space<vmem>>, vector<16xf32>,
      tpu.vector_store %arg10[%swap3A_584, %swap3A_585], %mul3A_583 {strides = array<i32>} : memref<80x64xf32, #tpu.memory_space<vmem>>, vector<16xf32>,
      %add3A_587 = arith.constant 13 : i32
      %add3A_588 = arith.addi %add3A_69, %add3A_587 : i32
      %broadcast_in_dim3A_589 = vector.broadcast %add3A_588 : i32 to vector<16xi32>
      %gather3A_590 = tpu.vector_load_idx %arg9[%broadcast_in_dim3A_589] : memref<10000xf32, #tpu.memory_space<vmem>>[vector<16xi32>], vector<16xf32>,
      %add3A_591 = arith.constant 13 : i32
      %add3A_592 = arith.addi %add3A_67, %add3A_591 : i32
      %get3A_593 = arith.index_cast %add3A_592 : i32 to index
      %get3A_594 = arith.constant 0 : index
      %get3A_595 = tpu.vector_load %arg10[%get3A_593, %get3A_594] {strides = array<i32>} : memref<80x64xf32, #tpu.memory_space<vmem>>, vector<16xf32>,
      %mul3A_596 = arith.mulf %get3A_595, %gather3A_590 : vector<16xf32>
      %swap3A_597 = arith.index_cast %add3A_592 : i32 to index
      %swap3A_598 = arith.constant 0 : index
      %swap3A_599 = tpu.vector_load %arg10[%swap3A_597, %swap3A_598] {strides = array<i32>} : memref<80x64xf32, #tpu.memory_space<vmem>>, vector<16xf32>,
      tpu.vector_store %arg10[%swap3A_597, %swap3A_598], %mul3A_596 {strides = array<i32>} : memref<80x64xf32, #tpu.memory_space<vmem>>, vector<16xf32>,
      %add3A_600 = arith.constant 13 : i32
      %add3A_601 = arith.addi %add3A_67, %add3A_600 : i32
      %get3A_602 = arith.index_cast %add3A_601 : i32 to index
      %get3A_603 = arith.constant 16 : index
      %get3A_604 = tpu.vector_load %arg10[%get3A_602, %get3A_603] {strides = array<i32>} : memref<80x64xf32, #tpu.memory_space<vmem>>, vector<16xf32>,
      %mul3A_605 = arith.mulf %get3A_604, %gather3A_590 : vector<16xf32>
      %swap3A_606 = arith.index_cast %add3A_601 : i32 to index
      %swap3A_607 = arith.constant 16 : index
      %swap3A_608 = tpu.vector_load %arg10[%swap3A_606, %swap3A_607] {strides = array<i32>} : memref<80x64xf32, #tpu.memory_space<vmem>>, vector<16xf32>,
      tpu.vector_store %arg10[%swap3A_606, %swap3A_607], %mul3A_605 {strides = array<i32>} : memref<80x64xf32, #tpu.memory_space<vmem>>, vector<16xf32>,
      %add3A_609 = arith.constant 13 : i32
      %add3A_610 = arith.addi %add3A_67, %add3A_609 : i32
      %get3A_611 = arith.index_cast %add3A_610 : i32 to index
      %get3A_612 = arith.constant 32 : index
      %get3A_613 = tpu.vector_load %arg10[%get3A_611, %get3A_612] {strides = array<i32>} : memref<80x64xf32, #tpu.memory_space<vmem>>, vector<16xf32>,
      %mul3A_614 = arith.mulf %get3A_613, %gather3A_590 : vector<16xf32>
      %swap3A_615 = arith.index_cast %add3A_610 : i32 to index
      %swap3A_616 = arith.constant 32 : index
      %swap3A_617 = tpu.vector_load %arg10[%swap3A_615, %swap3A_616] {strides = array<i32>} : memref<80x64xf32, #tpu.memory_space<vmem>>, vector<16xf32>,
      tpu.vector_store %arg10[%swap3A_615, %swap3A_616], %mul3A_614 {strides = array<i32>} : memref<80x64xf32, #tpu.memory_space<vmem>>, vector<16xf32>,
      %add3A_618 = arith.constant 13 : i32
      %add3A_619 = arith.addi %add3A_67, %add3A_618 : i32
      %get3A_620 = arith.index_cast %add3A_619 : i32 to index
      %get3A_621 = arith.constant 48 : index
      %get3A_622 = tpu.vector_load %arg10[%get3A_620, %get3A_621] {strides = array<i32>} : memref<80x64xf32, #tpu.memory_space<vmem>>, vector<16xf32>,
      %mul3A_623 = arith.mulf %get3A_622, %gather3A_590 : vector<16xf32>
      %swap3A_624 = arith.index_cast %add3A_619 : i32 to index
      %swap3A_625 = arith.constant 48 : index
      %swap3A_626 = tpu.vector_load %arg10[%swap3A_624, %swap3A_625] {strides = array<i32>} : memref<80x64xf32, #tpu.memory_space<vmem>>, vector<16xf32>,
      tpu.vector_store %arg10[%swap3A_624, %swap3A_625], %mul3A_623 {strides = array<i32>} : memref<80x64xf32, #tpu.memory_space<vmem>>, vector<16xf32>,
      %add3A_627 = arith.constant 14 : i32
      %add3A_628 = arith.addi %add3A_69, %add3A_627 : i32
      %broadcast_in_dim3A_629 = vector.broadcast %add3A_628 : i32 to vector<16xi32>
      %gather3A_630 = tpu.vector_load_idx %arg9[%broadcast_in_dim3A_629] : memref<10000xf32, #tpu.memory_space<vmem>>[vector<16xi32>], vector<16xf32>,
      %add3A_631 = arith.constant 14 : i32
      %add3A_632 = arith.addi %add3A_67, %add3A_631 : i32
      %get3A_633 = arith.index_cast %add3A_632 : i32 to index
      %get3A_634 = arith.constant 0 : index
      %get3A_635 = tpu.vector_load %arg10[%get3A_633, %get3A_634] {strides = array<i32>} : memref<80x64xf32, #tpu.memory_space<vmem>>, vector<16xf32>,
      %mul3A_636 = arith.mulf %get3A_635, %gather3A_630 : vector<16xf32>
      %swap3A_637 = arith.index_cast %add3A_632 : i32 to index
      %swap3A_638 = arith.constant 0 : index
      %swap3A_639 = tpu.vector_load %arg10[%swap3A_637, %swap3A_638] {strides = array<i32>} : memref<80x64xf32, #tpu.memory_space<vmem>>, vector<16xf32>,
      tpu.vector_store %arg10[%swap3A_637, %swap3A_638], %mul3A_636 {strides = array<i32>} : memref<80x64xf32, #tpu.memory_space<vmem>>, vector<16xf32>,
      %add3A_640 = arith.constant 14 : i32
      %add3A_641 = arith.addi %add3A_67, %add3A_640 : i32
      %get3A_642 = arith.index_cast %add3A_641 : i32 to index
      %get3A_643 = arith.constant 16 : index
      %get3A_644 = tpu.vector_load %arg10[%get3A_642, %get3A_643] {strides = array<i32>} : memref<80x64xf32, #tpu.memory_space<vmem>>, vector<16xf32>,
      %mul3A_645 = arith.mulf %get3A_644, %gather3A_630 : vector<16xf32>
      %swap3A_646 = arith.index_cast %add3A_641 : i32 to index
      %swap3A_647 = arith.constant 16 : index
      %swap3A_648 = tpu.vector_load %arg10[%swap3A_646, %swap3A_647] {strides = array<i32>} : memref<80x64xf32, #tpu.memory_space<vmem>>, vector<16xf32>,
      tpu.vector_store %arg10[%swap3A_646, %swap3A_647], %mul3A_645 {strides = array<i32>} : memref<80x64xf32, #tpu.memory_space<vmem>>, vector<16xf32>,
      %add3A_649 = arith.constant 14 : i32
      %add3A_650 = arith.addi %add3A_67, %add3A_649 : i32
      %get3A_651 = arith.index_cast %add3A_650 : i32 to index
      %get3A_652 = arith.constant 32 : index
      %get3A_653 = tpu.vector_load %arg10[%get3A_651, %get3A_652] {strides = array<i32>} : memref<80x64xf32, #tpu.memory_space<vmem>>, vector<16xf32>,
      %mul3A_654 = arith.mulf %get3A_653, %gather3A_630 : vector<16xf32>
      %swap3A_655 = arith.index_cast %add3A_650 : i32 to index
      %swap3A_656 = arith.constant 32 : index
      %swap3A_657 = tpu.vector_load %arg10[%swap3A_655, %swap3A_656] {strides = array<i32>} : memref<80x64xf32, #tpu.memory_space<vmem>>, vector<16xf32>,
      tpu.vector_store %arg10[%swap3A_655, %swap3A_656], %mul3A_654 {strides = array<i32>} : memref<80x64xf32, #tpu.memory_space<vmem>>, vector<16xf32>,
      %add3A_658 = arith.constant 14 : i32
      %add3A_659 = arith.addi %add3A_67, %add3A_658 : i32
      %get3A_660 = arith.index_cast %add3A_659 : i32 to index
      %get3A_661 = arith.constant 48 : index
      %get3A_662 = tpu.vector_load %arg10[%get3A_660, %get3A_661] {strides = array<i32>} : memref<80x64xf32, #tpu.memory_space<vmem>>, vector<16xf32>,
      %mul3A_663 = arith.mulf %get3A_662, %gather3A_630 : vector<16xf32>
      %swap3A_664 = arith.index_cast %add3A_659 : i32 to index
      %swap3A_665 = arith.constant 48 : index
      %swap3A_666 = tpu.vector_load %arg10[%swap3A_664, %swap3A_665] {strides = array<i32>} : memref<80x64xf32, #tpu.memory_space<vmem>>, vector<16xf32>,
      tpu.vector_store %arg10[%swap3A_664, %swap3A_665], %mul3A_663 {strides = array<i32>} : memref<80x64xf32, #tpu.memory_space<vmem>>, vector<16xf32>,
      %add3A_667 = arith.constant 15 : i32
      %add3A_668 = arith.addi %add3A_69, %add3A_667 : i32
      %broadcast_in_dim3A_669 = vector.broadcast %add3A_668 : i32 to vector<16xi32>
      %gather3A_670 = tpu.vector_load_idx %arg9[%broadcast_in_dim3A_669] : memref<10000xf32, #tpu.memory_space<vmem>>[vector<16xi32>], vector<16xf32>,
      %add3A_671 = arith.constant 15 : i32
      %add3A_672 = arith.addi %add3A_67, %add3A_671 : i32
      %get3A_673 = arith.index_cast %add3A_672 : i32 to index
      %get3A_674 = arith.constant 0 : index
      %get3A_675 = tpu.vector_load %arg10[%get3A_673, %get3A_674] {strides = array<i32>} : memref<80x64xf32, #tpu.memory_space<vmem>>, vector<16xf32>,
      %mul3A_676 = arith.mulf %get3A_675, %gather3A_670 : vector<16xf32>
      %swap3A_677 = arith.index_cast %add3A_672 : i32 to index
      %swap3A_678 = arith.constant 0 : index
      %swap3A_679 = tpu.vector_load %arg10[%swap3A_677, %swap3A_678] {strides = array<i32>} : memref<80x64xf32, #tpu.memory_space<vmem>>, vector<16xf32>,
      tpu.vector_store %arg10[%swap3A_677, %swap3A_678], %mul3A_676 {strides = array<i32>} : memref<80x64xf32, #tpu.memory_space<vmem>>, vector<16xf32>,
      %add3A_680 = arith.constant 15 : i32
      %add3A_681 = arith.addi %add3A_67, %add3A_680 : i32
      %get3A_682 = arith.index_cast %add3A_681 : i32 to index
      %get3A_683 = arith.constant 16 : index
      %get3A_684 = tpu.vector_load %arg10[%get3A_682, %get3A_683] {strides = array<i32>} : memref<80x64xf32, #tpu.memory_space<vmem>>, vector<16xf32>,
      %mul3A_685 = arith.mulf %get3A_684, %gather3A_670 : vector<16xf32>
      %swap3A_686 = arith.index_cast %add3A_681 : i32 to index
      %swap3A_687 = arith.constant 16 : index
      %swap3A_688 = tpu.vector_load %arg10[%swap3A_686, %swap3A_687] {strides = array<i32>} : memref<80x64xf32, #tpu.memory_space<vmem>>, vector<16xf32>,
      tpu.vector_store %arg10[%swap3A_686, %swap3A_687], %mul3A_685 {strides = array<i32>} : memref<80x64xf32, #tpu.memory_space<vmem>>, vector<16xf32>,
      %add3A_689 = arith.constant 15 : i32
      %add3A_690 = arith.addi %add3A_67, %add3A_689 : i32
      %get3A_691 = arith.index_cast %add3A_690 : i32 to index
      %get3A_692 = arith.constant 32 : index
      %get3A_693 = tpu.vector_load %arg10[%get3A_691, %get3A_692] {strides = array<i32>} : memref<80x64xf32, #tpu.memory_space<vmem>>, vector<16xf32>,
      %mul3A_694 = arith.mulf %get3A_693, %gather3A_670 : vector<16xf32>
      %swap3A_695 = arith.index_cast %add3A_690 : i32 to index
      %swap3A_696 = arith.constant 32 : index
      %swap3A_697 = tpu.vector_load %arg10[%swap3A_695, %swap3A_696] {strides = array<i32>} : memref<80x64xf32, #tpu.memory_space<vmem>>, vector<16xf32>,
      tpu.vector_store %arg10[%swap3A_695, %swap3A_696], %mul3A_694 {strides = array<i32>} : memref<80x64xf32, #tpu.memory_space<vmem>>, vector<16xf32>,
      %add3A_698 = arith.constant 15 : i32
      %add3A_699 = arith.addi %add3A_67, %add3A_698 : i32
      %get3A_700 = arith.index_cast %add3A_699 : i32 to index
      %get3A_701 = arith.constant 48 : index
      %get3A_702 = tpu.vector_load %arg10[%get3A_700, %get3A_701] {strides = array<i32>} : memref<80x64xf32, #tpu.memory_space<vmem>>, vector<16xf32>,
      %mul3A_703 = arith.mulf %get3A_702, %gather3A_670 : vector<16xf32>
      %swap3A_704 = arith.index_cast %add3A_699 : i32 to index
      %swap3A_705 = arith.constant 48 : index
      %swap3A_706 = tpu.vector_load %arg10[%swap3A_704, %swap3A_705] {strides = array<i32>} : memref<80x64xf32, #tpu.memory_space<vmem>>, vector<16xf32>,
      tpu.vector_store %arg10[%swap3A_704, %swap3A_705], %mul3A_703 {strides = array<i32>} : memref<80x64xf32, #tpu.memory_space<vmem>>, vector<16xf32>,
    }
    %scan3A_43 = arith.constant 5 : i32
    %dma_start3A_44 = arith.constant 124 : i32
    %dma_start3A_45 = arith.constant 0 : i32
    %dma_start3A_46 = tpu.memref_slice %arg8[%dma_start3A_44, %dma_start3A_45] : memref<125x80xi32, #tpu.memory_space<vmem>> -> memref<1x80xi32, #tpu.memory_space<vmem>>
    %dma_start3A_47 = tpu.memref_squeeze %dma_start3A_46 : memref<1x80xi32, #tpu.memory_space<vmem>> -> memref<80xi32, #tpu.memory_space<vmem>>
    %dma_start3A_48 = arith.constant 0 : i32
    %dma_start3A_49 = arith.constant 0 : i32
    %dma_start3A_50 = tpu.memref_slice %arg12[%dma_start3A_48, %dma_start3A_49] : memref<10112x64xf32, #tpu.memory_space<vmem_shared>> -> memref<10112x64xf32, #tpu.memory_space<vmem_shared>>
    tpu.enqueue_indirect_dma source(%arg10 : memref<80x64xf32, #tpu.memory_space<vmem>>) target(%dma_start3A_50 : memref<10112x64xf32, #tpu.memory_space<vmem_shared>>) offsets(%dma_start3A_47 : memref<80xi32, #tpu.memory_space<vmem>>) semaphore(%arg16 : memref<!tpu.dma_semaphore, #tpu.memory_space<semaphore_mem>>) {add = true}
    %dma_wait3A_51 = arith.constant 124 : i32
    %dma_wait3A_52 = arith.constant 0 : i32
    %dma_wait3A_53 = tpu.memref_slice %arg8[%dma_wait3A_51, %dma_wait3A_52] : memref<125x80xi32, #tpu.memory_space<vmem>> -> memref<1x80xi32, #tpu.memory_space<vmem>>
    %dma_wait3A_54 = tpu.memref_squeeze %dma_wait3A_53 : memref<1x80xi32, #tpu.memory_space<vmem>> -> memref<80xi32, #tpu.memory_space<vmem>>
    %dma_wait3A_55 = arith.constant 0 : i32
    %dma_wait3A_56 = arith.constant 0 : i32
    %dma_wait3A_57 = tpu.memref_slice %arg12[%dma_wait3A_55, %dma_wait3A_56] : memref<10112x64xf32, #tpu.memory_space<vmem_shared>> -> memref<10112x64xf32, #tpu.memory_space<vmem_shared>>
    tpu.wait_indirect_dma semaphore(%arg16 : memref<!tpu.dma_semaphore, #tpu.memory_space<semaphore_mem>>) src(%arg10 : memref<80x64xf32, #tpu.memory_space<vmem>>) dst(%dma_wait3A_57 : memref<10112x64xf32, #tpu.memory_space<vmem_shared>>)
    %barrier3A_58 = arith.constant 0 : index
    tpu.barrier barrier_id(%barrier3A_58)
    %mul3A_59 = arith.constant 632 : i32
    %mul3A_60 = arith.muli %arg1, %mul3A_59 : i32
    %mul3A_61 = arith.constant 632 : i32
    %mul3A_62 = arith.muli %arg1, %mul3A_61 : i32
    "tpu.region"() ({
      %run_scoped3A = tpu.sem_alloc : memref<!tpu.dma_semaphore, #tpu.memory_space<semaphore_mem>>
      %dma_start3A_63 = arith.constant 0 : i32
      %dma_start3A_64 = tpu.memref_slice %arg6[%arg0, %mul3A_62, %dma_start3A_63] : memref<2x10112x64xf32, #tpu.memory_space<hbm>> -> memref<1x632x64xf32, #tpu.memory_space<hbm>>
      %dma_start3A_65 = tpu.memref_squeeze %dma_start3A_64 : memref<1x632x64xf32, #tpu.memory_space<hbm>> -> memref<632x64xf32, #tpu.memory_space<hbm>>
      %dma_start3A_66 = arith.constant 0 : i32
      %dma_start3A_67 = tpu.memref_slice %arg12[%mul3A_60, %dma_start3A_66] : memref<10112x64xf32, #tpu.memory_space<vmem_shared>> -> memref<632x64xf32, #tpu.memory_space<vmem_shared>>
      tpu.enqueue_dma source(%dma_start3A_67 : memref<632x64xf32, #tpu.memory_space<vmem_shared>>) target(%dma_start3A_65 : memref<632x64xf32, #tpu.memory_space<hbm>>) target_semaphore(%run_scoped3A : memref<!tpu.dma_semaphore, #tpu.memory_space<semaphore_mem>>)
      %dma_wait3A_68 = arith.constant 0 : i32
      %dma_wait3A_69 = tpu.memref_slice %arg6[%arg0, %mul3A_62, %dma_wait3A_68] : memref<2x10112x64xf32, #tpu.memory_space<hbm>> -> memref<1x632x64xf32, #tpu.memory_space<hbm>>
      %dma_wait3A_70 = tpu.memref_squeeze %dma_wait3A_69 : memref<1x632x64xf32, #tpu.memory_space<hbm>> -> memref<632x64xf32, #tpu.memory_space<hbm>>
      %dma_wait3A_71 = arith.constant 0 : i32
      %dma_wait3A_72 = tpu.memref_slice %arg12[%mul3A_60, %dma_wait3A_71] : memref<10112x64xf32, #tpu.memory_space<vmem_shared>> -> memref<632x64xf32, #tpu.memory_space<vmem_shared>>
      tpu.wait_dma2 semaphore(%run_scoped3A : memref<!tpu.dma_semaphore, #tpu.memory_space<semaphore_mem>>) src(%dma_wait3A_72 : memref<632x64xf32, #tpu.memory_space<vmem_shared>>) dst(%dma_wait3A_70 : memref<632x64xf32, #tpu.memory_space<hbm>>)
      tpu.yield
    }) : () -> ()
    return
  }
}

module attributes {stable_mosaic.version = 14 : i64} {
  func.func @_prepare_body(%arg0: i32, %arg1: memref<1000x128xf32, #tpu.memory_space<vmem>>, %arg2: memref<128x64xf32, #tpu.memory_space<vmem>>, %arg3: memref<1x64xf32, #tpu.memory_space<vmem>>, %arg4: memref<64x64xf32, #tpu.memory_space<vmem>>, %arg5: memref<1x64xf32, #tpu.memory_space<vmem>>, %arg6: memref<1000x64xf32, #tpu.memory_space<vmem>>) attributes {dimension_semantics = [#tpu.dimension_semantics<arbitrary>], iteration_bounds = array<i64: 10>, scalar_prefetch = 0 : i64, scratch_operands = 0 : i64, tpu.core_type = #tpu.core_type<tc>, window_params = [{transform_indices = @transform_0, window_bounds = array<i64: 1000, 128>}, {pipeline_mode = #tpu.pipeline_mode<synchronous>, transform_indices = @transform_1, window_bounds = array<i64: 128, 64>}, {pipeline_mode = #tpu.pipeline_mode<synchronous>, transform_indices = @transform_2, window_bounds = array<i64: 1, 64>}, {pipeline_mode = #tpu.pipeline_mode<synchronous>, transform_indices = @transform_3, window_bounds = array<i64: 64, 64>}, {pipeline_mode = #tpu.pipeline_mode<synchronous>, transform_indices = @transform_4, window_bounds = array<i64: 1, 64>}, {transform_indices = @transform_5, window_bounds = array<i64: 1000, 64>}]} {
    %get3A = arith.constant 0 : index
    %get3A_0 = arith.constant 0 : index
    %get3A_1 = vector.load %arg1[%get3A, %get3A_0] : memref<1000x128xf32, #tpu.memory_space<vmem>>, vector<1000x128xf32>
    %get3A_2 = arith.constant 0 : index
    %get3A_3 = arith.constant 0 : index
    %get3A_4 = vector.load %arg2[%get3A_2, %get3A_3] : memref<128x64xf32, #tpu.memory_space<vmem>>, vector<128x64xf32>
    %dot_general3A = arith.constant dense<0.000000e+00> : vector<1000x64xf32>
    %dot_general3A_5 = tpu.matmul %get3A_1, %get3A_4, %dot_general3A {dimension_numbers = #tpu.dot_dimension_numbers<[1], [0], [0], [1], [0, 0, 1, 1], [], []>, transpose_lhs_hint = false} : vector<1000x128xf32>, vector<128x64xf32>, vector<1000x64xf32> -> vector<1000x64xf32>
    %get3A_6 = arith.constant 0 : index
    %get3A_7 = arith.constant 0 : index
    %get3A_8 = vector.load %arg3[%get3A_6, %get3A_7] : memref<1x64xf32, #tpu.memory_space<vmem>>, vector<1x64xf32>
    %add3A = vector.broadcast %get3A_8 : vector<1x64xf32> to vector<1000x64xf32>
    %add3A_9 = arith.addf %dot_general3A_5, %add3A : vector<1000x64xf32>
    %mul3A = arith.constant 5.000000e-01 : f32
    %mul3A_10 = vector.broadcast %mul3A : f32 to vector<1000x64xf32>
    %mul3A_11 = arith.mulf %mul3A_10, %add3A_9 : vector<1000x64xf32>
    %mul3A_12 = arith.constant 0.707106769 : f32
    %mul3A_13 = vector.broadcast %mul3A_12 : f32 to vector<1000x64xf32>
    %mul3A_14 = arith.mulf %add3A_9, %mul3A_13 : vector<1000x64xf32>
    %erf3A = math.erf %mul3A_14 : vector<1000x64xf32>
    %add3A_15 = arith.constant 1.000000e+00 : f32
    %add3A_16 = vector.broadcast %add3A_15 : f32 to vector<1000x64xf32>
    %add3A_17 = arith.addf %add3A_16, %erf3A : vector<1000x64xf32>
    %mul3A_18 = arith.mulf %mul3A_11, %add3A_17 : vector<1000x64xf32>
    %get3A_19 = arith.constant 0 : index
    %get3A_20 = arith.constant 0 : index
    %get3A_21 = vector.load %arg4[%get3A_19, %get3A_20] : memref<64x64xf32, #tpu.memory_space<vmem>>, vector<64x64xf32>
    %dot_general3A_22 = arith.constant dense<0.000000e+00> : vector<1000x64xf32>
    %dot_general3A_23 = tpu.matmul %mul3A_18, %get3A_21, %dot_general3A_22 {dimension_numbers = #tpu.dot_dimension_numbers<[1], [0], [0], [1], [0, 0, 1, 1], [], []>, transpose_lhs_hint = false} : vector<1000x64xf32>, vector<64x64xf32>, vector<1000x64xf32> -> vector<1000x64xf32>
    %get3A_24 = arith.constant 0 : index
    %get3A_25 = arith.constant 0 : index
    %get3A_26 = vector.load %arg5[%get3A_24, %get3A_25] : memref<1x64xf32, #tpu.memory_space<vmem>>, vector<1x64xf32>
    %add3A_27 = vector.broadcast %get3A_26 : vector<1x64xf32> to vector<1000x64xf32>
    %add3A_28 = arith.addf %dot_general3A_23, %add3A_27 : vector<1000x64xf32>
    %mul3A_29 = arith.constant 5.000000e-01 : f32
    %mul3A_30 = vector.broadcast %mul3A_29 : f32 to vector<1000x64xf32>
    %mul3A_31 = arith.mulf %mul3A_30, %add3A_28 : vector<1000x64xf32>
    %mul3A_32 = arith.constant 0.707106769 : f32
    %mul3A_33 = vector.broadcast %mul3A_32 : f32 to vector<1000x64xf32>
    %mul3A_34 = arith.mulf %add3A_28, %mul3A_33 : vector<1000x64xf32>
    %erf3A_35 = math.erf %mul3A_34 : vector<1000x64xf32>
    %add3A_36 = arith.constant 1.000000e+00 : f32
    %add3A_37 = vector.broadcast %add3A_36 : f32 to vector<1000x64xf32>
    %add3A_38 = arith.addf %add3A_37, %erf3A_35 : vector<1000x64xf32>
    %mul3A_39 = arith.mulf %mul3A_31, %add3A_38 : vector<1000x64xf32>
    %swap3A = arith.constant 0 : index
    %swap3A_40 = arith.constant 0 : index
    %swap3A_41 = vector.load %arg6[%swap3A, %swap3A_40] : memref<1000x64xf32, #tpu.memory_space<vmem>>, vector<1000x64xf32>
    tpu.vector_store %arg6[%swap3A, %swap3A_40], %mul3A_39 {strides = array<i32>} : memref<1000x64xf32, #tpu.memory_space<vmem>>, vector<1000x64xf32>,
    return
  }
  func.func @transform_0(%arg0: i32) -> (i32, i32) {
    %c0_i32 = arith.constant 0 : i32
    %c0_i32_0 = arith.constant 0 : i32
    return %arg0, %c0_i32 : i32, i32
  }
  func.func @transform_1(%arg0: i32) -> (i32, i32) {
    %c0_i32 = arith.constant 0 : i32
    %c0_i32_0 = arith.constant 0 : i32
    %c0_i32_1 = arith.constant 0 : i32
    return %c0_i32, %c0_i32_0 : i32, i32
  }
  func.func @transform_2(%arg0: i32) -> (i32, i32) {
    %c0_i32 = arith.constant 0 : i32
    %c0_i32_0 = arith.constant 0 : i32
    %c0_i32_1 = arith.constant 0 : i32
    return %c0_i32, %c0_i32_0 : i32, i32
  }
  func.func @transform_3(%arg0: i32) -> (i32, i32) {
    %c0_i32 = arith.constant 0 : i32
    %c0_i32_0 = arith.constant 0 : i32
    %c0_i32_1 = arith.constant 0 : i32
    return %c0_i32, %c0_i32_0 : i32, i32
  }
  func.func @transform_4(%arg0: i32) -> (i32, i32) {
    %c0_i32 = arith.constant 0 : i32
    %c0_i32_0 = arith.constant 0 : i32
    %c0_i32_1 = arith.constant 0 : i32
    return %c0_i32, %c0_i32_0 : i32, i32
  }
  func.func @transform_5(%arg0: i32) -> (i32, i32) {
    %c0_i32 = arith.constant 0 : i32
    %c0_i32_0 = arith.constant 0 : i32
    return %arg0, %c0_i32 : i32, i32
  }
}

module attributes {stable_mosaic.version = 14 : i64} {
  func.func @_update_body(%arg0: i32, %arg1: memref<1000x128xf32, #tpu.memory_space<vmem>>, %arg2: memref<1x1000x64xf32, #tpu.memory_space<vmem>>, %arg3: memref<1x1000x64xf32, #tpu.memory_space<vmem>>, %arg4: memref<128x64xf32, #tpu.memory_space<vmem>>, %arg5: memref<64x64xf32, #tpu.memory_space<vmem>>, %arg6: memref<1x64xf32, #tpu.memory_space<vmem>>, %arg7: memref<64x64xf32, #tpu.memory_space<vmem>>, %arg8: memref<1x64xf32, #tpu.memory_space<vmem>>, %arg9: memref<1000x64xf32, #tpu.memory_space<vmem>>) attributes {dimension_semantics = [#tpu.dimension_semantics<arbitrary>], iteration_bounds = array<i64: 10>, scalar_prefetch = 0 : i64, scratch_operands = 0 : i64, tpu.core_type = #tpu.core_type<tc>, window_params = [{transform_indices = @transform_0, window_bounds = array<i64: 1000, 128>}, {transform_indices = @transform_1, window_bounds = array<i64: 1, 1000, 64>}, {transform_indices = @transform_2, window_bounds = array<i64: 1, 1000, 64>}, {pipeline_mode = #tpu.pipeline_mode<synchronous>, transform_indices = @transform_3, window_bounds = array<i64: 128, 64>}, {pipeline_mode = #tpu.pipeline_mode<synchronous>, transform_indices = @transform_4, window_bounds = array<i64: 64, 64>}, {pipeline_mode = #tpu.pipeline_mode<synchronous>, transform_indices = @transform_5, window_bounds = array<i64: 1, 64>}, {pipeline_mode = #tpu.pipeline_mode<synchronous>, transform_indices = @transform_6, window_bounds = array<i64: 64, 64>}, {pipeline_mode = #tpu.pipeline_mode<synchronous>, transform_indices = @transform_7, window_bounds = array<i64: 1, 64>}, {transform_indices = @transform_8, window_bounds = array<i64: 1000, 64>}]} {
    %get3A = arith.constant 0 : index
    %get3A_0 = arith.constant 0 : index
    %get3A_1 = arith.constant 0 : index
    %get3A_2 = vector.load %arg2[%get3A, %get3A_0, %get3A_1] : memref<1x1000x64xf32, #tpu.memory_space<vmem>>, vector<1x1000x64xf32>
    %get3A_3 = vector.shape_cast %get3A_2 : vector<1x1000x64xf32> to vector<1000x64xf32>
    %get3A_4 = arith.constant 0 : index
    %get3A_5 = arith.constant 0 : index
    %get3A_6 = arith.constant 0 : index
    %get3A_7 = vector.load %arg3[%get3A_4, %get3A_5, %get3A_6] : memref<1x1000x64xf32, #tpu.memory_space<vmem>>, vector<1x1000x64xf32>
    %get3A_8 = vector.shape_cast %get3A_7 : vector<1x1000x64xf32> to vector<1000x64xf32>
    %add3A = arith.addf %get3A_3, %get3A_8 : vector<1000x64xf32>
    %get3A_9 = arith.constant 0 : index
    %get3A_10 = arith.constant 0 : index
    %get3A_11 = vector.load %arg1[%get3A_9, %get3A_10] : memref<1000x128xf32, #tpu.memory_space<vmem>>, vector<1000x128xf32>
    %get3A_12 = arith.constant 0 : index
    %get3A_13 = arith.constant 0 : index
    %get3A_14 = vector.load %arg4[%get3A_12, %get3A_13] : memref<128x64xf32, #tpu.memory_space<vmem>>, vector<128x64xf32>
    %dot_general3A = arith.constant dense<0.000000e+00> : vector<1000x64xf32>
    %dot_general3A_15 = tpu.matmul %get3A_11, %get3A_14, %dot_general3A {dimension_numbers = #tpu.dot_dimension_numbers<[1], [0], [0], [1], [0, 0, 1, 1], [], []>, transpose_lhs_hint = false} : vector<1000x128xf32>, vector<128x64xf32>, vector<1000x64xf32> -> vector<1000x64xf32>
    %get3A_16 = arith.constant 0 : index
    %get3A_17 = arith.constant 0 : index
    %get3A_18 = vector.load %arg5[%get3A_16, %get3A_17] : memref<64x64xf32, #tpu.memory_space<vmem>>, vector<64x64xf32>
    %dot_general3A_19 = arith.constant dense<0.000000e+00> : vector<1000x64xf32>
    %dot_general3A_20 = tpu.matmul %add3A, %get3A_18, %dot_general3A_19 {dimension_numbers = #tpu.dot_dimension_numbers<[1], [0], [0], [1], [0, 0, 1, 1], [], []>, transpose_lhs_hint = false} : vector<1000x64xf32>, vector<64x64xf32>, vector<1000x64xf32> -> vector<1000x64xf32>
    %add3A_21 = arith.addf %dot_general3A_15, %dot_general3A_20 : vector<1000x64xf32>
    %get3A_22 = arith.constant 0 : index
    %get3A_23 = arith.constant 0 : index
    %get3A_24 = vector.load %arg6[%get3A_22, %get3A_23] : memref<1x64xf32, #tpu.memory_space<vmem>>, vector<1x64xf32>
    %add3A_25 = vector.broadcast %get3A_24 : vector<1x64xf32> to vector<1000x64xf32>
    %add3A_26 = arith.addf %add3A_21, %add3A_25 : vector<1000x64xf32>
    %mul3A = arith.constant 5.000000e-01 : f32
    %mul3A_27 = vector.broadcast %mul3A : f32 to vector<1000x64xf32>
    %mul3A_28 = arith.mulf %mul3A_27, %add3A_26 : vector<1000x64xf32>
    %mul3A_29 = arith.constant 0.707106769 : f32
    %mul3A_30 = vector.broadcast %mul3A_29 : f32 to vector<1000x64xf32>
    %mul3A_31 = arith.mulf %add3A_26, %mul3A_30 : vector<1000x64xf32>
    %erf3A = math.erf %mul3A_31 : vector<1000x64xf32>
    %add3A_32 = arith.constant 1.000000e+00 : f32
    %add3A_33 = vector.broadcast %add3A_32 : f32 to vector<1000x64xf32>
    %add3A_34 = arith.addf %add3A_33, %erf3A : vector<1000x64xf32>
    %mul3A_35 = arith.mulf %mul3A_28, %add3A_34 : vector<1000x64xf32>
    %get3A_36 = arith.constant 0 : index
    %get3A_37 = arith.constant 0 : index
    %get3A_38 = vector.load %arg7[%get3A_36, %get3A_37] : memref<64x64xf32, #tpu.memory_space<vmem>>, vector<64x64xf32>
    %dot_general3A_39 = arith.constant dense<0.000000e+00> : vector<1000x64xf32>
    %dot_general3A_40 = tpu.matmul %mul3A_35, %get3A_38, %dot_general3A_39 {dimension_numbers = #tpu.dot_dimension_numbers<[1], [0], [0], [1], [0, 0, 1, 1], [], []>, transpose_lhs_hint = false} : vector<1000x64xf32>, vector<64x64xf32>, vector<1000x64xf32> -> vector<1000x64xf32>
    %get3A_41 = arith.constant 0 : index
    %get3A_42 = arith.constant 0 : index
    %get3A_43 = vector.load %arg8[%get3A_41, %get3A_42] : memref<1x64xf32, #tpu.memory_space<vmem>>, vector<1x64xf32>
    %add3A_44 = vector.broadcast %get3A_43 : vector<1x64xf32> to vector<1000x64xf32>
    %add3A_45 = arith.addf %dot_general3A_40, %add3A_44 : vector<1000x64xf32>
    %mul3A_46 = arith.constant 5.000000e-01 : f32
    %mul3A_47 = vector.broadcast %mul3A_46 : f32 to vector<1000x64xf32>
    %mul3A_48 = arith.mulf %mul3A_47, %add3A_45 : vector<1000x64xf32>
    %mul3A_49 = arith.constant 0.707106769 : f32
    %mul3A_50 = vector.broadcast %mul3A_49 : f32 to vector<1000x64xf32>
    %mul3A_51 = arith.mulf %add3A_45, %mul3A_50 : vector<1000x64xf32>
    %erf3A_52 = math.erf %mul3A_51 : vector<1000x64xf32>
    %add3A_53 = arith.constant 1.000000e+00 : f32
    %add3A_54 = vector.broadcast %add3A_53 : f32 to vector<1000x64xf32>
    %add3A_55 = arith.addf %add3A_54, %erf3A_52 : vector<1000x64xf32>
    %mul3A_56 = arith.mulf %mul3A_48, %add3A_55 : vector<1000x64xf32>
    %mul3A_57 = arith.mulf %mul3A_56, %mul3A_56 : vector<1000x64xf32>
    %reduce_sum3A = arith.constant dense<0.000000e+00> : vector<1000xf32>
    %reduce_sum3A_58 = vector.multi_reduction <add>, %mul3A_57, %reduce_sum3A [1] : vector<1000x64xf32> to vector<1000xf32>
    %broadcast_in_dim3A = vector.shape_cast %reduce_sum3A_58 : vector<1000xf32> to vector<1000x1xf32>
    %max3A = arith.constant 9.99999996E-13 : f32
    %max3A_59 = vector.broadcast %max3A : f32 to vector<1000x1xf32>
    %max3A_60 = arith.maximumf %broadcast_in_dim3A, %max3A_59 : vector<1000x1xf32>
    %rsqrt3A = math.rsqrt %max3A_60 : vector<1000x1xf32>
    %mul3A_61 = vector.broadcast %rsqrt3A : vector<1000x1xf32> to vector<1000x64xf32>
    %mul3A_62 = arith.mulf %mul3A_56, %mul3A_61 : vector<1000x64xf32>
    %swap3A = arith.constant 0 : index
    %swap3A_63 = arith.constant 0 : index
    %swap3A_64 = vector.load %arg9[%swap3A, %swap3A_63] : memref<1000x64xf32, #tpu.memory_space<vmem>>, vector<1000x64xf32>
    tpu.vector_store %arg9[%swap3A, %swap3A_63], %mul3A_62 {strides = array<i32>} : memref<1000x64xf32, #tpu.memory_space<vmem>>, vector<1000x64xf32>,
    return
  }
  func.func @transform_0(%arg0: i32) -> (i32, i32) {
    %c0_i32 = arith.constant 0 : i32
    %c0_i32_0 = arith.constant 0 : i32
    return %arg0, %c0_i32 : i32, i32
  }
  func.func @transform_1(%arg0: i32) -> (i32, i32, i32) {
    %c0_i32 = arith.constant 0 : i32
    %c0_i32_0 = arith.constant 0 : i32
    %c0_i32_1 = arith.constant 0 : i32
    return %c0_i32, %arg0, %c0_i32_0 : i32, i32, i32
  }
  func.func @transform_2(%arg0: i32) -> (i32, i32, i32) {
    %c1_i32 = arith.constant 1 : i32
    %c0_i32 = arith.constant 0 : i32
    %c0_i32_0 = arith.constant 0 : i32
    return %c1_i32, %arg0, %c0_i32 : i32, i32, i32
  }
  func.func @transform_3(%arg0: i32) -> (i32, i32) {
    %c0_i32 = arith.constant 0 : i32
    %c0_i32_0 = arith.constant 0 : i32
    %c0_i32_1 = arith.constant 0 : i32
    return %c0_i32, %c0_i32_0 : i32, i32
  }
  func.func @transform_4(%arg0: i32) -> (i32, i32) {
    %c0_i32 = arith.constant 0 : i32
    %c0_i32_0 = arith.constant 0 : i32
    %c0_i32_1 = arith.constant 0 : i32
    return %c0_i32, %c0_i32_0 : i32, i32
  }
  func.func @transform_5(%arg0: i32) -> (i32, i32) {
    %c0_i32 = arith.constant 0 : i32
    %c0_i32_0 = arith.constant 0 : i32
    %c0_i32_1 = arith.constant 0 : i32
    return %c0_i32, %c0_i32_0 : i32, i32
  }
  func.func @transform_6(%arg0: i32) -> (i32, i32) {
    %c0_i32 = arith.constant 0 : i32
    %c0_i32_0 = arith.constant 0 : i32
    %c0_i32_1 = arith.constant 0 : i32
    return %c0_i32, %c0_i32_0 : i32, i32
  }
  func.func @transform_7(%arg0: i32) -> (i32, i32) {
    %c0_i32 = arith.constant 0 : i32
    %c0_i32_0 = arith.constant 0 : i32
    %c0_i32_1 = arith.constant 0 : i32
    return %c0_i32, %c0_i32_0 : i32, i32
  }
  func.func @transform_8(%arg0: i32) -> (i32, i32) {
    %c0_i32 = arith.constant 0 : i32
    %c0_i32_0 = arith.constant 0 : i32
    return %arg0, %c0_i32 : i32, i32
  }
}

</mosaic_0001>

<sc_bundles>
// kernel: kernel.5.cloned.1.call-start
scs
__scs_entry_jumppad:
0x0: {  	(pc) =	sbr.rel $0x88, $3  }
0x1: {  	(tag) =	ssettag $0x0;
	lr =	simm.s32 $0x1  }
0x2: {  	[smem:$0x3F96] =	sst lr;
	_ =	strace $0xD0000000  }
0x3: {  	_ = 	snop  }
0x4: {  	_ = 	snop  }
0x5: {  	_ = 	snop  }
0x6: {  	_ = 	snop  }
0x7: {  	_ = 	snop  }
__scs_overlays_trampoline_lowered:
0x8: {  	[smem:$0x3FA5] =	sst s0  }
0x9: {  	[smem:$0x3FA6] =	sst s1  }
0xa: {  	[smem:$0x3FA7] =	sst s2  }
0xb: {  	[smem:$0x3FA8] =	sst s3  }
0xc: {  	[smem:$0x3FA9] =	sst s4  }
0xd: {  	[smem:$0x3FAA] =	sst s5  }
0xe: {  	[smem:$0x3FAB] =	sst s6  }
0xf: {  	[smem:$0x3FAC] =	sst s7  }
0x10: {  	[smem:$0x3FAD] =	sst s8  }
0x11: {  	[smem:$0x3FAE] =	sst s9;
	s0 =	simm.s32 @!p0 $0x0  }
0x12: {  	s1 =	sld [smem:$0x3F94];
	s0 =	simm.s32 @p0 $0x1  }
0x13: {  	[smem:$0x3FAF] =	sst s0;
	s0 =	simm.s32 @!p1 $0x0  }
0x14: {  	s2 =	sld [smem:$0x3F93];
	s0 =	simm.s32 @p1 $0x1  }
0x15: {  	[smem:$0x3FB0] =	sst s0;
	s0 =	simm.s32 @!p2 $0x0  }
0x16: {  	s3 =	sld [smem:$0x3FDB];
	s0 =	simm.s32 @p2 $0x1  }
0x17: {  	s4 =	simm.s32 $0x1BF5;
	[smem:$0x3FB2] =	sst s0  }
0x18: {  	s0 =	sld [smem:$0x3F95];
	_ =	swait.ge [sflag:s4], $0x0  }
0x19: {  	s7 =	sld [smem:$0x3F96]  }
0x1a: {  	s8 =	sadd.s32 $0xFFFFE003, lr  }
0x1b: {  	s9 =	sadd.s32 $0xFFFFFEF7, lr;
	s5 =	simm.s32 $0xFFFFFFFF;
	p2 =	slt.u32 s8, $0xFFFFF086  }
0x1c: {  	p1 =	slt.u32 s9, $0xF7A;
	s5 =	simm.s32 @!p2 $0x0  }
0x1d: {  	s5 =	simm.s32 @p1 $0x1;
	p0 =	seq.s32 s7, s2  }
0x1e: {  	s7 =	smul.u32 @!p0 $0xF7A, s2;
	p2 =	seq.s32 @!p0 s5, $0x0  }
0x1f: {  	s9 =	smul.u32 $0xF7A, s1;
	s8 =	simm.s32 @!p0 $0x1BF5;
	p2 =	por !p2, p0  }
0x20: {  	[sflag:s8] =	ssyncset.s32 @!p0 $0xFFFFF086;
	s6 =	sadd.s32 @!p0 s3, s7;
	s7 =	simm.s32 @!p0 $0x108  }
0x21: {  	s3 =	sadd.s32 s3, s9;
	s6 =	sadd.s32 @!p0 $0x88, s6;
	s7 =	simm.s32 @p2 $0x1082  }
0x22: {  	[simem:s7], [sflag:s8] =	dma.local @!p0 [hbm:s6], $0xF7A  }
0x23: {  	s9 =	sor.u32 $0xD0000000, s2;
	s6 =	simm.s32 $0x108;
	_ =	swait.ge @!p0 [sflag:s8], $0x0  }
0x24: {  	s3 =	sadd.s32 $0x88, s3;
	s6 =	simm.s32 @!p1 $0x1082;
	[sflag:s4] =	ssyncset.s32 $0xFFFFF086  }
0x25: {  	[simem:s6], [sflag:s4] =	dma.local [hbm:s3], $0xF7A  }
0x26: {  	[smem:$0x3F96] =	sst s1;
	(tag) =	ssettag s2;
	_ =	strace s9  }
0x27: {  	s1 =	sld [smem:$0x3FA6]  }
0x28: {  	s2 =	sld [smem:$0x3FA7]  }
0x29: {  	s4 =	sld [smem:$0x3FA9]  }
0x2a: {  	p0 =	seq.s32 s5, $0x0;
	s5 =	sld [smem:$0x3FAA]  }
0x2b: {  	s6 =	sld [smem:$0x3FAB]  }
0x2c: {  	s7 =	sld [smem:$0x3FAC]  }
0x2d: {  	s3 =	simm.s32 $0x108;
	s8 =	sld [smem:$0x3FAD]  }
0x2e: {  	s3 =	simm.s32 @!p0 $0x1082;
	s9 =	sld [smem:$0x3FAE]  }
0x2f: {  	lr =	sadd.s32 s0, s3;
	s0 =	sld [smem:$0x3FA5]  }
0x30: {  	s3 =	sld [smem:$0x3FA8]  }
0x31: {  	[smem:$0x3FB1] =	sst s10  }
0x32: {  	s10 =	sld [smem:$0x3FAF];
	_ =	sdelay $0x3  }
0x33: {  	p0 =	seq.s32 s10, $0x1;
	s10 =	sld [smem:$0x3FB1];
	_ =	sdelay $0x3  }
0x34: {  	[smem:$0x3FB1] =	sst s10  }
0x35: {  	s10 =	sld [smem:$0x3FB0];
	_ =	sdelay $0x3  }
0x36: {  	p1 =	seq.s32 s10, $0x1;
	s10 =	sld [smem:$0x3FB1];
	_ =	sdelay $0x3  }
0x37: {  	[smem:$0x3FB1] =	sst s10  }
0x38: {  	s10 =	sld [smem:$0x3FB2]  }
0x39: {  	_ = 	snop;
	(pc) =	sbr.ind lr, $3  }
0x3a: {  	_ = 	snop  }
0x3b: {  	_ = 	snop  }
0x3c: {  	p2 =	seq.s32 s10, $0x1;
	s10 =	sld [smem:$0x3FB1]  }
0x3d: {  	_ =	shalt  }
0x3e: {  	_ =	shalt  }
0x3f: {  	_ =	shalt  }
0x40: {  	_ =	shalt  }
0x41: {  	_ =	shalt  }
0x42: {  	_ =	shalt  }
0x43: {  	_ =	shalt  }
0x44: {  	_ =	shalt  }
0x45: {  	_ =	shalt  }
0x46: {  	_ =	shalt  }
0x47: {  	_ =	shalt  }
0x48: {  	_ =	shalt  }
0x49: {  	_ =	shalt  }
0x4a: {  	_ =	shalt  }
0x4b: {  	_ =	shalt  }
0x4c: {  	_ =	shalt  }
0x4d: {  	_ =	shalt  }
0x4e: {  	_ =	shalt  }
0x4f: {  	_ =	shalt  }
0x50: {  	_ =	shalt  }
0x51: {  	_ =	shalt  }
0x52: {  	_ =	shalt  }
0x53: {  	_ =	shalt  }
0x54: {  	_ =	shalt  }
0x55: {  	_ =	shalt  }
0x56: {  	_ =	shalt  }
0x57: {  	_ =	shalt  }
0x58: {  	_ =	shalt  }
0x59: {  	_ =	shalt  }
0x5a: {  	_ =	shalt  }
0x5b: {  	_ =	shalt  }
0x5c: {  	_ =	shalt  }
0x5d: {  	_ =	shalt  }
0x5e: {  	_ =	shalt  }
0x5f: {  	_ =	shalt  }
0x60: {  	_ =	shalt  }
0x61: {  	_ =	shalt  }
0x62: {  	_ =	shalt  }
0x63: {  	_ =	shalt  }
0x64: {  	_ =	shalt  }
0x65: {  	_ =	shalt  }
0x66: {  	_ =	shalt  }
0x67: {  	_ =	shalt  }
0x68: {  	_ =	shalt  }
0x69: {  	_ =	shalt  }
0x6a: {  	_ =	shalt  }
0x6b: {  	_ =	shalt  }
0x6c: {  	_ =	shalt  }
0x6d: {  	_ =	shalt  }
0x6e: {  	_ =	shalt  }
0x6f: {  	_ =	shalt  }
0x70: {  	_ =	shalt  }
0x71: {  	_ =	shalt  }
0x72: {  	_ =	shalt  }
0x73: {  	_ =	shalt  }
0x74: {  	_ =	shalt  }
0x75: {  	_ =	shalt  }
0x76: {  	_ =	shalt  }
0x77: {  	_ =	shalt  }
0x78: {  	_ =	shalt  }
0x79: {  	_ =	shalt  }
0x7a: {  	_ =	shalt  }
0x7b: {  	_ =	shalt  }
0x7c: {  	_ =	shalt  }
0x7d: {  	_ =	shalt  }
0x7e: {  	_ =	shalt  }
0x7f: {  	_ =	shalt  }
0x80: {  	_ =	shalt  }
0x81: {  	_ =	shalt  }
0x82: {  	_ =	shalt  }
0x83: {  	_ =	shalt  }
0x84: {  	_ =	shalt  }
0x85: {  	_ =	shalt  }
0x86: {  	_ =	shalt  }
0x87: {  	_ =	shalt  }
.Lfunc_end0:
.L_simem_size_0:
called_computation_lowered:
.L_overlay_start_0:
0x88: {  	s2 =	sld [smem:$0x3FD9]  }
0x89: {  	s3 =	sld [smem:$0x3FFE];
	_ =	sdelay $0x1  }
0x8a: {  	s1 =	srdreg.scid  }
0x8b: {  	s0 =	sand.u32 $0x1, s1  }
0x8c: {  	s17 =	sshll.u32 s0, $0xA;
	s2 =	sadd.s32 s3, s2  }
0x8d: {  	s2 =	sadd.s32 s2, s17  }
0x8e: {  	[smem:$0x3FBD] =	sst s2  }
0x8f: {  	_ = 	snop  }
0x90: {  	s2 =	sld [smem:$0x3FC7]  }
0x91: {  	s18 =	sld [smem:$0x3FD0];
	(tm) =	ssettm $0x1  }
0x92: {  	s4 =	sld [smem:$0x3FFB];
	_ =	sdelay $0x3  }
0x93: {  	_ =	strace s4  }
0x94: {  	s4 =	sld [smem:$0x3FFC];
	_ =	sdelay $0x3  }
0x95: {  	_ =	strace s4  }
0x96: {  	s4 =	sld [smem:$0x3FFD];
	_ =	sdelay $0x3  }
0x97: {  	_ =	strace s4  }
0x98: {  	_ =	strace $0x8FFFFFFF  }
0x99: {  	s19 =	sld [smem:$0x3FDB];
	_ =	sdelay $0x1  }
0x9a: {  	s5 =	simm.s32 $_scs_section_size  }
0x9b: {  	s6 =	simm.s32 $_size__tile_overlayer_lowered;
	s7 =	simm.s32 $_tile_overlayer_lowered  }
0x9c: {  	s22 =	simm.s32 $0x1BFF;
	s21 =	sshll.u32 s7, $0x1;
	s4 =	sadd.s32 s5, s19  }
0x9d: {  	s8 =	simm.s32 $0x0;
	s20 =	sshll.u32 s6, $0x1;
	s6 =	sadd.s32 s21, s4  }
0x9e: {  	[timem:s8], [sflag:s22] =	dma.local [hbm:s6], s20  }
0x9f: {  	_ =	swait.ge [sflag:s22], s20  }
0xa0: {  	s5 =	ssub.s32 $0x0, s20;
	[sflag:s22] =	ssyncset.done $0x0  }
0xa1: {  	[sflag:s22] =	ssyncadd.s32 s5;
	_ =	sdelay $0x1  }
0xa2: {  	s23 =	simm.s32 $0x1B8B  }
0xa3: {  	_ =	swait.ge [sflag:s23], $0x1  }
0xa4: {  	[sflag:s23] =	ssyncset.done $0x0  }
0xa5: {  	s25 =	simm.s32 $0x1B8E;
	s24 =	sld [smem:$0x3FFE];
	[sflag:s23] =	ssyncadd.s32 $0xFFFFFFFF  }
0xa6: {  	s26 =	simm.s32 $execute0_lowered;
	[smem:$0x3FD2] =	sst s25  }
0xa7: {  	s6 =	sshll.u32 s26, $0x1;
	_ =	strace $0x80000046;
	[dreg:$0x1] =	wrdreg $0xFFFFFFFF  }
0xa8: {  	s28 =	simm.s32 $_size_execute0_lowered;
	s4 =	sadd.s32 s4, s6;
	[dreg:$0x0] =	wrdreg $0x0  }
0xa9: {  	s6 =	sshll.u32 s28, $0x1;
	[dreg:$0x2] =	wrdreg s4  }
0xaa: {  	[dreg:$0x3] =	wrdreg s6  }
0xab: {  	[dreg:$0x4] =	wrdreg $0xC0  }
0xac: {  	_ =	task [dreg:s8], $0x5FFFF  }
0xad: {  	[dreg:$0x1] =	wrdreg $0xFFFFFFFF  }
0xae: {  	[dreg:$0x0] =	wrdreg $0x60  }
0xaf: {  	[dreg:$0x2] =	wrdreg s18  }
0xb0: {  	[dreg:$0x3] =	wrdreg s24  }
0xb1: {  	[dreg:$0x4] =	wrdreg s2  }
0xb2: {  	[dreg:$0x5] =	wrdreg $0x13B300  }
0xb3: {  	[dreg:$0x6] =	wrdreg $0x9D300  }
0xb4: {  	[dreg:$0x7] =	wrdreg $0x9  }
0xb5: {  	_ =	task.clear_ibuf [dreg:s8], $0x8FFFF;
	_ =	strace $0x90000046  }
0xb6: {  	s29 =	simm.s32 $0x9;
	_ =	strace $0x80000048  }
0xb7: {  	_ =	swait.ge [sflag:s29], $0x1  }
0xb8: {  	[sflag:s29] =	ssyncadd.s32 $0xFFFFFFFF  }
0xb9: {  	_ =	strace $0x90000048  }
0xba: {  	_ =	sfence  }
0xbb: {  	s30 =	sld [smem:$0x0];
	_ =	sdelay $0x2  }
0xbc: {  	s31 =	sshll.u32 s1, $0xD;
	s1 =	sshrl.u32 s1, $0x2  }
0xbd: {  	s3 =	sand.u32 $0x4000, s31;
	s1 =	sadd.s32 s1, s30  }
0xbe: {  	s0 =	sor.u32 s3, s0;
	s1 =	sshll.u32 s1, $0x11  }
0xbf: {  	s0 =	sor.u32 s1, s0  }
0xc0: {  	s0 =	sadd.s32 $0x8F2B, s0  }
0xc1: {  	[sflag:s0] =	ssyncadd.remote.s32 $0x1  }
0xc2: {  	_ =	sfence.sel $0xFFFF  }
0xc3: {  	[dreg:$0x0] =	wrdreg $0xFFFFFFFF;
	(pc) =	sbr.abs _section_cstart, $3  }
0xc4: {  	[dreg:$0x1] =	wrdreg $0xFFFFFFFF  }
0xc5: {  	_ =	task.clear_ibuf [dreg:s8], $0x2FFFF;
	_ =	strace $0x9FFFFFFF  }
0xc6: {  	(tm) =	ssettm $0x7FFFFFFF  }
0xc7: {  	_ =	shalt  }
tec
execute0_lowered:
.L_overlay_start_1:
0x0: {  	(tag) =	ssettag $0x1  }
0x1: {  	s0 =	rddreg [dreg:$0x0]  }
0x2: {  	s1 =	rddreg [dreg:$0x1]  }
0x3: {  	s5 =	rddreg [dreg:$0x2]  }
0x4: {  	s2 =	rddreg [dreg:$0x3]  }
0x5: {  	s3 =	rddreg [dreg:$0x4];
	s4 =	srdreg.scid  }
0x6: {  	s12 =	stileid.u32;
	s28 =	simm.s32 $0x1;
	s29 =	simm.s32 $0x2  }
0x7: {  	s30 =	simm.s32 $0x3;
	s31 =	simm.s32 $0x4;
	s8 =	smul.u32 $0x9E00, s12  }
0x8: {  	s6 =	sand.u32 $0x1, s4;
	s7 =	sshll.u32 s12, $0x1;
	s14 =	smul.u32 $0x27800, s12  }
0x9: {  	s4 =	simm.s32 $0x0;
	s7 =	sor.u32 s6, s7;
	s9 =	smul.u32 $0x9E000, s6  }
0xa: {  	[smem:$0x7FF] =	sst s4;
	s6 =	ssub.s32 $0x2, s6;
	s7 =	smul.u32 $0x4E2, s7  }
0xb: {  	_ =	strace $0x80000047;
	s11 =	sshrl.u32 s6, $0x1;
	s17 =	sshrl.u32 s8, $0x3  }
0xc: {  	s9 =	sadd.s32 s8, s9;
	s6 =	ssub.s32 s6, s11;
	s0 =	sadd.s32 s0, s17  }
0xd: {  	s10 =	sadd.s32 s7, s1;
	s5 =	sadd.s32 s5, s7;
	[dreg:$0x9] =	wrdreg s0  }
0xe: {  	s9 =	sshrl.u32 s9, $0x3;
	s20 =	smax.u32 s6, $0x1;
	[dreg:$0x8] =	wrdreg s5  }
0xf: {  	s1 =	sadd.s32 s9, s1;
	s15 =	sadd.s32 $0xB000, s10;
	[dreg:$0xb] =	wrdreg s20  }
0x10: {  	s10 =	sadd.s32 $0x1200, s10;
	s9 =	sshrl.u32 s14, $0x2;
	[dreg:$0x6] =	wrdreg s15  }
0x11: {  	[dreg:$0x7] =	wrdreg s10;
	s18 =	sadd.s32 $0x14E00, s1;
	s10 =	sadd.s32 s9, s3  }
0x12: {  	s26 =	sshll.u32 s12, $0x6;
	[dreg:$0xa] =	wrdreg s18;
	s21 =	sadd.s32 $0x1400, s10  }
0x13: {  	s16 =	sadd.s32 s8, s2;
	s22 =	sadd.s32 $0x2800, s10;
	[dreg:$0xc] =	wrdreg s21  }
0x14: {  	s19 =	sadd.s32 s8, s3;
	s23 =	sadd.s32 $0x3C00, s10;
	[dreg:$0xd] =	wrdreg s22  }
0x15: {  	s20 =	simm.s32 $0x4E20;
	s24 =	sadd.s32 $0x5000, s10;
	[dreg:$0xe] =	wrdreg s23  }
0x16: {  	s1 =	simm.s32 $0x0;
	s25 =	sadd.s32 $0x6400, s10;
	[dreg:$0xf] =	wrdreg s24  }
0x17: {  	s17 =	sadd.s32 $0x7800, s10;
	s18 =	simm.s32 $0x5;
	[dreg:$0x10] =	wrdreg s25  }
0x18: {  	v1 =	vimm.s32 $0x0;
	vm0 =	vcmask $0x300;
	s21 =	sor.u32 $0x1C05, s26;
	s22 =	sshrl.u32 s16, $0x3;
	s23 =	simm.s32 $0x7530  }
0x19: {  	v0 =	vimm.f32 $0.0e+00;
	v1 =	vsel vm0, $0x3, v1;
	s24 =	simm.s32 $0x50;
	s25 =	sshrl.u32 s19, $0x3;
	s26 =	simm.s32 $0x8930  }
.LBB2_1:
0x1a: {  	s0 =	rddreg [dreg:$0x6]  }
0x1b: {  	[tilespmem:s4], [sflag:$0x5] =	stream.linear.gather [hbm4b:s0+s4], $0x2710, $0x38;
	[tilespmem:$0x1D930] =	vst v63  }
0x1c: {  	_ =	swait.ge [sflag:s18], $0x2710  }
0x1d: {  	[sflag:s18] =	ssyncset.done $0x0  }
0x1e: {  	s5 =	simm.s32 $0x2710;
	s15 =	rddreg [dreg:$0x7];
	[sflag:s18] =	ssyncadd.s32 $0xFFFFD8F0  }
0x1f: {  	[tilespmem:s5], [sflag:$0x5] =	stream.linear.gather [hbm4b:s15+s4], $0x2710, $0x38;
	[tilespmem:$0x1D930] =	vst v63  }
0x20: {  	_ =	swait.ge [sflag:s18], $0x2710  }
0x21: {  	[sflag:s18] =	ssyncset.done $0x0  }
0x22: {  	s16 =	rddreg [dreg:$0x8];
	[sflag:s18] =	ssyncadd.s32 $0xFFFFD8F0  }
0x23: {  	[tilespmem:s20], [sflag:$0x5] =	stream.linear.gather [hbm4b:s16+s4], $0x2710, $0x38;
	[tilespmem:$0x1D930] =	vst v63  }
0x24: {  	_ =	swait.ge [sflag:s18], $0x2710  }
0x25: {  	[sflag:s18] =	ssyncset.done $0x0  }
0x26: {  	s19 =	rddreg [dreg:$0x9];
	[sflag:s18] =	ssyncadd.s32 $0xFFFFD8F0  }
0x27: {  	[spmem:s22], [sflag:s21] =	dma.local [hbm:s19], $0x13C0  }
0x28: {  	_ =	swait.ge [sflag:s18], $0x13C0  }
0x29: {  	[sflag:s18] =	ssyncset.done $0x0  }
0x2a: {  	s0 =	simm.s32 $0x0;
	s5 =	simm.s32 $0x100;
	[sflag:s18] =	ssyncadd.s32 $0xFFFFEC40  }
.LBB2_2:
0x2b: {  	p0 =	sne.s32 s5, $0x4F00;
	[tilespmem:s0+$0x7560] =	vst v0;
	s6 =	smov.u32 s5;
	s5 =	sadd.s32 $0x100, s5  }
.Ltmp0:
0x2c: {  	[tilespmem:s0+$0x7550] =	vst v0;
	(pc) =	sbr.rel @p0 .LBB2_2-.Ltmp0, $3  }
0x2d: {  	[tilespmem:s0+$0x7530] =	vst v0  }
0x2e: {  	[tilespmem:s0+$0x7540] =	vst v0;
	_ =	sdelay $0x1  }
0x2f: {  	s0 =	sshra.s32 s6, $0x2  }
0x30: {  	[tilespmem:s0+$0x7560] =	vst v0  }
0x31: {  	[tilespmem:s0+$0x7550] =	vst v0  }
0x32: {  	[tilespmem:s0+$0x7530] =	vst v0  }
0x33: {  	[tilespmem:s0+$0x7540] =	vst v0  }
0x34: {  	[spmem:s10] =	stream.linear.scatter [tilespmem:s23], [sflag:$0x5], $0x1400, $0x38;
	[tilespmem:$0x1D930] =	vst v63  }
0x35: {  	_ =	swait.ge [sflag:s18], $0x1400  }
0x36: {  	[sflag:s18] =	ssyncset.done $0x0  }
0x37: {  	s13 =	rddreg [dreg:$0xc];
	[sflag:s18] =	ssyncadd.s32 $0xFFFFEC00  }
0x38: {  	[spmem:s13] =	stream.linear.scatter [tilespmem:s23], [sflag:$0x5], $0x1400, $0x38;
	[tilespmem:$0x1D930] =	vst v63  }
0x39: {  	_ =	swait.ge [sflag:s18], $0x1400  }
0x3a: {  	[sflag:s18] =	ssyncset.done $0x0  }
0x3b: {  	s14 =	rddreg [dreg:$0xd];
	[sflag:s18] =	ssyncadd.s32 $0xFFFFEC00  }
0x3c: {  	[spmem:s14] =	stream.linear.scatter [tilespmem:s23], [sflag:$0x5], $0x1400, $0x38;
	[tilespmem:$0x1D930] =	vst v63  }
0x3d: {  	_ =	swait.ge [sflag:s18], $0x1400  }
0x3e: {  	[sflag:s18] =	ssyncset.done $0x0  }
0x3f: {  	s15 =	rddreg [dreg:$0xe];
	[sflag:s18] =	ssyncadd.s32 $0xFFFFEC00  }
0x40: {  	[spmem:s15] =	stream.linear.scatter [tilespmem:s23], [sflag:$0x5], $0x1400, $0x38;
	[tilespmem:$0x1D930] =	vst v63  }
0x41: {  	_ =	swait.ge [sflag:s18], $0x1400  }
0x42: {  	[sflag:s18] =	ssyncset.done $0x0  }
0x43: {  	s16 =	rddreg [dreg:$0xf];
	[sflag:s18] =	ssyncadd.s32 $0xFFFFEC00  }
0x44: {  	[spmem:s16] =	stream.linear.scatter [tilespmem:s23], [sflag:$0x5], $0x1400, $0x38;
	[tilespmem:$0x1D930] =	vst v63  }
0x45: {  	_ =	swait.ge [sflag:s18], $0x1400  }
0x46: {  	[sflag:s18] =	ssyncset.done $0x0  }
0x47: {  	s19 =	rddreg [dreg:$0x10];
	[sflag:s18] =	ssyncadd.s32 $0xFFFFEC00  }
0x48: {  	[spmem:s19] =	stream.linear.scatter [tilespmem:s23], [sflag:$0x5], $0x1400, $0x38;
	[tilespmem:$0x1D930] =	vst v63  }
0x49: {  	_ =	swait.ge [sflag:s18], $0x1400  }
0x4a: {  	[sflag:s18] =	ssyncset.done $0x0  }
0x4b: {  	[sflag:s18] =	ssyncadd.s32 $0xFFFFEC00  }
0x4c: {  	[spmem:s17] =	stream.linear.scatter [tilespmem:s23], [sflag:$0x5], $0x1400, $0x38;
	[tilespmem:$0x1D930] =	vst v63  }
0x4d: {  	_ =	swait.ge [sflag:s18], $0x1400  }
0x4e: {  	[sflag:s18] =	ssyncset.done $0x0  }
0x4f: {  	[sflag:s18] =	ssyncadd.s32 $0xFFFFEC00  }
0x50: {  	s19 =	simm.s32 $0x0;
	[bflag:$0x0] =	sbarrier.arrive $0xFFFF  }
0x51: {  	[tilespmem:s23], [sflag:$0x1] =	stream.indirect.gather [spmem:s2], $0x40, s19, s24, $0xb8;
	[tilespmem:$0x1D930] =	vst v63  }
0x52: {  	s0 =	simm.s32 $0x0  }
0x53: {  	[tilespmem:s26], [sflag:$0x2] =	stream.indirect.gather [spmem:s2], $0x40, s24, s24, $0xb8;
	[tilespmem:$0x1D930] =	vst v63  }
.LBB2_4:
0x54: {  	s5 =	sadd.s32 $0x0, s19  }
0x55: {  	v2 =	vmov s5  }
0x56: {  	v2 =	vshrl.u32 v2, $0x3  }
0x57: {  	v2 =	vshll.u32 v2, v1  }
0x58: {  	v3 =	vbroadcast v2, $0x0;
	_ =	sdelay $0x1  }
0x59: {  	_ =	swait.ge [sflag:s28], $0x1400  }
0x5a: {  	[sflag:s28] =	ssyncset.done $0x0  }
0x5b: {  	s6 =	simm.s32 $0x7730;
	[sflag:s28] =	ssyncadd.s32 $0xFFFFEC00  }
0x5c: {  	v4 =	vld [tilespmem:s6+$0xFFFFFE30]  }
0x5d: {  	v3 =	vld.idx.msk [tilespmem:v3+s20+$0x0], $0xffff  }
0x5e: {  	v5 =	vld [tilespmem:s6+$0xFFFFFE00]  }
0x5f: {  	v6 =	vld [tilespmem:s6+$0xFFFFFE10]  }
0x60: {  	v7 =	vld [tilespmem:s6+$0xFFFFFE20]  }
0x61: {  	v8 =	vadd.s32 $0x1, v2  }
0x62: {  	v8 =	vbroadcast v8, $0x0;
	v4 =	vmul.f32 v4, v3  }
0x63: {  	v5 =	vmul.f32 v5, v3  }
0x64: {  	v6 =	vmul.f32 v6, v3;
	[tilespmem:s6+$0xFFFFFE30] =	vst v4  }
0x65: {  	v3 =	vmul.f32 v7, v3;
	[tilespmem:s6+$0xFFFFFE00] =	vst v5  }
0x66: {  	[tilespmem:s6+$0xFFFFFE10] =	vst v6  }
0x67: {  	[tilespmem:s6+$0xFFFFFE20] =	vst v3;
	v4 =	vld [tilespmem:s6+$0xFFFFFE40]  }
0x68: {  	v3 =	vld.idx.msk [tilespmem:v8+s20+$0x0], $0xffff  }
0x69: {  	v5 =	vld [tilespmem:s6+$0xFFFFFE50]  }
0x6a: {  	v6 =	vld [tilespmem:s6+$0xFFFFFE70]  }
0x6b: {  	v7 =	vld [tilespmem:s6+$0xFFFFFE60]  }
0x6c: {  	v8 =	vadd.s32 $0x2, v2  }
0x6d: {  	v8 =	vbroadcast v8, $0x0;
	v4 =	vmul.f32 v4, v3  }
0x6e: {  	v5 =	vmul.f32 v5, v3  }
0x6f: {  	v6 =	vmul.f32 v6, v3;
	[tilespmem:s6+$0xFFFFFE40] =	vst v4  }
0x70: {  	v3 =	vmul.f32 v7, v3;
	[tilespmem:s6+$0xFFFFFE50] =	vst v5  }
0x71: {  	[tilespmem:s6+$0xFFFFFE70] =	vst v6  }
0x72: {  	[tilespmem:s6+$0xFFFFFE60] =	vst v3;
	v4 =	vld [tilespmem:s6+$0xFFFFFE80]  }
0x73: {  	v3 =	vld.idx.msk [tilespmem:v8+s20+$0x0], $0xffff  }
0x74: {  	v5 =	vld [tilespmem:s6+$0xFFFFFE90]  }
0x75: {  	v6 =	vld [tilespmem:s6+$0xFFFFFEB0]  }
0x76: {  	v7 =	vld [tilespmem:s6+$0xFFFFFEA0]  }
0x77: {  	v8 =	vadd.s32 $0x3, v2  }
0x78: {  	v8 =	vbroadcast v8, $0x0;
	v4 =	vmul.f32 v4, v3  }
0x79: {  	v5 =	vmul.f32 v5, v3  }
0x7a: {  	v6 =	vmul.f32 v6, v3;
	[tilespmem:s6+$0xFFFFFE80] =	vst v4  }
0x7b: {  	v3 =	vmul.f32 v7, v3;
	[tilespmem:s6+$0xFFFFFE90] =	vst v5  }
0x7c: {  	[tilespmem:s6+$0xFFFFFEB0] =	vst v6  }
0x7d: {  	[tilespmem:s6+$0xFFFFFEA0] =	vst v3;
	v4 =	vld [tilespmem:s6+$0xFFFFFEC0]  }
0x7e: {  	v3 =	vld.idx.msk [tilespmem:v8+s20+$0x0], $0xffff  }
0x7f: {  	v5 =	vld [tilespmem:s6+$0xFFFFFEE0]  }
0x80: {  	v6 =	vld [tilespmem:s6+$0xFFFFFED0]  }
0x81: {  	v7 =	vld [tilespmem:s6+$0xFFFFFEF0]  }
0x82: {  	v8 =	vadd.s32 $0x4, v2  }
0x83: {  	v8 =	vbroadcast v8, $0x0;
	v4 =	vmul.f32 v4, v3  }
0x84: {  	v5 =	vmul.f32 v5, v3  }
0x85: {  	v6 =	vmul.f32 v6, v3;
	[tilespmem:s6+$0xFFFFFEC0] =	vst v4  }
0x86: {  	v3 =	vmul.f32 v7, v3;
	[tilespmem:s6+$0xFFFFFEE0] =	vst v5  }
0x87: {  	[tilespmem:s6+$0xFFFFFED0] =	vst v6  }
0x88: {  	[tilespmem:s6+$0xFFFFFEF0] =	vst v3;
	v4 =	vld [tilespmem:s6+$0xFFFFFF00]  }
0x89: {  	v3 =	vld.idx.msk [tilespmem:v8+s20+$0x0], $0xffff  }
0x8a: {  	v5 =	vld [tilespmem:s6+$0xFFFFFF30]  }
0x8b: {  	v6 =	vld [tilespmem:s6+$0xFFFFFF10]  }
0x8c: {  	v7 =	vld [tilespmem:s6+$0xFFFFFF20]  }
0x8d: {  	v8 =	vadd.s32 $0x5, v2  }
0x8e: {  	v8 =	vbroadcast v8, $0x0;
	v4 =	vmul.f32 v4, v3  }
0x8f: {  	v5 =	vmul.f32 v5, v3  }
0x90: {  	v6 =	vmul.f32 v6, v3;
	[tilespmem:s6+$0xFFFFFF00] =	vst v4  }
0x91: {  	v3 =	vmul.f32 v7, v3;
	[tilespmem:s6+$0xFFFFFF30] =	vst v5  }
0x92: {  	[tilespmem:s6+$0xFFFFFF10] =	vst v6  }
0x93: {  	[tilespmem:s6+$0xFFFFFF20] =	vst v3;
	v4 =	vld [tilespmem:s6+$0xFFFFFF40]  }
0x94: {  	v3 =	vld.idx.msk [tilespmem:v8+s20+$0x0], $0xffff  }
0x95: {  	v5 =	vld [tilespmem:s6+$0xFFFFFF50]  }
0x96: {  	v6 =	vld [tilespmem:s6+$0xFFFFFF70]  }
0x97: {  	v7 =	vld [tilespmem:s6+$0xFFFFFF60]  }
0x98: {  	v8 =	vadd.s32 $0x6, v2  }
0x99: {  	v8 =	vbroadcast v8, $0x0;
	v4 =	vmul.f32 v4, v3  }
0x9a: {  	v5 =	vmul.f32 v5, v3  }
0x9b: {  	v6 =	vmul.f32 v6, v3;
	[tilespmem:s6+$0xFFFFFF40] =	vst v4  }
0x9c: {  	v3 =	vmul.f32 v7, v3;
	[tilespmem:s6+$0xFFFFFF50] =	vst v5  }
0x9d: {  	[tilespmem:s6+$0xFFFFFF70] =	vst v6  }
0x9e: {  	[tilespmem:s6+$0xFFFFFF60] =	vst v3;
	v4 =	vld [tilespmem:s6+$0xFFFFFF80]  }
0x9f: {  	v3 =	vld.idx.msk [tilespmem:v8+s20+$0x0], $0xffff  }
0xa0: {  	v5 =	vld [tilespmem:s6+$0xFFFFFF90]  }
0xa1: {  	v6 =	vld [tilespmem:s6+$0xFFFFFFB0]  }
0xa2: {  	v7 =	vld [tilespmem:s6+$0xFFFFFFA0]  }
0xa3: {  	v2 =	vadd.s32 $0x7, v2  }
0xa4: {  	v2 =	vbroadcast v2, $0x0;
	v4 =	vmul.f32 v4, v3  }
0xa5: {  	v5 =	vmul.f32 v5, v3  }
0xa6: {  	v6 =	vmul.f32 v6, v3;
	[tilespmem:s6+$0xFFFFFF80] =	vst v4  }
0xa7: {  	v3 =	vmul.f32 v7, v3;
	[tilespmem:s6+$0xFFFFFF90] =	vst v5  }
0xa8: {  	[tilespmem:s6+$0xFFFFFFB0] =	vst v6  }
0xa9: {  	[tilespmem:s6+$0xFFFFFFA0] =	vst v3;
	v3 =	vld [tilespmem:s6+$0xFFFFFFC0]  }
0xaa: {  	v2 =	vld.idx.msk [tilespmem:v2+s20+$0x0], $0xffff  }
0xab: {  	s7 =	sadd.s32 $0x8, s5;
	v4 =	vld [tilespmem:s6+$0xFFFFFFE0]  }
0xac: {  	v5 =	vmov s7;
	v6 =	vld [tilespmem:s6+$0xFFFFFFD0]  }
0xad: {  	v7 =	vld [tilespmem:s6+$0xFFFFFFF0];
	v5 =	vshrl.u32 v5, $0x3  }
0xae: {  	v5 =	vshll.u32 v5, v1  }
0xaf: {  	v5 =	vbroadcast v5, $0x0;
	v3 =	vmul.f32 v3, v2  }
0xb0: {  	v4 =	vmul.f32 v4, v2  }
0xb1: {  	v6 =	vmul.f32 v6, v2;
	[tilespmem:s6+$0xFFFFFFC0] =	vst v3  }
0xb2: {  	v2 =	vmul.f32 v7, v2;
	[tilespmem:s6+$0xFFFFFFE0] =	vst v4  }
0xb3: {  	[tilespmem:s6+$0xFFFFFFD0] =	vst v6  }
0xb4: {  	[tilespmem:s6+$0xFFFFFFF0] =	vst v2;
	v3 =	vld [tilespmem:s6+$0x0]  }
0xb5: {  	s12 =	sadd.s32 $0x9, s5;
	v2 =	vld.idx.msk [tilespmem:v5+s20+$0x0], $0xffff  }
0xb6: {  	v4 =	vmov s12;
	v5 =	vld [tilespmem:s6+$0x20]  }
0xb7: {  	v6 =	vld [tilespmem:s6+$0x10];
	v4 =	vshrl.u32 v4, $0x3  }
0xb8: {  	v7 =	vld [tilespmem:s6+$0x30];
	v4 =	vshll.u32 v4, v1  }
0xb9: {  	v4 =	vadd.s32 $0x1, v4  }
0xba: {  	v4 =	vbroadcast v4, $0x0;
	v3 =	vmul.f32 v3, v2  }
0xbb: {  	v5 =	vmul.f32 v5, v2  }
0xbc: {  	v6 =	vmul.f32 v6, v2;
	[tilespmem:s6+$0x0] =	vst v3  }
0xbd: {  	v2 =	vmul.f32 v7, v2;
	[tilespmem:s6+$0x20] =	vst v5  }
0xbe: {  	[tilespmem:s6+$0x10] =	vst v6  }
0xbf: {  	[tilespmem:s6+$0x30] =	vst v2;
	v3 =	vld [tilespmem:s6+$0x40]  }
0xc0: {  	s13 =	sadd.s32 $0xA, s5;
	v2 =	vld.idx.msk [tilespmem:v4+s20+$0x0], $0xffff  }
0xc1: {  	v5 =	vld [tilespmem:s6+$0x50];
	v4 =	vmov s13  }
0xc2: {  	v6 =	vld [tilespmem:s6+$0x70];
	v4 =	vshrl.u32 v4, $0x3  }
0xc3: {  	v7 =	vld [tilespmem:s6+$0x60];
	v4 =	vshll.u32 v4, v1  }
0xc4: {  	v4 =	vadd.s32 $0x2, v4  }
0xc5: {  	v4 =	vbroadcast v4, $0x0;
	v3 =	vmul.f32 v3, v2  }
0xc6: {  	v5 =	vmul.f32 v5, v2  }
0xc7: {  	v6 =	vmul.f32 v6, v2;
	[tilespmem:s6+$0x40] =	vst v3  }
0xc8: {  	v2 =	vmul.f32 v7, v2;
	[tilespmem:s6+$0x50] =	vst v5  }
0xc9: {  	[tilespmem:s6+$0x70] =	vst v6  }
0xca: {  	[tilespmem:s6+$0x60] =	vst v2;
	v3 =	vld [tilespmem:s6+$0x80]  }
0xcb: {  	s14 =	sadd.s32 $0xB, s5;
	v2 =	vld.idx.msk [tilespmem:v4+s20+$0x0], $0xffff  }
0xcc: {  	v5 =	vmov s14;
	v4 =	vld [tilespmem:s6+$0x90]  }
0xcd: {  	v6 =	vld [tilespmem:s6+$0xB0];
	v5 =	vshrl.u32 v5, $0x3  }
0xce: {  	v7 =	vld [tilespmem:s6+$0xA0];
	v5 =	vshll.u32 v5, v1  }
0xcf: {  	v5 =	vadd.s32 $0x3, v5  }
0xd0: {  	v5 =	vbroadcast v5, $0x0;
	v3 =	vmul.f32 v3, v2  }
0xd1: {  	v4 =	vmul.f32 v4, v2  }
0xd2: {  	v6 =	vmul.f32 v6, v2;
	[tilespmem:s6+$0x80] =	vst v3  }
0xd3: {  	v2 =	vmul.f32 v7, v2;
	[tilespmem:s6+$0x90] =	vst v4  }
0xd4: {  	[tilespmem:s6+$0xB0] =	vst v6  }
0xd5: {  	[tilespmem:s6+$0xA0] =	vst v2;
	v2 =	vld [tilespmem:s6+$0xC0]  }
0xd6: {  	s15 =	sadd.s32 $0xC, s5;
	v5 =	vld.idx.msk [tilespmem:v5+s20+$0x0], $0xffff  }
0xd7: {  	v3 =	vmov s15;
	v4 =	vld [tilespmem:s6+$0xE0]  }
0xd8: {  	v6 =	vld [tilespmem:s6+$0xF0];
	v3 =	vshrl.u32 v3, $0x3  }
0xd9: {  	s16 =	sadd.s32 $0xD, s5;
	s8 =	sadd.s32 $0xE, s5;
	v3 =	vshll.u32 v3, v1  }
0xda: {  	v10 =	vld [tilespmem:s6+$0xD0];
	v8 =	vmov s8;
	v7 =	vmov s16;
	v9 =	vadd.s32 $0x4, v3  }
0xdb: {  	s5 =	sadd.s32 $0xF, s5;
	v3 =	vshrl.u32 v7, $0x3;
	v7 =	vshrl.u32 v8, $0x3;
	v2 =	vmul.f32 v2, v5  }
0xdc: {  	v8 =	vmov s5;
	v3 =	vshll.u32 v3, v1;
	v11 =	vmul.f32 v4, v5  }
0xdd: {  	v7 =	vshll.u32 v7, v1;
	v8 =	vshrl.u32 v8, $0x3;
	v12 =	vmul.f32 v6, v5;
	[tilespmem:s6+$0xC0] =	vst v2  }
0xde: {  	v4 =	vadd.s32 $0x5, v3;
	v3 =	vadd.s32 $0x6, v7;
	v2 =	vshll.u32 v8, v1;
	[tilespmem:s6+$0xE0] =	vst v11  }
0xdf: {  	s7 =	simm.s32 $0x7730;
	s5 =	simm.s32 $0x10;
	v6 =	vmul.f32 v10, v5;
	v5 =	vbroadcast v9, $0x0;
	[tilespmem:s6+$0xF0] =	vst v12;
	v2 =	vadd.s32 $0x7, v2  }
.LBB2_5:
0xe0: {  	p0 =	sne.s32 s5, $0x40  }
0xe1: {  	[tilespmem:s6+$0xD0] =	vst v6;
	s7 =	sadd.s32 $0x400, s7;
	s8 =	smov.u32 s5;
	s5 =	sadd.s32 $0x10, s5  }
0xe2: {  	_ =	sdelay $0x1  }
0xe3: {  	v6 =	vld [tilespmem:s6+$0x130]  }
0xe4: {  	v7 =	vld [tilespmem:s6+$0x110]  }
0xe5: {  	v5 =	vld.idx.msk [tilespmem:v5+s20+$0x0], $0xffff  }
0xe6: {  	v8 =	vld [tilespmem:s6+$0x100]  }
0xe7: {  	v9 =	vld [tilespmem:s6+$0x120];
	_ =	sdelay $0x2  }
0xe8: {  	v4 =	vbroadcast v4, $0x0  }
0xe9: {  	v6 =	vmul.f32 v6, v5;
	v8 =	vmul.f32 v8, v5  }
0xea: {  	v7 =	vmul.f32 v7, v5;
	v5 =	vmul.f32 v9, v5  }
0xeb: {  	[tilespmem:s6+$0x130] =	vst v6  }
0xec: {  	[tilespmem:s6+$0x100] =	vst v8  }
0xed: {  	[tilespmem:s6+$0x110] =	vst v7;
	v6 =	vld [tilespmem:s6+$0x140]  }
0xee: {  	[tilespmem:s6+$0x120] =	vst v5;
	v5 =	vld [tilespmem:s6+$0x170]  }
0xef: {  	v4 =	vld.idx.msk [tilespmem:v4+s20+$0x0], $0xffff  }
0xf0: {  	v7 =	vld [tilespmem:s6+$0x150]  }
0xf1: {  	v8 =	vld [tilespmem:s6+$0x160];
	_ =	sdelay $0x2  }
0xf2: {  	v3 =	vbroadcast v3, $0x0  }
0xf3: {  	v6 =	vmul.f32 v6, v4;
	v7 =	vmul.f32 v7, v4  }
0xf4: {  	v8 =	vmul.f32 v8, v4;
	v4 =	vmul.f32 v5, v4  }
0xf5: {  	[tilespmem:s6+$0x140] =	vst v6  }
0xf6: {  	[tilespmem:s6+$0x150] =	vst v7  }
0xf7: {  	[tilespmem:s6+$0x170] =	vst v4;
	v4 =	vld [tilespmem:s6+$0x180]  }
0xf8: {  	[tilespmem:s6+$0x160] =	vst v8;
	v5 =	vld [tilespmem:s6+$0x1B0]  }
0xf9: {  	v3 =	vld.idx.msk [tilespmem:v3+s20+$0x0], $0xffff  }
0xfa: {  	v6 =	vld [tilespmem:s6+$0x190]  }
0xfb: {  	v7 =	vld [tilespmem:s6+$0x1A0];
	_ =	sdelay $0x2  }
0xfc: {  	v2 =	vbroadcast v2, $0x0  }
0xfd: {  	v4 =	vmul.f32 v4, v3;
	v6 =	vmul.f32 v6, v3  }
0xfe: {  	v7 =	vmul.f32 v7, v3;
	v3 =	vmul.f32 v5, v3  }
0xff: {  	[tilespmem:s6+$0x180] =	vst v4  }
0x100: {  	[tilespmem:s6+$0x190] =	vst v6  }
0x101: {  	[tilespmem:s6+$0x1B0] =	vst v3  }
0x102: {  	[tilespmem:s6+$0x1A0] =	vst v7;
	v3 =	vld [tilespmem:s6+$0x1F0]  }
0x103: {  	v2 =	vld.idx.msk [tilespmem:v2+s20+$0x0], $0xffff  }
0x104: {  	v4 =	vld [tilespmem:s6+$0x1C0]  }
0x105: {  	s8 =	sadd.s32 s8, s19;
	v5 =	vld [tilespmem:s6+$0x1D0]  }
0x106: {  	s9 =	sadd.s32 $0x8, s8;
	s11 =	sadd.s32 $0x9, s8;
	s12 =	sadd.s32 $0xA, s8;
	v6 =	vmov s8;
	v7 =	vld [tilespmem:s6+$0x1E0]  }
0x107: {  	s13 =	sadd.s32 $0xD, s8;
	v9 =	vmov s11;
	s11 =	sadd.s32 $0xC, s8;
	v8 =	vmov s9;
	s9 =	sadd.s32 $0xB, s8;
	v6 =	vshrl.u32 v6, $0x3  }
0x108: {  	s14 =	sadd.s32 $0xE, s8;
	s8 =	sadd.s32 $0xF, s8;
	v14 =	vshll.u32 v6, v1;
	v6 =	vshrl.u32 v8, $0x3;
	v8 =	vshrl.u32 v9, $0x3  }
0x109: {  	v15 =	vbroadcast v14, $0x0;
	v16 =	vadd.s32 $0x1, v14;
	v4 =	vmul.f32 v4, v2  }
0x10a: {  	v17 =	vadd.s32 $0x3, v14;
	v3 =	vmul.f32 v3, v2;
	v5 =	vmul.f32 v5, v2  }
0x10b: {  	v13 =	vadd.s32 $0x4, v14;
	v12 =	vadd.s32 $0x5, v14;
	[tilespmem:s6+$0x1C0] =	vst v4;
	v2 =	vmul.f32 v7, v2  }
0x10c: {  	v11 =	vadd.s32 $0x6, v14;
	v10 =	vadd.s32 $0x7, v14;
	v9 =	vshll.u32 v6, v1;
	[tilespmem:s6+$0x1F0] =	vst v3  }
0x10d: {  	v6 =	vmov s9;
	v4 =	vmov s12;
	v3 =	vshll.u32 v8, v1;
	v18 =	vld [tilespmem:s7+$0xFFFFFE20];
	[tilespmem:s6+$0x1D0] =	vst v5  }
0x10e: {  	v8 =	vadd.s32 $0x1, v3;
	v3 =	vshrl.u32 v4, $0x3;
	v4 =	vshrl.u32 v6, $0x3;
	v19 =	vld [tilespmem:s7+$0xFFFFFE30];
	[tilespmem:s6+$0x1E0] =	vst v2;
	s6 =	smov.u32 s7  }
0x10f: {  	v5 =	vmov s11;
	v3 =	vshll.u32 v3, v1;
	v4 =	vshll.u32 v4, v1;
	v2 =	vld.idx.msk [tilespmem:v15+s20+$0x0], $0xffff  }
0x110: {  	v7 =	vadd.s32 $0x2, v3;
	v6 =	vadd.s32 $0x3, v4;
	v3 =	vshrl.u32 v5, $0x3;
	v15 =	vld [tilespmem:s7+$0xFFFFFE00]  }
0x111: {  	v21 =	vmov s14;
	v4 =	vmov s13;
	v3 =	vshll.u32 v3, v1;
	v20 =	vld [tilespmem:s7+$0xFFFFFE10]  }
0x112: {  	v5 =	vadd.s32 $0x4, v3;
	v3 =	vshrl.u32 v4, $0x3;
	v4 =	vshrl.u32 v21, $0x3  }
0x113: {  	v22 =	vmov s8;
	v3 =	vshll.u32 v3, v1;
	v21 =	vshll.u32 v4, v1  }
0x114: {  	v16 =	vbroadcast v16, $0x0;
	v4 =	vadd.s32 $0x5, v3;
	v3 =	vadd.s32 $0x6, v21  }
0x115: {  	v21 =	vshrl.u32 v22, $0x3;
	v19 =	vmul.f32 v19, v2;
	v15 =	vmul.f32 v15, v2  }
0x116: {  	v18 =	vmul.f32 v18, v2;
	v20 =	vmul.f32 v20, v2;
	v2 =	vshll.u32 v21, v1  }
0x117: {  	[tilespmem:s7+$0xFFFFFE30] =	vst v19;
	v2 =	vadd.s32 $0x7, v2  }
0x118: {  	[tilespmem:s7+$0xFFFFFE00] =	vst v15  }
0x119: {  	[tilespmem:s7+$0xFFFFFE10] =	vst v20;
	v15 =	vld [tilespmem:s7+$0xFFFFFE70]  }
0x11a: {  	[tilespmem:s7+$0xFFFFFE20] =	vst v18;
	v18 =	vld [tilespmem:s7+$0xFFFFFE50]  }
0x11b: {  	v16 =	vld.idx.msk [tilespmem:v16+s20+$0x0], $0xffff  }
0x11c: {  	v19 =	vld [tilespmem:s7+$0xFFFFFE40]  }
0x11d: {  	v20 =	vld [tilespmem:s7+$0xFFFFFE60];
	_ =	sdelay $0x1  }
0x11e: {  	v14 =	vadd.s32 $0x2, v14  }
0x11f: {  	v14 =	vbroadcast v14, $0x0  }
0x120: {  	v18 =	vmul.f32 v18, v16;
	v19 =	vmul.f32 v19, v16  }
0x121: {  	v15 =	vmul.f32 v15, v16;
	v20 =	vmul.f32 v20, v16  }
0x122: {  	[tilespmem:s7+$0xFFFFFE40] =	vst v19  }
0x123: {  	[tilespmem:s7+$0xFFFFFE50] =	vst v18  }
0x124: {  	[tilespmem:s7+$0xFFFFFE70] =	vst v15;
	v15 =	vld [tilespmem:s7+$0xFFFFFEB0]  }
0x125: {  	[tilespmem:s7+$0xFFFFFE60] =	vst v20;
	v16 =	vld [tilespmem:s7+$0xFFFFFE90]  }
0x126: {  	v14 =	vld.idx.msk [tilespmem:v14+s20+$0x0], $0xffff  }
0x127: {  	v18 =	vld [tilespmem:s7+$0xFFFFFE80]  }
0x128: {  	v19 =	vld [tilespmem:s7+$0xFFFFFEA0];
	_ =	sdelay $0x2  }
0x129: {  	v17 =	vbroadcast v17, $0x0  }
0x12a: {  	v16 =	vmul.f32 v16, v14;
	v18 =	vmul.f32 v18, v14  }
0x12b: {  	v19 =	vmul.f32 v19, v14;
	v14 =	vmul.f32 v15, v14  }
0x12c: {  	[tilespmem:s7+$0xFFFFFE80] =	vst v18  }
0x12d: {  	[tilespmem:s7+$0xFFFFFE90] =	vst v16  }
0x12e: {  	[tilespmem:s7+$0xFFFFFEB0] =	vst v14;
	v14 =	vld [tilespmem:s7+$0xFFFFFEF0]  }
0x12f: {  	[tilespmem:s7+$0xFFFFFEA0] =	vst v19;
	v15 =	vld [tilespmem:s7+$0xFFFFFED0]  }
0x130: {  	v16 =	vld.idx.msk [tilespmem:v17+s20+$0x0], $0xffff  }
0x131: {  	v17 =	vld [tilespmem:s7+$0xFFFFFEC0]  }
0x132: {  	v18 =	vld [tilespmem:s7+$0xFFFFFEE0];
	_ =	sdelay $0x2  }
0x133: {  	v13 =	vbroadcast v13, $0x0  }
0x134: {  	v15 =	vmul.f32 v15, v16;
	v17 =	vmul.f32 v17, v16  }
0x135: {  	v14 =	vmul.f32 v14, v16;
	v18 =	vmul.f32 v18, v16  }
0x136: {  	[tilespmem:s7+$0xFFFFFEC0] =	vst v17  }
0x137: {  	[tilespmem:s7+$0xFFFFFEE0] =	vst v18  }
0x138: {  	[tilespmem:s7+$0xFFFFFED0] =	vst v15;
	v15 =	vld [tilespmem:s7+$0xFFFFFF30]  }
0x139: {  	[tilespmem:s7+$0xFFFFFEF0] =	vst v14;
	v14 =	vld [tilespmem:s7+$0xFFFFFF10]  }
0x13a: {  	v13 =	vld.idx.msk [tilespmem:v13+s20+$0x0], $0xffff  }
0x13b: {  	v16 =	vld [tilespmem:s7+$0xFFFFFF00]  }
0x13c: {  	v17 =	vld [tilespmem:s7+$0xFFFFFF20];
	_ =	sdelay $0x2  }
0x13d: {  	v12 =	vbroadcast v12, $0x0  }
0x13e: {  	v14 =	vmul.f32 v14, v13;
	v16 =	vmul.f32 v16, v13  }
0x13f: {  	v17 =	vmul.f32 v17, v13;
	v13 =	vmul.f32 v15, v13  }
0x140: {  	[tilespmem:s7+$0xFFFFFF00] =	vst v16  }
0x141: {  	[tilespmem:s7+$0xFFFFFF30] =	vst v13  }
0x142: {  	[tilespmem:s7+$0xFFFFFF10] =	vst v14;
	v13 =	vld [tilespmem:s7+$0xFFFFFF70]  }
0x143: {  	[tilespmem:s7+$0xFFFFFF20] =	vst v17;
	v14 =	vld [tilespmem:s7+$0xFFFFFF50]  }
0x144: {  	v12 =	vld.idx.msk [tilespmem:v12+s20+$0x0], $0xffff  }
0x145: {  	v15 =	vld [tilespmem:s7+$0xFFFFFF40]  }
0x146: {  	v16 =	vld [tilespmem:s7+$0xFFFFFF60];
	_ =	sdelay $0x2  }
0x147: {  	v11 =	vbroadcast v11, $0x0  }
0x148: {  	v14 =	vmul.f32 v14, v12;
	v15 =	vmul.f32 v15, v12  }
0x149: {  	v16 =	vmul.f32 v16, v12;
	v12 =	vmul.f32 v13, v12  }
0x14a: {  	[tilespmem:s7+$0xFFFFFF40] =	vst v15  }
0x14b: {  	[tilespmem:s7+$0xFFFFFF50] =	vst v14  }
0x14c: {  	[tilespmem:s7+$0xFFFFFF70] =	vst v12;
	v12 =	vld [tilespmem:s7+$0xFFFFFFB0]  }
0x14d: {  	[tilespmem:s7+$0xFFFFFF60] =	vst v16;
	v13 =	vld [tilespmem:s7+$0xFFFFFF90]  }
0x14e: {  	v11 =	vld.idx.msk [tilespmem:v11+s20+$0x0], $0xffff  }
0x14f: {  	v14 =	vld [tilespmem:s7+$0xFFFFFF80]  }
0x150: {  	v15 =	vld [tilespmem:s7+$0xFFFFFFA0];
	_ =	sdelay $0x2  }
0x151: {  	v10 =	vbroadcast v10, $0x0  }
0x152: {  	v13 =	vmul.f32 v13, v11;
	v14 =	vmul.f32 v14, v11  }
0x153: {  	v15 =	vmul.f32 v15, v11;
	v11 =	vmul.f32 v12, v11  }
0x154: {  	[tilespmem:s7+$0xFFFFFF80] =	vst v14  }
0x155: {  	[tilespmem:s7+$0xFFFFFF90] =	vst v13  }
0x156: {  	[tilespmem:s7+$0xFFFFFFB0] =	vst v11;
	v11 =	vld [tilespmem:s7+$0xFFFFFFF0]  }
0x157: {  	[tilespmem:s7+$0xFFFFFFA0] =	vst v15;
	v12 =	vld [tilespmem:s7+$0xFFFFFFD0]  }
0x158: {  	v10 =	vld.idx.msk [tilespmem:v10+s20+$0x0], $0xffff  }
0x159: {  	v13 =	vld [tilespmem:s7+$0xFFFFFFC0]  }
0x15a: {  	v14 =	vld [tilespmem:s7+$0xFFFFFFE0];
	_ =	sdelay $0x2  }
0x15b: {  	v9 =	vbroadcast v9, $0x0  }
0x15c: {  	v12 =	vmul.f32 v12, v10;
	v13 =	vmul.f32 v13, v10  }
0x15d: {  	v14 =	vmul.f32 v14, v10;
	v10 =	vmul.f32 v11, v10  }
0x15e: {  	[tilespmem:s7+$0xFFFFFFC0] =	vst v13  }
0x15f: {  	[tilespmem:s7+$0xFFFFFFE0] =	vst v14  }
0x160: {  	[tilespmem:s7+$0xFFFFFFD0] =	vst v12;
	v11 =	vld [tilespmem:s7+$0x30]  }
0x161: {  	[tilespmem:s7+$0xFFFFFFF0] =	vst v10;
	v10 =	vld [tilespmem:s7+$0x10]  }
0x162: {  	v9 =	vld.idx.msk [tilespmem:v9+s20+$0x0], $0xffff  }
0x163: {  	v12 =	vld [tilespmem:s7+$0x0]  }
0x164: {  	v13 =	vld [tilespmem:s7+$0x20];
	_ =	sdelay $0x2  }
0x165: {  	v8 =	vbroadcast v8, $0x0  }
0x166: {  	v10 =	vmul.f32 v10, v9;
	v12 =	vmul.f32 v12, v9  }
0x167: {  	v13 =	vmul.f32 v13, v9;
	v9 =	vmul.f32 v11, v9  }
0x168: {  	[tilespmem:s7+$0x0] =	vst v12  }
0x169: {  	[tilespmem:s7+$0x20] =	vst v13  }
0x16a: {  	[tilespmem:s7+$0x10] =	vst v10;
	v10 =	vld [tilespmem:s7+$0x70]  }
0x16b: {  	[tilespmem:s7+$0x30] =	vst v9;
	v9 =	vld [tilespmem:s7+$0x50]  }
0x16c: {  	v8 =	vld.idx.msk [tilespmem:v8+s20+$0x0], $0xffff  }
0x16d: {  	v11 =	vld [tilespmem:s7+$0x40]  }
0x16e: {  	v12 =	vld [tilespmem:s7+$0x60];
	_ =	sdelay $0x2  }
0x16f: {  	v7 =	vbroadcast v7, $0x0  }
0x170: {  	v9 =	vmul.f32 v9, v8;
	v11 =	vmul.f32 v11, v8  }
0x171: {  	v12 =	vmul.f32 v12, v8;
	v8 =	vmul.f32 v10, v8  }
0x172: {  	[tilespmem:s7+$0x40] =	vst v11  }
0x173: {  	[tilespmem:s7+$0x50] =	vst v9  }
0x174: {  	[tilespmem:s7+$0x70] =	vst v8;
	v8 =	vld [tilespmem:s7+$0xB0]  }
0x175: {  	[tilespmem:s7+$0x60] =	vst v12;
	v9 =	vld [tilespmem:s7+$0x90]  }
0x176: {  	v7 =	vld.idx.msk [tilespmem:v7+s20+$0x0], $0xffff  }
0x177: {  	v10 =	vld [tilespmem:s7+$0x80]  }
0x178: {  	v11 =	vld [tilespmem:s7+$0xA0];
	_ =	sdelay $0x2  }
0x179: {  	v6 =	vbroadcast v6, $0x0  }
0x17a: {  	v9 =	vmul.f32 v9, v7;
	v10 =	vmul.f32 v10, v7  }
0x17b: {  	v11 =	vmul.f32 v11, v7;
	v7 =	vmul.f32 v8, v7  }
0x17c: {  	[tilespmem:s7+$0x80] =	vst v10  }
0x17d: {  	[tilespmem:s7+$0x90] =	vst v9  }
0x17e: {  	[tilespmem:s7+$0xB0] =	vst v7;
	v7 =	vld [tilespmem:s7+$0xF0]  }
0x17f: {  	[tilespmem:s7+$0xA0] =	vst v11;
	v8 =	vld [tilespmem:s7+$0xC0]  }
0x180: {  	v9 =	vld.idx.msk [tilespmem:v6+s20+$0x0], $0xffff  }
0x181: {  	v6 =	vld [tilespmem:s7+$0xD0]  }
0x182: {  	v10 =	vld [tilespmem:s7+$0xE0];
	_ =	sdelay $0x3  }
.Ltmp1:
0x183: {  	v8 =	vmul.f32 v8, v9;
	v6 =	vmul.f32 v6, v9;
	(pc) =	sbr.rel @p0 .LBB2_5-.Ltmp1, $4  }
0x184: {  	v7 =	vmul.f32 v7, v9;
	v10 =	vmul.f32 v10, v9  }
0x185: {  	[tilespmem:s7+$0xC0] =	vst v8  }
0x186: {  	[tilespmem:s7+$0xE0] =	vst v10  }
0x187: {  	v5 =	vbroadcast v5, $0x0;
	[tilespmem:s7+$0xF0] =	vst v7  }
0x188: {  	_ =	sdelay $0x3  }
0x189: {  	[tilespmem:s6+$0xD0] =	vst v6;
	v6 =	vld [tilespmem:s6+$0x130]  }
0x18a: {  	v5 =	vld.idx.msk [tilespmem:v5+s20+$0x0], $0xffff  }
0x18b: {  	v7 =	vld [tilespmem:s6+$0x100]  }
0x18c: {  	v8 =	vld [tilespmem:s6+$0x110]  }
0x18d: {  	v9 =	vld [tilespmem:s6+$0x120];
	_ =	sdelay $0x1  }
0x18e: {  	v4 =	vbroadcast v4, $0x0;
	v6 =	vmul.f32 v6, v5  }
0x18f: {  	v7 =	vmul.f32 v7, v5  }
0x190: {  	v8 =	vmul.f32 v8, v5;
	[tilespmem:s6+$0x130] =	vst v6  }
0x191: {  	v5 =	vmul.f32 v9, v5;
	[tilespmem:s6+$0x100] =	vst v7  }
0x192: {  	[tilespmem:s6+$0x110] =	vst v8  }
0x193: {  	v6 =	vld [tilespmem:s6+$0x140];
	[tilespmem:s6+$0x120] =	vst v5  }
0x194: {  	v4 =	vld.idx.msk [tilespmem:v4+s20+$0x0], $0xffff  }
0x195: {  	v5 =	vld [tilespmem:s6+$0x150]  }
0x196: {  	v7 =	vld [tilespmem:s6+$0x170]  }
0x197: {  	v8 =	vld [tilespmem:s6+$0x160];
	_ =	sdelay $0x1  }
0x198: {  	v3 =	vbroadcast v3, $0x0;
	v6 =	vmul.f32 v6, v4  }
0x199: {  	v5 =	vmul.f32 v5, v4  }
0x19a: {  	v7 =	vmul.f32 v7, v4;
	[tilespmem:s6+$0x140] =	vst v6  }
0x19b: {  	v4 =	vmul.f32 v8, v4;
	[tilespmem:s6+$0x150] =	vst v5  }
0x19c: {  	[tilespmem:s6+$0x170] =	vst v7  }
0x19d: {  	v5 =	vld [tilespmem:s6+$0x180];
	[tilespmem:s6+$0x160] =	vst v4  }
0x19e: {  	v3 =	vld.idx.msk [tilespmem:v3+s20+$0x0], $0xffff  }
0x19f: {  	v4 =	vld [tilespmem:s6+$0x190]  }
0x1a0: {  	v6 =	vld [tilespmem:s6+$0x1B0]  }
0x1a1: {  	v7 =	vld [tilespmem:s6+$0x1A0];
	_ =	sdelay $0x1  }
0x1a2: {  	v2 =	vbroadcast v2, $0x0;
	v5 =	vmul.f32 v5, v3  }
0x1a3: {  	v4 =	vmul.f32 v4, v3  }
0x1a4: {  	v6 =	vmul.f32 v6, v3;
	[tilespmem:s6+$0x180] =	vst v5  }
0x1a5: {  	v3 =	vmul.f32 v7, v3;
	[tilespmem:s6+$0x190] =	vst v4  }
0x1a6: {  	[tilespmem:s6+$0x1B0] =	vst v6  }
0x1a7: {  	[tilespmem:s6+$0x1A0] =	vst v3;
	v3 =	vld [tilespmem:s6+$0x1C0]  }
0x1a8: {  	v2 =	vld.idx.msk [tilespmem:v2+s20+$0x0], $0xffff  }
0x1a9: {  	v4 =	vld [tilespmem:s6+$0x1F0]  }
0x1aa: {  	v5 =	vld [tilespmem:s6+$0x1D0]  }
0x1ab: {  	v6 =	vld [tilespmem:s6+$0x1E0];
	_ =	sdelay $0x1  }
0x1ac: {  	s7 =	sadd.s32 $0x0, s19;
	v3 =	vmul.f32 v3, v2  }
0x1ad: {  	s5 =	sadd.s32 $0x50, s7;
	v4 =	vmul.f32 v4, v2  }
0x1ae: {  	s8 =	smul.u32 $0x280, s0;
	v5 =	vmul.f32 v5, v2;
	[tilespmem:s6+$0x1C0] =	vst v3;
	v3 =	vmov s5  }
0x1af: {  	v2 =	vmul.f32 v6, v2;
	[tilespmem:s6+$0x1F0] =	vst v4;
	v3 =	vshrl.u32 v3, $0x3  }
0x1b0: {  	[tilespmem:s6+$0x1D0] =	vst v5;
	s5 =	sshra.s32 s8, $0x2;
	v3 =	vshll.u32 v3, v1  }
0x1b1: {  	[tilespmem:s6+$0x1E0] =	vst v2;
	s9 =	sadd.s32 $0x2710, s5;
	v2 =	vbroadcast v3, $0x0  }
0x1b2: {  	[spmem:s3] =	stream.indirect.scatter.add.f32 [tilespmem:s23], [sflag:$0x3], $0x40, s9, s24, $0xb8;
	[tilespmem:$0x1D930] =	vst v63  }
0x1b3: {  	_ =	swait.ge [sflag:s29], $0x1400  }
0x1b4: {  	[sflag:s29] =	ssyncset.done $0x0  }
0x1b5: {  	s6 =	simm.s32 $0x8B30;
	[sflag:s29] =	ssyncadd.s32 $0xFFFFEC00  }
0x1b6: {  	v4 =	vld [tilespmem:s6+$0xFFFFFE30]  }
0x1b7: {  	v2 =	vld.idx.msk [tilespmem:v2+s20+$0x0], $0xffff  }
0x1b8: {  	v5 =	vld [tilespmem:s6+$0xFFFFFE00]  }
0x1b9: {  	v6 =	vld [tilespmem:s6+$0xFFFFFE10]  }
0x1ba: {  	v7 =	vld [tilespmem:s6+$0xFFFFFE20]  }
0x1bb: {  	v8 =	vadd.s32 $0x1, v3  }
0x1bc: {  	v8 =	vbroadcast v8, $0x0;
	v4 =	vmul.f32 v4, v2  }
0x1bd: {  	v5 =	vmul.f32 v5, v2  }
0x1be: {  	v6 =	vmul.f32 v6, v2;
	[tilespmem:s6+$0xFFFFFE30] =	vst v4  }
0x1bf: {  	v2 =	vmul.f32 v7, v2;
	[tilespmem:s6+$0xFFFFFE00] =	vst v5  }
0x1c0: {  	[tilespmem:s6+$0xFFFFFE10] =	vst v6  }
0x1c1: {  	[tilespmem:s6+$0xFFFFFE20] =	vst v2;
	v4 =	vld [tilespmem:s6+$0xFFFFFE40]  }
0x1c2: {  	v2 =	vld.idx.msk [tilespmem:v8+s20+$0x0], $0xffff  }
0x1c3: {  	v5 =	vld [tilespmem:s6+$0xFFFFFE50]  }
0x1c4: {  	v6 =	vld [tilespmem:s6+$0xFFFFFE70]  }
0x1c5: {  	v7 =	vld [tilespmem:s6+$0xFFFFFE60]  }
0x1c6: {  	v8 =	vadd.s32 $0x2, v3  }
0x1c7: {  	v8 =	vbroadcast v8, $0x0;
	v4 =	vmul.f32 v4, v2  }
0x1c8: {  	v5 =	vmul.f32 v5, v2  }
0x1c9: {  	v6 =	vmul.f32 v6, v2;
	[tilespmem:s6+$0xFFFFFE40] =	vst v4  }
0x1ca: {  	v2 =	vmul.f32 v7, v2;
	[tilespmem:s6+$0xFFFFFE50] =	vst v5  }
0x1cb: {  	[tilespmem:s6+$0xFFFFFE70] =	vst v6  }
0x1cc: {  	[tilespmem:s6+$0xFFFFFE60] =	vst v2;
	v4 =	vld [tilespmem:s6+$0xFFFFFE80]  }
0x1cd: {  	v2 =	vld.idx.msk [tilespmem:v8+s20+$0x0], $0xffff  }
0x1ce: {  	v5 =	vld [tilespmem:s6+$0xFFFFFE90]  }
0x1cf: {  	v6 =	vld [tilespmem:s6+$0xFFFFFEB0]  }
0x1d0: {  	v7 =	vld [tilespmem:s6+$0xFFFFFEA0]  }
0x1d1: {  	v8 =	vadd.s32 $0x3, v3  }
0x1d2: {  	v8 =	vbroadcast v8, $0x0;
	v4 =	vmul.f32 v4, v2  }
0x1d3: {  	v5 =	vmul.f32 v5, v2  }
0x1d4: {  	v6 =	vmul.f32 v6, v2;
	[tilespmem:s6+$0xFFFFFE80] =	vst v4  }
0x1d5: {  	v2 =	vmul.f32 v7, v2;
	[tilespmem:s6+$0xFFFFFE90] =	vst v5  }
0x1d6: {  	[tilespmem:s6+$0xFFFFFEB0] =	vst v6  }
0x1d7: {  	[tilespmem:s6+$0xFFFFFEA0] =	vst v2;
	v4 =	vld [tilespmem:s6+$0xFFFFFEC0]  }
0x1d8: {  	v2 =	vld.idx.msk [tilespmem:v8+s20+$0x0], $0xffff  }
0x1d9: {  	v5 =	vld [tilespmem:s6+$0xFFFFFEE0]  }
0x1da: {  	v6 =	vld [tilespmem:s6+$0xFFFFFED0]  }
0x1db: {  	v7 =	vld [tilespmem:s6+$0xFFFFFEF0]  }
0x1dc: {  	v8 =	vadd.s32 $0x4, v3  }
0x1dd: {  	v8 =	vbroadcast v8, $0x0;
	v4 =	vmul.f32 v4, v2  }
0x1de: {  	v5 =	vmul.f32 v5, v2  }
0x1df: {  	v6 =	vmul.f32 v6, v2;
	[tilespmem:s6+$0xFFFFFEC0] =	vst v4  }
0x1e0: {  	v2 =	vmul.f32 v7, v2;
	[tilespmem:s6+$0xFFFFFEE0] =	vst v5  }
0x1e1: {  	[tilespmem:s6+$0xFFFFFED0] =	vst v6  }
0x1e2: {  	[tilespmem:s6+$0xFFFFFEF0] =	vst v2;
	v4 =	vld [tilespmem:s6+$0xFFFFFF00]  }
0x1e3: {  	v2 =	vld.idx.msk [tilespmem:v8+s20+$0x0], $0xffff  }
0x1e4: {  	v5 =	vld [tilespmem:s6+$0xFFFFFF30]  }
0x1e5: {  	v6 =	vld [tilespmem:s6+$0xFFFFFF10]  }
0x1e6: {  	v7 =	vld [tilespmem:s6+$0xFFFFFF20]  }
0x1e7: {  	v8 =	vadd.s32 $0x5, v3  }
0x1e8: {  	v8 =	vbroadcast v8, $0x0;
	v4 =	vmul.f32 v4, v2  }
0x1e9: {  	v5 =	vmul.f32 v5, v2  }
0x1ea: {  	v6 =	vmul.f32 v6, v2;
	[tilespmem:s6+$0xFFFFFF00] =	vst v4  }
0x1eb: {  	v2 =	vmul.f32 v7, v2;
	[tilespmem:s6+$0xFFFFFF30] =	vst v5  }
0x1ec: {  	[tilespmem:s6+$0xFFFFFF10] =	vst v6  }
0x1ed: {  	[tilespmem:s6+$0xFFFFFF20] =	vst v2;
	v4 =	vld [tilespmem:s6+$0xFFFFFF40]  }
0x1ee: {  	v2 =	vld.idx.msk [tilespmem:v8+s20+$0x0], $0xffff  }
0x1ef: {  	v5 =	vld [tilespmem:s6+$0xFFFFFF50]  }
0x1f0: {  	v6 =	vld [tilespmem:s6+$0xFFFFFF70]  }
0x1f1: {  	v7 =	vld [tilespmem:s6+$0xFFFFFF60]  }
0x1f2: {  	v8 =	vadd.s32 $0x6, v3  }
0x1f3: {  	v8 =	vbroadcast v8, $0x0;
	v4 =	vmul.f32 v4, v2  }
0x1f4: {  	v5 =	vmul.f32 v5, v2  }
0x1f5: {  	v6 =	vmul.f32 v6, v2;
	[tilespmem:s6+$0xFFFFFF40] =	vst v4  }
0x1f6: {  	v2 =	vmul.f32 v7, v2;
	[tilespmem:s6+$0xFFFFFF50] =	vst v5  }
0x1f7: {  	[tilespmem:s6+$0xFFFFFF70] =	vst v6  }
0x1f8: {  	[tilespmem:s6+$0xFFFFFF60] =	vst v2;
	v4 =	vld [tilespmem:s6+$0xFFFFFF80]  }
0x1f9: {  	v2 =	vld.idx.msk [tilespmem:v8+s20+$0x0], $0xffff  }
0x1fa: {  	v5 =	vld [tilespmem:s6+$0xFFFFFF90]  }
0x1fb: {  	v6 =	vld [tilespmem:s6+$0xFFFFFFB0]  }
0x1fc: {  	v7 =	vld [tilespmem:s6+$0xFFFFFFA0]  }
0x1fd: {  	v3 =	vadd.s32 $0x7, v3  }
0x1fe: {  	v3 =	vbroadcast v3, $0x0;
	v4 =	vmul.f32 v4, v2  }
0x1ff: {  	v5 =	vmul.f32 v5, v2  }
0x200: {  	v6 =	vmul.f32 v6, v2;
	[tilespmem:s6+$0xFFFFFF80] =	vst v4  }
0x201: {  	v2 =	vmul.f32 v7, v2;
	[tilespmem:s6+$0xFFFFFF90] =	vst v5  }
0x202: {  	[tilespmem:s6+$0xFFFFFFB0] =	vst v6  }
0x203: {  	[tilespmem:s6+$0xFFFFFFA0] =	vst v2  }
0x204: {  	v2 =	vld.idx.msk [tilespmem:v3+s20+$0x0], $0xffff  }
0x205: {  	v3 =	vld [tilespmem:s6+$0xFFFFFFC0]  }
0x206: {  	s11 =	sadd.s32 $0x58, s7;
	v4 =	vld [tilespmem:s6+$0xFFFFFFE0]  }
0x207: {  	v5 =	vmov s11;
	v6 =	vld [tilespmem:s6+$0xFFFFFFD0]  }
0x208: {  	v7 =	vld [tilespmem:s6+$0xFFFFFFF0];
	v5 =	vshrl.u32 v5, $0x3  }
0x209: {  	v5 =	vshll.u32 v5, v1  }
0x20a: {  	v5 =	vbroadcast v5, $0x0;
	v3 =	vmul.f32 v3, v2  }
0x20b: {  	v4 =	vmul.f32 v4, v2  }
0x20c: {  	v6 =	vmul.f32 v6, v2;
	[tilespmem:s6+$0xFFFFFFC0] =	vst v3  }
0x20d: {  	v2 =	vmul.f32 v7, v2;
	[tilespmem:s6+$0xFFFFFFE0] =	vst v4  }
0x20e: {  	[tilespmem:s6+$0xFFFFFFD0] =	vst v6  }
0x20f: {  	[tilespmem:s6+$0xFFFFFFF0] =	vst v2;
	v3 =	vld [tilespmem:s6+$0x0]  }
0x210: {  	s12 =	sadd.s32 $0x59, s7;
	v2 =	vld.idx.msk [tilespmem:v5+s20+$0x0], $0xffff  }
0x211: {  	v4 =	vmov s12;
	v5 =	vld [tilespmem:s6+$0x20]  }
0x212: {  	v6 =	vld [tilespmem:s6+$0x10];
	v4 =	vshrl.u32 v4, $0x3  }
0x213: {  	v7 =	vld [tilespmem:s6+$0x30];
	v4 =	vshll.u32 v4, v1  }
0x214: {  	v4 =	vadd.s32 $0x1, v4  }
0x215: {  	v4 =	vbroadcast v4, $0x0;
	v3 =	vmul.f32 v3, v2  }
0x216: {  	v5 =	vmul.f32 v5, v2  }
0x217: {  	v6 =	vmul.f32 v6, v2;
	[tilespmem:s6+$0x0] =	vst v3  }
0x218: {  	v2 =	vmul.f32 v7, v2;
	[tilespmem:s6+$0x20] =	vst v5  }
0x219: {  	[tilespmem:s6+$0x10] =	vst v6  }
0x21a: {  	[tilespmem:s6+$0x30] =	vst v2;
	v3 =	vld [tilespmem:s6+$0x40]  }
0x21b: {  	s13 =	sadd.s32 $0x5A, s7;
	v2 =	vld.idx.msk [tilespmem:v4+s20+$0x0], $0xffff  }
0x21c: {  	v5 =	vld [tilespmem:s6+$0x50];
	v4 =	vmov s13  }
0x21d: {  	v6 =	vld [tilespmem:s6+$0x70];
	v4 =	vshrl.u32 v4, $0x3  }
0x21e: {  	v7 =	vld [tilespmem:s6+$0x60];
	v4 =	vshll.u32 v4, v1  }
0x21f: {  	v4 =	vadd.s32 $0x2, v4  }
0x220: {  	v4 =	vbroadcast v4, $0x0;
	v3 =	vmul.f32 v3, v2  }
0x221: {  	v5 =	vmul.f32 v5, v2  }
0x222: {  	v6 =	vmul.f32 v6, v2;
	[tilespmem:s6+$0x40] =	vst v3  }
0x223: {  	v2 =	vmul.f32 v7, v2;
	[tilespmem:s6+$0x50] =	vst v5  }
0x224: {  	[tilespmem:s6+$0x70] =	vst v6  }
0x225: {  	[tilespmem:s6+$0x60] =	vst v2;
	v3 =	vld [tilespmem:s6+$0x80]  }
0x226: {  	s14 =	sadd.s32 $0x5B, s7;
	v2 =	vld.idx.msk [tilespmem:v4+s20+$0x0], $0xffff  }
0x227: {  	v5 =	vmov s14;
	v4 =	vld [tilespmem:s6+$0x90]  }
0x228: {  	v6 =	vld [tilespmem:s6+$0xB0];
	v5 =	vshrl.u32 v5, $0x3  }
0x229: {  	v7 =	vld [tilespmem:s6+$0xA0];
	v5 =	vshll.u32 v5, v1  }
0x22a: {  	v5 =	vadd.s32 $0x3, v5  }
0x22b: {  	v5 =	vbroadcast v5, $0x0;
	v3 =	vmul.f32 v3, v2  }
0x22c: {  	v4 =	vmul.f32 v4, v2  }
0x22d: {  	v6 =	vmul.f32 v6, v2;
	[tilespmem:s6+$0x80] =	vst v3  }
0x22e: {  	v2 =	vmul.f32 v7, v2;
	[tilespmem:s6+$0x90] =	vst v4  }
0x22f: {  	[tilespmem:s6+$0xB0] =	vst v6  }
0x230: {  	[tilespmem:s6+$0xA0] =	vst v2;
	v2 =	vld [tilespmem:s6+$0xC0]  }
0x231: {  	v5 =	vld.idx.msk [tilespmem:v5+s20+$0x0], $0xffff  }
0x232: {  	s15 =	sadd.s32 $0x5C, s7;
	v4 =	vld [tilespmem:s6+$0xE0]  }
0x233: {  	s16 =	sadd.s32 $0x5D, s7;
	s9 =	sadd.s32 $0x5E, s7;
	s7 =	sadd.s32 $0x5F, s7;
	v3 =	vmov s15;
	v6 =	vld [tilespmem:s6+$0xF0]  }
0x234: {  	v10 =	vmov s7;
	v3 =	vshrl.u32 v3, $0x3  }
0x235: {  	v10 =	vshrl.u32 v10, $0x3;
	v63 =	vld [tilespmem:s6+$0xD0];
	v8 =	vmov s9;
	v3 =	vshll.u32 v3, v1  }
0x236: {  	v7 =	vadd.s32 $0x4, v3;
	v3 =	vmov s16;
	v2 =	vmul.f32 v2, v5  }
0x237: {  	v8 =	vshrl.u32 v8, $0x3;
	v3 =	vshrl.u32 v3, $0x3;
	v11 =	vmul.f32 v4, v5  }
0x238: {  	v8 =	vshll.u32 v8, v1;
	v3 =	vshll.u32 v3, v1;
	v12 =	vmul.f32 v6, v5;
	[tilespmem:s6+$0xC0] =	vst v2  }
0x239: {  	v4 =	vadd.s32 $0x5, v3;
	v3 =	vadd.s32 $0x6, v8;
	v2 =	vshll.u32 v10, v1;
	[tilespmem:s6+$0xE0] =	vst v11  }
0x23a: {  	s8 =	simm.s32 $0x10;
	s7 =	sshllo.u32 s0, $0x1;
	s9 =	simm.s32 $0x8B30;
	v6 =	vmul.f32 v63, v5;
	v5 =	vbroadcast v7, $0x0;
	[tilespmem:s6+$0xF0] =	vst v12;
	v2 =	vadd.s32 $0x7, v2  }
.LBB2_7:
0x23b: {  	p0 =	sne.s32 s8, $0x40  }
0x23c: {  	[tilespmem:s6+$0xD0] =	vst v6;
	s9 =	sadd.s32 $0x400, s9;
	s11 =	smov.u32 s8;
	s8 =	sadd.s32 $0x10, s8  }
0x23d: {  	_ =	sdelay $0x1  }
0x23e: {  	v6 =	vld [tilespmem:s6+$0x130]  }
0x23f: {  	v7 =	vld [tilespmem:s6+$0x110]  }
0x240: {  	v5 =	vld.idx.msk [tilespmem:v5+s20+$0x0], $0xffff  }
0x241: {  	v8 =	vld [tilespmem:s6+$0x100]  }
0x242: {  	v9 =	vld [tilespmem:s6+$0x120];
	_ =	sdelay $0x2  }
0x243: {  	v4 =	vbroadcast v4, $0x0  }
0x244: {  	v6 =	vmul.f32 v6, v5;
	v8 =	vmul.f32 v8, v5  }
0x245: {  	v7 =	vmul.f32 v7, v5;
	v5 =	vmul.f32 v9, v5  }
0x246: {  	[tilespmem:s6+$0x130] =	vst v6  }
0x247: {  	[tilespmem:s6+$0x100] =	vst v8  }
0x248: {  	[tilespmem:s6+$0x110] =	vst v7;
	v6 =	vld [tilespmem:s6+$0x140]  }
0x249: {  	[tilespmem:s6+$0x120] =	vst v5;
	v5 =	vld [tilespmem:s6+$0x170]  }
0x24a: {  	v4 =	vld.idx.msk [tilespmem:v4+s20+$0x0], $0xffff  }
0x24b: {  	v7 =	vld [tilespmem:s6+$0x150]  }
0x24c: {  	v8 =	vld [tilespmem:s6+$0x160];
	_ =	sdelay $0x2  }
0x24d: {  	v3 =	vbroadcast v3, $0x0  }
0x24e: {  	v6 =	vmul.f32 v6, v4;
	v7 =	vmul.f32 v7, v4  }
0x24f: {  	v8 =	vmul.f32 v8, v4;
	v4 =	vmul.f32 v5, v4  }
0x250: {  	[tilespmem:s6+$0x140] =	vst v6  }
0x251: {  	[tilespmem:s6+$0x150] =	vst v7  }
0x252: {  	[tilespmem:s6+$0x170] =	vst v4;
	v4 =	vld [tilespmem:s6+$0x180]  }
0x253: {  	[tilespmem:s6+$0x160] =	vst v8;
	v5 =	vld [tilespmem:s6+$0x1B0]  }
0x254: {  	v3 =	vld.idx.msk [tilespmem:v3+s20+$0x0], $0xffff  }
0x255: {  	v6 =	vld [tilespmem:s6+$0x190]  }
0x256: {  	v7 =	vld [tilespmem:s6+$0x1A0];
	_ =	sdelay $0x2  }
0x257: {  	v2 =	vbroadcast v2, $0x0  }
0x258: {  	v4 =	vmul.f32 v4, v3;
	v6 =	vmul.f32 v6, v3  }
0x259: {  	v7 =	vmul.f32 v7, v3;
	v3 =	vmul.f32 v5, v3  }
0x25a: {  	[tilespmem:s6+$0x180] =	vst v4  }
0x25b: {  	[tilespmem:s6+$0x190] =	vst v6  }
0x25c: {  	[tilespmem:s6+$0x1B0] =	vst v3  }
0x25d: {  	[tilespmem:s6+$0x1A0] =	vst v7;
	v3 =	vld [tilespmem:s6+$0x1F0]  }
0x25e: {  	s11 =	sadd.s32 s11, s19;
	v2 =	vld.idx.msk [tilespmem:v2+s20+$0x0], $0xffff  }
0x25f: {  	s12 =	sadd.s32 $0x50, s11;
	v4 =	vld [tilespmem:s6+$0x1C0]  }
0x260: {  	s13 =	sadd.s32 $0x58, s11;
	s14 =	sadd.s32 $0x59, s11;
	v6 =	vmov s12;
	v5 =	vld [tilespmem:s6+$0x1D0]  }
0x261: {  	v8 =	vmov s14;
	s14 =	sadd.s32 $0x5C, s11;
	s12 =	sadd.s32 $0x5A, s11;
	v6 =	vshrl.u32 v6, $0x3;
	v7 =	vmov s13;
	s13 =	sadd.s32 $0x5B, s11;
	v10 =	vld [tilespmem:s6+$0x1E0]  }
0x262: {  	s15 =	sadd.s32 $0x5D, s11;
	s16 =	sadd.s32 $0x5E, s11;
	v8 =	vshrl.u32 v8, $0x3;
	s11 =	sadd.s32 $0x5F, s11;
	v13 =	vshll.u32 v6, v1;
	v7 =	vshrl.u32 v7, $0x3  }
0x263: {  	v6 =	vshll.u32 v8, v1;
	v14 =	vadd.s32 $0x1, v13;
	v9 =	vshll.u32 v7, v1  }
0x264: {  	v15 =	vadd.s32 $0x3, v13;
	v7 =	vbroadcast v13, $0x0;
	v4 =	vmul.f32 v4, v2  }
0x265: {  	v16 =	vadd.s32 $0x4, v13;
	v3 =	vmul.f32 v3, v2;
	v5 =	vmul.f32 v5, v2  }
0x266: {  	v12 =	vadd.s32 $0x5, v13;
	v11 =	vadd.s32 $0x6, v13;
	[tilespmem:s6+$0x1C0] =	vst v4;
	v2 =	vmul.f32 v10, v2  }
0x267: {  	v8 =	vadd.s32 $0x1, v6;
	v6 =	vmov s14;
	v10 =	vadd.s32 $0x7, v13;
	[tilespmem:s6+$0x1F0] =	vst v3  }
0x268: {  	v4 =	vmov s13;
	v3 =	vmov s12;
	v17 =	vld [tilespmem:s9+$0xFFFFFE20];
	[tilespmem:s6+$0x1D0] =	vst v5  }
0x269: {  	v4 =	vshrl.u32 v4, $0x3;
	v3 =	vshrl.u32 v3, $0x3;
	v5 =	vshrl.u32 v6, $0x3;
	v18 =	vld [tilespmem:s9+$0xFFFFFE30];
	[tilespmem:s6+$0x1E0] =	vst v2;
	s6 =	smov.u32 s9  }
0x26a: {  	v2 =	vshll.u32 v3, v1;
	v3 =	vshll.u32 v4, v1;
	v4 =	vshll.u32 v5, v1;
	v19 =	vld.idx.msk [tilespmem:v7+s20+$0x0], $0xffff  }
0x26b: {  	v7 =	vadd.s32 $0x2, v2;
	v6 =	vadd.s32 $0x3, v3;
	v5 =	vadd.s32 $0x4, v4;
	v20 =	vld [tilespmem:s9+$0xFFFFFE00]  }
0x26c: {  	v2 =	vmov s15;
	v3 =	vmov s16;
	v4 =	vmov s11;
	v21 =	vld [tilespmem:s9+$0xFFFFFE10]  }
0x26d: {  	v2 =	vshrl.u32 v2, $0x3;
	v3 =	vshrl.u32 v3, $0x3;
	v4 =	vshrl.u32 v4, $0x3  }
0x26e: {  	v2 =	vshll.u32 v2, v1;
	v3 =	vshll.u32 v3, v1;
	v22 =	vshll.u32 v4, v1  }
0x26f: {  	v14 =	vbroadcast v14, $0x0;
	v4 =	vadd.s32 $0x5, v2;
	v3 =	vadd.s32 $0x6, v3  }
0x270: {  	v2 =	vadd.s32 $0x7, v22;
	v18 =	vmul.f32 v18, v19;
	v20 =	vmul.f32 v20, v19  }
0x271: {  	v17 =	vmul.f32 v17, v19;
	v21 =	vmul.f32 v21, v19  }
0x272: {  	[tilespmem:s9+$0xFFFFFE30] =	vst v18  }
0x273: {  	[tilespmem:s9+$0xFFFFFE00] =	vst v20  }
0x274: {  	[tilespmem:s9+$0xFFFFFE10] =	vst v21;
	v18 =	vld [tilespmem:s9+$0xFFFFFE70]  }
0x275: {  	[tilespmem:s9+$0xFFFFFE20] =	vst v17;
	v17 =	vld [tilespmem:s9+$0xFFFFFE50]  }
0x276: {  	v14 =	vld.idx.msk [tilespmem:v14+s20+$0x0], $0xffff  }
0x277: {  	v19 =	vld [tilespmem:s9+$0xFFFFFE40]  }
0x278: {  	v20 =	vld [tilespmem:s9+$0xFFFFFE60];
	_ =	sdelay $0x1  }
0x279: {  	v13 =	vadd.s32 $0x2, v13  }
0x27a: {  	v13 =	vbroadcast v13, $0x0  }
0x27b: {  	v17 =	vmul.f32 v17, v14;
	v19 =	vmul.f32 v19, v14  }
0x27c: {  	v20 =	vmul.f32 v20, v14;
	v14 =	vmul.f32 v18, v14  }
0x27d: {  	[tilespmem:s9+$0xFFFFFE40] =	vst v19  }
0x27e: {  	[tilespmem:s9+$0xFFFFFE50] =	vst v17  }
0x27f: {  	[tilespmem:s9+$0xFFFFFE70] =	vst v14;
	v14 =	vld [tilespmem:s9+$0xFFFFFEB0]  }
0x280: {  	[tilespmem:s9+$0xFFFFFE60] =	vst v20;
	v17 =	vld [tilespmem:s9+$0xFFFFFE90]  }
0x281: {  	v13 =	vld.idx.msk [tilespmem:v13+s20+$0x0], $0xffff  }
0x282: {  	v18 =	vld [tilespmem:s9+$0xFFFFFE80]  }
0x283: {  	v19 =	vld [tilespmem:s9+$0xFFFFFEA0];
	_ =	sdelay $0x2  }
0x284: {  	v15 =	vbroadcast v15, $0x0  }
0x285: {  	v17 =	vmul.f32 v17, v13;
	v18 =	vmul.f32 v18, v13  }
0x286: {  	v19 =	vmul.f32 v19, v13;
	v13 =	vmul.f32 v14, v13  }
0x287: {  	[tilespmem:s9+$0xFFFFFE80] =	vst v18  }
0x288: {  	[tilespmem:s9+$0xFFFFFE90] =	vst v17  }
0x289: {  	[tilespmem:s9+$0xFFFFFEB0] =	vst v13;
	v13 =	vld [tilespmem:s9+$0xFFFFFEF0]  }
0x28a: {  	[tilespmem:s9+$0xFFFFFEA0] =	vst v19;
	v14 =	vld [tilespmem:s9+$0xFFFFFED0]  }
0x28b: {  	v15 =	vld.idx.msk [tilespmem:v15+s20+$0x0], $0xffff  }
0x28c: {  	v17 =	vld [tilespmem:s9+$0xFFFFFEC0]  }
0x28d: {  	v18 =	vld [tilespmem:s9+$0xFFFFFEE0];
	_ =	sdelay $0x2  }
0x28e: {  	v16 =	vbroadcast v16, $0x0  }
0x28f: {  	v14 =	vmul.f32 v14, v15;
	v17 =	vmul.f32 v17, v15  }
0x290: {  	v13 =	vmul.f32 v13, v15;
	v18 =	vmul.f32 v18, v15  }
0x291: {  	[tilespmem:s9+$0xFFFFFEC0] =	vst v17  }
0x292: {  	[tilespmem:s9+$0xFFFFFEE0] =	vst v18  }
0x293: {  	[tilespmem:s9+$0xFFFFFED0] =	vst v14;
	v14 =	vld [tilespmem:s9+$0xFFFFFF30]  }
0x294: {  	[tilespmem:s9+$0xFFFFFEF0] =	vst v13;
	v13 =	vld [tilespmem:s9+$0xFFFFFF10]  }
0x295: {  	v15 =	vld.idx.msk [tilespmem:v16+s20+$0x0], $0xffff  }
0x296: {  	v16 =	vld [tilespmem:s9+$0xFFFFFF00]  }
0x297: {  	v17 =	vld [tilespmem:s9+$0xFFFFFF20];
	_ =	sdelay $0x2  }
0x298: {  	v12 =	vbroadcast v12, $0x0  }
0x299: {  	v13 =	vmul.f32 v13, v15;
	v16 =	vmul.f32 v16, v15  }
0x29a: {  	v14 =	vmul.f32 v14, v15;
	v17 =	vmul.f32 v17, v15  }
0x29b: {  	[tilespmem:s9+$0xFFFFFF00] =	vst v16  }
0x29c: {  	[tilespmem:s9+$0xFFFFFF30] =	vst v14  }
0x29d: {  	[tilespmem:s9+$0xFFFFFF10] =	vst v13;
	v13 =	vld [tilespmem:s9+$0xFFFFFF70]  }
0x29e: {  	[tilespmem:s9+$0xFFFFFF20] =	vst v17;
	v14 =	vld [tilespmem:s9+$0xFFFFFF50]  }
0x29f: {  	v12 =	vld.idx.msk [tilespmem:v12+s20+$0x0], $0xffff  }
0x2a0: {  	v15 =	vld [tilespmem:s9+$0xFFFFFF40]  }
0x2a1: {  	v16 =	vld [tilespmem:s9+$0xFFFFFF60];
	_ =	sdelay $0x2  }
0x2a2: {  	v11 =	vbroadcast v11, $0x0  }
0x2a3: {  	v14 =	vmul.f32 v14, v12;
	v15 =	vmul.f32 v15, v12  }
0x2a4: {  	v16 =	vmul.f32 v16, v12;
	v12 =	vmul.f32 v13, v12  }
0x2a5: {  	[tilespmem:s9+$0xFFFFFF40] =	vst v15  }
0x2a6: {  	[tilespmem:s9+$0xFFFFFF50] =	vst v14  }
0x2a7: {  	[tilespmem:s9+$0xFFFFFF70] =	vst v12;
	v12 =	vld [tilespmem:s9+$0xFFFFFFB0]  }
0x2a8: {  	[tilespmem:s9+$0xFFFFFF60] =	vst v16;
	v13 =	vld [tilespmem:s9+$0xFFFFFF90]  }
0x2a9: {  	v11 =	vld.idx.msk [tilespmem:v11+s20+$0x0], $0xffff  }
0x2aa: {  	v14 =	vld [tilespmem:s9+$0xFFFFFF80]  }
0x2ab: {  	v15 =	vld [tilespmem:s9+$0xFFFFFFA0];
	_ =	sdelay $0x2  }
0x2ac: {  	v10 =	vbroadcast v10, $0x0  }
0x2ad: {  	v13 =	vmul.f32 v13, v11;
	v14 =	vmul.f32 v14, v11  }
0x2ae: {  	v15 =	vmul.f32 v15, v11;
	v11 =	vmul.f32 v12, v11  }
0x2af: {  	[tilespmem:s9+$0xFFFFFF80] =	vst v14  }
0x2b0: {  	[tilespmem:s9+$0xFFFFFF90] =	vst v13  }
0x2b1: {  	[tilespmem:s9+$0xFFFFFFB0] =	vst v11;
	v11 =	vld [tilespmem:s9+$0xFFFFFFF0]  }
0x2b2: {  	[tilespmem:s9+$0xFFFFFFA0] =	vst v15;
	v12 =	vld [tilespmem:s9+$0xFFFFFFD0]  }
0x2b3: {  	v10 =	vld.idx.msk [tilespmem:v10+s20+$0x0], $0xffff  }
0x2b4: {  	v13 =	vld [tilespmem:s9+$0xFFFFFFC0]  }
0x2b5: {  	v14 =	vld [tilespmem:s9+$0xFFFFFFE0];
	_ =	sdelay $0x2  }
0x2b6: {  	v9 =	vbroadcast v9, $0x0  }
0x2b7: {  	v12 =	vmul.f32 v12, v10;
	v13 =	vmul.f32 v13, v10  }
0x2b8: {  	v14 =	vmul.f32 v14, v10;
	v10 =	vmul.f32 v11, v10  }
0x2b9: {  	[tilespmem:s9+$0xFFFFFFC0] =	vst v13  }
0x2ba: {  	[tilespmem:s9+$0xFFFFFFE0] =	vst v14  }
0x2bb: {  	[tilespmem:s9+$0xFFFFFFD0] =	vst v12;
	v11 =	vld [tilespmem:s9+$0x30]  }
0x2bc: {  	[tilespmem:s9+$0xFFFFFFF0] =	vst v10;
	v10 =	vld [tilespmem:s9+$0x10]  }
0x2bd: {  	v9 =	vld.idx.msk [tilespmem:v9+s20+$0x0], $0xffff  }
0x2be: {  	v12 =	vld [tilespmem:s9+$0x0]  }
0x2bf: {  	v13 =	vld [tilespmem:s9+$0x20];
	_ =	sdelay $0x2  }
0x2c0: {  	v8 =	vbroadcast v8, $0x0  }
0x2c1: {  	v10 =	vmul.f32 v10, v9;
	v12 =	vmul.f32 v12, v9  }
0x2c2: {  	v13 =	vmul.f32 v13, v9;
	v9 =	vmul.f32 v11, v9  }
0x2c3: {  	[tilespmem:s9+$0x0] =	vst v12  }
0x2c4: {  	[tilespmem:s9+$0x20] =	vst v13  }
0x2c5: {  	[tilespmem:s9+$0x10] =	vst v10;
	v10 =	vld [tilespmem:s9+$0x70]  }
0x2c6: {  	[tilespmem:s9+$0x30] =	vst v9;
	v9 =	vld [tilespmem:s9+$0x50]  }
0x2c7: {  	v8 =	vld.idx.msk [tilespmem:v8+s20+$0x0], $0xffff  }
0x2c8: {  	v11 =	vld [tilespmem:s9+$0x40]  }
0x2c9: {  	v12 =	vld [tilespmem:s9+$0x60];
	_ =	sdelay $0x2  }
0x2ca: {  	v7 =	vbroadcast v7, $0x0  }
0x2cb: {  	v9 =	vmul.f32 v9, v8;
	v11 =	vmul.f32 v11, v8  }
0x2cc: {  	v12 =	vmul.f32 v12, v8;
	v8 =	vmul.f32 v10, v8  }
0x2cd: {  	[tilespmem:s9+$0x40] =	vst v11  }
0x2ce: {  	[tilespmem:s9+$0x50] =	vst v9  }
0x2cf: {  	[tilespmem:s9+$0x70] =	vst v8;
	v8 =	vld [tilespmem:s9+$0xB0]  }
0x2d0: {  	[tilespmem:s9+$0x60] =	vst v12;
	v9 =	vld [tilespmem:s9+$0x90]  }
0x2d1: {  	v7 =	vld.idx.msk [tilespmem:v7+s20+$0x0], $0xffff  }
0x2d2: {  	v10 =	vld [tilespmem:s9+$0x80]  }
0x2d3: {  	v11 =	vld [tilespmem:s9+$0xA0];
	_ =	sdelay $0x2  }
0x2d4: {  	v6 =	vbroadcast v6, $0x0  }
0x2d5: {  	v9 =	vmul.f32 v9, v7;
	v10 =	vmul.f32 v10, v7  }
0x2d6: {  	v11 =	vmul.f32 v11, v7;
	v7 =	vmul.f32 v8, v7  }
0x2d7: {  	[tilespmem:s9+$0x80] =	vst v10  }
0x2d8: {  	[tilespmem:s9+$0x90] =	vst v9  }
0x2d9: {  	[tilespmem:s9+$0xB0] =	vst v7;
	v7 =	vld [tilespmem:s9+$0xF0]  }
0x2da: {  	[tilespmem:s9+$0xA0] =	vst v11;
	v8 =	vld [tilespmem:s9+$0xC0]  }
0x2db: {  	v9 =	vld.idx.msk [tilespmem:v6+s20+$0x0], $0xffff  }
0x2dc: {  	v6 =	vld [tilespmem:s9+$0xD0]  }
0x2dd: {  	v10 =	vld [tilespmem:s9+$0xE0];
	_ =	sdelay $0x3  }
.Ltmp2:
0x2de: {  	v8 =	vmul.f32 v8, v9;
	v6 =	vmul.f32 v6, v9;
	(pc) =	sbr.rel @p0 .LBB2_7-.Ltmp2, $4  }
0x2df: {  	v7 =	vmul.f32 v7, v9;
	v10 =	vmul.f32 v10, v9  }
0x2e0: {  	[tilespmem:s9+$0xC0] =	vst v8  }
0x2e1: {  	[tilespmem:s9+$0xE0] =	vst v10  }
0x2e2: {  	v5 =	vbroadcast v5, $0x0;
	[tilespmem:s9+$0xF0] =	vst v7  }
0x2e3: {  	_ =	sdelay $0x3  }
0x2e4: {  	[tilespmem:s6+$0xD0] =	vst v6;
	v52 =	vld [tilespmem:s6+$0x130]  }
0x2e5: {  	v5 =	vld.idx.msk [tilespmem:v5+s20+$0x0], $0xffff  }
0x2e6: {  	v7 =	vld [tilespmem:s6+$0x100]  }
0x2e7: {  	v8 =	vld [tilespmem:s6+$0x110]  }
0x2e8: {  	v9 =	vld [tilespmem:s6+$0x120];
	_ =	sdelay $0x1  }
0x2e9: {  	v4 =	vbroadcast v4, $0x0;
	v6 =	vmul.f32 v52, v5  }
0x2ea: {  	v7 =	vmul.f32 v7, v5  }
0x2eb: {  	v8 =	vmul.f32 v8, v5;
	[tilespmem:s6+$0x130] =	vst v6  }
0x2ec: {  	v5 =	vmul.f32 v9, v5;
	[tilespmem:s6+$0x100] =	vst v7  }
0x2ed: {  	[tilespmem:s6+$0x110] =	vst v8  }
0x2ee: {  	v53 =	vld [tilespmem:s6+$0x140];
	[tilespmem:s6+$0x120] =	vst v5  }
0x2ef: {  	v4 =	vld.idx.msk [tilespmem:v4+s20+$0x0], $0xffff  }
0x2f0: {  	v54 =	vld [tilespmem:s6+$0x150]  }
0x2f1: {  	v55 =	vld [tilespmem:s6+$0x170]  }
0x2f2: {  	v56 =	vld [tilespmem:s6+$0x160];
	_ =	sdelay $0x1  }
0x2f3: {  	v3 =	vbroadcast v3, $0x0;
	v6 =	vmul.f32 v53, v4  }
0x2f4: {  	v5 =	vmul.f32 v54, v4  }
0x2f5: {  	v7 =	vmul.f32 v55, v4;
	[tilespmem:s6+$0x140] =	vst v6  }
0x2f6: {  	v4 =	vmul.f32 v56, v4;
	[tilespmem:s6+$0x150] =	vst v5  }
0x2f7: {  	[tilespmem:s6+$0x170] =	vst v7  }
0x2f8: {  	v57 =	vld [tilespmem:s6+$0x180];
	[tilespmem:s6+$0x160] =	vst v4  }
0x2f9: {  	v3 =	vld.idx.msk [tilespmem:v3+s20+$0x0], $0xffff  }
0x2fa: {  	v58 =	vld [tilespmem:s6+$0x190]  }
0x2fb: {  	v59 =	vld [tilespmem:s6+$0x1B0]  }
0x2fc: {  	v60 =	vld [tilespmem:s6+$0x1A0];
	_ =	sdelay $0x1  }
0x2fd: {  	v2 =	vbroadcast v2, $0x0;
	v5 =	vmul.f32 v57, v3  }
0x2fe: {  	v4 =	vmul.f32 v58, v3  }
0x2ff: {  	v6 =	vmul.f32 v59, v3;
	[tilespmem:s6+$0x180] =	vst v5  }
0x300: {  	v3 =	vmul.f32 v60, v3;
	[tilespmem:s6+$0x190] =	vst v4  }
0x301: {  	[tilespmem:s6+$0x1B0] =	vst v6  }
0x302: {  	[tilespmem:s6+$0x1A0] =	vst v3;
	v3 =	vld [tilespmem:s6+$0x1C0]  }
0x303: {  	v2 =	vld.idx.msk [tilespmem:v2+s20+$0x0], $0xffff  }
0x304: {  	v61 =	vld [tilespmem:s6+$0x1F0]  }
0x305: {  	v62 =	vld [tilespmem:s6+$0x1D0]  }
0x306: {  	v63 =	vld [tilespmem:s6+$0x1E0];
	_ =	sdelay $0x1  }
0x307: {  	v3 =	vmul.f32 v3, v2  }
0x308: {  	v4 =	vmul.f32 v61, v2  }
0x309: {  	s7 =	smul.u32 $0x140, s7;
	v5 =	vmul.f32 v62, v2;
	[tilespmem:s6+$0x1C0] =	vst v3  }
0x30a: {  	v2 =	vmul.f32 v63, v2;
	[tilespmem:s6+$0x1F0] =	vst v4  }
0x30b: {  	s7 =	sshra.s32 s7, $0x2;
	[tilespmem:s6+$0x1D0] =	vst v5  }
0x30c: {  	s15 =	sadd.s32 $0x2710, s7;
	[tilespmem:s6+$0x1E0] =	vst v2  }
0x30d: {  	[spmem:s3] =	stream.indirect.scatter.add.f32 [tilespmem:s26], [sflag:$0x4], $0x40, s15, s24, $0xb8;
	[tilespmem:$0x1D930] =	vst v63  }
0x30e: {  	_ =	swait.ge [sflag:s30], $0x1400  }
0x30f: {  	p0 =	seq.s32 s0, $0x3D;
	[sflag:s30] =	ssyncset.done $0x0  }
.Ltmp3:
0x310: {  	s16 =	sadd.s32 $0xA0, s5;
	[sflag:s30] =	ssyncadd.s32 $0xFFFFEC00;
	(pc) =	sbr.rel @p0 .LBB2_10-.Ltmp3, $4  }
0x311: {  	[tilespmem:s23], [sflag:$0x1] =	stream.indirect.gather [spmem:s2], $0x40, s16, s24, $0xb8;
	[tilespmem:$0x1D930] =	vst v63  }
0x312: {  	_ =	swait.ge [sflag:s31], $0x1400  }
0x313: {  	[sflag:s31] =	ssyncset.done $0x0  }
0x314: {  	[sflag:s31] =	ssyncadd.s32 $0xFFFFEC00  }
.Ltmp4:
0x315: {  	(pc) =	sbr.rel .LBB2_4-.Ltmp4, $3  }
0x316: {  	_ =	sdelay $0x1  }
0x317: {  	s5 =	sadd.s32 $0xF0, s5;
	s0 =	sadd.s32 $0x1, s0;
	s19 =	sadd.s32 $0xA0, s19  }
0x318: {  	[tilespmem:s26], [sflag:$0x2] =	stream.indirect.gather [spmem:s2], $0x40, s5, s24, $0xb8;
	[tilespmem:$0x1D930] =	vst v63  }
.LBB2_10:
0x319: {  	_ =	swait.ge [sflag:s28], $0x1400  }
0x31a: {  	[sflag:s28] =	ssyncset.done $0x0  }
0x31b: {  	s0 =	simm.s32 $0x26C0;
	s5 =	simm.s32 $0x7730;
	[sflag:s28] =	ssyncadd.s32 $0xFFFFEC00  }
.LBB2_11:
0x31c: {  	v2 =	vmov s0  }
0x31d: {  	v2 =	vshrl.u32 v2, $0x3  }
0x31e: {  	v2 =	vshll.u32 v2, v1  }
0x31f: {  	v2 =	vbroadcast v2, $0x0;
	_ =	sdelay $0x4  }
0x320: {  	v3 =	vld [tilespmem:s5+$0xFFFFFE00]  }
0x321: {  	v2 =	vld.idx.msk [tilespmem:v2+s20+$0x0], $0xffff;
	_ =	sdelay $0x4  }
0x322: {  	v3 =	vmul.f32 v3, v2;
	_ =	sdelay $0x1  }
0x323: {  	[tilespmem:s5+$0xFFFFFE00] =	vst v3;
	v3 =	vld [tilespmem:s5+$0xFFFFFE10];
	_ =	sdelay $0x4  }
0x324: {  	v3 =	vmul.f32 v3, v2;
	_ =	sdelay $0x1  }
0x325: {  	[tilespmem:s5+$0xFFFFFE10] =	vst v3;
	v3 =	vld [tilespmem:s5+$0xFFFFFE20];
	_ =	sdelay $0x4  }
0x326: {  	s6 =	sadd.s32 $0x1, s0;
	v3 =	vmul.f32 v3, v2  }
0x327: {  	v4 =	vmov s6  }
0x328: {  	[tilespmem:s5+$0xFFFFFE20] =	vst v3;
	v3 =	vshrl.u32 v4, $0x3  }
0x329: {  	v36 =	vld [tilespmem:s5+$0xFFFFFE30];
	v3 =	vshll.u32 v3, v1  }
0x32a: {  	v3 =	vadd.s32 $0x1, v3  }
0x32b: {  	v3 =	vbroadcast v3, $0x0;
	_ =	sdelay $0x2  }
0x32c: {  	v2 =	vmul.f32 v36, v2;
	_ =	sdelay $0x1  }
0x32d: {  	[tilespmem:s5+$0xFFFFFE30] =	vst v2  }
0x32e: {  	v2 =	vld.idx.msk [tilespmem:v3+s20+$0x0], $0xffff  }
0x32f: {  	v3 =	vld [tilespmem:s5+$0xFFFFFE40];
	_ =	sdelay $0x4  }
0x330: {  	v3 =	vmul.f32 v3, v2;
	_ =	sdelay $0x1  }
0x331: {  	[tilespmem:s5+$0xFFFFFE40] =	vst v3;
	v3 =	vld [tilespmem:s5+$0xFFFFFE50];
	_ =	sdelay $0x4  }
0x332: {  	v3 =	vmul.f32 v3, v2;
	_ =	sdelay $0x1  }
0x333: {  	[tilespmem:s5+$0xFFFFFE50] =	vst v3;
	v3 =	vld [tilespmem:s5+$0xFFFFFE60];
	_ =	sdelay $0x4  }
0x334: {  	s14 =	sadd.s32 $0x2, s0;
	v3 =	vmul.f32 v3, v2  }
0x335: {  	v37 =	vmov s14  }
0x336: {  	[tilespmem:s5+$0xFFFFFE60] =	vst v3;
	v3 =	vshrl.u32 v37, $0x3  }
0x337: {  	v38 =	vld [tilespmem:s5+$0xFFFFFE70];
	v3 =	vshll.u32 v3, v1  }
0x338: {  	v3 =	vadd.s32 $0x2, v3  }
0x339: {  	v3 =	vbroadcast v3, $0x0;
	_ =	sdelay $0x2  }
0x33a: {  	v2 =	vmul.f32 v38, v2;
	_ =	sdelay $0x1  }
0x33b: {  	[tilespmem:s5+$0xFFFFFE70] =	vst v2  }
0x33c: {  	v2 =	vld.idx.msk [tilespmem:v3+s20+$0x0], $0xffff  }
0x33d: {  	v3 =	vld [tilespmem:s5+$0xFFFFFE80];
	_ =	sdelay $0x4  }
0x33e: {  	v3 =	vmul.f32 v3, v2;
	_ =	sdelay $0x1  }
0x33f: {  	[tilespmem:s5+$0xFFFFFE80] =	vst v3;
	v3 =	vld [tilespmem:s5+$0xFFFFFE90];
	_ =	sdelay $0x4  }
0x340: {  	v3 =	vmul.f32 v3, v2;
	_ =	sdelay $0x1  }
0x341: {  	[tilespmem:s5+$0xFFFFFE90] =	vst v3;
	v3 =	vld [tilespmem:s5+$0xFFFFFEA0];
	_ =	sdelay $0x4  }
0x342: {  	s15 =	sadd.s32 $0x3, s0;
	v3 =	vmul.f32 v3, v2  }
0x343: {  	v39 =	vmov s15  }
0x344: {  	[tilespmem:s5+$0xFFFFFEA0] =	vst v3;
	v3 =	vshrl.u32 v39, $0x3  }
0x345: {  	v40 =	vld [tilespmem:s5+$0xFFFFFEB0];
	v3 =	vshll.u32 v3, v1  }
0x346: {  	v3 =	vadd.s32 $0x3, v3  }
0x347: {  	v3 =	vbroadcast v3, $0x0;
	_ =	sdelay $0x2  }
0x348: {  	v2 =	vmul.f32 v40, v2;
	_ =	sdelay $0x1  }
0x349: {  	[tilespmem:s5+$0xFFFFFEB0] =	vst v2  }
0x34a: {  	v2 =	vld.idx.msk [tilespmem:v3+s20+$0x0], $0xffff  }
0x34b: {  	v3 =	vld [tilespmem:s5+$0xFFFFFEC0];
	_ =	sdelay $0x4  }
0x34c: {  	v3 =	vmul.f32 v3, v2;
	_ =	sdelay $0x1  }
0x34d: {  	[tilespmem:s5+$0xFFFFFEC0] =	vst v3;
	v3 =	vld [tilespmem:s5+$0xFFFFFED0];
	_ =	sdelay $0x4  }
0x34e: {  	v3 =	vmul.f32 v3, v2;
	_ =	sdelay $0x1  }
0x34f: {  	[tilespmem:s5+$0xFFFFFED0] =	vst v3;
	v3 =	vld [tilespmem:s5+$0xFFFFFEE0];
	_ =	sdelay $0x4  }
0x350: {  	s16 =	sadd.s32 $0x4, s0;
	v3 =	vmul.f32 v3, v2  }
0x351: {  	v41 =	vmov s16  }
0x352: {  	[tilespmem:s5+$0xFFFFFEE0] =	vst v3;
	v3 =	vshrl.u32 v41, $0x3  }
0x353: {  	v42 =	vld [tilespmem:s5+$0xFFFFFEF0];
	v3 =	vshll.u32 v3, v1  }
0x354: {  	v3 =	vadd.s32 $0x4, v3  }
0x355: {  	v3 =	vbroadcast v3, $0x0;
	_ =	sdelay $0x2  }
0x356: {  	v2 =	vmul.f32 v42, v2;
	_ =	sdelay $0x1  }
0x357: {  	[tilespmem:s5+$0xFFFFFEF0] =	vst v2  }
0x358: {  	v2 =	vld.idx.msk [tilespmem:v3+s20+$0x0], $0xffff  }
0x359: {  	v3 =	vld [tilespmem:s5+$0xFFFFFF00];
	_ =	sdelay $0x4  }
0x35a: {  	v3 =	vmul.f32 v3, v2;
	_ =	sdelay $0x1  }
0x35b: {  	[tilespmem:s5+$0xFFFFFF00] =	vst v3;
	v3 =	vld [tilespmem:s5+$0xFFFFFF10];
	_ =	sdelay $0x4  }
0x35c: {  	v3 =	vmul.f32 v3, v2;
	_ =	sdelay $0x1  }
0x35d: {  	[tilespmem:s5+$0xFFFFFF10] =	vst v3;
	v3 =	vld [tilespmem:s5+$0xFFFFFF20];
	_ =	sdelay $0x4  }
0x35e: {  	s19 =	sadd.s32 $0x5, s0;
	v3 =	vmul.f32 v3, v2  }
0x35f: {  	v43 =	vmov s19  }
0x360: {  	[tilespmem:s5+$0xFFFFFF20] =	vst v3;
	v3 =	vshrl.u32 v43, $0x3  }
0x361: {  	v44 =	vld [tilespmem:s5+$0xFFFFFF30];
	v3 =	vshll.u32 v3, v1  }
0x362: {  	v3 =	vadd.s32 $0x5, v3  }
0x363: {  	v3 =	vbroadcast v3, $0x0;
	_ =	sdelay $0x2  }
0x364: {  	v2 =	vmul.f32 v44, v2;
	_ =	sdelay $0x1  }
0x365: {  	[tilespmem:s5+$0xFFFFFF30] =	vst v2  }
0x366: {  	v2 =	vld.idx.msk [tilespmem:v3+s20+$0x0], $0xffff  }
0x367: {  	v3 =	vld [tilespmem:s5+$0xFFFFFF40];
	_ =	sdelay $0x4  }
0x368: {  	v3 =	vmul.f32 v3, v2;
	_ =	sdelay $0x1  }
0x369: {  	[tilespmem:s5+$0xFFFFFF40] =	vst v3;
	v3 =	vld [tilespmem:s5+$0xFFFFFF50];
	_ =	sdelay $0x4  }
0x36a: {  	v3 =	vmul.f32 v3, v2;
	_ =	sdelay $0x1  }
0x36b: {  	[tilespmem:s5+$0xFFFFFF50] =	vst v3;
	v3 =	vld [tilespmem:s5+$0xFFFFFF60];
	_ =	sdelay $0x4  }
0x36c: {  	s7 =	sadd.s32 $0x6, s0;
	v3 =	vmul.f32 v3, v2  }
0x36d: {  	v45 =	vmov s7  }
0x36e: {  	[tilespmem:s5+$0xFFFFFF60] =	vst v3;
	v3 =	vshrl.u32 v45, $0x3  }
0x36f: {  	v46 =	vld [tilespmem:s5+$0xFFFFFF70];
	v3 =	vshll.u32 v3, v1  }
0x370: {  	v3 =	vadd.s32 $0x6, v3  }
0x371: {  	v3 =	vbroadcast v3, $0x0;
	_ =	sdelay $0x2  }
0x372: {  	v2 =	vmul.f32 v46, v2;
	_ =	sdelay $0x1  }
0x373: {  	[tilespmem:s5+$0xFFFFFF70] =	vst v2  }
0x374: {  	v2 =	vld.idx.msk [tilespmem:v3+s20+$0x0], $0xffff  }
0x375: {  	v3 =	vld [tilespmem:s5+$0xFFFFFF80];
	_ =	sdelay $0x4  }
0x376: {  	v3 =	vmul.f32 v3, v2;
	_ =	sdelay $0x1  }
0x377: {  	[tilespmem:s5+$0xFFFFFF80] =	vst v3;
	v3 =	vld [tilespmem:s5+$0xFFFFFF90];
	_ =	sdelay $0x4  }
0x378: {  	v3 =	vmul.f32 v3, v2;
	_ =	sdelay $0x1  }
0x379: {  	[tilespmem:s5+$0xFFFFFF90] =	vst v3;
	v3 =	vld [tilespmem:s5+$0xFFFFFFA0];
	_ =	sdelay $0x4  }
0x37a: {  	s8 =	sadd.s32 $0x7, s0;
	v3 =	vmul.f32 v3, v2  }
0x37b: {  	v47 =	vmov s8  }
0x37c: {  	[tilespmem:s5+$0xFFFFFFA0] =	vst v3;
	v3 =	vshrl.u32 v47, $0x3  }
0x37d: {  	v48 =	vld [tilespmem:s5+$0xFFFFFFB0];
	v3 =	vshll.u32 v3, v1  }
0x37e: {  	v3 =	vadd.s32 $0x7, v3  }
0x37f: {  	v3 =	vbroadcast v3, $0x0;
	_ =	sdelay $0x2  }
0x380: {  	v2 =	vmul.f32 v48, v2;
	_ =	sdelay $0x1  }
0x381: {  	[tilespmem:s5+$0xFFFFFFB0] =	vst v2  }
0x382: {  	v2 =	vld.idx.msk [tilespmem:v3+s20+$0x0], $0xffff  }
0x383: {  	v3 =	vld [tilespmem:s5+$0xFFFFFFC0];
	_ =	sdelay $0x4  }
0x384: {  	v3 =	vmul.f32 v3, v2;
	_ =	sdelay $0x1  }
0x385: {  	[tilespmem:s5+$0xFFFFFFC0] =	vst v3;
	v3 =	vld [tilespmem:s5+$0xFFFFFFD0];
	_ =	sdelay $0x4  }
0x386: {  	v3 =	vmul.f32 v3, v2;
	_ =	sdelay $0x1  }
0x387: {  	[tilespmem:s5+$0xFFFFFFD0] =	vst v3;
	v3 =	vld [tilespmem:s5+$0xFFFFFFE0];
	_ =	sdelay $0x4  }
0x388: {  	v3 =	vmul.f32 v3, v2  }
0x389: {  	s9 =	sadd.s32 $0x8, s0  }
0x38a: {  	[tilespmem:s5+$0xFFFFFFE0] =	vst v3;
	v3 =	vmov s9  }
0x38b: {  	v49 =	vld [tilespmem:s5+$0xFFFFFFF0];
	v3 =	vshrl.u32 v3, $0x3  }
0x38c: {  	v3 =	vshll.u32 v3, v1  }
0x38d: {  	v3 =	vbroadcast v3, $0x0;
	_ =	sdelay $0x2  }
0x38e: {  	v2 =	vmul.f32 v49, v2;
	_ =	sdelay $0x1  }
0x38f: {  	[tilespmem:s5+$0xFFFFFFF0] =	vst v2  }
0x390: {  	v2 =	vld.idx.msk [tilespmem:v3+s20+$0x0], $0xffff  }
0x391: {  	v3 =	vld [tilespmem:s5+$0x0];
	_ =	sdelay $0x4  }
0x392: {  	v3 =	vmul.f32 v3, v2;
	_ =	sdelay $0x1  }
0x393: {  	[tilespmem:s5+$0x0] =	vst v3;
	v3 =	vld [tilespmem:s5+$0x10];
	_ =	sdelay $0x4  }
0x394: {  	v3 =	vmul.f32 v3, v2;
	_ =	sdelay $0x1  }
0x395: {  	[tilespmem:s5+$0x10] =	vst v3;
	v3 =	vld [tilespmem:s5+$0x20];
	_ =	sdelay $0x4  }
0x396: {  	s11 =	sadd.s32 $0x9, s0;
	v3 =	vmul.f32 v3, v2  }
0x397: {  	v50 =	vmov s11  }
0x398: {  	[tilespmem:s5+$0x20] =	vst v3;
	v3 =	vshrl.u32 v50, $0x3  }
0x399: {  	v51 =	vld [tilespmem:s5+$0x30];
	v3 =	vshll.u32 v3, v1  }
0x39a: {  	v3 =	vadd.s32 $0x1, v3  }
0x39b: {  	v3 =	vbroadcast v3, $0x0;
	_ =	sdelay $0x2  }
0x39c: {  	v2 =	vmul.f32 v51, v2;
	_ =	sdelay $0x1  }
0x39d: {  	[tilespmem:s5+$0x30] =	vst v2  }
0x39e: {  	v2 =	vld.idx.msk [tilespmem:v3+s20+$0x0], $0xffff  }
0x39f: {  	v3 =	vld [tilespmem:s5+$0x40];
	_ =	sdelay $0x4  }
0x3a0: {  	v3 =	vmul.f32 v3, v2;
	_ =	sdelay $0x1  }
0x3a1: {  	[tilespmem:s5+$0x40] =	vst v3;
	v3 =	vld [tilespmem:s5+$0x50];
	_ =	sdelay $0x4  }
0x3a2: {  	v3 =	vmul.f32 v3, v2;
	_ =	sdelay $0x1  }
0x3a3: {  	[tilespmem:s5+$0x50] =	vst v3;
	v3 =	vld [tilespmem:s5+$0x60];
	_ =	sdelay $0x4  }
0x3a4: {  	s12 =	sadd.s32 $0xA, s0;
	v3 =	vmul.f32 v3, v2  }
0x3a5: {  	v52 =	vmov s12  }
0x3a6: {  	[tilespmem:s5+$0x60] =	vst v3;
	v3 =	vshrl.u32 v52, $0x3  }
0x3a7: {  	v53 =	vld [tilespmem:s5+$0x70];
	v3 =	vshll.u32 v3, v1  }
0x3a8: {  	v3 =	vadd.s32 $0x2, v3  }
0x3a9: {  	v3 =	vbroadcast v3, $0x0;
	_ =	sdelay $0x2  }
0x3aa: {  	v2 =	vmul.f32 v53, v2;
	_ =	sdelay $0x1  }
0x3ab: {  	[tilespmem:s5+$0x70] =	vst v2  }
0x3ac: {  	v2 =	vld.idx.msk [tilespmem:v3+s20+$0x0], $0xffff  }
0x3ad: {  	v3 =	vld [tilespmem:s5+$0x80];
	_ =	sdelay $0x4  }
0x3ae: {  	v3 =	vmul.f32 v3, v2;
	_ =	sdelay $0x1  }
0x3af: {  	[tilespmem:s5+$0x80] =	vst v3;
	v3 =	vld [tilespmem:s5+$0x90];
	_ =	sdelay $0x4  }
0x3b0: {  	v3 =	vmul.f32 v3, v2;
	_ =	sdelay $0x1  }
0x3b1: {  	[tilespmem:s5+$0x90] =	vst v3;
	v3 =	vld [tilespmem:s5+$0xA0];
	_ =	sdelay $0x4  }
0x3b2: {  	s13 =	sadd.s32 $0xB, s0;
	v3 =	vmul.f32 v3, v2  }
0x3b3: {  	v54 =	vmov s13  }
0x3b4: {  	[tilespmem:s5+$0xA0] =	vst v3;
	v3 =	vshrl.u32 v54, $0x3  }
0x3b5: {  	v55 =	vld [tilespmem:s5+$0xB0];
	v3 =	vshll.u32 v3, v1  }
0x3b6: {  	v3 =	vadd.s32 $0x3, v3  }
0x3b7: {  	v3 =	vbroadcast v3, $0x0;
	_ =	sdelay $0x2  }
0x3b8: {  	v2 =	vmul.f32 v55, v2;
	_ =	sdelay $0x1  }
0x3b9: {  	[tilespmem:s5+$0xB0] =	vst v2  }
0x3ba: {  	v2 =	vld.idx.msk [tilespmem:v3+s20+$0x0], $0xffff  }
0x3bb: {  	v3 =	vld [tilespmem:s5+$0xC0];
	_ =	sdelay $0x4  }
0x3bc: {  	v3 =	vmul.f32 v3, v2;
	_ =	sdelay $0x1  }
0x3bd: {  	[tilespmem:s5+$0xC0] =	vst v3;
	v3 =	vld [tilespmem:s5+$0xD0];
	_ =	sdelay $0x4  }
0x3be: {  	v3 =	vmul.f32 v3, v2;
	_ =	sdelay $0x1  }
0x3bf: {  	[tilespmem:s5+$0xD0] =	vst v3;
	v3 =	vld [tilespmem:s5+$0xE0];
	_ =	sdelay $0x4  }
0x3c0: {  	s14 =	sadd.s32 $0xC, s0;
	v3 =	vmul.f32 v3, v2  }
0x3c1: {  	v56 =	vmov s14  }
0x3c2: {  	[tilespmem:s5+$0xE0] =	vst v3;
	v3 =	vshrl.u32 v56, $0x3  }
0x3c3: {  	v57 =	vld [tilespmem:s5+$0xF0];
	v3 =	vshll.u32 v3, v1  }
0x3c4: {  	v3 =	vadd.s32 $0x4, v3  }
0x3c5: {  	v3 =	vbroadcast v3, $0x0;
	_ =	sdelay $0x2  }
0x3c6: {  	v2 =	vmul.f32 v57, v2;
	_ =	sdelay $0x1  }
0x3c7: {  	[tilespmem:s5+$0xF0] =	vst v2  }
0x3c8: {  	v2 =	vld.idx.msk [tilespmem:v3+s20+$0x0], $0xffff  }
0x3c9: {  	v3 =	vld [tilespmem:s5+$0x100];
	_ =	sdelay $0x4  }
0x3ca: {  	v3 =	vmul.f32 v3, v2;
	_ =	sdelay $0x1  }
0x3cb: {  	[tilespmem:s5+$0x100] =	vst v3;
	v3 =	vld [tilespmem:s5+$0x110];
	_ =	sdelay $0x4  }
0x3cc: {  	v3 =	vmul.f32 v3, v2;
	_ =	sdelay $0x1  }
0x3cd: {  	[tilespmem:s5+$0x110] =	vst v3;
	v3 =	vld [tilespmem:s5+$0x120];
	_ =	sdelay $0x4  }
0x3ce: {  	s15 =	sadd.s32 $0xD, s0;
	v3 =	vmul.f32 v3, v2  }
0x3cf: {  	v58 =	vmov s15  }
0x3d0: {  	[tilespmem:s5+$0x120] =	vst v3;
	v3 =	vshrl.u32 v58, $0x3  }
0x3d1: {  	v59 =	vld [tilespmem:s5+$0x130];
	v3 =	vshll.u32 v3, v1  }
0x3d2: {  	v3 =	vadd.s32 $0x5, v3  }
0x3d3: {  	v3 =	vbroadcast v3, $0x0;
	_ =	sdelay $0x2  }
0x3d4: {  	v2 =	vmul.f32 v59, v2;
	_ =	sdelay $0x1  }
0x3d5: {  	[tilespmem:s5+$0x130] =	vst v2  }
0x3d6: {  	v2 =	vld.idx.msk [tilespmem:v3+s20+$0x0], $0xffff  }
0x3d7: {  	v3 =	vld [tilespmem:s5+$0x140];
	_ =	sdelay $0x4  }
0x3d8: {  	v3 =	vmul.f32 v3, v2;
	_ =	sdelay $0x1  }
0x3d9: {  	[tilespmem:s5+$0x140] =	vst v3;
	v3 =	vld [tilespmem:s5+$0x150];
	_ =	sdelay $0x4  }
0x3da: {  	v3 =	vmul.f32 v3, v2;
	_ =	sdelay $0x1  }
0x3db: {  	[tilespmem:s5+$0x150] =	vst v3;
	v3 =	vld [tilespmem:s5+$0x160];
	_ =	sdelay $0x4  }
0x3dc: {  	s16 =	sadd.s32 $0xE, s0;
	v3 =	vmul.f32 v3, v2  }
0x3dd: {  	v60 =	vmov s16  }
0x3de: {  	[tilespmem:s5+$0x160] =	vst v3;
	v3 =	vshrl.u32 v60, $0x3  }
0x3df: {  	v61 =	vld [tilespmem:s5+$0x170];
	v3 =	vshll.u32 v3, v1  }
0x3e0: {  	v3 =	vadd.s32 $0x6, v3  }
0x3e1: {  	v3 =	vbroadcast v3, $0x0;
	_ =	sdelay $0x2  }
0x3e2: {  	v2 =	vmul.f32 v61, v2;
	_ =	sdelay $0x1  }
0x3e3: {  	[tilespmem:s5+$0x170] =	vst v2  }
0x3e4: {  	v2 =	vld.idx.msk [tilespmem:v3+s20+$0x0], $0xffff  }
0x3e5: {  	v3 =	vld [tilespmem:s5+$0x180];
	_ =	sdelay $0x4  }
0x3e6: {  	v3 =	vmul.f32 v3, v2;
	_ =	sdelay $0x1  }
0x3e7: {  	[tilespmem:s5+$0x180] =	vst v3;
	v3 =	vld [tilespmem:s5+$0x190];
	_ =	sdelay $0x4  }
0x3e8: {  	v3 =	vmul.f32 v3, v2;
	_ =	sdelay $0x1  }
0x3e9: {  	[tilespmem:s5+$0x190] =	vst v3;
	v3 =	vld [tilespmem:s5+$0x1A0];
	_ =	sdelay $0x4  }
0x3ea: {  	s19 =	sadd.s32 $0xF, s0;
	v3 =	vmul.f32 v3, v2  }
0x3eb: {  	v62 =	vmov s19  }
0x3ec: {  	[tilespmem:s5+$0x1A0] =	vst v3;
	v3 =	vshrl.u32 v62, $0x3  }
0x3ed: {  	v63 =	vld [tilespmem:s5+$0x1B0];
	v3 =	vshll.u32 v3, v1  }
0x3ee: {  	v3 =	vadd.s32 $0x7, v3  }
0x3ef: {  	v3 =	vbroadcast v3, $0x0;
	_ =	sdelay $0x2  }
0x3f0: {  	v2 =	vmul.f32 v63, v2;
	_ =	sdelay $0x1  }
0x3f1: {  	[tilespmem:s5+$0x1B0] =	vst v2  }
0x3f2: {  	v2 =	vld.idx.msk [tilespmem:v3+s20+$0x0], $0xffff  }
0x3f3: {  	v3 =	vld [tilespmem:s5+$0x1C0];
	_ =	sdelay $0x4  }
0x3f4: {  	v3 =	vmul.f32 v3, v2;
	_ =	sdelay $0x1  }
0x3f5: {  	[tilespmem:s5+$0x1C0] =	vst v3;
	v3 =	vld [tilespmem:s5+$0x1D0];
	_ =	sdelay $0x4  }
0x3f6: {  	v3 =	vmul.f32 v3, v2;
	_ =	sdelay $0x1  }
0x3f7: {  	[tilespmem:s5+$0x1D0] =	vst v3;
	v3 =	vld [tilespmem:s5+$0x1E0];
	_ =	sdelay $0x4  }
0x3f8: {  	v3 =	vmul.f32 v3, v2;
	_ =	sdelay $0x1  }
0x3f9: {  	[tilespmem:s5+$0x1E0] =	vst v3;
	v3 =	vld [tilespmem:s5+$0x1F0];
	_ =	sdelay $0x1  }
0x3fa: {  	p0 =	sne.s32 s0, $0x2700  }
.Ltmp5:
0x3fb: {  	_ = 	snop;
	(pc) =	sbr.rel @p0 .LBB2_11-.Ltmp5, $3  }
0x3fc: {  	_ = 	snop  }
0x3fd: {  	v2 =	vmul.f32 v3, v2;
	_ =	sdelay $0x1  }
0x3fe: {  	s0 =	sadd.s32 $0x10, s0;
	[tilespmem:s5+$0x1F0] =	vst v2;
	s5 =	sadd.s32 $0x400, s5  }
0x3ff: {  	s0 =	simm.s32 $0x4DD0  }
0x400: {  	[spmem:s3] =	stream.indirect.scatter.add.f32 [tilespmem:s23], [sflag:$0x3], $0x40, s0, s24, $0xb8;
	[tilespmem:$0x1D930] =	vst v63  }
0x401: {  	_ =	swait.ge [sflag:s30], $0x1400  }
0x402: {  	[sflag:s30] =	ssyncset.done $0x0  }
0x403: {  	[sflag:s30] =	ssyncadd.s32 $0xFFFFEC00  }
0x404: {  	[bflag:$0x0] =	sbarrier.arrive $0xFFFF  }
0x405: {  	s16 =	rddreg [dreg:$0xa]  }
0x406: {  	[hbm:s16], [sflag:s21] =	dma.local [spmem:s25], $0x13C0  }
0x407: {  	_ =	swait.ge [sflag:s18], $0x13C0  }
0x408: {  	s1 =	sadd.s32 $0x1, s1;
	s19 =	rddreg [dreg:$0xb]  }
0x409: {  	p0 =	sne.s32 s1, s19  }
.Ltmp6:
0x40a: {  	_ = 	snop;
	(pc) =	sbr.rel @p0 .LBB2_1-.Ltmp6, $3  }
0x40b: {  	_ =	sdelay $0x1  }
0x40c: {  	[sflag:s18] =	ssyncset.done $0x0  }
0x40d: {  	[sflag:s18] =	ssyncadd.s32 $0xFFFFEC40  }
0x40e: {  	_ =	sfence.sel $0x180000  }
0x40f: {  	[bflag:$0x0] =	sbarrier.arrive $0xFFFF  }
0x410: {  	_ =	strace $0x90000047  }
0x411: {  	s0 =	stileid.u32;
	[bflag:$0x2] =	sbarrier.arrive $0xFFFF  }
0x412: {  	p0 =	sne.s32 s0, $0x0;
	s0 =	rddreg [dreg:$0x5]  }
0x413: {  	s0 =	sadd.s32 @!p0 $0x100000, s0  }
0x414: {  	[sflag:s0] =	ssyncadd.tile.s32 @!p0 $0x1;
	_ =	shalt  }
.Lfunc_end2:
_tile_overlayer_lowered:
.L_overlay_start_2:
0x415: {  	(tag) =	ssettag $0x2  }
0x416: {  	s0 =	rddreg [dreg:$0x0];
	s2 =	stileid.u32  }
0x417: {  	s1 =	rddreg [dreg:$0x1];
	p0 =	sne.s32 s2, $0x0  }
0x418: {  	s3 =	rddreg [dreg:$0x2];
	[bflag:$0x3] =	sbarrier.arrive $0xFFFF;
	s2 =	simm.s32 @!p0 $0x1C05  }
0x419: {  	[timem:s3], [sflag:s2] =	dma.local @!p0 [hbm:s0], s1  }
0x41a: {  	s0 =	simm.s32 @!p0 $0x5  }
0x41b: {  	_ =	swait.ge @!p0 [sflag:s0], s1  }
0x41c: {  	s1 =	ssub.s32 @!p0 $0x0, s1;
	[sflag:s0] =	ssyncset.done @!p0 $0x0  }
0x41d: {  	[sflag:s0] =	ssyncadd.s32 @!p0 s1  }
0x41e: {  	[bflag:$0x3] =	sbarrier.arrive $0xFFFF  }
0x41f: {  	_ =	shalt  }

</sc_bundles>
